<compile_context>
chip_gen: v7x
topology: tpu7x:2x2x1
jax: 0.10.2.dev20260603
libtpu: 0.0.44.dev20260713+nightly
codegen_flags: <defaults>
</compile_context>

<pallas_src>
import functools

import jax
import jax.numpy as jnp
from jax import lax
from jax.experimental import pallas as pl
from jax.experimental.pallas import tpu as pltpu
from jax.experimental.pallas import tpu_sc as plsc

_EPS = 1e-5

_NC = 2
_NS = 16
_NW = _NC * _NS

_CHUNK = 128

_CHUNK_A = 64
_NBA = 4


def _sc_mesh():
    return plsc.VectorSubcoreMesh(
        core_axis_name="c", subcore_axis_name="s",
        num_cores=_NC, num_subcores=_NS)


def _sc_deg(dst, ones_c, zeros_n):
    n = zeros_n.shape[0]
    e = dst.shape[0]
    epw = e // _NW
    nchunk = epw // _CHUNK
    nb = 6
    ngroup = nchunk // nb
    gtail = nchunk - ngroup * nb
    etail = epw - nchunk * _CHUNK

    isems = [pltpu.SemaphoreType.DMA for _ in range(nb)]
    tail_types = ([pltpu.VMEM((etail,), jnp.int32),
                   pltpu.VMEM((etail,), jnp.float32)] if etail else [])

    @functools.partial(
        pl.kernel,
        out_type=jax.ShapeDtypeStruct((_NC, n), jnp.float32),
        mesh=_sc_mesh(),
        scratch_types=[
            pltpu.VMEM((_CHUNK,), jnp.float32),
            pltpu.VMEM_SHARED((n,), jnp.float32),
            pltpu.SemaphoreType.DMA,
        ] + [pltpu.VMEM((_CHUNK,), jnp.int32) for _ in range(nb)]
        + isems + tail_types,
    )
    def deg_kernel(dst_hbm, ones_hbm, zeros_hbm, out_hbm, ones_v,
                   acc_sh, ssem, *args):
        idx = args[:nb]
        isem = args[nb:2 * nb]
        c = lax.axis_index("c")
        s = lax.axis_index("s")
        base = (c * _NS + s) * epw

        pltpu.sync_copy(ones_hbm, ones_v)

        @pl.when(s == 0)
        def _():
            pltpu.sync_copy(zeros_hbm, acc_sh)

        plsc.subcore_barrier()

        def do_group(off, count):
            idescs = []
            for b in range(count):
                idescs.append(pltpu.async_copy(
                    dst_hbm.at[pl.ds(off + b * _CHUNK, _CHUNK)],
                    idx[b], isem[b]))
            sdescs = []
            for b in range(count):
                idescs[b].wait()
                sdescs.append(pltpu.async_copy(
                    ones_v, acc_sh.at[idx[b]], ssem, add=True))
            for d in sdescs:
                d.wait()

        def body(g, carry):
            do_group(base + g * (nb * _CHUNK), nb)
            return carry

        lax.fori_loop(0, ngroup, body, 0)
        if gtail:
            do_group(base + ngroup * (nb * _CHUNK), gtail)
        if etail:
            idx_t, ones_t = args[2 * nb:]
            pltpu.sync_copy(ones_hbm.at[pl.ds(0, etail)], ones_t)
            pltpu.sync_copy(dst_hbm.at[pl.ds(base + nchunk * _CHUNK, etail)],
                            idx_t)
            pltpu.sync_copy(ones_t, acc_sh.at[idx_t], add=True)
        plsc.subcore_barrier()

        @pl.when(s == 0)
        def _():
            pltpu.sync_copy(acc_sh, out_hbm.at[c])

    return deg_kernel(dst, ones_c, zeros_n)


def _sc_agg(h, src, dst, zeros_nd):
    n, d = h.shape
    e = src.shape[0]
    epw = e // _NW
    nchunk = epw // _CHUNK_A
    ngroup = nchunk // _NBA
    assert nchunk % _NBA == 0
    etail = epw - nchunk * _CHUNK_A

    sem_types = [pltpu.SemaphoreType.DMA for _ in range(3 * _NBA)]
    idx_types = [pltpu.VMEM((_CHUNK_A,), jnp.int32) for _ in range(2 * _NBA)]
    row_types = [pltpu.VMEM((_CHUNK_A, d), jnp.float32) for _ in range(_NBA)]
    tail_types = ([pltpu.VMEM((etail,), jnp.int32),
                   pltpu.VMEM((etail,), jnp.int32),
                   pltpu.VMEM((etail, d), jnp.float32)] if etail else [])

    @functools.partial(
        pl.kernel,
        out_type=jax.ShapeDtypeStruct((_NC, n, d), jnp.float32),
        mesh=_sc_mesh(),
        scratch_types=[pltpu.VMEM_SHARED((n, d), jnp.float32)]
        + idx_types + row_types + sem_types + tail_types,
    )
    def agg_kernel(h_hbm, src_hbm, dst_hbm, zeros_hbm, out_hbm,
                   acc_sh, *args):
        sidx = args[:_NBA]
        didx = args[_NBA:2 * _NBA]
        rows = args[2 * _NBA:3 * _NBA]
        isem = args[3 * _NBA:4 * _NBA]
        gsem = args[4 * _NBA:5 * _NBA]
        ssem = args[5 * _NBA:6 * _NBA]
        c = lax.axis_index("c")
        s = lax.axis_index("s")
        base = (c * _NS + s) * epw

        ra = (n // _NS + 7) // 8 * 8
        for k in range(_NS):
            r0 = k * ra
            rk = min(ra, n - r0)
            if rk > 0:
                @pl.when(s == k)
                def _(r0=r0, rk=rk):
                    pltpu.sync_copy(zeros_hbm.at[pl.ds(0, rk)],
                                    acc_sh.at[pl.ds(r0, rk)])

        plsc.subcore_barrier()

        pdescs = []
        for b in range(_NBA):
            cb = base + b * _CHUNK_A
            pdescs.append((
                pltpu.async_copy(src_hbm.at[pl.ds(cb, _CHUNK_A)],
                                 sidx[b], isem[b]),
                pltpu.async_copy(dst_hbm.at[pl.ds(cb, _CHUNK_A)],
                                 didx[b], isem[b]),
            ))
        for b in range(_NBA):
            pdescs[b][0].wait()
            pdescs[b][1].wait()
            pltpu.async_copy(h_hbm.at[sidx[b]], rows[b], gsem[b])

        def body(g, carry):
            sdescs = []
            for b in range(_NBA):
                pltpu.make_async_copy(
                    h_hbm.at[sidx[b]], rows[b], gsem[b]).wait()
                sdescs.append(pltpu.async_copy(
                    rows[b], acc_sh.at[didx[b]], ssem[b], add=True))
            idescs = []
            for b in range(_NBA):
                ch2 = _NBA * g + b + _NBA
                sdescs[b].wait()

                @pl.when(ch2 < nchunk)
                def _(ch2=ch2, b=b):
                    cb = base + ch2 * _CHUNK_A
                    pltpu.async_copy(src_hbm.at[pl.ds(cb, _CHUNK_A)],
                                     sidx[b], isem[b])
                    pltpu.async_copy(dst_hbm.at[pl.ds(cb, _CHUNK_A)],
                                     didx[b], isem[b])
            for b in range(_NBA):
                ch2 = _NBA * g + b + _NBA

                @pl.when(ch2 < nchunk)
                def _(ch2=ch2, b=b):
                    cb = base + ch2 * _CHUNK_A
                    pltpu.make_async_copy(
                        src_hbm.at[pl.ds(cb, _CHUNK_A)], sidx[b],
                        isem[b]).wait()
                    pltpu.make_async_copy(
                        dst_hbm.at[pl.ds(cb, _CHUNK_A)], didx[b],
                        isem[b]).wait()
                    pltpu.async_copy(h_hbm.at[sidx[b]], rows[b], gsem[b])
            return carry

        lax.fori_loop(0, ngroup, body, 0)
        if etail:
            sidx_t, didx_t, rows_t = args[6 * _NBA:]
            toff = base + nchunk * _CHUNK_A
            pltpu.sync_copy(src_hbm.at[pl.ds(toff, etail)], sidx_t)
            pltpu.sync_copy(dst_hbm.at[pl.ds(toff, etail)], didx_t)
            pltpu.async_copy(h_hbm.at[sidx_t], rows_t, gsem[0]).wait()
            pltpu.sync_copy(rows_t, acc_sh.at[didx_t], add=True)
        plsc.subcore_barrier()

        for k in range(_NS):
            r0 = k * ra
            rk = min(ra, n - r0)
            if rk > 0:
                @pl.when(s == k)
                def _(r0=r0, rk=rk):
                    pltpu.sync_copy(acc_sh.at[pl.ds(r0, rk)],
                                    out_hbm.at[c, pl.ds(r0, rk)])

    return agg_kernel(h, src, dst, zeros_nd)


def _dis_from_partials(degp):
    deg = degp[0] + degp[1]
    return jnp.where(deg > 0, lax.rsqrt(deg), 0.0)


def _tc1_body(x_ref, w1_ref, degp_ref, out_ref):
    dis = _dis_from_partials(degp_ref[...])
    h = lax.dot_general(x_ref[...], w1_ref[...], (((1,), (1,)), ((), ())),
                        preferred_element_type=jnp.float32)
    out_ref[...] = h * dis[:, None]


def _tc2_body(aggp_ref, degp_ref, w2_ref, s1_ref, h2s_ref):
    dis = _dis_from_partials(degp_ref[...])
    agg = (aggp_ref[0] + aggp_ref[1]) * dis[:, None]
    mean = jnp.mean(agg, axis=0, keepdims=True)
    var = jnp.mean((agg - mean) ** 2, axis=0, keepdims=True)
    s1 = jnp.maximum((agg - mean) / jnp.sqrt(var + _EPS), 0.0)
    s1_ref[...] = s1
    h2 = lax.dot_general(s1, w2_ref[...], (((1,), (1,)), ((), ())),
                         preferred_element_type=jnp.float32)
    h2s_ref[...] = h2 * dis[:, None]


def _tc3_body(aggp_ref, degp_ref, s1_ref, w3_ref, out_ref):
    dis = _dis_from_partials(degp_ref[...])
    agg = (aggp_ref[0] + aggp_ref[1]) * dis[:, None]
    mean = jnp.mean(agg, axis=0, keepdims=True)
    var = jnp.mean((agg - mean) ** 2, axis=0, keepdims=True)
    s2 = jnp.maximum((agg - mean) / jnp.sqrt(var + _EPS), 0.0)
    d = s1_ref.shape[1]
    w3a = w3_ref[:, :d]
    w3b = w3_ref[:, d:]
    out_ref[...] = (
        lax.dot_general(s1_ref[...], w3a, (((1,), (1,)), ((), ())),
                        preferred_element_type=jnp.float32)
        + lax.dot_general(s2, w3b, (((1,), (1,)), ((), ())),
                          preferred_element_type=jnp.float32)
    )


def kernel(x, edge_index, W1, W2, W3):
    n, d_in = x.shape
    d_h = W1.shape[0]
    d_out = W3.shape[0]
    src = edge_index[0]
    dst = edge_index[1]

    ones_c = jnp.ones((_CHUNK,), jnp.float32)
    zeros_n = jnp.zeros((n,), jnp.float32)
    zeros_nd = jnp.zeros((n, d_h), jnp.float32)

    degp = _sc_deg(dst, ones_c, zeros_n)

    h1s = pl.pallas_call(
        _tc1_body,
        out_shape=jax.ShapeDtypeStruct((n, d_h), jnp.float32),
    )(x, W1, degp)

    agg1p = _sc_agg(h1s, src, dst, zeros_nd)

    s1, h2s = pl.pallas_call(
        _tc2_body,
        out_shape=[
            jax.ShapeDtypeStruct((n, d_h), jnp.float32),
            jax.ShapeDtypeStruct((n, d_h), jnp.float32),
        ],
    )(agg1p, degp, W2)

    agg2p = _sc_agg(h2s, src, dst, zeros_nd)

    out = pl.pallas_call(
        _tc3_body,
        out_shape=jax.ShapeDtypeStruct((n, d_out), jnp.float32),
    )(agg2p, degp, s1, W3)

    return out

# --- scband reference (transcript-rebuilt; emitter-appended) ---
"""Pipeline reference for scband-pmlp-jknet-2216203125089 (READ-ONLY COPY).

The authoritative reference and input builder live on the scoring server;
editing this copy changes nothing except your own understanding.
"""

import jax, jax.numpy as jnp
import numpy as np

N = 10000
E = 320000
D_IN = 128
D_H = 128
D_OUT = 128
EPS = 1e-5


def _xavier_uniform(key, shape, gain=1.414):
    fan_out, fan_in = shape
    bound = gain * np.sqrt(6.0 / (fan_in + fan_out))
    return jax.random.uniform(key, shape, jnp.float32, -bound, bound)


def gcn_conv(h, edge_index):
    # symmetric-normalized GCN aggregation (standard PMLP gcn_conv)
    n = h.shape[0]
    src = edge_index[0]
    dst = edge_index[1]
    deg = jax.ops.segment_sum(jnp.ones(src.shape[0], dtype=h.dtype), dst, num_segments=n)
    deg_inv_sqrt = jnp.where(deg > 0, deg ** -0.5, 0.0)
    w = deg_inv_sqrt[src] * deg_inv_sqrt[dst]
    msgs = h[src] * w[:, None]
    return jax.ops.segment_sum(msgs, dst, num_segments=n)


def setup_inputs(seed: int = 0):
    key = jax.random.key(seed)
    k1, k2, k3, k4, k5 = jax.random.split(key, 5)
    x = jax.random.normal(k1, (N, D_IN), dtype=jnp.float32)
    edge_index = jax.random.randint(k2, (2, E), 0, N, dtype=jnp.int32)
    W1 = _xavier_uniform(k3, (D_H, D_IN))
    W2 = _xavier_uniform(k4, (D_H, D_H))
    W3 = _xavier_uniform(k5, (D_OUT, D_H * 2))
    return {"x": x, "edge_index": edge_index, "W1": W1, "W2": W2, "W3": W3}


def reference(x, edge_index, W1, W2, W3):
    # eval mode: dropout is a no-op (p=0.0)
    h = x
    xs = []
    for W in (W1, W2):
        h = h @ W.T
        h = gcn_conv(h, edge_index)
        # BatchNorm1d(affine=False, track_running_stats=False): per-batch normalization
        mean = jnp.mean(h, axis=0, keepdims=True)
        var = jnp.mean((h - mean) ** 2, axis=0, keepdims=True)
        h = (h - mean) / jnp.sqrt(var + EPS)
        h = jax.nn.relu(h)
        xs.append(h)
    h = jnp.concatenate(xs, axis=-1)
    return h @ W3.T

if __name__ == "__main__":
    import jax
    _d = setup_inputs()
    print(jax.jit(kernel)(*tuple(_d.values())))

</pallas_src>

<mosaic_0001>
#map = affine_map<(d0, d1) -> (0)>
#map1 = affine_map<(d0, d1) -> (0, 0)>
module attributes {stable_mosaic.version = 14 : i64} {
  func.func @deg_kernel(%arg0: i32, %arg1: i32, %arg2: memref<320000xi32, #tpu.memory_space<hbm>>, %arg3: memref<128xf32, #tpu.memory_space<hbm>>, %arg4: memref<10000xf32, #tpu.memory_space<hbm>>, %arg5: memref<2x10000xf32, #tpu.memory_space<hbm>>, %arg6: memref<128xf32, #tpu.memory_space<vmem>>, %arg7: memref<10000xf32, #tpu.memory_space<vmem_shared>>, %arg8: memref<!tpu.dma_semaphore, #tpu.memory_space<semaphore_mem>>, %arg9: memref<128xi32, #tpu.memory_space<vmem>>, %arg10: memref<128xi32, #tpu.memory_space<vmem>>, %arg11: memref<128xi32, #tpu.memory_space<vmem>>, %arg12: memref<128xi32, #tpu.memory_space<vmem>>, %arg13: memref<128xi32, #tpu.memory_space<vmem>>, %arg14: memref<128xi32, #tpu.memory_space<vmem>>, %arg15: memref<!tpu.dma_semaphore, #tpu.memory_space<semaphore_mem>>, %arg16: memref<!tpu.dma_semaphore, #tpu.memory_space<semaphore_mem>>, %arg17: memref<!tpu.dma_semaphore, #tpu.memory_space<semaphore_mem>>, %arg18: memref<!tpu.dma_semaphore, #tpu.memory_space<semaphore_mem>>, %arg19: memref<!tpu.dma_semaphore, #tpu.memory_space<semaphore_mem>>, %arg20: memref<!tpu.dma_semaphore, #tpu.memory_space<semaphore_mem>>, %arg21: memref<16xi32, #tpu.memory_space<vmem>>, %arg22: memref<16xf32, #tpu.memory_space<vmem>>) attributes {dimension_semantics = [#tpu.dimension_semantics<core_parallel>, #tpu.dimension_semantics<subcore_parallel>], iteration_bounds = array<i64: 2, 16>, scalar_prefetch = 0 : i64, scratch_operands = 17 : i64, tpu.core_type = #tpu.core_type<sc_vector_subcore>, window_params = [{transform_indices = #map}, {transform_indices = #map}, {transform_indices = #map}, {transform_indices = #map1}]} {
    %mul3A = arith.constant 16 : i32
    %mul3A_0 = arith.muli %arg0, %mul3A : i32
    %add3A = arith.addi %mul3A_0, %arg1 : i32
    %mul3A_1 = arith.constant 10000 : i32
    %mul3A_2 = arith.muli %add3A, %mul3A_1 : i32
    "tpu.region"() ({
      %run_scoped3A = tpu.sem_alloc : memref<!tpu.dma_semaphore, #tpu.memory_space<semaphore_mem>>
      tpu.enqueue_dma source(%arg3 : memref<128xf32, #tpu.memory_space<hbm>>) target(%arg6 : memref<128xf32, #tpu.memory_space<vmem>>) target_semaphore(%run_scoped3A : memref<!tpu.dma_semaphore, #tpu.memory_space<semaphore_mem>>)
      tpu.wait_dma2 semaphore(%run_scoped3A : memref<!tpu.dma_semaphore, #tpu.memory_space<semaphore_mem>>) src(%arg3 : memref<128xf32, #tpu.memory_space<hbm>>) dst(%arg6 : memref<128xf32, #tpu.memory_space<vmem>>)
      tpu.yield
    }) : () -> ()
    %eq3A = arith.constant 0 : i32
    %eq3A_3 = arith.cmpi eq, %arg1, %eq3A : i32
    %convert_element_type3A = arith.extui %eq3A_3 : i1 to i32
    %cond3A = arith.constant 0 : i32
    %cond3A_4 = arith.cmpi ne, %convert_element_type3A, %cond3A : i32
    scf.if %cond3A_4 {
      "tpu.region"() ({
        %run_scoped3A = tpu.sem_alloc : memref<!tpu.dma_semaphore, #tpu.memory_space<semaphore_mem>>
        tpu.enqueue_dma source(%arg4 : memref<10000xf32, #tpu.memory_space<hbm>>) target(%arg7 : memref<10000xf32, #tpu.memory_space<vmem_shared>>) target_semaphore(%run_scoped3A : memref<!tpu.dma_semaphore, #tpu.memory_space<semaphore_mem>>)
        tpu.wait_dma2 semaphore(%run_scoped3A : memref<!tpu.dma_semaphore, #tpu.memory_space<semaphore_mem>>) src(%arg4 : memref<10000xf32, #tpu.memory_space<hbm>>) dst(%arg7 : memref<10000xf32, #tpu.memory_space<vmem_shared>>)
        tpu.yield
      }) : () -> ()
    } else {
    }
    %barrier3A = arith.constant 0 : index
    tpu.barrier barrier_id(%barrier3A)
    %scan3A = arith.constant 0 : i32
    %scan3A_5 = arith.constant 0 : i32
    %scan3A_6 = arith.constant 13 : i32
    %scan3A_7 = arith.addi %scan3A_5, %scan3A_6 : i32
    %scan3A_8 = arith.constant 1 : i32
    scf.for %scan3A_18 = %scan3A_5 to %scan3A_7 step %scan3A_8  : i32 {
      %mul3A_19 = arith.constant 768 : i32
      %mul3A_20 = arith.muli %scan3A_18, %mul3A_19 : i32
      %add3A_21 = arith.addi %mul3A_2, %mul3A_20 : i32
      %add3A_22 = arith.constant 0 : i32
      %add3A_23 = arith.addi %add3A_21, %add3A_22 : i32
      %dma_start3A = tpu.memref_slice %arg2[%add3A_23] : memref<320000xi32, #tpu.memory_space<hbm>> -> memref<128xi32, #tpu.memory_space<hbm>>
      %dma_start3A_24 = tpu.memref_slice %arg2[%add3A_23] : memref<320000xi32, #tpu.memory_space<hbm>> -> memref<128xi32, #tpu.memory_space<hbm>>
      tpu.enqueue_dma source(%dma_start3A_24 : memref<128xi32, #tpu.memory_space<hbm>>) target(%arg9 : memref<128xi32, #tpu.memory_space<vmem>>) target_semaphore(%arg15 : memref<!tpu.dma_semaphore, #tpu.memory_space<semaphore_mem>>)
      %add3A_25 = arith.constant 128 : i32
      %add3A_26 = arith.addi %add3A_21, %add3A_25 : i32
      %dma_start3A_27 = tpu.memref_slice %arg2[%add3A_26] : memref<320000xi32, #tpu.memory_space<hbm>> -> memref<128xi32, #tpu.memory_space<hbm>>
      %dma_start3A_28 = tpu.memref_slice %arg2[%add3A_26] : memref<320000xi32, #tpu.memory_space<hbm>> -> memref<128xi32, #tpu.memory_space<hbm>>
      tpu.enqueue_dma source(%dma_start3A_28 : memref<128xi32, #tpu.memory_space<hbm>>) target(%arg10 : memref<128xi32, #tpu.memory_space<vmem>>) target_semaphore(%arg16 : memref<!tpu.dma_semaphore, #tpu.memory_space<semaphore_mem>>)
      %add3A_29 = arith.constant 256 : i32
      %add3A_30 = arith.addi %add3A_21, %add3A_29 : i32
      %dma_start3A_31 = tpu.memref_slice %arg2[%add3A_30] : memref<320000xi32, #tpu.memory_space<hbm>> -> memref<128xi32, #tpu.memory_space<hbm>>
      %dma_start3A_32 = tpu.memref_slice %arg2[%add3A_30] : memref<320000xi32, #tpu.memory_space<hbm>> -> memref<128xi32, #tpu.memory_space<hbm>>
      tpu.enqueue_dma source(%dma_start3A_32 : memref<128xi32, #tpu.memory_space<hbm>>) target(%arg11 : memref<128xi32, #tpu.memory_space<vmem>>) target_semaphore(%arg17 : memref<!tpu.dma_semaphore, #tpu.memory_space<semaphore_mem>>)
      %add3A_33 = arith.constant 384 : i32
      %add3A_34 = arith.addi %add3A_21, %add3A_33 : i32
      %dma_start3A_35 = tpu.memref_slice %arg2[%add3A_34] : memref<320000xi32, #tpu.memory_space<hbm>> -> memref<128xi32, #tpu.memory_space<hbm>>
      %dma_start3A_36 = tpu.memref_slice %arg2[%add3A_34] : memref<320000xi32, #tpu.memory_space<hbm>> -> memref<128xi32, #tpu.memory_space<hbm>>
      tpu.enqueue_dma source(%dma_start3A_36 : memref<128xi32, #tpu.memory_space<hbm>>) target(%arg12 : memref<128xi32, #tpu.memory_space<vmem>>) target_semaphore(%arg18 : memref<!tpu.dma_semaphore, #tpu.memory_space<semaphore_mem>>)
      %add3A_37 = arith.constant 512 : i32
      %add3A_38 = arith.addi %add3A_21, %add3A_37 : i32
      %dma_start3A_39 = tpu.memref_slice %arg2[%add3A_38] : memref<320000xi32, #tpu.memory_space<hbm>> -> memref<128xi32, #tpu.memory_space<hbm>>
      %dma_start3A_40 = tpu.memref_slice %arg2[%add3A_38] : memref<320000xi32, #tpu.memory_space<hbm>> -> memref<128xi32, #tpu.memory_space<hbm>>
      tpu.enqueue_dma source(%dma_start3A_40 : memref<128xi32, #tpu.memory_space<hbm>>) target(%arg13 : memref<128xi32, #tpu.memory_space<vmem>>) target_semaphore(%arg19 : memref<!tpu.dma_semaphore, #tpu.memory_space<semaphore_mem>>)
      %add3A_41 = arith.constant 640 : i32
      %add3A_42 = arith.addi %add3A_21, %add3A_41 : i32
      %dma_start3A_43 = tpu.memref_slice %arg2[%add3A_42] : memref<320000xi32, #tpu.memory_space<hbm>> -> memref<128xi32, #tpu.memory_space<hbm>>
      %dma_start3A_44 = tpu.memref_slice %arg2[%add3A_42] : memref<320000xi32, #tpu.memory_space<hbm>> -> memref<128xi32, #tpu.memory_space<hbm>>
      tpu.enqueue_dma source(%dma_start3A_44 : memref<128xi32, #tpu.memory_space<hbm>>) target(%arg14 : memref<128xi32, #tpu.memory_space<vmem>>) target_semaphore(%arg20 : memref<!tpu.dma_semaphore, #tpu.memory_space<semaphore_mem>>)
      %dma_wait3A = tpu.memref_slice %arg2[%add3A_23] : memref<320000xi32, #tpu.memory_space<hbm>> -> memref<128xi32, #tpu.memory_space<hbm>>
      %dma_wait3A_45 = tpu.memref_slice %arg2[%add3A_23] : memref<320000xi32, #tpu.memory_space<hbm>> -> memref<128xi32, #tpu.memory_space<hbm>>
      tpu.wait_dma2 semaphore(%arg15 : memref<!tpu.dma_semaphore, #tpu.memory_space<semaphore_mem>>) src(%dma_wait3A_45 : memref<128xi32, #tpu.memory_space<hbm>>) dst(%arg9 : memref<128xi32, #tpu.memory_space<vmem>>)
      %dma_start3A_46 = arith.constant 0 : i32
      %dma_start3A_47 = tpu.memref_slice %arg7[%dma_start3A_46] : memref<10000xf32, #tpu.memory_space<vmem_shared>> -> memref<10000xf32, #tpu.memory_space<vmem_shared>>
      tpu.enqueue_indirect_dma source(%arg6 : memref<128xf32, #tpu.memory_space<vmem>>) target(%dma_start3A_47 : memref<10000xf32, #tpu.memory_space<vmem_shared>>) offsets(%arg9 : memref<128xi32, #tpu.memory_space<vmem>>) semaphore(%arg8 : memref<!tpu.dma_semaphore, #tpu.memory_space<semaphore_mem>>) {add = true}
      %dma_wait3A_48 = tpu.memref_slice %arg2[%add3A_26] : memref<320000xi32, #tpu.memory_space<hbm>> -> memref<128xi32, #tpu.memory_space<hbm>>
      %dma_wait3A_49 = tpu.memref_slice %arg2[%add3A_26] : memref<320000xi32, #tpu.memory_space<hbm>> -> memref<128xi32, #tpu.memory_space<hbm>>
      tpu.wait_dma2 semaphore(%arg16 : memref<!tpu.dma_semaphore, #tpu.memory_space<semaphore_mem>>) src(%dma_wait3A_49 : memref<128xi32, #tpu.memory_space<hbm>>) dst(%arg10 : memref<128xi32, #tpu.memory_space<vmem>>)
      %dma_start3A_50 = arith.constant 0 : i32
      %dma_start3A_51 = tpu.memref_slice %arg7[%dma_start3A_50] : memref<10000xf32, #tpu.memory_space<vmem_shared>> -> memref<10000xf32, #tpu.memory_space<vmem_shared>>
      tpu.enqueue_indirect_dma source(%arg6 : memref<128xf32, #tpu.memory_space<vmem>>) target(%dma_start3A_51 : memref<10000xf32, #tpu.memory_space<vmem_shared>>) offsets(%arg10 : memref<128xi32, #tpu.memory_space<vmem>>) semaphore(%arg8 : memref<!tpu.dma_semaphore, #tpu.memory_space<semaphore_mem>>) {add = true}
      %dma_wait3A_52 = tpu.memref_slice %arg2[%add3A_30] : memref<320000xi32, #tpu.memory_space<hbm>> -> memref<128xi32, #tpu.memory_space<hbm>>
      %dma_wait3A_53 = tpu.memref_slice %arg2[%add3A_30] : memref<320000xi32, #tpu.memory_space<hbm>> -> memref<128xi32, #tpu.memory_space<hbm>>
      tpu.wait_dma2 semaphore(%arg17 : memref<!tpu.dma_semaphore, #tpu.memory_space<semaphore_mem>>) src(%dma_wait3A_53 : memref<128xi32, #tpu.memory_space<hbm>>) dst(%arg11 : memref<128xi32, #tpu.memory_space<vmem>>)
      %dma_start3A_54 = arith.constant 0 : i32
      %dma_start3A_55 = tpu.memref_slice %arg7[%dma_start3A_54] : memref<10000xf32, #tpu.memory_space<vmem_shared>> -> memref<10000xf32, #tpu.memory_space<vmem_shared>>
      tpu.enqueue_indirect_dma source(%arg6 : memref<128xf32, #tpu.memory_space<vmem>>) target(%dma_start3A_55 : memref<10000xf32, #tpu.memory_space<vmem_shared>>) offsets(%arg11 : memref<128xi32, #tpu.memory_space<vmem>>) semaphore(%arg8 : memref<!tpu.dma_semaphore, #tpu.memory_space<semaphore_mem>>) {add = true}
      %dma_wait3A_56 = tpu.memref_slice %arg2[%add3A_34] : memref<320000xi32, #tpu.memory_space<hbm>> -> memref<128xi32, #tpu.memory_space<hbm>>
      %dma_wait3A_57 = tpu.memref_slice %arg2[%add3A_34] : memref<320000xi32, #tpu.memory_space<hbm>> -> memref<128xi32, #tpu.memory_space<hbm>>
      tpu.wait_dma2 semaphore(%arg18 : memref<!tpu.dma_semaphore, #tpu.memory_space<semaphore_mem>>) src(%dma_wait3A_57 : memref<128xi32, #tpu.memory_space<hbm>>) dst(%arg12 : memref<128xi32, #tpu.memory_space<vmem>>)
      %dma_start3A_58 = arith.constant 0 : i32
      %dma_start3A_59 = tpu.memref_slice %arg7[%dma_start3A_58] : memref<10000xf32, #tpu.memory_space<vmem_shared>> -> memref<10000xf32, #tpu.memory_space<vmem_shared>>
      tpu.enqueue_indirect_dma source(%arg6 : memref<128xf32, #tpu.memory_space<vmem>>) target(%dma_start3A_59 : memref<10000xf32, #tpu.memory_space<vmem_shared>>) offsets(%arg12 : memref<128xi32, #tpu.memory_space<vmem>>) semaphore(%arg8 : memref<!tpu.dma_semaphore, #tpu.memory_space<semaphore_mem>>) {add = true}
      %dma_wait3A_60 = tpu.memref_slice %arg2[%add3A_38] : memref<320000xi32, #tpu.memory_space<hbm>> -> memref<128xi32, #tpu.memory_space<hbm>>
      %dma_wait3A_61 = tpu.memref_slice %arg2[%add3A_38] : memref<320000xi32, #tpu.memory_space<hbm>> -> memref<128xi32, #tpu.memory_space<hbm>>
      tpu.wait_dma2 semaphore(%arg19 : memref<!tpu.dma_semaphore, #tpu.memory_space<semaphore_mem>>) src(%dma_wait3A_61 : memref<128xi32, #tpu.memory_space<hbm>>) dst(%arg13 : memref<128xi32, #tpu.memory_space<vmem>>)
      %dma_start3A_62 = arith.constant 0 : i32
      %dma_start3A_63 = tpu.memref_slice %arg7[%dma_start3A_62] : memref<10000xf32, #tpu.memory_space<vmem_shared>> -> memref<10000xf32, #tpu.memory_space<vmem_shared>>
      tpu.enqueue_indirect_dma source(%arg6 : memref<128xf32, #tpu.memory_space<vmem>>) target(%dma_start3A_63 : memref<10000xf32, #tpu.memory_space<vmem_shared>>) offsets(%arg13 : memref<128xi32, #tpu.memory_space<vmem>>) semaphore(%arg8 : memref<!tpu.dma_semaphore, #tpu.memory_space<semaphore_mem>>) {add = true}
      %dma_wait3A_64 = tpu.memref_slice %arg2[%add3A_42] : memref<320000xi32, #tpu.memory_space<hbm>> -> memref<128xi32, #tpu.memory_space<hbm>>
      %dma_wait3A_65 = tpu.memref_slice %arg2[%add3A_42] : memref<320000xi32, #tpu.memory_space<hbm>> -> memref<128xi32, #tpu.memory_space<hbm>>
      tpu.wait_dma2 semaphore(%arg20 : memref<!tpu.dma_semaphore, #tpu.memory_space<semaphore_mem>>) src(%dma_wait3A_65 : memref<128xi32, #tpu.memory_space<hbm>>) dst(%arg14 : memref<128xi32, #tpu.memory_space<vmem>>)
      %dma_start3A_66 = arith.constant 0 : i32
      %dma_start3A_67 = tpu.memref_slice %arg7[%dma_start3A_66] : memref<10000xf32, #tpu.memory_space<vmem_shared>> -> memref<10000xf32, #tpu.memory_space<vmem_shared>>
      tpu.enqueue_indirect_dma source(%arg6 : memref<128xf32, #tpu.memory_space<vmem>>) target(%dma_start3A_67 : memref<10000xf32, #tpu.memory_space<vmem_shared>>) offsets(%arg14 : memref<128xi32, #tpu.memory_space<vmem>>) semaphore(%arg8 : memref<!tpu.dma_semaphore, #tpu.memory_space<semaphore_mem>>) {add = true}
      %dma_wait3A_68 = arith.constant 0 : i32
      %dma_wait3A_69 = tpu.memref_slice %arg7[%dma_wait3A_68] : memref<10000xf32, #tpu.memory_space<vmem_shared>> -> memref<10000xf32, #tpu.memory_space<vmem_shared>>
      tpu.wait_indirect_dma semaphore(%arg8 : memref<!tpu.dma_semaphore, #tpu.memory_space<semaphore_mem>>) src(%arg6 : memref<128xf32, #tpu.memory_space<vmem>>) dst(%dma_wait3A_69 : memref<10000xf32, #tpu.memory_space<vmem_shared>>)
      %dma_wait3A_70 = arith.constant 0 : i32
      %dma_wait3A_71 = tpu.memref_slice %arg7[%dma_wait3A_70] : memref<10000xf32, #tpu.memory_space<vmem_shared>> -> memref<10000xf32, #tpu.memory_space<vmem_shared>>
      tpu.wait_indirect_dma semaphore(%arg8 : memref<!tpu.dma_semaphore, #tpu.memory_space<semaphore_mem>>) src(%arg6 : memref<128xf32, #tpu.memory_space<vmem>>) dst(%dma_wait3A_71 : memref<10000xf32, #tpu.memory_space<vmem_shared>>)
      %dma_wait3A_72 = arith.constant 0 : i32
      %dma_wait3A_73 = tpu.memref_slice %arg7[%dma_wait3A_72] : memref<10000xf32, #tpu.memory_space<vmem_shared>> -> memref<10000xf32, #tpu.memory_space<vmem_shared>>
      tpu.wait_indirect_dma semaphore(%arg8 : memref<!tpu.dma_semaphore, #tpu.memory_space<semaphore_mem>>) src(%arg6 : memref<128xf32, #tpu.memory_space<vmem>>) dst(%dma_wait3A_73 : memref<10000xf32, #tpu.memory_space<vmem_shared>>)
      %dma_wait3A_74 = arith.constant 0 : i32
      %dma_wait3A_75 = tpu.memref_slice %arg7[%dma_wait3A_74] : memref<10000xf32, #tpu.memory_space<vmem_shared>> -> memref<10000xf32, #tpu.memory_space<vmem_shared>>
      tpu.wait_indirect_dma semaphore(%arg8 : memref<!tpu.dma_semaphore, #tpu.memory_space<semaphore_mem>>) src(%arg6 : memref<128xf32, #tpu.memory_space<vmem>>) dst(%dma_wait3A_75 : memref<10000xf32, #tpu.memory_space<vmem_shared>>)
      %dma_wait3A_76 = arith.constant 0 : i32
      %dma_wait3A_77 = tpu.memref_slice %arg7[%dma_wait3A_76] : memref<10000xf32, #tpu.memory_space<vmem_shared>> -> memref<10000xf32, #tpu.memory_space<vmem_shared>>
      tpu.wait_indirect_dma semaphore(%arg8 : memref<!tpu.dma_semaphore, #tpu.memory_space<semaphore_mem>>) src(%arg6 : memref<128xf32, #tpu.memory_space<vmem>>) dst(%dma_wait3A_77 : memref<10000xf32, #tpu.memory_space<vmem_shared>>)
      %dma_wait3A_78 = arith.constant 0 : i32
      %dma_wait3A_79 = tpu.memref_slice %arg7[%dma_wait3A_78] : memref<10000xf32, #tpu.memory_space<vmem_shared>> -> memref<10000xf32, #tpu.memory_space<vmem_shared>>
      tpu.wait_indirect_dma semaphore(%arg8 : memref<!tpu.dma_semaphore, #tpu.memory_space<semaphore_mem>>) src(%arg6 : memref<128xf32, #tpu.memory_space<vmem>>) dst(%dma_wait3A_79 : memref<10000xf32, #tpu.memory_space<vmem_shared>>)
    }
    %scan3A_9 = arith.constant 13 : i32
    "tpu.region"() ({
      %run_scoped3A = tpu.sem_alloc : memref<!tpu.dma_semaphore, #tpu.memory_space<semaphore_mem>>
      %dma_start3A = arith.constant 0 : i32
      %dma_start3A_18 = tpu.memref_slice %arg3[%dma_start3A] : memref<128xf32, #tpu.memory_space<hbm>> -> memref<16xf32, #tpu.memory_space<hbm>>
      %dma_start3A_19 = arith.constant 0 : i32
      %dma_start3A_20 = tpu.memref_slice %arg3[%dma_start3A_19] : memref<128xf32, #tpu.memory_space<hbm>> -> memref<16xf32, #tpu.memory_space<hbm>>
      tpu.enqueue_dma source(%dma_start3A_20 : memref<16xf32, #tpu.memory_space<hbm>>) target(%arg22 : memref<16xf32, #tpu.memory_space<vmem>>) target_semaphore(%run_scoped3A : memref<!tpu.dma_semaphore, #tpu.memory_space<semaphore_mem>>)
      %dma_wait3A = arith.constant 0 : i32
      %dma_wait3A_21 = tpu.memref_slice %arg3[%dma_wait3A] : memref<128xf32, #tpu.memory_space<hbm>> -> memref<16xf32, #tpu.memory_space<hbm>>
      %dma_wait3A_22 = arith.constant 0 : i32
      %dma_wait3A_23 = tpu.memref_slice %arg3[%dma_wait3A_22] : memref<128xf32, #tpu.memory_space<hbm>> -> memref<16xf32, #tpu.memory_space<hbm>>
      tpu.wait_dma2 semaphore(%run_scoped3A : memref<!tpu.dma_semaphore, #tpu.memory_space<semaphore_mem>>) src(%dma_wait3A_23 : memref<16xf32, #tpu.memory_space<hbm>>) dst(%arg22 : memref<16xf32, #tpu.memory_space<vmem>>)
      tpu.yield
    }) : () -> ()
    %add3A_10 = arith.constant 9984 : i32
    %add3A_11 = arith.addi %mul3A_2, %add3A_10 : i32
    "tpu.region"() ({
      %run_scoped3A = tpu.sem_alloc : memref<!tpu.dma_semaphore, #tpu.memory_space<semaphore_mem>>
      %dma_start3A = tpu.memref_slice %arg2[%add3A_11] : memref<320000xi32, #tpu.memory_space<hbm>> -> memref<16xi32, #tpu.memory_space<hbm>>
      %dma_start3A_18 = tpu.memref_slice %arg2[%add3A_11] : memref<320000xi32, #tpu.memory_space<hbm>> -> memref<16xi32, #tpu.memory_space<hbm>>
      tpu.enqueue_dma source(%dma_start3A_18 : memref<16xi32, #tpu.memory_space<hbm>>) target(%arg21 : memref<16xi32, #tpu.memory_space<vmem>>) target_semaphore(%run_scoped3A : memref<!tpu.dma_semaphore, #tpu.memory_space<semaphore_mem>>)
      %dma_wait3A = tpu.memref_slice %arg2[%add3A_11] : memref<320000xi32, #tpu.memory_space<hbm>> -> memref<16xi32, #tpu.memory_space<hbm>>
      %dma_wait3A_19 = tpu.memref_slice %arg2[%add3A_11] : memref<320000xi32, #tpu.memory_space<hbm>> -> memref<16xi32, #tpu.memory_space<hbm>>
      tpu.wait_dma2 semaphore(%run_scoped3A : memref<!tpu.dma_semaphore, #tpu.memory_space<semaphore_mem>>) src(%dma_wait3A_19 : memref<16xi32, #tpu.memory_space<hbm>>) dst(%arg21 : memref<16xi32, #tpu.memory_space<vmem>>)
      tpu.yield
    }) : () -> ()
    "tpu.region"() ({
      %run_scoped3A = tpu.sem_alloc : memref<!tpu.dma_semaphore, #tpu.memory_space<semaphore_mem>>
      %dma_start3A = arith.constant 0 : i32
      %dma_start3A_18 = tpu.memref_slice %arg7[%dma_start3A] : memref<10000xf32, #tpu.memory_space<vmem_shared>> -> memref<10000xf32, #tpu.memory_space<vmem_shared>>
      tpu.enqueue_indirect_dma source(%arg22 : memref<16xf32, #tpu.memory_space<vmem>>) target(%dma_start3A_18 : memref<10000xf32, #tpu.memory_space<vmem_shared>>) offsets(%arg21 : memref<16xi32, #tpu.memory_space<vmem>>) semaphore(%run_scoped3A : memref<!tpu.dma_semaphore, #tpu.memory_space<semaphore_mem>>) {add = true}
      %dma_wait3A = arith.constant 0 : i32
      %dma_wait3A_19 = tpu.memref_slice %arg7[%dma_wait3A] : memref<10000xf32, #tpu.memory_space<vmem_shared>> -> memref<10000xf32, #tpu.memory_space<vmem_shared>>
      tpu.wait_indirect_dma semaphore(%run_scoped3A : memref<!tpu.dma_semaphore, #tpu.memory_space<semaphore_mem>>) src(%arg22 : memref<16xf32, #tpu.memory_space<vmem>>) dst(%dma_wait3A_19 : memref<10000xf32, #tpu.memory_space<vmem_shared>>)
      tpu.yield
    }) : () -> ()
    %barrier3A_12 = arith.constant 0 : index
    tpu.barrier barrier_id(%barrier3A_12)
    %eq3A_13 = arith.constant 0 : i32
    %eq3A_14 = arith.cmpi eq, %arg1, %eq3A_13 : i32
    %convert_element_type3A_15 = arith.extui %eq3A_14 : i1 to i32
    %cond3A_16 = arith.constant 0 : i32
    %cond3A_17 = arith.cmpi ne, %convert_element_type3A_15, %cond3A_16 : i32
    scf.if %cond3A_17 {
      "tpu.region"() ({
        %run_scoped3A = tpu.sem_alloc : memref<!tpu.dma_semaphore, #tpu.memory_space<semaphore_mem>>
        %dma_start3A = arith.constant 0 : i32
        %dma_start3A_18 = tpu.memref_slice %arg5[%arg0, %dma_start3A] : memref<2x10000xf32, #tpu.memory_space<hbm>> -> memref<1x10000xf32, #tpu.memory_space<hbm>>
        %dma_start3A_19 = tpu.memref_squeeze %dma_start3A_18 : memref<1x10000xf32, #tpu.memory_space<hbm>> -> memref<10000xf32, #tpu.memory_space<hbm>>
        tpu.enqueue_dma source(%arg7 : memref<10000xf32, #tpu.memory_space<vmem_shared>>) target(%dma_start3A_19 : memref<10000xf32, #tpu.memory_space<hbm>>) target_semaphore(%run_scoped3A : memref<!tpu.dma_semaphore, #tpu.memory_space<semaphore_mem>>)
        %dma_wait3A = arith.constant 0 : i32
        %dma_wait3A_20 = tpu.memref_slice %arg5[%arg0, %dma_wait3A] : memref<2x10000xf32, #tpu.memory_space<hbm>> -> memref<1x10000xf32, #tpu.memory_space<hbm>>
        %dma_wait3A_21 = tpu.memref_squeeze %dma_wait3A_20 : memref<1x10000xf32, #tpu.memory_space<hbm>> -> memref<10000xf32, #tpu.memory_space<hbm>>
        tpu.wait_dma2 semaphore(%run_scoped3A : memref<!tpu.dma_semaphore, #tpu.memory_space<semaphore_mem>>) src(%arg7 : memref<10000xf32, #tpu.memory_space<vmem_shared>>) dst(%dma_wait3A_21 : memref<10000xf32, #tpu.memory_space<hbm>>)
        tpu.yield
      }) : () -> ()
    } else {
    }
    return
  }
}

#map = affine_map<(d0, d1) -> (0, 0)>
#map1 = affine_map<(d0, d1) -> (0)>
#map2 = affine_map<(d0, d1) -> (0, 0, 0)>
module attributes {stable_mosaic.version = 14 : i64} {
  func.func @agg_kernel(%arg0: i32, %arg1: i32, %arg2: memref<10000x128xf32, #tpu.memory_space<hbm>>, %arg3: memref<320000xi32, #tpu.memory_space<hbm>>, %arg4: memref<320000xi32, #tpu.memory_space<hbm>>, %arg5: memref<10000x128xf32, #tpu.memory_space<hbm>>, %arg6: memref<2x10000x128xf32, #tpu.memory_space<hbm>>, %arg7: memref<10000x128xf32, #tpu.memory_space<vmem_shared>>, %arg8: memref<64xi32, #tpu.memory_space<vmem>>, %arg9: memref<64xi32, #tpu.memory_space<vmem>>, %arg10: memref<64xi32, #tpu.memory_space<vmem>>, %arg11: memref<64xi32, #tpu.memory_space<vmem>>, %arg12: memref<64xi32, #tpu.memory_space<vmem>>, %arg13: memref<64xi32, #tpu.memory_space<vmem>>, %arg14: memref<64xi32, #tpu.memory_space<vmem>>, %arg15: memref<64xi32, #tpu.memory_space<vmem>>, %arg16: memref<64x128xf32, #tpu.memory_space<vmem>>, %arg17: memref<64x128xf32, #tpu.memory_space<vmem>>, %arg18: memref<64x128xf32, #tpu.memory_space<vmem>>, %arg19: memref<64x128xf32, #tpu.memory_space<vmem>>, %arg20: memref<!tpu.dma_semaphore, #tpu.memory_space<semaphore_mem>>, %arg21: memref<!tpu.dma_semaphore, #tpu.memory_space<semaphore_mem>>, %arg22: memref<!tpu.dma_semaphore, #tpu.memory_space<semaphore_mem>>, %arg23: memref<!tpu.dma_semaphore, #tpu.memory_space<semaphore_mem>>, %arg24: memref<!tpu.dma_semaphore, #tpu.memory_space<semaphore_mem>>, %arg25: memref<!tpu.dma_semaphore, #tpu.memory_space<semaphore_mem>>, %arg26: memref<!tpu.dma_semaphore, #tpu.memory_space<semaphore_mem>>, %arg27: memref<!tpu.dma_semaphore, #tpu.memory_space<semaphore_mem>>, %arg28: memref<!tpu.dma_semaphore, #tpu.memory_space<semaphore_mem>>, %arg29: memref<!tpu.dma_semaphore, #tpu.memory_space<semaphore_mem>>, %arg30: memref<!tpu.dma_semaphore, #tpu.memory_space<semaphore_mem>>, %arg31: memref<!tpu.dma_semaphore, #tpu.memory_space<semaphore_mem>>, %arg32: memref<16xi32, #tpu.memory_space<vmem>>, %arg33: memref<16xi32, #tpu.memory_space<vmem>>, %arg34: memref<16x128xf32, #tpu.memory_space<vmem>>) attributes {dimension_semantics = [#tpu.dimension_semantics<core_parallel>, #tpu.dimension_semantics<subcore_parallel>], iteration_bounds = array<i64: 2, 16>, scalar_prefetch = 0 : i64, scratch_operands = 28 : i64, tpu.core_type = #tpu.core_type<sc_vector_subcore>, window_params = [{transform_indices = #map}, {transform_indices = #map1}, {transform_indices = #map1}, {transform_indices = #map}, {transform_indices = #map2}]} {
    %mul3A = arith.constant 16 : i32
    %mul3A_0 = arith.muli %arg0, %mul3A : i32
    %add3A = arith.addi %mul3A_0, %arg1 : i32
    %mul3A_1 = arith.constant 10000 : i32
    %mul3A_2 = arith.muli %add3A, %mul3A_1 : i32
    %eq3A = arith.constant 0 : i32
    %eq3A_3 = arith.cmpi eq, %arg1, %eq3A : i32
    %convert_element_type3A = arith.extui %eq3A_3 : i1 to i32
    %cond3A = arith.constant 0 : i32
    %cond3A_4 = arith.cmpi ne, %convert_element_type3A, %cond3A : i32
    scf.if %cond3A_4 {
      "tpu.region"() ({
        %run_scoped3A = tpu.sem_alloc : memref<!tpu.dma_semaphore, #tpu.memory_space<semaphore_mem>>
        %dma_start3A_224 = arith.constant 0 : i32
        %dma_start3A_225 = arith.constant 0 : i32
        %dma_start3A_226 = tpu.memref_slice %arg7[%dma_start3A_224, %dma_start3A_225] : memref<10000x128xf32, #tpu.memory_space<vmem_shared>> -> memref<632x128xf32, #tpu.memory_space<vmem_shared>>
        %dma_start3A_227 = arith.constant 0 : i32
        %dma_start3A_228 = arith.constant 0 : i32
        %dma_start3A_229 = tpu.memref_slice %arg5[%dma_start3A_227, %dma_start3A_228] : memref<10000x128xf32, #tpu.memory_space<hbm>> -> memref<632x128xf32, #tpu.memory_space<hbm>>
        tpu.enqueue_dma source(%dma_start3A_229 : memref<632x128xf32, #tpu.memory_space<hbm>>) target(%dma_start3A_226 : memref<632x128xf32, #tpu.memory_space<vmem_shared>>) target_semaphore(%run_scoped3A : memref<!tpu.dma_semaphore, #tpu.memory_space<semaphore_mem>>)
        %dma_wait3A_230 = arith.constant 0 : i32
        %dma_wait3A_231 = arith.constant 0 : i32
        %dma_wait3A_232 = tpu.memref_slice %arg7[%dma_wait3A_230, %dma_wait3A_231] : memref<10000x128xf32, #tpu.memory_space<vmem_shared>> -> memref<632x128xf32, #tpu.memory_space<vmem_shared>>
        %dma_wait3A_233 = arith.constant 0 : i32
        %dma_wait3A_234 = arith.constant 0 : i32
        %dma_wait3A_235 = tpu.memref_slice %arg5[%dma_wait3A_233, %dma_wait3A_234] : memref<10000x128xf32, #tpu.memory_space<hbm>> -> memref<632x128xf32, #tpu.memory_space<hbm>>
        tpu.wait_dma2 semaphore(%run_scoped3A : memref<!tpu.dma_semaphore, #tpu.memory_space<semaphore_mem>>) src(%dma_wait3A_235 : memref<632x128xf32, #tpu.memory_space<hbm>>) dst(%dma_wait3A_232 : memref<632x128xf32, #tpu.memory_space<vmem_shared>>)
        tpu.yield
      }) : () -> ()
    } else {
    }
    %eq3A_5 = arith.constant 1 : i32
    %eq3A_6 = arith.cmpi eq, %arg1, %eq3A_5 : i32
    %convert_element_type3A_7 = arith.extui %eq3A_6 : i1 to i32
    %cond3A_8 = arith.constant 0 : i32
    %cond3A_9 = arith.cmpi ne, %convert_element_type3A_7, %cond3A_8 : i32
    scf.if %cond3A_9 {
      "tpu.region"() ({
        %run_scoped3A = tpu.sem_alloc : memref<!tpu.dma_semaphore, #tpu.memory_space<semaphore_mem>>
        %dma_start3A_224 = arith.constant 632 : i32
        %dma_start3A_225 = arith.constant 0 : i32
        %dma_start3A_226 = tpu.memref_slice %arg7[%dma_start3A_224, %dma_start3A_225] : memref<10000x128xf32, #tpu.memory_space<vmem_shared>> -> memref<632x128xf32, #tpu.memory_space<vmem_shared>>
        %dma_start3A_227 = arith.constant 0 : i32
        %dma_start3A_228 = arith.constant 0 : i32
        %dma_start3A_229 = tpu.memref_slice %arg5[%dma_start3A_227, %dma_start3A_228] : memref<10000x128xf32, #tpu.memory_space<hbm>> -> memref<632x128xf32, #tpu.memory_space<hbm>>
        tpu.enqueue_dma source(%dma_start3A_229 : memref<632x128xf32, #tpu.memory_space<hbm>>) target(%dma_start3A_226 : memref<632x128xf32, #tpu.memory_space<vmem_shared>>) target_semaphore(%run_scoped3A : memref<!tpu.dma_semaphore, #tpu.memory_space<semaphore_mem>>)
        %dma_wait3A_230 = arith.constant 632 : i32
        %dma_wait3A_231 = arith.constant 0 : i32
        %dma_wait3A_232 = tpu.memref_slice %arg7[%dma_wait3A_230, %dma_wait3A_231] : memref<10000x128xf32, #tpu.memory_space<vmem_shared>> -> memref<632x128xf32, #tpu.memory_space<vmem_shared>>
        %dma_wait3A_233 = arith.constant 0 : i32
        %dma_wait3A_234 = arith.constant 0 : i32
        %dma_wait3A_235 = tpu.memref_slice %arg5[%dma_wait3A_233, %dma_wait3A_234] : memref<10000x128xf32, #tpu.memory_space<hbm>> -> memref<632x128xf32, #tpu.memory_space<hbm>>
        tpu.wait_dma2 semaphore(%run_scoped3A : memref<!tpu.dma_semaphore, #tpu.memory_space<semaphore_mem>>) src(%dma_wait3A_235 : memref<632x128xf32, #tpu.memory_space<hbm>>) dst(%dma_wait3A_232 : memref<632x128xf32, #tpu.memory_space<vmem_shared>>)
        tpu.yield
      }) : () -> ()
    } else {
    }
    %eq3A_10 = arith.constant 2 : i32
    %eq3A_11 = arith.cmpi eq, %arg1, %eq3A_10 : i32
    %convert_element_type3A_12 = arith.extui %eq3A_11 : i1 to i32
    %cond3A_13 = arith.constant 0 : i32
    %cond3A_14 = arith.cmpi ne, %convert_element_type3A_12, %cond3A_13 : i32
    scf.if %cond3A_14 {
      "tpu.region"() ({
        %run_scoped3A = tpu.sem_alloc : memref<!tpu.dma_semaphore, #tpu.memory_space<semaphore_mem>>
        %dma_start3A_224 = arith.constant 1264 : i32
        %dma_start3A_225 = arith.constant 0 : i32
        %dma_start3A_226 = tpu.memref_slice %arg7[%dma_start3A_224, %dma_start3A_225] : memref<10000x128xf32, #tpu.memory_space<vmem_shared>> -> memref<632x128xf32, #tpu.memory_space<vmem_shared>>
        %dma_start3A_227 = arith.constant 0 : i32
        %dma_start3A_228 = arith.constant 0 : i32
        %dma_start3A_229 = tpu.memref_slice %arg5[%dma_start3A_227, %dma_start3A_228] : memref<10000x128xf32, #tpu.memory_space<hbm>> -> memref<632x128xf32, #tpu.memory_space<hbm>>
        tpu.enqueue_dma source(%dma_start3A_229 : memref<632x128xf32, #tpu.memory_space<hbm>>) target(%dma_start3A_226 : memref<632x128xf32, #tpu.memory_space<vmem_shared>>) target_semaphore(%run_scoped3A : memref<!tpu.dma_semaphore, #tpu.memory_space<semaphore_mem>>)
        %dma_wait3A_230 = arith.constant 1264 : i32
        %dma_wait3A_231 = arith.constant 0 : i32
        %dma_wait3A_232 = tpu.memref_slice %arg7[%dma_wait3A_230, %dma_wait3A_231] : memref<10000x128xf32, #tpu.memory_space<vmem_shared>> -> memref<632x128xf32, #tpu.memory_space<vmem_shared>>
        %dma_wait3A_233 = arith.constant 0 : i32
        %dma_wait3A_234 = arith.constant 0 : i32
        %dma_wait3A_235 = tpu.memref_slice %arg5[%dma_wait3A_233, %dma_wait3A_234] : memref<10000x128xf32, #tpu.memory_space<hbm>> -> memref<632x128xf32, #tpu.memory_space<hbm>>
        tpu.wait_dma2 semaphore(%run_scoped3A : memref<!tpu.dma_semaphore, #tpu.memory_space<semaphore_mem>>) src(%dma_wait3A_235 : memref<632x128xf32, #tpu.memory_space<hbm>>) dst(%dma_wait3A_232 : memref<632x128xf32, #tpu.memory_space<vmem_shared>>)
        tpu.yield
      }) : () -> ()
    } else {
    }
    %eq3A_15 = arith.constant 3 : i32
    %eq3A_16 = arith.cmpi eq, %arg1, %eq3A_15 : i32
    %convert_element_type3A_17 = arith.extui %eq3A_16 : i1 to i32
    %cond3A_18 = arith.constant 0 : i32
    %cond3A_19 = arith.cmpi ne, %convert_element_type3A_17, %cond3A_18 : i32
    scf.if %cond3A_19 {
      "tpu.region"() ({
        %run_scoped3A = tpu.sem_alloc : memref<!tpu.dma_semaphore, #tpu.memory_space<semaphore_mem>>
        %dma_start3A_224 = arith.constant 1896 : i32
        %dma_start3A_225 = arith.constant 0 : i32
        %dma_start3A_226 = tpu.memref_slice %arg7[%dma_start3A_224, %dma_start3A_225] : memref<10000x128xf32, #tpu.memory_space<vmem_shared>> -> memref<632x128xf32, #tpu.memory_space<vmem_shared>>
        %dma_start3A_227 = arith.constant 0 : i32
        %dma_start3A_228 = arith.constant 0 : i32
        %dma_start3A_229 = tpu.memref_slice %arg5[%dma_start3A_227, %dma_start3A_228] : memref<10000x128xf32, #tpu.memory_space<hbm>> -> memref<632x128xf32, #tpu.memory_space<hbm>>
        tpu.enqueue_dma source(%dma_start3A_229 : memref<632x128xf32, #tpu.memory_space<hbm>>) target(%dma_start3A_226 : memref<632x128xf32, #tpu.memory_space<vmem_shared>>) target_semaphore(%run_scoped3A : memref<!tpu.dma_semaphore, #tpu.memory_space<semaphore_mem>>)
        %dma_wait3A_230 = arith.constant 1896 : i32
        %dma_wait3A_231 = arith.constant 0 : i32
        %dma_wait3A_232 = tpu.memref_slice %arg7[%dma_wait3A_230, %dma_wait3A_231] : memref<10000x128xf32, #tpu.memory_space<vmem_shared>> -> memref<632x128xf32, #tpu.memory_space<vmem_shared>>
        %dma_wait3A_233 = arith.constant 0 : i32
        %dma_wait3A_234 = arith.constant 0 : i32
        %dma_wait3A_235 = tpu.memref_slice %arg5[%dma_wait3A_233, %dma_wait3A_234] : memref<10000x128xf32, #tpu.memory_space<hbm>> -> memref<632x128xf32, #tpu.memory_space<hbm>>
        tpu.wait_dma2 semaphore(%run_scoped3A : memref<!tpu.dma_semaphore, #tpu.memory_space<semaphore_mem>>) src(%dma_wait3A_235 : memref<632x128xf32, #tpu.memory_space<hbm>>) dst(%dma_wait3A_232 : memref<632x128xf32, #tpu.memory_space<vmem_shared>>)
        tpu.yield
      }) : () -> ()
    } else {
    }
    %eq3A_20 = arith.constant 4 : i32
    %eq3A_21 = arith.cmpi eq, %arg1, %eq3A_20 : i32
    %convert_element_type3A_22 = arith.extui %eq3A_21 : i1 to i32
    %cond3A_23 = arith.constant 0 : i32
    %cond3A_24 = arith.cmpi ne, %convert_element_type3A_22, %cond3A_23 : i32
    scf.if %cond3A_24 {
      "tpu.region"() ({
        %run_scoped3A = tpu.sem_alloc : memref<!tpu.dma_semaphore, #tpu.memory_space<semaphore_mem>>
        %dma_start3A_224 = arith.constant 2528 : i32
        %dma_start3A_225 = arith.constant 0 : i32
        %dma_start3A_226 = tpu.memref_slice %arg7[%dma_start3A_224, %dma_start3A_225] : memref<10000x128xf32, #tpu.memory_space<vmem_shared>> -> memref<632x128xf32, #tpu.memory_space<vmem_shared>>
        %dma_start3A_227 = arith.constant 0 : i32
        %dma_start3A_228 = arith.constant 0 : i32
        %dma_start3A_229 = tpu.memref_slice %arg5[%dma_start3A_227, %dma_start3A_228] : memref<10000x128xf32, #tpu.memory_space<hbm>> -> memref<632x128xf32, #tpu.memory_space<hbm>>
        tpu.enqueue_dma source(%dma_start3A_229 : memref<632x128xf32, #tpu.memory_space<hbm>>) target(%dma_start3A_226 : memref<632x128xf32, #tpu.memory_space<vmem_shared>>) target_semaphore(%run_scoped3A : memref<!tpu.dma_semaphore, #tpu.memory_space<semaphore_mem>>)
        %dma_wait3A_230 = arith.constant 2528 : i32
        %dma_wait3A_231 = arith.constant 0 : i32
        %dma_wait3A_232 = tpu.memref_slice %arg7[%dma_wait3A_230, %dma_wait3A_231] : memref<10000x128xf32, #tpu.memory_space<vmem_shared>> -> memref<632x128xf32, #tpu.memory_space<vmem_shared>>
        %dma_wait3A_233 = arith.constant 0 : i32
        %dma_wait3A_234 = arith.constant 0 : i32
        %dma_wait3A_235 = tpu.memref_slice %arg5[%dma_wait3A_233, %dma_wait3A_234] : memref<10000x128xf32, #tpu.memory_space<hbm>> -> memref<632x128xf32, #tpu.memory_space<hbm>>
        tpu.wait_dma2 semaphore(%run_scoped3A : memref<!tpu.dma_semaphore, #tpu.memory_space<semaphore_mem>>) src(%dma_wait3A_235 : memref<632x128xf32, #tpu.memory_space<hbm>>) dst(%dma_wait3A_232 : memref<632x128xf32, #tpu.memory_space<vmem_shared>>)
        tpu.yield
      }) : () -> ()
    } else {
    }
    %eq3A_25 = arith.constant 5 : i32
    %eq3A_26 = arith.cmpi eq, %arg1, %eq3A_25 : i32
    %convert_element_type3A_27 = arith.extui %eq3A_26 : i1 to i32
    %cond3A_28 = arith.constant 0 : i32
    %cond3A_29 = arith.cmpi ne, %convert_element_type3A_27, %cond3A_28 : i32
    scf.if %cond3A_29 {
      "tpu.region"() ({
        %run_scoped3A = tpu.sem_alloc : memref<!tpu.dma_semaphore, #tpu.memory_space<semaphore_mem>>
        %dma_start3A_224 = arith.constant 3160 : i32
        %dma_start3A_225 = arith.constant 0 : i32
        %dma_start3A_226 = tpu.memref_slice %arg7[%dma_start3A_224, %dma_start3A_225] : memref<10000x128xf32, #tpu.memory_space<vmem_shared>> -> memref<632x128xf32, #tpu.memory_space<vmem_shared>>
        %dma_start3A_227 = arith.constant 0 : i32
        %dma_start3A_228 = arith.constant 0 : i32
        %dma_start3A_229 = tpu.memref_slice %arg5[%dma_start3A_227, %dma_start3A_228] : memref<10000x128xf32, #tpu.memory_space<hbm>> -> memref<632x128xf32, #tpu.memory_space<hbm>>
        tpu.enqueue_dma source(%dma_start3A_229 : memref<632x128xf32, #tpu.memory_space<hbm>>) target(%dma_start3A_226 : memref<632x128xf32, #tpu.memory_space<vmem_shared>>) target_semaphore(%run_scoped3A : memref<!tpu.dma_semaphore, #tpu.memory_space<semaphore_mem>>)
        %dma_wait3A_230 = arith.constant 3160 : i32
        %dma_wait3A_231 = arith.constant 0 : i32
        %dma_wait3A_232 = tpu.memref_slice %arg7[%dma_wait3A_230, %dma_wait3A_231] : memref<10000x128xf32, #tpu.memory_space<vmem_shared>> -> memref<632x128xf32, #tpu.memory_space<vmem_shared>>
        %dma_wait3A_233 = arith.constant 0 : i32
        %dma_wait3A_234 = arith.constant 0 : i32
        %dma_wait3A_235 = tpu.memref_slice %arg5[%dma_wait3A_233, %dma_wait3A_234] : memref<10000x128xf32, #tpu.memory_space<hbm>> -> memref<632x128xf32, #tpu.memory_space<hbm>>
        tpu.wait_dma2 semaphore(%run_scoped3A : memref<!tpu.dma_semaphore, #tpu.memory_space<semaphore_mem>>) src(%dma_wait3A_235 : memref<632x128xf32, #tpu.memory_space<hbm>>) dst(%dma_wait3A_232 : memref<632x128xf32, #tpu.memory_space<vmem_shared>>)
        tpu.yield
      }) : () -> ()
    } else {
    }
    %eq3A_30 = arith.constant 6 : i32
    %eq3A_31 = arith.cmpi eq, %arg1, %eq3A_30 : i32
    %convert_element_type3A_32 = arith.extui %eq3A_31 : i1 to i32
    %cond3A_33 = arith.constant 0 : i32
    %cond3A_34 = arith.cmpi ne, %convert_element_type3A_32, %cond3A_33 : i32
    scf.if %cond3A_34 {
      "tpu.region"() ({
        %run_scoped3A = tpu.sem_alloc : memref<!tpu.dma_semaphore, #tpu.memory_space<semaphore_mem>>
        %dma_start3A_224 = arith.constant 3792 : i32
        %dma_start3A_225 = arith.constant 0 : i32
        %dma_start3A_226 = tpu.memref_slice %arg7[%dma_start3A_224, %dma_start3A_225] : memref<10000x128xf32, #tpu.memory_space<vmem_shared>> -> memref<632x128xf32, #tpu.memory_space<vmem_shared>>
        %dma_start3A_227 = arith.constant 0 : i32
        %dma_start3A_228 = arith.constant 0 : i32
        %dma_start3A_229 = tpu.memref_slice %arg5[%dma_start3A_227, %dma_start3A_228] : memref<10000x128xf32, #tpu.memory_space<hbm>> -> memref<632x128xf32, #tpu.memory_space<hbm>>
        tpu.enqueue_dma source(%dma_start3A_229 : memref<632x128xf32, #tpu.memory_space<hbm>>) target(%dma_start3A_226 : memref<632x128xf32, #tpu.memory_space<vmem_shared>>) target_semaphore(%run_scoped3A : memref<!tpu.dma_semaphore, #tpu.memory_space<semaphore_mem>>)
        %dma_wait3A_230 = arith.constant 3792 : i32
        %dma_wait3A_231 = arith.constant 0 : i32
        %dma_wait3A_232 = tpu.memref_slice %arg7[%dma_wait3A_230, %dma_wait3A_231] : memref<10000x128xf32, #tpu.memory_space<vmem_shared>> -> memref<632x128xf32, #tpu.memory_space<vmem_shared>>
        %dma_wait3A_233 = arith.constant 0 : i32
        %dma_wait3A_234 = arith.constant 0 : i32
        %dma_wait3A_235 = tpu.memref_slice %arg5[%dma_wait3A_233, %dma_wait3A_234] : memref<10000x128xf32, #tpu.memory_space<hbm>> -> memref<632x128xf32, #tpu.memory_space<hbm>>
        tpu.wait_dma2 semaphore(%run_scoped3A : memref<!tpu.dma_semaphore, #tpu.memory_space<semaphore_mem>>) src(%dma_wait3A_235 : memref<632x128xf32, #tpu.memory_space<hbm>>) dst(%dma_wait3A_232 : memref<632x128xf32, #tpu.memory_space<vmem_shared>>)
        tpu.yield
      }) : () -> ()
    } else {
    }
    %eq3A_35 = arith.constant 7 : i32
    %eq3A_36 = arith.cmpi eq, %arg1, %eq3A_35 : i32
    %convert_element_type3A_37 = arith.extui %eq3A_36 : i1 to i32
    %cond3A_38 = arith.constant 0 : i32
    %cond3A_39 = arith.cmpi ne, %convert_element_type3A_37, %cond3A_38 : i32
    scf.if %cond3A_39 {
      "tpu.region"() ({
        %run_scoped3A = tpu.sem_alloc : memref<!tpu.dma_semaphore, #tpu.memory_space<semaphore_mem>>
        %dma_start3A_224 = arith.constant 4424 : i32
        %dma_start3A_225 = arith.constant 0 : i32
        %dma_start3A_226 = tpu.memref_slice %arg7[%dma_start3A_224, %dma_start3A_225] : memref<10000x128xf32, #tpu.memory_space<vmem_shared>> -> memref<632x128xf32, #tpu.memory_space<vmem_shared>>
        %dma_start3A_227 = arith.constant 0 : i32
        %dma_start3A_228 = arith.constant 0 : i32
        %dma_start3A_229 = tpu.memref_slice %arg5[%dma_start3A_227, %dma_start3A_228] : memref<10000x128xf32, #tpu.memory_space<hbm>> -> memref<632x128xf32, #tpu.memory_space<hbm>>
        tpu.enqueue_dma source(%dma_start3A_229 : memref<632x128xf32, #tpu.memory_space<hbm>>) target(%dma_start3A_226 : memref<632x128xf32, #tpu.memory_space<vmem_shared>>) target_semaphore(%run_scoped3A : memref<!tpu.dma_semaphore, #tpu.memory_space<semaphore_mem>>)
        %dma_wait3A_230 = arith.constant 4424 : i32
        %dma_wait3A_231 = arith.constant 0 : i32
        %dma_wait3A_232 = tpu.memref_slice %arg7[%dma_wait3A_230, %dma_wait3A_231] : memref<10000x128xf32, #tpu.memory_space<vmem_shared>> -> memref<632x128xf32, #tpu.memory_space<vmem_shared>>
        %dma_wait3A_233 = arith.constant 0 : i32
        %dma_wait3A_234 = arith.constant 0 : i32
        %dma_wait3A_235 = tpu.memref_slice %arg5[%dma_wait3A_233, %dma_wait3A_234] : memref<10000x128xf32, #tpu.memory_space<hbm>> -> memref<632x128xf32, #tpu.memory_space<hbm>>
        tpu.wait_dma2 semaphore(%run_scoped3A : memref<!tpu.dma_semaphore, #tpu.memory_space<semaphore_mem>>) src(%dma_wait3A_235 : memref<632x128xf32, #tpu.memory_space<hbm>>) dst(%dma_wait3A_232 : memref<632x128xf32, #tpu.memory_space<vmem_shared>>)
        tpu.yield
      }) : () -> ()
    } else {
    }
    %eq3A_40 = arith.constant 8 : i32
    %eq3A_41 = arith.cmpi eq, %arg1, %eq3A_40 : i32
    %convert_element_type3A_42 = arith.extui %eq3A_41 : i1 to i32
    %cond3A_43 = arith.constant 0 : i32
    %cond3A_44 = arith.cmpi ne, %convert_element_type3A_42, %cond3A_43 : i32
    scf.if %cond3A_44 {
      "tpu.region"() ({
        %run_scoped3A = tpu.sem_alloc : memref<!tpu.dma_semaphore, #tpu.memory_space<semaphore_mem>>
        %dma_start3A_224 = arith.constant 5056 : i32
        %dma_start3A_225 = arith.constant 0 : i32
        %dma_start3A_226 = tpu.memref_slice %arg7[%dma_start3A_224, %dma_start3A_225] : memref<10000x128xf32, #tpu.memory_space<vmem_shared>> -> memref<632x128xf32, #tpu.memory_space<vmem_shared>>
        %dma_start3A_227 = arith.constant 0 : i32
        %dma_start3A_228 = arith.constant 0 : i32
        %dma_start3A_229 = tpu.memref_slice %arg5[%dma_start3A_227, %dma_start3A_228] : memref<10000x128xf32, #tpu.memory_space<hbm>> -> memref<632x128xf32, #tpu.memory_space<hbm>>
        tpu.enqueue_dma source(%dma_start3A_229 : memref<632x128xf32, #tpu.memory_space<hbm>>) target(%dma_start3A_226 : memref<632x128xf32, #tpu.memory_space<vmem_shared>>) target_semaphore(%run_scoped3A : memref<!tpu.dma_semaphore, #tpu.memory_space<semaphore_mem>>)
        %dma_wait3A_230 = arith.constant 5056 : i32
        %dma_wait3A_231 = arith.constant 0 : i32
        %dma_wait3A_232 = tpu.memref_slice %arg7[%dma_wait3A_230, %dma_wait3A_231] : memref<10000x128xf32, #tpu.memory_space<vmem_shared>> -> memref<632x128xf32, #tpu.memory_space<vmem_shared>>
        %dma_wait3A_233 = arith.constant 0 : i32
        %dma_wait3A_234 = arith.constant 0 : i32
        %dma_wait3A_235 = tpu.memref_slice %arg5[%dma_wait3A_233, %dma_wait3A_234] : memref<10000x128xf32, #tpu.memory_space<hbm>> -> memref<632x128xf32, #tpu.memory_space<hbm>>
        tpu.wait_dma2 semaphore(%run_scoped3A : memref<!tpu.dma_semaphore, #tpu.memory_space<semaphore_mem>>) src(%dma_wait3A_235 : memref<632x128xf32, #tpu.memory_space<hbm>>) dst(%dma_wait3A_232 : memref<632x128xf32, #tpu.memory_space<vmem_shared>>)
        tpu.yield
      }) : () -> ()
    } else {
    }
    %eq3A_45 = arith.constant 9 : i32
    %eq3A_46 = arith.cmpi eq, %arg1, %eq3A_45 : i32
    %convert_element_type3A_47 = arith.extui %eq3A_46 : i1 to i32
    %cond3A_48 = arith.constant 0 : i32
    %cond3A_49 = arith.cmpi ne, %convert_element_type3A_47, %cond3A_48 : i32
    scf.if %cond3A_49 {
      "tpu.region"() ({
        %run_scoped3A = tpu.sem_alloc : memref<!tpu.dma_semaphore, #tpu.memory_space<semaphore_mem>>
        %dma_start3A_224 = arith.constant 5688 : i32
        %dma_start3A_225 = arith.constant 0 : i32
        %dma_start3A_226 = tpu.memref_slice %arg7[%dma_start3A_224, %dma_start3A_225] : memref<10000x128xf32, #tpu.memory_space<vmem_shared>> -> memref<632x128xf32, #tpu.memory_space<vmem_shared>>
        %dma_start3A_227 = arith.constant 0 : i32
        %dma_start3A_228 = arith.constant 0 : i32
        %dma_start3A_229 = tpu.memref_slice %arg5[%dma_start3A_227, %dma_start3A_228] : memref<10000x128xf32, #tpu.memory_space<hbm>> -> memref<632x128xf32, #tpu.memory_space<hbm>>
        tpu.enqueue_dma source(%dma_start3A_229 : memref<632x128xf32, #tpu.memory_space<hbm>>) target(%dma_start3A_226 : memref<632x128xf32, #tpu.memory_space<vmem_shared>>) target_semaphore(%run_scoped3A : memref<!tpu.dma_semaphore, #tpu.memory_space<semaphore_mem>>)
        %dma_wait3A_230 = arith.constant 5688 : i32
        %dma_wait3A_231 = arith.constant 0 : i32
        %dma_wait3A_232 = tpu.memref_slice %arg7[%dma_wait3A_230, %dma_wait3A_231] : memref<10000x128xf32, #tpu.memory_space<vmem_shared>> -> memref<632x128xf32, #tpu.memory_space<vmem_shared>>
        %dma_wait3A_233 = arith.constant 0 : i32
        %dma_wait3A_234 = arith.constant 0 : i32
        %dma_wait3A_235 = tpu.memref_slice %arg5[%dma_wait3A_233, %dma_wait3A_234] : memref<10000x128xf32, #tpu.memory_space<hbm>> -> memref<632x128xf32, #tpu.memory_space<hbm>>
        tpu.wait_dma2 semaphore(%run_scoped3A : memref<!tpu.dma_semaphore, #tpu.memory_space<semaphore_mem>>) src(%dma_wait3A_235 : memref<632x128xf32, #tpu.memory_space<hbm>>) dst(%dma_wait3A_232 : memref<632x128xf32, #tpu.memory_space<vmem_shared>>)
        tpu.yield
      }) : () -> ()
    } else {
    }
    %eq3A_50 = arith.constant 10 : i32
    %eq3A_51 = arith.cmpi eq, %arg1, %eq3A_50 : i32
    %convert_element_type3A_52 = arith.extui %eq3A_51 : i1 to i32
    %cond3A_53 = arith.constant 0 : i32
    %cond3A_54 = arith.cmpi ne, %convert_element_type3A_52, %cond3A_53 : i32
    scf.if %cond3A_54 {
      "tpu.region"() ({
        %run_scoped3A = tpu.sem_alloc : memref<!tpu.dma_semaphore, #tpu.memory_space<semaphore_mem>>
        %dma_start3A_224 = arith.constant 6320 : i32
        %dma_start3A_225 = arith.constant 0 : i32
        %dma_start3A_226 = tpu.memref_slice %arg7[%dma_start3A_224, %dma_start3A_225] : memref<10000x128xf32, #tpu.memory_space<vmem_shared>> -> memref<632x128xf32, #tpu.memory_space<vmem_shared>>
        %dma_start3A_227 = arith.constant 0 : i32
        %dma_start3A_228 = arith.constant 0 : i32
        %dma_start3A_229 = tpu.memref_slice %arg5[%dma_start3A_227, %dma_start3A_228] : memref<10000x128xf32, #tpu.memory_space<hbm>> -> memref<632x128xf32, #tpu.memory_space<hbm>>
        tpu.enqueue_dma source(%dma_start3A_229 : memref<632x128xf32, #tpu.memory_space<hbm>>) target(%dma_start3A_226 : memref<632x128xf32, #tpu.memory_space<vmem_shared>>) target_semaphore(%run_scoped3A : memref<!tpu.dma_semaphore, #tpu.memory_space<semaphore_mem>>)
        %dma_wait3A_230 = arith.constant 6320 : i32
        %dma_wait3A_231 = arith.constant 0 : i32
        %dma_wait3A_232 = tpu.memref_slice %arg7[%dma_wait3A_230, %dma_wait3A_231] : memref<10000x128xf32, #tpu.memory_space<vmem_shared>> -> memref<632x128xf32, #tpu.memory_space<vmem_shared>>
        %dma_wait3A_233 = arith.constant 0 : i32
        %dma_wait3A_234 = arith.constant 0 : i32
        %dma_wait3A_235 = tpu.memref_slice %arg5[%dma_wait3A_233, %dma_wait3A_234] : memref<10000x128xf32, #tpu.memory_space<hbm>> -> memref<632x128xf32, #tpu.memory_space<hbm>>
        tpu.wait_dma2 semaphore(%run_scoped3A : memref<!tpu.dma_semaphore, #tpu.memory_space<semaphore_mem>>) src(%dma_wait3A_235 : memref<632x128xf32, #tpu.memory_space<hbm>>) dst(%dma_wait3A_232 : memref<632x128xf32, #tpu.memory_space<vmem_shared>>)
        tpu.yield
      }) : () -> ()
    } else {
    }
    %eq3A_55 = arith.constant 11 : i32
    %eq3A_56 = arith.cmpi eq, %arg1, %eq3A_55 : i32
    %convert_element_type3A_57 = arith.extui %eq3A_56 : i1 to i32
    %cond3A_58 = arith.constant 0 : i32
    %cond3A_59 = arith.cmpi ne, %convert_element_type3A_57, %cond3A_58 : i32
    scf.if %cond3A_59 {
      "tpu.region"() ({
        %run_scoped3A = tpu.sem_alloc : memref<!tpu.dma_semaphore, #tpu.memory_space<semaphore_mem>>
        %dma_start3A_224 = arith.constant 6952 : i32
        %dma_start3A_225 = arith.constant 0 : i32
        %dma_start3A_226 = tpu.memref_slice %arg7[%dma_start3A_224, %dma_start3A_225] : memref<10000x128xf32, #tpu.memory_space<vmem_shared>> -> memref<632x128xf32, #tpu.memory_space<vmem_shared>>
        %dma_start3A_227 = arith.constant 0 : i32
        %dma_start3A_228 = arith.constant 0 : i32
        %dma_start3A_229 = tpu.memref_slice %arg5[%dma_start3A_227, %dma_start3A_228] : memref<10000x128xf32, #tpu.memory_space<hbm>> -> memref<632x128xf32, #tpu.memory_space<hbm>>
        tpu.enqueue_dma source(%dma_start3A_229 : memref<632x128xf32, #tpu.memory_space<hbm>>) target(%dma_start3A_226 : memref<632x128xf32, #tpu.memory_space<vmem_shared>>) target_semaphore(%run_scoped3A : memref<!tpu.dma_semaphore, #tpu.memory_space<semaphore_mem>>)
        %dma_wait3A_230 = arith.constant 6952 : i32
        %dma_wait3A_231 = arith.constant 0 : i32
        %dma_wait3A_232 = tpu.memref_slice %arg7[%dma_wait3A_230, %dma_wait3A_231] : memref<10000x128xf32, #tpu.memory_space<vmem_shared>> -> memref<632x128xf32, #tpu.memory_space<vmem_shared>>
        %dma_wait3A_233 = arith.constant 0 : i32
        %dma_wait3A_234 = arith.constant 0 : i32
        %dma_wait3A_235 = tpu.memref_slice %arg5[%dma_wait3A_233, %dma_wait3A_234] : memref<10000x128xf32, #tpu.memory_space<hbm>> -> memref<632x128xf32, #tpu.memory_space<hbm>>
        tpu.wait_dma2 semaphore(%run_scoped3A : memref<!tpu.dma_semaphore, #tpu.memory_space<semaphore_mem>>) src(%dma_wait3A_235 : memref<632x128xf32, #tpu.memory_space<hbm>>) dst(%dma_wait3A_232 : memref<632x128xf32, #tpu.memory_space<vmem_shared>>)
        tpu.yield
      }) : () -> ()
    } else {
    }
    %eq3A_60 = arith.constant 12 : i32
    %eq3A_61 = arith.cmpi eq, %arg1, %eq3A_60 : i32
    %convert_element_type3A_62 = arith.extui %eq3A_61 : i1 to i32
    %cond3A_63 = arith.constant 0 : i32
    %cond3A_64 = arith.cmpi ne, %convert_element_type3A_62, %cond3A_63 : i32
    scf.if %cond3A_64 {
      "tpu.region"() ({
        %run_scoped3A = tpu.sem_alloc : memref<!tpu.dma_semaphore, #tpu.memory_space<semaphore_mem>>
        %dma_start3A_224 = arith.constant 7584 : i32
        %dma_start3A_225 = arith.constant 0 : i32
        %dma_start3A_226 = tpu.memref_slice %arg7[%dma_start3A_224, %dma_start3A_225] : memref<10000x128xf32, #tpu.memory_space<vmem_shared>> -> memref<632x128xf32, #tpu.memory_space<vmem_shared>>
        %dma_start3A_227 = arith.constant 0 : i32
        %dma_start3A_228 = arith.constant 0 : i32
        %dma_start3A_229 = tpu.memref_slice %arg5[%dma_start3A_227, %dma_start3A_228] : memref<10000x128xf32, #tpu.memory_space<hbm>> -> memref<632x128xf32, #tpu.memory_space<hbm>>
        tpu.enqueue_dma source(%dma_start3A_229 : memref<632x128xf32, #tpu.memory_space<hbm>>) target(%dma_start3A_226 : memref<632x128xf32, #tpu.memory_space<vmem_shared>>) target_semaphore(%run_scoped3A : memref<!tpu.dma_semaphore, #tpu.memory_space<semaphore_mem>>)
        %dma_wait3A_230 = arith.constant 7584 : i32
        %dma_wait3A_231 = arith.constant 0 : i32
        %dma_wait3A_232 = tpu.memref_slice %arg7[%dma_wait3A_230, %dma_wait3A_231] : memref<10000x128xf32, #tpu.memory_space<vmem_shared>> -> memref<632x128xf32, #tpu.memory_space<vmem_shared>>
        %dma_wait3A_233 = arith.constant 0 : i32
        %dma_wait3A_234 = arith.constant 0 : i32
        %dma_wait3A_235 = tpu.memref_slice %arg5[%dma_wait3A_233, %dma_wait3A_234] : memref<10000x128xf32, #tpu.memory_space<hbm>> -> memref<632x128xf32, #tpu.memory_space<hbm>>
        tpu.wait_dma2 semaphore(%run_scoped3A : memref<!tpu.dma_semaphore, #tpu.memory_space<semaphore_mem>>) src(%dma_wait3A_235 : memref<632x128xf32, #tpu.memory_space<hbm>>) dst(%dma_wait3A_232 : memref<632x128xf32, #tpu.memory_space<vmem_shared>>)
        tpu.yield
      }) : () -> ()
    } else {
    }
    %eq3A_65 = arith.constant 13 : i32
    %eq3A_66 = arith.cmpi eq, %arg1, %eq3A_65 : i32
    %convert_element_type3A_67 = arith.extui %eq3A_66 : i1 to i32
    %cond3A_68 = arith.constant 0 : i32
    %cond3A_69 = arith.cmpi ne, %convert_element_type3A_67, %cond3A_68 : i32
    scf.if %cond3A_69 {
      "tpu.region"() ({
        %run_scoped3A = tpu.sem_alloc : memref<!tpu.dma_semaphore, #tpu.memory_space<semaphore_mem>>
        %dma_start3A_224 = arith.constant 8216 : i32
        %dma_start3A_225 = arith.constant 0 : i32
        %dma_start3A_226 = tpu.memref_slice %arg7[%dma_start3A_224, %dma_start3A_225] : memref<10000x128xf32, #tpu.memory_space<vmem_shared>> -> memref<632x128xf32, #tpu.memory_space<vmem_shared>>
        %dma_start3A_227 = arith.constant 0 : i32
        %dma_start3A_228 = arith.constant 0 : i32
        %dma_start3A_229 = tpu.memref_slice %arg5[%dma_start3A_227, %dma_start3A_228] : memref<10000x128xf32, #tpu.memory_space<hbm>> -> memref<632x128xf32, #tpu.memory_space<hbm>>
        tpu.enqueue_dma source(%dma_start3A_229 : memref<632x128xf32, #tpu.memory_space<hbm>>) target(%dma_start3A_226 : memref<632x128xf32, #tpu.memory_space<vmem_shared>>) target_semaphore(%run_scoped3A : memref<!tpu.dma_semaphore, #tpu.memory_space<semaphore_mem>>)
        %dma_wait3A_230 = arith.constant 8216 : i32
        %dma_wait3A_231 = arith.constant 0 : i32
        %dma_wait3A_232 = tpu.memref_slice %arg7[%dma_wait3A_230, %dma_wait3A_231] : memref<10000x128xf32, #tpu.memory_space<vmem_shared>> -> memref<632x128xf32, #tpu.memory_space<vmem_shared>>
        %dma_wait3A_233 = arith.constant 0 : i32
        %dma_wait3A_234 = arith.constant 0 : i32
        %dma_wait3A_235 = tpu.memref_slice %arg5[%dma_wait3A_233, %dma_wait3A_234] : memref<10000x128xf32, #tpu.memory_space<hbm>> -> memref<632x128xf32, #tpu.memory_space<hbm>>
        tpu.wait_dma2 semaphore(%run_scoped3A : memref<!tpu.dma_semaphore, #tpu.memory_space<semaphore_mem>>) src(%dma_wait3A_235 : memref<632x128xf32, #tpu.memory_space<hbm>>) dst(%dma_wait3A_232 : memref<632x128xf32, #tpu.memory_space<vmem_shared>>)
        tpu.yield
      }) : () -> ()
    } else {
    }
    %eq3A_70 = arith.constant 14 : i32
    %eq3A_71 = arith.cmpi eq, %arg1, %eq3A_70 : i32
    %convert_element_type3A_72 = arith.extui %eq3A_71 : i1 to i32
    %cond3A_73 = arith.constant 0 : i32
    %cond3A_74 = arith.cmpi ne, %convert_element_type3A_72, %cond3A_73 : i32
    scf.if %cond3A_74 {
      "tpu.region"() ({
        %run_scoped3A = tpu.sem_alloc : memref<!tpu.dma_semaphore, #tpu.memory_space<semaphore_mem>>
        %dma_start3A_224 = arith.constant 8848 : i32
        %dma_start3A_225 = arith.constant 0 : i32
        %dma_start3A_226 = tpu.memref_slice %arg7[%dma_start3A_224, %dma_start3A_225] : memref<10000x128xf32, #tpu.memory_space<vmem_shared>> -> memref<632x128xf32, #tpu.memory_space<vmem_shared>>
        %dma_start3A_227 = arith.constant 0 : i32
        %dma_start3A_228 = arith.constant 0 : i32
        %dma_start3A_229 = tpu.memref_slice %arg5[%dma_start3A_227, %dma_start3A_228] : memref<10000x128xf32, #tpu.memory_space<hbm>> -> memref<632x128xf32, #tpu.memory_space<hbm>>
        tpu.enqueue_dma source(%dma_start3A_229 : memref<632x128xf32, #tpu.memory_space<hbm>>) target(%dma_start3A_226 : memref<632x128xf32, #tpu.memory_space<vmem_shared>>) target_semaphore(%run_scoped3A : memref<!tpu.dma_semaphore, #tpu.memory_space<semaphore_mem>>)
        %dma_wait3A_230 = arith.constant 8848 : i32
        %dma_wait3A_231 = arith.constant 0 : i32
        %dma_wait3A_232 = tpu.memref_slice %arg7[%dma_wait3A_230, %dma_wait3A_231] : memref<10000x128xf32, #tpu.memory_space<vmem_shared>> -> memref<632x128xf32, #tpu.memory_space<vmem_shared>>
        %dma_wait3A_233 = arith.constant 0 : i32
        %dma_wait3A_234 = arith.constant 0 : i32
        %dma_wait3A_235 = tpu.memref_slice %arg5[%dma_wait3A_233, %dma_wait3A_234] : memref<10000x128xf32, #tpu.memory_space<hbm>> -> memref<632x128xf32, #tpu.memory_space<hbm>>
        tpu.wait_dma2 semaphore(%run_scoped3A : memref<!tpu.dma_semaphore, #tpu.memory_space<semaphore_mem>>) src(%dma_wait3A_235 : memref<632x128xf32, #tpu.memory_space<hbm>>) dst(%dma_wait3A_232 : memref<632x128xf32, #tpu.memory_space<vmem_shared>>)
        tpu.yield
      }) : () -> ()
    } else {
    }
    %eq3A_75 = arith.constant 15 : i32
    %eq3A_76 = arith.cmpi eq, %arg1, %eq3A_75 : i32
    %convert_element_type3A_77 = arith.extui %eq3A_76 : i1 to i32
    %cond3A_78 = arith.constant 0 : i32
    %cond3A_79 = arith.cmpi ne, %convert_element_type3A_77, %cond3A_78 : i32
    scf.if %cond3A_79 {
      "tpu.region"() ({
        %run_scoped3A = tpu.sem_alloc : memref<!tpu.dma_semaphore, #tpu.memory_space<semaphore_mem>>
        %dma_start3A_224 = arith.constant 9480 : i32
        %dma_start3A_225 = arith.constant 0 : i32
        %dma_start3A_226 = tpu.memref_slice %arg7[%dma_start3A_224, %dma_start3A_225] : memref<10000x128xf32, #tpu.memory_space<vmem_shared>> -> memref<520x128xf32, #tpu.memory_space<vmem_shared>>
        %dma_start3A_227 = arith.constant 0 : i32
        %dma_start3A_228 = arith.constant 0 : i32
        %dma_start3A_229 = tpu.memref_slice %arg5[%dma_start3A_227, %dma_start3A_228] : memref<10000x128xf32, #tpu.memory_space<hbm>> -> memref<520x128xf32, #tpu.memory_space<hbm>>
        tpu.enqueue_dma source(%dma_start3A_229 : memref<520x128xf32, #tpu.memory_space<hbm>>) target(%dma_start3A_226 : memref<520x128xf32, #tpu.memory_space<vmem_shared>>) target_semaphore(%run_scoped3A : memref<!tpu.dma_semaphore, #tpu.memory_space<semaphore_mem>>)
        %dma_wait3A_230 = arith.constant 9480 : i32
        %dma_wait3A_231 = arith.constant 0 : i32
        %dma_wait3A_232 = tpu.memref_slice %arg7[%dma_wait3A_230, %dma_wait3A_231] : memref<10000x128xf32, #tpu.memory_space<vmem_shared>> -> memref<520x128xf32, #tpu.memory_space<vmem_shared>>
        %dma_wait3A_233 = arith.constant 0 : i32
        %dma_wait3A_234 = arith.constant 0 : i32
        %dma_wait3A_235 = tpu.memref_slice %arg5[%dma_wait3A_233, %dma_wait3A_234] : memref<10000x128xf32, #tpu.memory_space<hbm>> -> memref<520x128xf32, #tpu.memory_space<hbm>>
        tpu.wait_dma2 semaphore(%run_scoped3A : memref<!tpu.dma_semaphore, #tpu.memory_space<semaphore_mem>>) src(%dma_wait3A_235 : memref<520x128xf32, #tpu.memory_space<hbm>>) dst(%dma_wait3A_232 : memref<520x128xf32, #tpu.memory_space<vmem_shared>>)
        tpu.yield
      }) : () -> ()
    } else {
    }
    %barrier3A = arith.constant 0 : index
    tpu.barrier barrier_id(%barrier3A)
    %add3A_80 = arith.constant 0 : i32
    %add3A_81 = arith.addi %mul3A_2, %add3A_80 : i32
    %dma_start3A = tpu.memref_slice %arg3[%add3A_81] : memref<320000xi32, #tpu.memory_space<hbm>> -> memref<64xi32, #tpu.memory_space<hbm>>
    %dma_start3A_82 = tpu.memref_slice %arg3[%add3A_81] : memref<320000xi32, #tpu.memory_space<hbm>> -> memref<64xi32, #tpu.memory_space<hbm>>
    tpu.enqueue_dma source(%dma_start3A_82 : memref<64xi32, #tpu.memory_space<hbm>>) target(%arg8 : memref<64xi32, #tpu.memory_space<vmem>>) target_semaphore(%arg20 : memref<!tpu.dma_semaphore, #tpu.memory_space<semaphore_mem>>)
    %dma_start3A_83 = tpu.memref_slice %arg4[%add3A_81] : memref<320000xi32, #tpu.memory_space<hbm>> -> memref<64xi32, #tpu.memory_space<hbm>>
    %dma_start3A_84 = tpu.memref_slice %arg4[%add3A_81] : memref<320000xi32, #tpu.memory_space<hbm>> -> memref<64xi32, #tpu.memory_space<hbm>>
    tpu.enqueue_dma source(%dma_start3A_84 : memref<64xi32, #tpu.memory_space<hbm>>) target(%arg12 : memref<64xi32, #tpu.memory_space<vmem>>) target_semaphore(%arg20 : memref<!tpu.dma_semaphore, #tpu.memory_space<semaphore_mem>>)
    %add3A_85 = arith.constant 64 : i32
    %add3A_86 = arith.addi %mul3A_2, %add3A_85 : i32
    %dma_start3A_87 = tpu.memref_slice %arg3[%add3A_86] : memref<320000xi32, #tpu.memory_space<hbm>> -> memref<64xi32, #tpu.memory_space<hbm>>
    %dma_start3A_88 = tpu.memref_slice %arg3[%add3A_86] : memref<320000xi32, #tpu.memory_space<hbm>> -> memref<64xi32, #tpu.memory_space<hbm>>
    tpu.enqueue_dma source(%dma_start3A_88 : memref<64xi32, #tpu.memory_space<hbm>>) target(%arg9 : memref<64xi32, #tpu.memory_space<vmem>>) target_semaphore(%arg21 : memref<!tpu.dma_semaphore, #tpu.memory_space<semaphore_mem>>)
    %dma_start3A_89 = tpu.memref_slice %arg4[%add3A_86] : memref<320000xi32, #tpu.memory_space<hbm>> -> memref<64xi32, #tpu.memory_space<hbm>>
    %dma_start3A_90 = tpu.memref_slice %arg4[%add3A_86] : memref<320000xi32, #tpu.memory_space<hbm>> -> memref<64xi32, #tpu.memory_space<hbm>>
    tpu.enqueue_dma source(%dma_start3A_90 : memref<64xi32, #tpu.memory_space<hbm>>) target(%arg13 : memref<64xi32, #tpu.memory_space<vmem>>) target_semaphore(%arg21 : memref<!tpu.dma_semaphore, #tpu.memory_space<semaphore_mem>>)
    %add3A_91 = arith.constant 128 : i32
    %add3A_92 = arith.addi %mul3A_2, %add3A_91 : i32
    %dma_start3A_93 = tpu.memref_slice %arg3[%add3A_92] : memref<320000xi32, #tpu.memory_space<hbm>> -> memref<64xi32, #tpu.memory_space<hbm>>
    %dma_start3A_94 = tpu.memref_slice %arg3[%add3A_92] : memref<320000xi32, #tpu.memory_space<hbm>> -> memref<64xi32, #tpu.memory_space<hbm>>
    tpu.enqueue_dma source(%dma_start3A_94 : memref<64xi32, #tpu.memory_space<hbm>>) target(%arg10 : memref<64xi32, #tpu.memory_space<vmem>>) target_semaphore(%arg22 : memref<!tpu.dma_semaphore, #tpu.memory_space<semaphore_mem>>)
    %dma_start3A_95 = tpu.memref_slice %arg4[%add3A_92] : memref<320000xi32, #tpu.memory_space<hbm>> -> memref<64xi32, #tpu.memory_space<hbm>>
    %dma_start3A_96 = tpu.memref_slice %arg4[%add3A_92] : memref<320000xi32, #tpu.memory_space<hbm>> -> memref<64xi32, #tpu.memory_space<hbm>>
    tpu.enqueue_dma source(%dma_start3A_96 : memref<64xi32, #tpu.memory_space<hbm>>) target(%arg14 : memref<64xi32, #tpu.memory_space<vmem>>) target_semaphore(%arg22 : memref<!tpu.dma_semaphore, #tpu.memory_space<semaphore_mem>>)
    %add3A_97 = arith.constant 192 : i32
    %add3A_98 = arith.addi %mul3A_2, %add3A_97 : i32
    %dma_start3A_99 = tpu.memref_slice %arg3[%add3A_98] : memref<320000xi32, #tpu.memory_space<hbm>> -> memref<64xi32, #tpu.memory_space<hbm>>
    %dma_start3A_100 = tpu.memref_slice %arg3[%add3A_98] : memref<320000xi32, #tpu.memory_space<hbm>> -> memref<64xi32, #tpu.memory_space<hbm>>
    tpu.enqueue_dma source(%dma_start3A_100 : memref<64xi32, #tpu.memory_space<hbm>>) target(%arg11 : memref<64xi32, #tpu.memory_space<vmem>>) target_semaphore(%arg23 : memref<!tpu.dma_semaphore, #tpu.memory_space<semaphore_mem>>)
    %dma_start3A_101 = tpu.memref_slice %arg4[%add3A_98] : memref<320000xi32, #tpu.memory_space<hbm>> -> memref<64xi32, #tpu.memory_space<hbm>>
    %dma_start3A_102 = tpu.memref_slice %arg4[%add3A_98] : memref<320000xi32, #tpu.memory_space<hbm>> -> memref<64xi32, #tpu.memory_space<hbm>>
    tpu.enqueue_dma source(%dma_start3A_102 : memref<64xi32, #tpu.memory_space<hbm>>) target(%arg15 : memref<64xi32, #tpu.memory_space<vmem>>) target_semaphore(%arg23 : memref<!tpu.dma_semaphore, #tpu.memory_space<semaphore_mem>>)
    %dma_wait3A = tpu.memref_slice %arg3[%add3A_81] : memref<320000xi32, #tpu.memory_space<hbm>> -> memref<64xi32, #tpu.memory_space<hbm>>
    %dma_wait3A_103 = tpu.memref_slice %arg3[%add3A_81] : memref<320000xi32, #tpu.memory_space<hbm>> -> memref<64xi32, #tpu.memory_space<hbm>>
    tpu.wait_dma2 semaphore(%arg20 : memref<!tpu.dma_semaphore, #tpu.memory_space<semaphore_mem>>) src(%dma_wait3A_103 : memref<64xi32, #tpu.memory_space<hbm>>) dst(%arg8 : memref<64xi32, #tpu.memory_space<vmem>>)
    %dma_wait3A_104 = tpu.memref_slice %arg4[%add3A_81] : memref<320000xi32, #tpu.memory_space<hbm>> -> memref<64xi32, #tpu.memory_space<hbm>>
    %dma_wait3A_105 = tpu.memref_slice %arg4[%add3A_81] : memref<320000xi32, #tpu.memory_space<hbm>> -> memref<64xi32, #tpu.memory_space<hbm>>
    tpu.wait_dma2 semaphore(%arg20 : memref<!tpu.dma_semaphore, #tpu.memory_space<semaphore_mem>>) src(%dma_wait3A_105 : memref<64xi32, #tpu.memory_space<hbm>>) dst(%arg12 : memref<64xi32, #tpu.memory_space<vmem>>)
    %dma_start3A_106 = arith.constant 0 : i32
    %dma_start3A_107 = arith.constant 0 : i32
    %dma_start3A_108 = tpu.memref_slice %arg2[%dma_start3A_106, %dma_start3A_107] : memref<10000x128xf32, #tpu.memory_space<hbm>> -> memref<10000x128xf32, #tpu.memory_space<hbm>>
    tpu.enqueue_indirect_dma source(%dma_start3A_108 : memref<10000x128xf32, #tpu.memory_space<hbm>>) target(%arg16 : memref<64x128xf32, #tpu.memory_space<vmem>>) offsets(%arg8 : memref<64xi32, #tpu.memory_space<vmem>>) semaphore(%arg24 : memref<!tpu.dma_semaphore, #tpu.memory_space<semaphore_mem>>)
    %dma_wait3A_109 = tpu.memref_slice %arg3[%add3A_86] : memref<320000xi32, #tpu.memory_space<hbm>> -> memref<64xi32, #tpu.memory_space<hbm>>
    %dma_wait3A_110 = tpu.memref_slice %arg3[%add3A_86] : memref<320000xi32, #tpu.memory_space<hbm>> -> memref<64xi32, #tpu.memory_space<hbm>>
    tpu.wait_dma2 semaphore(%arg21 : memref<!tpu.dma_semaphore, #tpu.memory_space<semaphore_mem>>) src(%dma_wait3A_110 : memref<64xi32, #tpu.memory_space<hbm>>) dst(%arg9 : memref<64xi32, #tpu.memory_space<vmem>>)
    %dma_wait3A_111 = tpu.memref_slice %arg4[%add3A_86] : memref<320000xi32, #tpu.memory_space<hbm>> -> memref<64xi32, #tpu.memory_space<hbm>>
    %dma_wait3A_112 = tpu.memref_slice %arg4[%add3A_86] : memref<320000xi32, #tpu.memory_space<hbm>> -> memref<64xi32, #tpu.memory_space<hbm>>
    tpu.wait_dma2 semaphore(%arg21 : memref<!tpu.dma_semaphore, #tpu.memory_space<semaphore_mem>>) src(%dma_wait3A_112 : memref<64xi32, #tpu.memory_space<hbm>>) dst(%arg13 : memref<64xi32, #tpu.memory_space<vmem>>)
    %dma_start3A_113 = arith.constant 0 : i32
    %dma_start3A_114 = arith.constant 0 : i32
    %dma_start3A_115 = tpu.memref_slice %arg2[%dma_start3A_113, %dma_start3A_114] : memref<10000x128xf32, #tpu.memory_space<hbm>> -> memref<10000x128xf32, #tpu.memory_space<hbm>>
    tpu.enqueue_indirect_dma source(%dma_start3A_115 : memref<10000x128xf32, #tpu.memory_space<hbm>>) target(%arg17 : memref<64x128xf32, #tpu.memory_space<vmem>>) offsets(%arg9 : memref<64xi32, #tpu.memory_space<vmem>>) semaphore(%arg25 : memref<!tpu.dma_semaphore, #tpu.memory_space<semaphore_mem>>)
    %dma_wait3A_116 = tpu.memref_slice %arg3[%add3A_92] : memref<320000xi32, #tpu.memory_space<hbm>> -> memref<64xi32, #tpu.memory_space<hbm>>
    %dma_wait3A_117 = tpu.memref_slice %arg3[%add3A_92] : memref<320000xi32, #tpu.memory_space<hbm>> -> memref<64xi32, #tpu.memory_space<hbm>>
    tpu.wait_dma2 semaphore(%arg22 : memref<!tpu.dma_semaphore, #tpu.memory_space<semaphore_mem>>) src(%dma_wait3A_117 : memref<64xi32, #tpu.memory_space<hbm>>) dst(%arg10 : memref<64xi32, #tpu.memory_space<vmem>>)
    %dma_wait3A_118 = tpu.memref_slice %arg4[%add3A_92] : memref<320000xi32, #tpu.memory_space<hbm>> -> memref<64xi32, #tpu.memory_space<hbm>>
    %dma_wait3A_119 = tpu.memref_slice %arg4[%add3A_92] : memref<320000xi32, #tpu.memory_space<hbm>> -> memref<64xi32, #tpu.memory_space<hbm>>
    tpu.wait_dma2 semaphore(%arg22 : memref<!tpu.dma_semaphore, #tpu.memory_space<semaphore_mem>>) src(%dma_wait3A_119 : memref<64xi32, #tpu.memory_space<hbm>>) dst(%arg14 : memref<64xi32, #tpu.memory_space<vmem>>)
    %dma_start3A_120 = arith.constant 0 : i32
    %dma_start3A_121 = arith.constant 0 : i32
    %dma_start3A_122 = tpu.memref_slice %arg2[%dma_start3A_120, %dma_start3A_121] : memref<10000x128xf32, #tpu.memory_space<hbm>> -> memref<10000x128xf32, #tpu.memory_space<hbm>>
    tpu.enqueue_indirect_dma source(%dma_start3A_122 : memref<10000x128xf32, #tpu.memory_space<hbm>>) target(%arg18 : memref<64x128xf32, #tpu.memory_space<vmem>>) offsets(%arg10 : memref<64xi32, #tpu.memory_space<vmem>>) semaphore(%arg26 : memref<!tpu.dma_semaphore, #tpu.memory_space<semaphore_mem>>)
    %dma_wait3A_123 = tpu.memref_slice %arg3[%add3A_98] : memref<320000xi32, #tpu.memory_space<hbm>> -> memref<64xi32, #tpu.memory_space<hbm>>
    %dma_wait3A_124 = tpu.memref_slice %arg3[%add3A_98] : memref<320000xi32, #tpu.memory_space<hbm>> -> memref<64xi32, #tpu.memory_space<hbm>>
    tpu.wait_dma2 semaphore(%arg23 : memref<!tpu.dma_semaphore, #tpu.memory_space<semaphore_mem>>) src(%dma_wait3A_124 : memref<64xi32, #tpu.memory_space<hbm>>) dst(%arg11 : memref<64xi32, #tpu.memory_space<vmem>>)
    %dma_wait3A_125 = tpu.memref_slice %arg4[%add3A_98] : memref<320000xi32, #tpu.memory_space<hbm>> -> memref<64xi32, #tpu.memory_space<hbm>>
    %dma_wait3A_126 = tpu.memref_slice %arg4[%add3A_98] : memref<320000xi32, #tpu.memory_space<hbm>> -> memref<64xi32, #tpu.memory_space<hbm>>
    tpu.wait_dma2 semaphore(%arg23 : memref<!tpu.dma_semaphore, #tpu.memory_space<semaphore_mem>>) src(%dma_wait3A_126 : memref<64xi32, #tpu.memory_space<hbm>>) dst(%arg15 : memref<64xi32, #tpu.memory_space<vmem>>)
    %dma_start3A_127 = arith.constant 0 : i32
    %dma_start3A_128 = arith.constant 0 : i32
    %dma_start3A_129 = tpu.memref_slice %arg2[%dma_start3A_127, %dma_start3A_128] : memref<10000x128xf32, #tpu.memory_space<hbm>> -> memref<10000x128xf32, #tpu.memory_space<hbm>>
    tpu.enqueue_indirect_dma source(%dma_start3A_129 : memref<10000x128xf32, #tpu.memory_space<hbm>>) target(%arg19 : memref<64x128xf32, #tpu.memory_space<vmem>>) offsets(%arg11 : memref<64xi32, #tpu.memory_space<vmem>>) semaphore(%arg27 : memref<!tpu.dma_semaphore, #tpu.memory_space<semaphore_mem>>)
    %scan3A = arith.constant 0 : i32
    %scan3A_130 = arith.constant 0 : i32
    %scan3A_131 = arith.constant 39 : i32
    %scan3A_132 = arith.addi %scan3A_130, %scan3A_131 : i32
    %scan3A_133 = arith.constant 1 : i32
    scf.for %scan3A_224 = %scan3A_130 to %scan3A_132 step %scan3A_133  : i32 {
      %dma_wait3A_225 = arith.constant 0 : i32
      %dma_wait3A_226 = arith.constant 0 : i32
      %dma_wait3A_227 = tpu.memref_slice %arg2[%dma_wait3A_225, %dma_wait3A_226] : memref<10000x128xf32, #tpu.memory_space<hbm>> -> memref<10000x128xf32, #tpu.memory_space<hbm>>
      tpu.wait_indirect_dma semaphore(%arg24 : memref<!tpu.dma_semaphore, #tpu.memory_space<semaphore_mem>>) src(%dma_wait3A_227 : memref<10000x128xf32, #tpu.memory_space<hbm>>) dst(%arg16 : memref<64x128xf32, #tpu.memory_space<vmem>>)
      %dma_start3A_228 = arith.constant 0 : i32
      %dma_start3A_229 = arith.constant 0 : i32
      %dma_start3A_230 = tpu.memref_slice %arg7[%dma_start3A_228, %dma_start3A_229] : memref<10000x128xf32, #tpu.memory_space<vmem_shared>> -> memref<10000x128xf32, #tpu.memory_space<vmem_shared>>
      tpu.enqueue_indirect_dma source(%arg16 : memref<64x128xf32, #tpu.memory_space<vmem>>) target(%dma_start3A_230 : memref<10000x128xf32, #tpu.memory_space<vmem_shared>>) offsets(%arg12 : memref<64xi32, #tpu.memory_space<vmem>>) semaphore(%arg28 : memref<!tpu.dma_semaphore, #tpu.memory_space<semaphore_mem>>) {add = true}
      %dma_wait3A_231 = arith.constant 0 : i32
      %dma_wait3A_232 = arith.constant 0 : i32
      %dma_wait3A_233 = tpu.memref_slice %arg2[%dma_wait3A_231, %dma_wait3A_232] : memref<10000x128xf32, #tpu.memory_space<hbm>> -> memref<10000x128xf32, #tpu.memory_space<hbm>>
      tpu.wait_indirect_dma semaphore(%arg25 : memref<!tpu.dma_semaphore, #tpu.memory_space<semaphore_mem>>) src(%dma_wait3A_233 : memref<10000x128xf32, #tpu.memory_space<hbm>>) dst(%arg17 : memref<64x128xf32, #tpu.memory_space<vmem>>)
      %dma_start3A_234 = arith.constant 0 : i32
      %dma_start3A_235 = arith.constant 0 : i32
      %dma_start3A_236 = tpu.memref_slice %arg7[%dma_start3A_234, %dma_start3A_235] : memref<10000x128xf32, #tpu.memory_space<vmem_shared>> -> memref<10000x128xf32, #tpu.memory_space<vmem_shared>>
      tpu.enqueue_indirect_dma source(%arg17 : memref<64x128xf32, #tpu.memory_space<vmem>>) target(%dma_start3A_236 : memref<10000x128xf32, #tpu.memory_space<vmem_shared>>) offsets(%arg13 : memref<64xi32, #tpu.memory_space<vmem>>) semaphore(%arg29 : memref<!tpu.dma_semaphore, #tpu.memory_space<semaphore_mem>>) {add = true}
      %dma_wait3A_237 = arith.constant 0 : i32
      %dma_wait3A_238 = arith.constant 0 : i32
      %dma_wait3A_239 = tpu.memref_slice %arg2[%dma_wait3A_237, %dma_wait3A_238] : memref<10000x128xf32, #tpu.memory_space<hbm>> -> memref<10000x128xf32, #tpu.memory_space<hbm>>
      tpu.wait_indirect_dma semaphore(%arg26 : memref<!tpu.dma_semaphore, #tpu.memory_space<semaphore_mem>>) src(%dma_wait3A_239 : memref<10000x128xf32, #tpu.memory_space<hbm>>) dst(%arg18 : memref<64x128xf32, #tpu.memory_space<vmem>>)
      %dma_start3A_240 = arith.constant 0 : i32
      %dma_start3A_241 = arith.constant 0 : i32
      %dma_start3A_242 = tpu.memref_slice %arg7[%dma_start3A_240, %dma_start3A_241] : memref<10000x128xf32, #tpu.memory_space<vmem_shared>> -> memref<10000x128xf32, #tpu.memory_space<vmem_shared>>
      tpu.enqueue_indirect_dma source(%arg18 : memref<64x128xf32, #tpu.memory_space<vmem>>) target(%dma_start3A_242 : memref<10000x128xf32, #tpu.memory_space<vmem_shared>>) offsets(%arg14 : memref<64xi32, #tpu.memory_space<vmem>>) semaphore(%arg30 : memref<!tpu.dma_semaphore, #tpu.memory_space<semaphore_mem>>) {add = true}
      %dma_wait3A_243 = arith.constant 0 : i32
      %dma_wait3A_244 = arith.constant 0 : i32
      %dma_wait3A_245 = tpu.memref_slice %arg2[%dma_wait3A_243, %dma_wait3A_244] : memref<10000x128xf32, #tpu.memory_space<hbm>> -> memref<10000x128xf32, #tpu.memory_space<hbm>>
      tpu.wait_indirect_dma semaphore(%arg27 : memref<!tpu.dma_semaphore, #tpu.memory_space<semaphore_mem>>) src(%dma_wait3A_245 : memref<10000x128xf32, #tpu.memory_space<hbm>>) dst(%arg19 : memref<64x128xf32, #tpu.memory_space<vmem>>)
      %dma_start3A_246 = arith.constant 0 : i32
      %dma_start3A_247 = arith.constant 0 : i32
      %dma_start3A_248 = tpu.memref_slice %arg7[%dma_start3A_246, %dma_start3A_247] : memref<10000x128xf32, #tpu.memory_space<vmem_shared>> -> memref<10000x128xf32, #tpu.memory_space<vmem_shared>>
      tpu.enqueue_indirect_dma source(%arg19 : memref<64x128xf32, #tpu.memory_space<vmem>>) target(%dma_start3A_248 : memref<10000x128xf32, #tpu.memory_space<vmem_shared>>) offsets(%arg15 : memref<64xi32, #tpu.memory_space<vmem>>) semaphore(%arg31 : memref<!tpu.dma_semaphore, #tpu.memory_space<semaphore_mem>>) {add = true}
      %mul3A_249 = arith.constant 4 : i32
      %mul3A_250 = arith.muli %mul3A_249, %scan3A_224 : i32
      %add3A_251 = arith.constant 0 : i32
      %add3A_252 = arith.addi %mul3A_250, %add3A_251 : i32
      %add3A_253 = arith.constant 4 : i32
      %add3A_254 = arith.addi %add3A_252, %add3A_253 : i32
      %dma_wait3A_255 = arith.constant 0 : i32
      %dma_wait3A_256 = arith.constant 0 : i32
      %dma_wait3A_257 = tpu.memref_slice %arg7[%dma_wait3A_255, %dma_wait3A_256] : memref<10000x128xf32, #tpu.memory_space<vmem_shared>> -> memref<10000x128xf32, #tpu.memory_space<vmem_shared>>
      tpu.wait_indirect_dma semaphore(%arg28 : memref<!tpu.dma_semaphore, #tpu.memory_space<semaphore_mem>>) src(%arg16 : memref<64x128xf32, #tpu.memory_space<vmem>>) dst(%dma_wait3A_257 : memref<10000x128xf32, #tpu.memory_space<vmem_shared>>)
      %lt3A = arith.constant 156 : i32
      %lt3A_258 = arith.cmpi slt, %add3A_254, %lt3A : i32
      %convert_element_type3A_259 = arith.extui %lt3A_258 : i1 to i32
      %cond3A_260 = arith.constant 0 : i32
      %cond3A_261 = arith.cmpi ne, %convert_element_type3A_259, %cond3A_260 : i32
      scf.if %cond3A_261 {
        %mul3A_348 = arith.constant 64 : i32
        %mul3A_349 = arith.muli %add3A_254, %mul3A_348 : i32
        %add3A_350 = arith.addi %mul3A_2, %mul3A_349 : i32
        %dma_start3A_351 = tpu.memref_slice %arg3[%add3A_350] : memref<320000xi32, #tpu.memory_space<hbm>> -> memref<64xi32, #tpu.memory_space<hbm>>
        %dma_start3A_352 = tpu.memref_slice %arg3[%add3A_350] : memref<320000xi32, #tpu.memory_space<hbm>> -> memref<64xi32, #tpu.memory_space<hbm>>
        tpu.enqueue_dma source(%dma_start3A_352 : memref<64xi32, #tpu.memory_space<hbm>>) target(%arg8 : memref<64xi32, #tpu.memory_space<vmem>>) target_semaphore(%arg20 : memref<!tpu.dma_semaphore, #tpu.memory_space<semaphore_mem>>)
        %dma_start3A_353 = tpu.memref_slice %arg4[%add3A_350] : memref<320000xi32, #tpu.memory_space<hbm>> -> memref<64xi32, #tpu.memory_space<hbm>>
        %dma_start3A_354 = tpu.memref_slice %arg4[%add3A_350] : memref<320000xi32, #tpu.memory_space<hbm>> -> memref<64xi32, #tpu.memory_space<hbm>>
        tpu.enqueue_dma source(%dma_start3A_354 : memref<64xi32, #tpu.memory_space<hbm>>) target(%arg12 : memref<64xi32, #tpu.memory_space<vmem>>) target_semaphore(%arg20 : memref<!tpu.dma_semaphore, #tpu.memory_space<semaphore_mem>>)
      } else {
      }
      %mul3A_262 = arith.constant 4 : i32
      %mul3A_263 = arith.muli %mul3A_262, %scan3A_224 : i32
      %add3A_264 = arith.constant 1 : i32
      %add3A_265 = arith.addi %mul3A_263, %add3A_264 : i32
      %add3A_266 = arith.constant 4 : i32
      %add3A_267 = arith.addi %add3A_265, %add3A_266 : i32
      %dma_wait3A_268 = arith.constant 0 : i32
      %dma_wait3A_269 = arith.constant 0 : i32
      %dma_wait3A_270 = tpu.memref_slice %arg7[%dma_wait3A_268, %dma_wait3A_269] : memref<10000x128xf32, #tpu.memory_space<vmem_shared>> -> memref<10000x128xf32, #tpu.memory_space<vmem_shared>>
      tpu.wait_indirect_dma semaphore(%arg29 : memref<!tpu.dma_semaphore, #tpu.memory_space<semaphore_mem>>) src(%arg17 : memref<64x128xf32, #tpu.memory_space<vmem>>) dst(%dma_wait3A_270 : memref<10000x128xf32, #tpu.memory_space<vmem_shared>>)
      %lt3A_271 = arith.constant 156 : i32
      %lt3A_272 = arith.cmpi slt, %add3A_267, %lt3A_271 : i32
      %convert_element_type3A_273 = arith.extui %lt3A_272 : i1 to i32
      %cond3A_274 = arith.constant 0 : i32
      %cond3A_275 = arith.cmpi ne, %convert_element_type3A_273, %cond3A_274 : i32
      scf.if %cond3A_275 {
        %mul3A_348 = arith.constant 64 : i32
        %mul3A_349 = arith.muli %add3A_267, %mul3A_348 : i32
        %add3A_350 = arith.addi %mul3A_2, %mul3A_349 : i32
        %dma_start3A_351 = tpu.memref_slice %arg3[%add3A_350] : memref<320000xi32, #tpu.memory_space<hbm>> -> memref<64xi32, #tpu.memory_space<hbm>>
        %dma_start3A_352 = tpu.memref_slice %arg3[%add3A_350] : memref<320000xi32, #tpu.memory_space<hbm>> -> memref<64xi32, #tpu.memory_space<hbm>>
        tpu.enqueue_dma source(%dma_start3A_352 : memref<64xi32, #tpu.memory_space<hbm>>) target(%arg9 : memref<64xi32, #tpu.memory_space<vmem>>) target_semaphore(%arg21 : memref<!tpu.dma_semaphore, #tpu.memory_space<semaphore_mem>>)
        %dma_start3A_353 = tpu.memref_slice %arg4[%add3A_350] : memref<320000xi32, #tpu.memory_space<hbm>> -> memref<64xi32, #tpu.memory_space<hbm>>
        %dma_start3A_354 = tpu.memref_slice %arg4[%add3A_350] : memref<320000xi32, #tpu.memory_space<hbm>> -> memref<64xi32, #tpu.memory_space<hbm>>
        tpu.enqueue_dma source(%dma_start3A_354 : memref<64xi32, #tpu.memory_space<hbm>>) target(%arg13 : memref<64xi32, #tpu.memory_space<vmem>>) target_semaphore(%arg21 : memref<!tpu.dma_semaphore, #tpu.memory_space<semaphore_mem>>)
      } else {
      }
      %mul3A_276 = arith.constant 4 : i32
      %mul3A_277 = arith.muli %mul3A_276, %scan3A_224 : i32
      %add3A_278 = arith.constant 2 : i32
      %add3A_279 = arith.addi %mul3A_277, %add3A_278 : i32
      %add3A_280 = arith.constant 4 : i32
      %add3A_281 = arith.addi %add3A_279, %add3A_280 : i32
      %dma_wait3A_282 = arith.constant 0 : i32
      %dma_wait3A_283 = arith.constant 0 : i32
      %dma_wait3A_284 = tpu.memref_slice %arg7[%dma_wait3A_282, %dma_wait3A_283] : memref<10000x128xf32, #tpu.memory_space<vmem_shared>> -> memref<10000x128xf32, #tpu.memory_space<vmem_shared>>
      tpu.wait_indirect_dma semaphore(%arg30 : memref<!tpu.dma_semaphore, #tpu.memory_space<semaphore_mem>>) src(%arg18 : memref<64x128xf32, #tpu.memory_space<vmem>>) dst(%dma_wait3A_284 : memref<10000x128xf32, #tpu.memory_space<vmem_shared>>)
      %lt3A_285 = arith.constant 156 : i32
      %lt3A_286 = arith.cmpi slt, %add3A_281, %lt3A_285 : i32
      %convert_element_type3A_287 = arith.extui %lt3A_286 : i1 to i32
      %cond3A_288 = arith.constant 0 : i32
      %cond3A_289 = arith.cmpi ne, %convert_element_type3A_287, %cond3A_288 : i32
      scf.if %cond3A_289 {
        %mul3A_348 = arith.constant 64 : i32
        %mul3A_349 = arith.muli %add3A_281, %mul3A_348 : i32
        %add3A_350 = arith.addi %mul3A_2, %mul3A_349 : i32
        %dma_start3A_351 = tpu.memref_slice %arg3[%add3A_350] : memref<320000xi32, #tpu.memory_space<hbm>> -> memref<64xi32, #tpu.memory_space<hbm>>
        %dma_start3A_352 = tpu.memref_slice %arg3[%add3A_350] : memref<320000xi32, #tpu.memory_space<hbm>> -> memref<64xi32, #tpu.memory_space<hbm>>
        tpu.enqueue_dma source(%dma_start3A_352 : memref<64xi32, #tpu.memory_space<hbm>>) target(%arg10 : memref<64xi32, #tpu.memory_space<vmem>>) target_semaphore(%arg22 : memref<!tpu.dma_semaphore, #tpu.memory_space<semaphore_mem>>)
        %dma_start3A_353 = tpu.memref_slice %arg4[%add3A_350] : memref<320000xi32, #tpu.memory_space<hbm>> -> memref<64xi32, #tpu.memory_space<hbm>>
        %dma_start3A_354 = tpu.memref_slice %arg4[%add3A_350] : memref<320000xi32, #tpu.memory_space<hbm>> -> memref<64xi32, #tpu.memory_space<hbm>>
        tpu.enqueue_dma source(%dma_start3A_354 : memref<64xi32, #tpu.memory_space<hbm>>) target(%arg14 : memref<64xi32, #tpu.memory_space<vmem>>) target_semaphore(%arg22 : memref<!tpu.dma_semaphore, #tpu.memory_space<semaphore_mem>>)
      } else {
      }
      %mul3A_290 = arith.constant 4 : i32
      %mul3A_291 = arith.muli %mul3A_290, %scan3A_224 : i32
      %add3A_292 = arith.constant 3 : i32
      %add3A_293 = arith.addi %mul3A_291, %add3A_292 : i32
      %add3A_294 = arith.constant 4 : i32
      %add3A_295 = arith.addi %add3A_293, %add3A_294 : i32
      %dma_wait3A_296 = arith.constant 0 : i32
      %dma_wait3A_297 = arith.constant 0 : i32
      %dma_wait3A_298 = tpu.memref_slice %arg7[%dma_wait3A_296, %dma_wait3A_297] : memref<10000x128xf32, #tpu.memory_space<vmem_shared>> -> memref<10000x128xf32, #tpu.memory_space<vmem_shared>>
      tpu.wait_indirect_dma semaphore(%arg31 : memref<!tpu.dma_semaphore, #tpu.memory_space<semaphore_mem>>) src(%arg19 : memref<64x128xf32, #tpu.memory_space<vmem>>) dst(%dma_wait3A_298 : memref<10000x128xf32, #tpu.memory_space<vmem_shared>>)
      %lt3A_299 = arith.constant 156 : i32
      %lt3A_300 = arith.cmpi slt, %add3A_295, %lt3A_299 : i32
      %convert_element_type3A_301 = arith.extui %lt3A_300 : i1 to i32
      %cond3A_302 = arith.constant 0 : i32
      %cond3A_303 = arith.cmpi ne, %convert_element_type3A_301, %cond3A_302 : i32
      scf.if %cond3A_303 {
        %mul3A_348 = arith.constant 64 : i32
        %mul3A_349 = arith.muli %add3A_295, %mul3A_348 : i32
        %add3A_350 = arith.addi %mul3A_2, %mul3A_349 : i32
        %dma_start3A_351 = tpu.memref_slice %arg3[%add3A_350] : memref<320000xi32, #tpu.memory_space<hbm>> -> memref<64xi32, #tpu.memory_space<hbm>>
        %dma_start3A_352 = tpu.memref_slice %arg3[%add3A_350] : memref<320000xi32, #tpu.memory_space<hbm>> -> memref<64xi32, #tpu.memory_space<hbm>>
        tpu.enqueue_dma source(%dma_start3A_352 : memref<64xi32, #tpu.memory_space<hbm>>) target(%arg11 : memref<64xi32, #tpu.memory_space<vmem>>) target_semaphore(%arg23 : memref<!tpu.dma_semaphore, #tpu.memory_space<semaphore_mem>>)
        %dma_start3A_353 = tpu.memref_slice %arg4[%add3A_350] : memref<320000xi32, #tpu.memory_space<hbm>> -> memref<64xi32, #tpu.memory_space<hbm>>
        %dma_start3A_354 = tpu.memref_slice %arg4[%add3A_350] : memref<320000xi32, #tpu.memory_space<hbm>> -> memref<64xi32, #tpu.memory_space<hbm>>
        tpu.enqueue_dma source(%dma_start3A_354 : memref<64xi32, #tpu.memory_space<hbm>>) target(%arg15 : memref<64xi32, #tpu.memory_space<vmem>>) target_semaphore(%arg23 : memref<!tpu.dma_semaphore, #tpu.memory_space<semaphore_mem>>)
      } else {
      }
      %mul3A_304 = arith.constant 4 : i32
      %mul3A_305 = arith.muli %mul3A_304, %scan3A_224 : i32
      %add3A_306 = arith.constant 0 : i32
      %add3A_307 = arith.addi %mul3A_305, %add3A_306 : i32
      %add3A_308 = arith.constant 4 : i32
      %add3A_309 = arith.addi %add3A_307, %add3A_308 : i32
      %lt3A_310 = arith.constant 156 : i32
      %lt3A_311 = arith.cmpi slt, %add3A_309, %lt3A_310 : i32
      %convert_element_type3A_312 = arith.extui %lt3A_311 : i1 to i32
      %cond3A_313 = arith.constant 0 : i32
      %cond3A_314 = arith.cmpi ne, %convert_element_type3A_312, %cond3A_313 : i32
      scf.if %cond3A_314 {
        %mul3A_348 = arith.constant 64 : i32
        %mul3A_349 = arith.muli %add3A_309, %mul3A_348 : i32
        %add3A_350 = arith.addi %mul3A_2, %mul3A_349 : i32
        %dma_wait3A_351 = tpu.memref_slice %arg3[%add3A_350] : memref<320000xi32, #tpu.memory_space<hbm>> -> memref<64xi32, #tpu.memory_space<hbm>>
        %dma_wait3A_352 = tpu.memref_slice %arg3[%add3A_350] : memref<320000xi32, #tpu.memory_space<hbm>> -> memref<64xi32, #tpu.memory_space<hbm>>
        tpu.wait_dma2 semaphore(%arg20 : memref<!tpu.dma_semaphore, #tpu.memory_space<semaphore_mem>>) src(%dma_wait3A_352 : memref<64xi32, #tpu.memory_space<hbm>>) dst(%arg8 : memref<64xi32, #tpu.memory_space<vmem>>)
        %dma_wait3A_353 = tpu.memref_slice %arg4[%add3A_350] : memref<320000xi32, #tpu.memory_space<hbm>> -> memref<64xi32, #tpu.memory_space<hbm>>
        %dma_wait3A_354 = tpu.memref_slice %arg4[%add3A_350] : memref<320000xi32, #tpu.memory_space<hbm>> -> memref<64xi32, #tpu.memory_space<hbm>>
        tpu.wait_dma2 semaphore(%arg20 : memref<!tpu.dma_semaphore, #tpu.memory_space<semaphore_mem>>) src(%dma_wait3A_354 : memref<64xi32, #tpu.memory_space<hbm>>) dst(%arg12 : memref<64xi32, #tpu.memory_space<vmem>>)
        %dma_start3A_355 = arith.constant 0 : i32
        %dma_start3A_356 = arith.constant 0 : i32
        %dma_start3A_357 = tpu.memref_slice %arg2[%dma_start3A_355, %dma_start3A_356] : memref<10000x128xf32, #tpu.memory_space<hbm>> -> memref<10000x128xf32, #tpu.memory_space<hbm>>
        tpu.enqueue_indirect_dma source(%dma_start3A_357 : memref<10000x128xf32, #tpu.memory_space<hbm>>) target(%arg16 : memref<64x128xf32, #tpu.memory_space<vmem>>) offsets(%arg8 : memref<64xi32, #tpu.memory_space<vmem>>) semaphore(%arg24 : memref<!tpu.dma_semaphore, #tpu.memory_space<semaphore_mem>>)
      } else {
      }
      %mul3A_315 = arith.constant 4 : i32
      %mul3A_316 = arith.muli %mul3A_315, %scan3A_224 : i32
      %add3A_317 = arith.constant 1 : i32
      %add3A_318 = arith.addi %mul3A_316, %add3A_317 : i32
      %add3A_319 = arith.constant 4 : i32
      %add3A_320 = arith.addi %add3A_318, %add3A_319 : i32
      %lt3A_321 = arith.constant 156 : i32
      %lt3A_322 = arith.cmpi slt, %add3A_320, %lt3A_321 : i32
      %convert_element_type3A_323 = arith.extui %lt3A_322 : i1 to i32
      %cond3A_324 = arith.constant 0 : i32
      %cond3A_325 = arith.cmpi ne, %convert_element_type3A_323, %cond3A_324 : i32
      scf.if %cond3A_325 {
        %mul3A_348 = arith.constant 64 : i32
        %mul3A_349 = arith.muli %add3A_320, %mul3A_348 : i32
        %add3A_350 = arith.addi %mul3A_2, %mul3A_349 : i32
        %dma_wait3A_351 = tpu.memref_slice %arg3[%add3A_350] : memref<320000xi32, #tpu.memory_space<hbm>> -> memref<64xi32, #tpu.memory_space<hbm>>
        %dma_wait3A_352 = tpu.memref_slice %arg3[%add3A_350] : memref<320000xi32, #tpu.memory_space<hbm>> -> memref<64xi32, #tpu.memory_space<hbm>>
        tpu.wait_dma2 semaphore(%arg21 : memref<!tpu.dma_semaphore, #tpu.memory_space<semaphore_mem>>) src(%dma_wait3A_352 : memref<64xi32, #tpu.memory_space<hbm>>) dst(%arg9 : memref<64xi32, #tpu.memory_space<vmem>>)
        %dma_wait3A_353 = tpu.memref_slice %arg4[%add3A_350] : memref<320000xi32, #tpu.memory_space<hbm>> -> memref<64xi32, #tpu.memory_space<hbm>>
        %dma_wait3A_354 = tpu.memref_slice %arg4[%add3A_350] : memref<320000xi32, #tpu.memory_space<hbm>> -> memref<64xi32, #tpu.memory_space<hbm>>
        tpu.wait_dma2 semaphore(%arg21 : memref<!tpu.dma_semaphore, #tpu.memory_space<semaphore_mem>>) src(%dma_wait3A_354 : memref<64xi32, #tpu.memory_space<hbm>>) dst(%arg13 : memref<64xi32, #tpu.memory_space<vmem>>)
        %dma_start3A_355 = arith.constant 0 : i32
        %dma_start3A_356 = arith.constant 0 : i32
        %dma_start3A_357 = tpu.memref_slice %arg2[%dma_start3A_355, %dma_start3A_356] : memref<10000x128xf32, #tpu.memory_space<hbm>> -> memref<10000x128xf32, #tpu.memory_space<hbm>>
        tpu.enqueue_indirect_dma source(%dma_start3A_357 : memref<10000x128xf32, #tpu.memory_space<hbm>>) target(%arg17 : memref<64x128xf32, #tpu.memory_space<vmem>>) offsets(%arg9 : memref<64xi32, #tpu.memory_space<vmem>>) semaphore(%arg25 : memref<!tpu.dma_semaphore, #tpu.memory_space<semaphore_mem>>)
      } else {
      }
      %mul3A_326 = arith.constant 4 : i32
      %mul3A_327 = arith.muli %mul3A_326, %scan3A_224 : i32
      %add3A_328 = arith.constant 2 : i32
      %add3A_329 = arith.addi %mul3A_327, %add3A_328 : i32
      %add3A_330 = arith.constant 4 : i32
      %add3A_331 = arith.addi %add3A_329, %add3A_330 : i32
      %lt3A_332 = arith.constant 156 : i32
      %lt3A_333 = arith.cmpi slt, %add3A_331, %lt3A_332 : i32
      %convert_element_type3A_334 = arith.extui %lt3A_333 : i1 to i32
      %cond3A_335 = arith.constant 0 : i32
      %cond3A_336 = arith.cmpi ne, %convert_element_type3A_334, %cond3A_335 : i32
      scf.if %cond3A_336 {
        %mul3A_348 = arith.constant 64 : i32
        %mul3A_349 = arith.muli %add3A_331, %mul3A_348 : i32
        %add3A_350 = arith.addi %mul3A_2, %mul3A_349 : i32
        %dma_wait3A_351 = tpu.memref_slice %arg3[%add3A_350] : memref<320000xi32, #tpu.memory_space<hbm>> -> memref<64xi32, #tpu.memory_space<hbm>>
        %dma_wait3A_352 = tpu.memref_slice %arg3[%add3A_350] : memref<320000xi32, #tpu.memory_space<hbm>> -> memref<64xi32, #tpu.memory_space<hbm>>
        tpu.wait_dma2 semaphore(%arg22 : memref<!tpu.dma_semaphore, #tpu.memory_space<semaphore_mem>>) src(%dma_wait3A_352 : memref<64xi32, #tpu.memory_space<hbm>>) dst(%arg10 : memref<64xi32, #tpu.memory_space<vmem>>)
        %dma_wait3A_353 = tpu.memref_slice %arg4[%add3A_350] : memref<320000xi32, #tpu.memory_space<hbm>> -> memref<64xi32, #tpu.memory_space<hbm>>
        %dma_wait3A_354 = tpu.memref_slice %arg4[%add3A_350] : memref<320000xi32, #tpu.memory_space<hbm>> -> memref<64xi32, #tpu.memory_space<hbm>>
        tpu.wait_dma2 semaphore(%arg22 : memref<!tpu.dma_semaphore, #tpu.memory_space<semaphore_mem>>) src(%dma_wait3A_354 : memref<64xi32, #tpu.memory_space<hbm>>) dst(%arg14 : memref<64xi32, #tpu.memory_space<vmem>>)
        %dma_start3A_355 = arith.constant 0 : i32
        %dma_start3A_356 = arith.constant 0 : i32
        %dma_start3A_357 = tpu.memref_slice %arg2[%dma_start3A_355, %dma_start3A_356] : memref<10000x128xf32, #tpu.memory_space<hbm>> -> memref<10000x128xf32, #tpu.memory_space<hbm>>
        tpu.enqueue_indirect_dma source(%dma_start3A_357 : memref<10000x128xf32, #tpu.memory_space<hbm>>) target(%arg18 : memref<64x128xf32, #tpu.memory_space<vmem>>) offsets(%arg10 : memref<64xi32, #tpu.memory_space<vmem>>) semaphore(%arg26 : memref<!tpu.dma_semaphore, #tpu.memory_space<semaphore_mem>>)
      } else {
      }
      %mul3A_337 = arith.constant 4 : i32
      %mul3A_338 = arith.muli %mul3A_337, %scan3A_224 : i32
      %add3A_339 = arith.constant 3 : i32
      %add3A_340 = arith.addi %mul3A_338, %add3A_339 : i32
      %add3A_341 = arith.constant 4 : i32
      %add3A_342 = arith.addi %add3A_340, %add3A_341 : i32
      %lt3A_343 = arith.constant 156 : i32
      %lt3A_344 = arith.cmpi slt, %add3A_342, %lt3A_343 : i32
      %convert_element_type3A_345 = arith.extui %lt3A_344 : i1 to i32
      %cond3A_346 = arith.constant 0 : i32
      %cond3A_347 = arith.cmpi ne, %convert_element_type3A_345, %cond3A_346 : i32
      scf.if %cond3A_347 {
        %mul3A_348 = arith.constant 64 : i32
        %mul3A_349 = arith.muli %add3A_342, %mul3A_348 : i32
        %add3A_350 = arith.addi %mul3A_2, %mul3A_349 : i32
        %dma_wait3A_351 = tpu.memref_slice %arg3[%add3A_350] : memref<320000xi32, #tpu.memory_space<hbm>> -> memref<64xi32, #tpu.memory_space<hbm>>
        %dma_wait3A_352 = tpu.memref_slice %arg3[%add3A_350] : memref<320000xi32, #tpu.memory_space<hbm>> -> memref<64xi32, #tpu.memory_space<hbm>>
        tpu.wait_dma2 semaphore(%arg23 : memref<!tpu.dma_semaphore, #tpu.memory_space<semaphore_mem>>) src(%dma_wait3A_352 : memref<64xi32, #tpu.memory_space<hbm>>) dst(%arg11 : memref<64xi32, #tpu.memory_space<vmem>>)
        %dma_wait3A_353 = tpu.memref_slice %arg4[%add3A_350] : memref<320000xi32, #tpu.memory_space<hbm>> -> memref<64xi32, #tpu.memory_space<hbm>>
        %dma_wait3A_354 = tpu.memref_slice %arg4[%add3A_350] : memref<320000xi32, #tpu.memory_space<hbm>> -> memref<64xi32, #tpu.memory_space<hbm>>
        tpu.wait_dma2 semaphore(%arg23 : memref<!tpu.dma_semaphore, #tpu.memory_space<semaphore_mem>>) src(%dma_wait3A_354 : memref<64xi32, #tpu.memory_space<hbm>>) dst(%arg15 : memref<64xi32, #tpu.memory_space<vmem>>)
        %dma_start3A_355 = arith.constant 0 : i32
        %dma_start3A_356 = arith.constant 0 : i32
        %dma_start3A_357 = tpu.memref_slice %arg2[%dma_start3A_355, %dma_start3A_356] : memref<10000x128xf32, #tpu.memory_space<hbm>> -> memref<10000x128xf32, #tpu.memory_space<hbm>>
        tpu.enqueue_indirect_dma source(%dma_start3A_357 : memref<10000x128xf32, #tpu.memory_space<hbm>>) target(%arg19 : memref<64x128xf32, #tpu.memory_space<vmem>>) offsets(%arg11 : memref<64xi32, #tpu.memory_space<vmem>>) semaphore(%arg27 : memref<!tpu.dma_semaphore, #tpu.memory_space<semaphore_mem>>)
      } else {
      }
    }
    %scan3A_134 = arith.constant 39 : i32
    %add3A_135 = arith.constant 9984 : i32
    %add3A_136 = arith.addi %mul3A_2, %add3A_135 : i32
    "tpu.region"() ({
      %run_scoped3A = tpu.sem_alloc : memref<!tpu.dma_semaphore, #tpu.memory_space<semaphore_mem>>
      %dma_start3A_224 = tpu.memref_slice %arg3[%add3A_136] : memref<320000xi32, #tpu.memory_space<hbm>> -> memref<16xi32, #tpu.memory_space<hbm>>
      %dma_start3A_225 = tpu.memref_slice %arg3[%add3A_136] : memref<320000xi32, #tpu.memory_space<hbm>> -> memref<16xi32, #tpu.memory_space<hbm>>
      tpu.enqueue_dma source(%dma_start3A_225 : memref<16xi32, #tpu.memory_space<hbm>>) target(%arg32 : memref<16xi32, #tpu.memory_space<vmem>>) target_semaphore(%run_scoped3A : memref<!tpu.dma_semaphore, #tpu.memory_space<semaphore_mem>>)
      %dma_wait3A_226 = tpu.memref_slice %arg3[%add3A_136] : memref<320000xi32, #tpu.memory_space<hbm>> -> memref<16xi32, #tpu.memory_space<hbm>>
      %dma_wait3A_227 = tpu.memref_slice %arg3[%add3A_136] : memref<320000xi32, #tpu.memory_space<hbm>> -> memref<16xi32, #tpu.memory_space<hbm>>
      tpu.wait_dma2 semaphore(%run_scoped3A : memref<!tpu.dma_semaphore, #tpu.memory_space<semaphore_mem>>) src(%dma_wait3A_227 : memref<16xi32, #tpu.memory_space<hbm>>) dst(%arg32 : memref<16xi32, #tpu.memory_space<vmem>>)
      tpu.yield
    }) : () -> ()
    "tpu.region"() ({
      %run_scoped3A = tpu.sem_alloc : memref<!tpu.dma_semaphore, #tpu.memory_space<semaphore_mem>>
      %dma_start3A_224 = tpu.memref_slice %arg4[%add3A_136] : memref<320000xi32, #tpu.memory_space<hbm>> -> memref<16xi32, #tpu.memory_space<hbm>>
      %dma_start3A_225 = tpu.memref_slice %arg4[%add3A_136] : memref<320000xi32, #tpu.memory_space<hbm>> -> memref<16xi32, #tpu.memory_space<hbm>>
      tpu.enqueue_dma source(%dma_start3A_225 : memref<16xi32, #tpu.memory_space<hbm>>) target(%arg33 : memref<16xi32, #tpu.memory_space<vmem>>) target_semaphore(%run_scoped3A : memref<!tpu.dma_semaphore, #tpu.memory_space<semaphore_mem>>)
      %dma_wait3A_226 = tpu.memref_slice %arg4[%add3A_136] : memref<320000xi32, #tpu.memory_space<hbm>> -> memref<16xi32, #tpu.memory_space<hbm>>
      %dma_wait3A_227 = tpu.memref_slice %arg4[%add3A_136] : memref<320000xi32, #tpu.memory_space<hbm>> -> memref<16xi32, #tpu.memory_space<hbm>>
      tpu.wait_dma2 semaphore(%run_scoped3A : memref<!tpu.dma_semaphore, #tpu.memory_space<semaphore_mem>>) src(%dma_wait3A_227 : memref<16xi32, #tpu.memory_space<hbm>>) dst(%arg33 : memref<16xi32, #tpu.memory_space<vmem>>)
      tpu.yield
    }) : () -> ()
    %dma_start3A_137 = arith.constant 0 : i32
    %dma_start3A_138 = arith.constant 0 : i32
    %dma_start3A_139 = tpu.memref_slice %arg2[%dma_start3A_137, %dma_start3A_138] : memref<10000x128xf32, #tpu.memory_space<hbm>> -> memref<10000x128xf32, #tpu.memory_space<hbm>>
    tpu.enqueue_indirect_dma source(%dma_start3A_139 : memref<10000x128xf32, #tpu.memory_space<hbm>>) target(%arg34 : memref<16x128xf32, #tpu.memory_space<vmem>>) offsets(%arg32 : memref<16xi32, #tpu.memory_space<vmem>>) semaphore(%arg24 : memref<!tpu.dma_semaphore, #tpu.memory_space<semaphore_mem>>)
    %dma_wait3A_140 = arith.constant 0 : i32
    %dma_wait3A_141 = arith.constant 0 : i32
    %dma_wait3A_142 = tpu.memref_slice %arg2[%dma_wait3A_140, %dma_wait3A_141] : memref<10000x128xf32, #tpu.memory_space<hbm>> -> memref<10000x128xf32, #tpu.memory_space<hbm>>
    tpu.wait_indirect_dma semaphore(%arg24 : memref<!tpu.dma_semaphore, #tpu.memory_space<semaphore_mem>>) src(%dma_wait3A_142 : memref<10000x128xf32, #tpu.memory_space<hbm>>) dst(%arg34 : memref<16x128xf32, #tpu.memory_space<vmem>>)
    "tpu.region"() ({
      %run_scoped3A = tpu.sem_alloc : memref<!tpu.dma_semaphore, #tpu.memory_space<semaphore_mem>>
      %dma_start3A_224 = arith.constant 0 : i32
      %dma_start3A_225 = arith.constant 0 : i32
      %dma_start3A_226 = tpu.memref_slice %arg7[%dma_start3A_224, %dma_start3A_225] : memref<10000x128xf32, #tpu.memory_space<vmem_shared>> -> memref<10000x128xf32, #tpu.memory_space<vmem_shared>>
      tpu.enqueue_indirect_dma source(%arg34 : memref<16x128xf32, #tpu.memory_space<vmem>>) target(%dma_start3A_226 : memref<10000x128xf32, #tpu.memory_space<vmem_shared>>) offsets(%arg33 : memref<16xi32, #tpu.memory_space<vmem>>) semaphore(%run_scoped3A : memref<!tpu.dma_semaphore, #tpu.memory_space<semaphore_mem>>) {add = true}
      %dma_wait3A_227 = arith.constant 0 : i32
      %dma_wait3A_228 = arith.constant 0 : i32
      %dma_wait3A_229 = tpu.memref_slice %arg7[%dma_wait3A_227, %dma_wait3A_228] : memref<10000x128xf32, #tpu.memory_space<vmem_shared>> -> memref<10000x128xf32, #tpu.memory_space<vmem_shared>>
      tpu.wait_indirect_dma semaphore(%run_scoped3A : memref<!tpu.dma_semaphore, #tpu.memory_space<semaphore_mem>>) src(%arg34 : memref<16x128xf32, #tpu.memory_space<vmem>>) dst(%dma_wait3A_229 : memref<10000x128xf32, #tpu.memory_space<vmem_shared>>)
      tpu.yield
    }) : () -> ()
    %barrier3A_143 = arith.constant 0 : index
    tpu.barrier barrier_id(%barrier3A_143)
    %eq3A_144 = arith.constant 0 : i32
    %eq3A_145 = arith.cmpi eq, %arg1, %eq3A_144 : i32
    %convert_element_type3A_146 = arith.extui %eq3A_145 : i1 to i32
    %cond3A_147 = arith.constant 0 : i32
    %cond3A_148 = arith.cmpi ne, %convert_element_type3A_146, %cond3A_147 : i32
    scf.if %cond3A_148 {
      "tpu.region"() ({
        %run_scoped3A = tpu.sem_alloc : memref<!tpu.dma_semaphore, #tpu.memory_space<semaphore_mem>>
        %dma_start3A_224 = arith.constant 0 : i32
        %dma_start3A_225 = arith.constant 0 : i32
        %dma_start3A_226 = tpu.memref_slice %arg6[%arg0, %dma_start3A_224, %dma_start3A_225] : memref<2x10000x128xf32, #tpu.memory_space<hbm>> -> memref<1x632x128xf32, #tpu.memory_space<hbm>>
        %dma_start3A_227 = tpu.memref_squeeze %dma_start3A_226 : memref<1x632x128xf32, #tpu.memory_space<hbm>> -> memref<632x128xf32, #tpu.memory_space<hbm>>
        %dma_start3A_228 = arith.constant 0 : i32
        %dma_start3A_229 = arith.constant 0 : i32
        %dma_start3A_230 = tpu.memref_slice %arg7[%dma_start3A_228, %dma_start3A_229] : memref<10000x128xf32, #tpu.memory_space<vmem_shared>> -> memref<632x128xf32, #tpu.memory_space<vmem_shared>>
        tpu.enqueue_dma source(%dma_start3A_230 : memref<632x128xf32, #tpu.memory_space<vmem_shared>>) target(%dma_start3A_227 : memref<632x128xf32, #tpu.memory_space<hbm>>) target_semaphore(%run_scoped3A : memref<!tpu.dma_semaphore, #tpu.memory_space<semaphore_mem>>)
        %dma_wait3A_231 = arith.constant 0 : i32
        %dma_wait3A_232 = arith.constant 0 : i32
        %dma_wait3A_233 = tpu.memref_slice %arg6[%arg0, %dma_wait3A_231, %dma_wait3A_232] : memref<2x10000x128xf32, #tpu.memory_space<hbm>> -> memref<1x632x128xf32, #tpu.memory_space<hbm>>
        %dma_wait3A_234 = tpu.memref_squeeze %dma_wait3A_233 : memref<1x632x128xf32, #tpu.memory_space<hbm>> -> memref<632x128xf32, #tpu.memory_space<hbm>>
        %dma_wait3A_235 = arith.constant 0 : i32
        %dma_wait3A_236 = arith.constant 0 : i32
        %dma_wait3A_237 = tpu.memref_slice %arg7[%dma_wait3A_235, %dma_wait3A_236] : memref<10000x128xf32, #tpu.memory_space<vmem_shared>> -> memref<632x128xf32, #tpu.memory_space<vmem_shared>>
        tpu.wait_dma2 semaphore(%run_scoped3A : memref<!tpu.dma_semaphore, #tpu.memory_space<semaphore_mem>>) src(%dma_wait3A_237 : memref<632x128xf32, #tpu.memory_space<vmem_shared>>) dst(%dma_wait3A_234 : memref<632x128xf32, #tpu.memory_space<hbm>>)
        tpu.yield
      }) : () -> ()
    } else {
    }
    %eq3A_149 = arith.constant 1 : i32
    %eq3A_150 = arith.cmpi eq, %arg1, %eq3A_149 : i32
    %convert_element_type3A_151 = arith.extui %eq3A_150 : i1 to i32
    %cond3A_152 = arith.constant 0 : i32
    %cond3A_153 = arith.cmpi ne, %convert_element_type3A_151, %cond3A_152 : i32
    scf.if %cond3A_153 {
      "tpu.region"() ({
        %run_scoped3A = tpu.sem_alloc : memref<!tpu.dma_semaphore, #tpu.memory_space<semaphore_mem>>
        %dma_start3A_224 = arith.constant 632 : i32
        %dma_start3A_225 = arith.constant 0 : i32
        %dma_start3A_226 = tpu.memref_slice %arg6[%arg0, %dma_start3A_224, %dma_start3A_225] : memref<2x10000x128xf32, #tpu.memory_space<hbm>> -> memref<1x632x128xf32, #tpu.memory_space<hbm>>
        %dma_start3A_227 = tpu.memref_squeeze %dma_start3A_226 : memref<1x632x128xf32, #tpu.memory_space<hbm>> -> memref<632x128xf32, #tpu.memory_space<hbm>>
        %dma_start3A_228 = arith.constant 632 : i32
        %dma_start3A_229 = arith.constant 0 : i32
        %dma_start3A_230 = tpu.memref_slice %arg7[%dma_start3A_228, %dma_start3A_229] : memref<10000x128xf32, #tpu.memory_space<vmem_shared>> -> memref<632x128xf32, #tpu.memory_space<vmem_shared>>
        tpu.enqueue_dma source(%dma_start3A_230 : memref<632x128xf32, #tpu.memory_space<vmem_shared>>) target(%dma_start3A_227 : memref<632x128xf32, #tpu.memory_space<hbm>>) target_semaphore(%run_scoped3A : memref<!tpu.dma_semaphore, #tpu.memory_space<semaphore_mem>>)
        %dma_wait3A_231 = arith.constant 632 : i32
        %dma_wait3A_232 = arith.constant 0 : i32
        %dma_wait3A_233 = tpu.memref_slice %arg6[%arg0, %dma_wait3A_231, %dma_wait3A_232] : memref<2x10000x128xf32, #tpu.memory_space<hbm>> -> memref<1x632x128xf32, #tpu.memory_space<hbm>>
        %dma_wait3A_234 = tpu.memref_squeeze %dma_wait3A_233 : memref<1x632x128xf32, #tpu.memory_space<hbm>> -> memref<632x128xf32, #tpu.memory_space<hbm>>
        %dma_wait3A_235 = arith.constant 632 : i32
        %dma_wait3A_236 = arith.constant 0 : i32
        %dma_wait3A_237 = tpu.memref_slice %arg7[%dma_wait3A_235, %dma_wait3A_236] : memref<10000x128xf32, #tpu.memory_space<vmem_shared>> -> memref<632x128xf32, #tpu.memory_space<vmem_shared>>
        tpu.wait_dma2 semaphore(%run_scoped3A : memref<!tpu.dma_semaphore, #tpu.memory_space<semaphore_mem>>) src(%dma_wait3A_237 : memref<632x128xf32, #tpu.memory_space<vmem_shared>>) dst(%dma_wait3A_234 : memref<632x128xf32, #tpu.memory_space<hbm>>)
        tpu.yield
      }) : () -> ()
    } else {
    }
    %eq3A_154 = arith.constant 2 : i32
    %eq3A_155 = arith.cmpi eq, %arg1, %eq3A_154 : i32
    %convert_element_type3A_156 = arith.extui %eq3A_155 : i1 to i32
    %cond3A_157 = arith.constant 0 : i32
    %cond3A_158 = arith.cmpi ne, %convert_element_type3A_156, %cond3A_157 : i32
    scf.if %cond3A_158 {
      "tpu.region"() ({
        %run_scoped3A = tpu.sem_alloc : memref<!tpu.dma_semaphore, #tpu.memory_space<semaphore_mem>>
        %dma_start3A_224 = arith.constant 1264 : i32
        %dma_start3A_225 = arith.constant 0 : i32
        %dma_start3A_226 = tpu.memref_slice %arg6[%arg0, %dma_start3A_224, %dma_start3A_225] : memref<2x10000x128xf32, #tpu.memory_space<hbm>> -> memref<1x632x128xf32, #tpu.memory_space<hbm>>
        %dma_start3A_227 = tpu.memref_squeeze %dma_start3A_226 : memref<1x632x128xf32, #tpu.memory_space<hbm>> -> memref<632x128xf32, #tpu.memory_space<hbm>>
        %dma_start3A_228 = arith.constant 1264 : i32
        %dma_start3A_229 = arith.constant 0 : i32
        %dma_start3A_230 = tpu.memref_slice %arg7[%dma_start3A_228, %dma_start3A_229] : memref<10000x128xf32, #tpu.memory_space<vmem_shared>> -> memref<632x128xf32, #tpu.memory_space<vmem_shared>>
        tpu.enqueue_dma source(%dma_start3A_230 : memref<632x128xf32, #tpu.memory_space<vmem_shared>>) target(%dma_start3A_227 : memref<632x128xf32, #tpu.memory_space<hbm>>) target_semaphore(%run_scoped3A : memref<!tpu.dma_semaphore, #tpu.memory_space<semaphore_mem>>)
        %dma_wait3A_231 = arith.constant 1264 : i32
        %dma_wait3A_232 = arith.constant 0 : i32
        %dma_wait3A_233 = tpu.memref_slice %arg6[%arg0, %dma_wait3A_231, %dma_wait3A_232] : memref<2x10000x128xf32, #tpu.memory_space<hbm>> -> memref<1x632x128xf32, #tpu.memory_space<hbm>>
        %dma_wait3A_234 = tpu.memref_squeeze %dma_wait3A_233 : memref<1x632x128xf32, #tpu.memory_space<hbm>> -> memref<632x128xf32, #tpu.memory_space<hbm>>
        %dma_wait3A_235 = arith.constant 1264 : i32
        %dma_wait3A_236 = arith.constant 0 : i32
        %dma_wait3A_237 = tpu.memref_slice %arg7[%dma_wait3A_235, %dma_wait3A_236] : memref<10000x128xf32, #tpu.memory_space<vmem_shared>> -> memref<632x128xf32, #tpu.memory_space<vmem_shared>>
        tpu.wait_dma2 semaphore(%run_scoped3A : memref<!tpu.dma_semaphore, #tpu.memory_space<semaphore_mem>>) src(%dma_wait3A_237 : memref<632x128xf32, #tpu.memory_space<vmem_shared>>) dst(%dma_wait3A_234 : memref<632x128xf32, #tpu.memory_space<hbm>>)
        tpu.yield
      }) : () -> ()
    } else {
    }
    %eq3A_159 = arith.constant 3 : i32
    %eq3A_160 = arith.cmpi eq, %arg1, %eq3A_159 : i32
    %convert_element_type3A_161 = arith.extui %eq3A_160 : i1 to i32
    %cond3A_162 = arith.constant 0 : i32
    %cond3A_163 = arith.cmpi ne, %convert_element_type3A_161, %cond3A_162 : i32
    scf.if %cond3A_163 {
      "tpu.region"() ({
        %run_scoped3A = tpu.sem_alloc : memref<!tpu.dma_semaphore, #tpu.memory_space<semaphore_mem>>
        %dma_start3A_224 = arith.constant 1896 : i32
        %dma_start3A_225 = arith.constant 0 : i32
        %dma_start3A_226 = tpu.memref_slice %arg6[%arg0, %dma_start3A_224, %dma_start3A_225] : memref<2x10000x128xf32, #tpu.memory_space<hbm>> -> memref<1x632x128xf32, #tpu.memory_space<hbm>>
        %dma_start3A_227 = tpu.memref_squeeze %dma_start3A_226 : memref<1x632x128xf32, #tpu.memory_space<hbm>> -> memref<632x128xf32, #tpu.memory_space<hbm>>
        %dma_start3A_228 = arith.constant 1896 : i32
        %dma_start3A_229 = arith.constant 0 : i32
        %dma_start3A_230 = tpu.memref_slice %arg7[%dma_start3A_228, %dma_start3A_229] : memref<10000x128xf32, #tpu.memory_space<vmem_shared>> -> memref<632x128xf32, #tpu.memory_space<vmem_shared>>
        tpu.enqueue_dma source(%dma_start3A_230 : memref<632x128xf32, #tpu.memory_space<vmem_shared>>) target(%dma_start3A_227 : memref<632x128xf32, #tpu.memory_space<hbm>>) target_semaphore(%run_scoped3A : memref<!tpu.dma_semaphore, #tpu.memory_space<semaphore_mem>>)
        %dma_wait3A_231 = arith.constant 1896 : i32
        %dma_wait3A_232 = arith.constant 0 : i32
        %dma_wait3A_233 = tpu.memref_slice %arg6[%arg0, %dma_wait3A_231, %dma_wait3A_232] : memref<2x10000x128xf32, #tpu.memory_space<hbm>> -> memref<1x632x128xf32, #tpu.memory_space<hbm>>
        %dma_wait3A_234 = tpu.memref_squeeze %dma_wait3A_233 : memref<1x632x128xf32, #tpu.memory_space<hbm>> -> memref<632x128xf32, #tpu.memory_space<hbm>>
        %dma_wait3A_235 = arith.constant 1896 : i32
        %dma_wait3A_236 = arith.constant 0 : i32
        %dma_wait3A_237 = tpu.memref_slice %arg7[%dma_wait3A_235, %dma_wait3A_236] : memref<10000x128xf32, #tpu.memory_space<vmem_shared>> -> memref<632x128xf32, #tpu.memory_space<vmem_shared>>
        tpu.wait_dma2 semaphore(%run_scoped3A : memref<!tpu.dma_semaphore, #tpu.memory_space<semaphore_mem>>) src(%dma_wait3A_237 : memref<632x128xf32, #tpu.memory_space<vmem_shared>>) dst(%dma_wait3A_234 : memref<632x128xf32, #tpu.memory_space<hbm>>)
        tpu.yield
      }) : () -> ()
    } else {
    }
    %eq3A_164 = arith.constant 4 : i32
    %eq3A_165 = arith.cmpi eq, %arg1, %eq3A_164 : i32
    %convert_element_type3A_166 = arith.extui %eq3A_165 : i1 to i32
    %cond3A_167 = arith.constant 0 : i32
    %cond3A_168 = arith.cmpi ne, %convert_element_type3A_166, %cond3A_167 : i32
    scf.if %cond3A_168 {
      "tpu.region"() ({
        %run_scoped3A = tpu.sem_alloc : memref<!tpu.dma_semaphore, #tpu.memory_space<semaphore_mem>>
        %dma_start3A_224 = arith.constant 2528 : i32
        %dma_start3A_225 = arith.constant 0 : i32
        %dma_start3A_226 = tpu.memref_slice %arg6[%arg0, %dma_start3A_224, %dma_start3A_225] : memref<2x10000x128xf32, #tpu.memory_space<hbm>> -> memref<1x632x128xf32, #tpu.memory_space<hbm>>
        %dma_start3A_227 = tpu.memref_squeeze %dma_start3A_226 : memref<1x632x128xf32, #tpu.memory_space<hbm>> -> memref<632x128xf32, #tpu.memory_space<hbm>>
        %dma_start3A_228 = arith.constant 2528 : i32
        %dma_start3A_229 = arith.constant 0 : i32
        %dma_start3A_230 = tpu.memref_slice %arg7[%dma_start3A_228, %dma_start3A_229] : memref<10000x128xf32, #tpu.memory_space<vmem_shared>> -> memref<632x128xf32, #tpu.memory_space<vmem_shared>>
        tpu.enqueue_dma source(%dma_start3A_230 : memref<632x128xf32, #tpu.memory_space<vmem_shared>>) target(%dma_start3A_227 : memref<632x128xf32, #tpu.memory_space<hbm>>) target_semaphore(%run_scoped3A : memref<!tpu.dma_semaphore, #tpu.memory_space<semaphore_mem>>)
        %dma_wait3A_231 = arith.constant 2528 : i32
        %dma_wait3A_232 = arith.constant 0 : i32
        %dma_wait3A_233 = tpu.memref_slice %arg6[%arg0, %dma_wait3A_231, %dma_wait3A_232] : memref<2x10000x128xf32, #tpu.memory_space<hbm>> -> memref<1x632x128xf32, #tpu.memory_space<hbm>>
        %dma_wait3A_234 = tpu.memref_squeeze %dma_wait3A_233 : memref<1x632x128xf32, #tpu.memory_space<hbm>> -> memref<632x128xf32, #tpu.memory_space<hbm>>
        %dma_wait3A_235 = arith.constant 2528 : i32
        %dma_wait3A_236 = arith.constant 0 : i32
        %dma_wait3A_237 = tpu.memref_slice %arg7[%dma_wait3A_235, %dma_wait3A_236] : memref<10000x128xf32, #tpu.memory_space<vmem_shared>> -> memref<632x128xf32, #tpu.memory_space<vmem_shared>>
        tpu.wait_dma2 semaphore(%run_scoped3A : memref<!tpu.dma_semaphore, #tpu.memory_space<semaphore_mem>>) src(%dma_wait3A_237 : memref<632x128xf32, #tpu.memory_space<vmem_shared>>) dst(%dma_wait3A_234 : memref<632x128xf32, #tpu.memory_space<hbm>>)
        tpu.yield
      }) : () -> ()
    } else {
    }
    %eq3A_169 = arith.constant 5 : i32
    %eq3A_170 = arith.cmpi eq, %arg1, %eq3A_169 : i32
    %convert_element_type3A_171 = arith.extui %eq3A_170 : i1 to i32
    %cond3A_172 = arith.constant 0 : i32
    %cond3A_173 = arith.cmpi ne, %convert_element_type3A_171, %cond3A_172 : i32
    scf.if %cond3A_173 {
      "tpu.region"() ({
        %run_scoped3A = tpu.sem_alloc : memref<!tpu.dma_semaphore, #tpu.memory_space<semaphore_mem>>
        %dma_start3A_224 = arith.constant 3160 : i32
        %dma_start3A_225 = arith.constant 0 : i32
        %dma_start3A_226 = tpu.memref_slice %arg6[%arg0, %dma_start3A_224, %dma_start3A_225] : memref<2x10000x128xf32, #tpu.memory_space<hbm>> -> memref<1x632x128xf32, #tpu.memory_space<hbm>>
        %dma_start3A_227 = tpu.memref_squeeze %dma_start3A_226 : memref<1x632x128xf32, #tpu.memory_space<hbm>> -> memref<632x128xf32, #tpu.memory_space<hbm>>
        %dma_start3A_228 = arith.constant 3160 : i32
        %dma_start3A_229 = arith.constant 0 : i32
        %dma_start3A_230 = tpu.memref_slice %arg7[%dma_start3A_228, %dma_start3A_229] : memref<10000x128xf32, #tpu.memory_space<vmem_shared>> -> memref<632x128xf32, #tpu.memory_space<vmem_shared>>
        tpu.enqueue_dma source(%dma_start3A_230 : memref<632x128xf32, #tpu.memory_space<vmem_shared>>) target(%dma_start3A_227 : memref<632x128xf32, #tpu.memory_space<hbm>>) target_semaphore(%run_scoped3A : memref<!tpu.dma_semaphore, #tpu.memory_space<semaphore_mem>>)
        %dma_wait3A_231 = arith.constant 3160 : i32
        %dma_wait3A_232 = arith.constant 0 : i32
        %dma_wait3A_233 = tpu.memref_slice %arg6[%arg0, %dma_wait3A_231, %dma_wait3A_232] : memref<2x10000x128xf32, #tpu.memory_space<hbm>> -> memref<1x632x128xf32, #tpu.memory_space<hbm>>
        %dma_wait3A_234 = tpu.memref_squeeze %dma_wait3A_233 : memref<1x632x128xf32, #tpu.memory_space<hbm>> -> memref<632x128xf32, #tpu.memory_space<hbm>>
        %dma_wait3A_235 = arith.constant 3160 : i32
        %dma_wait3A_236 = arith.constant 0 : i32
        %dma_wait3A_237 = tpu.memref_slice %arg7[%dma_wait3A_235, %dma_wait3A_236] : memref<10000x128xf32, #tpu.memory_space<vmem_shared>> -> memref<632x128xf32, #tpu.memory_space<vmem_shared>>
        tpu.wait_dma2 semaphore(%run_scoped3A : memref<!tpu.dma_semaphore, #tpu.memory_space<semaphore_mem>>) src(%dma_wait3A_237 : memref<632x128xf32, #tpu.memory_space<vmem_shared>>) dst(%dma_wait3A_234 : memref<632x128xf32, #tpu.memory_space<hbm>>)
        tpu.yield
      }) : () -> ()
    } else {
    }
    %eq3A_174 = arith.constant 6 : i32
    %eq3A_175 = arith.cmpi eq, %arg1, %eq3A_174 : i32
    %convert_element_type3A_176 = arith.extui %eq3A_175 : i1 to i32
    %cond3A_177 = arith.constant 0 : i32
    %cond3A_178 = arith.cmpi ne, %convert_element_type3A_176, %cond3A_177 : i32
    scf.if %cond3A_178 {
      "tpu.region"() ({
        %run_scoped3A = tpu.sem_alloc : memref<!tpu.dma_semaphore, #tpu.memory_space<semaphore_mem>>
        %dma_start3A_224 = arith.constant 3792 : i32
        %dma_start3A_225 = arith.constant 0 : i32
        %dma_start3A_226 = tpu.memref_slice %arg6[%arg0, %dma_start3A_224, %dma_start3A_225] : memref<2x10000x128xf32, #tpu.memory_space<hbm>> -> memref<1x632x128xf32, #tpu.memory_space<hbm>>
        %dma_start3A_227 = tpu.memref_squeeze %dma_start3A_226 : memref<1x632x128xf32, #tpu.memory_space<hbm>> -> memref<632x128xf32, #tpu.memory_space<hbm>>
        %dma_start3A_228 = arith.constant 3792 : i32
        %dma_start3A_229 = arith.constant 0 : i32
        %dma_start3A_230 = tpu.memref_slice %arg7[%dma_start3A_228, %dma_start3A_229] : memref<10000x128xf32, #tpu.memory_space<vmem_shared>> -> memref<632x128xf32, #tpu.memory_space<vmem_shared>>
        tpu.enqueue_dma source(%dma_start3A_230 : memref<632x128xf32, #tpu.memory_space<vmem_shared>>) target(%dma_start3A_227 : memref<632x128xf32, #tpu.memory_space<hbm>>) target_semaphore(%run_scoped3A : memref<!tpu.dma_semaphore, #tpu.memory_space<semaphore_mem>>)
        %dma_wait3A_231 = arith.constant 3792 : i32
        %dma_wait3A_232 = arith.constant 0 : i32
        %dma_wait3A_233 = tpu.memref_slice %arg6[%arg0, %dma_wait3A_231, %dma_wait3A_232] : memref<2x10000x128xf32, #tpu.memory_space<hbm>> -> memref<1x632x128xf32, #tpu.memory_space<hbm>>
        %dma_wait3A_234 = tpu.memref_squeeze %dma_wait3A_233 : memref<1x632x128xf32, #tpu.memory_space<hbm>> -> memref<632x128xf32, #tpu.memory_space<hbm>>
        %dma_wait3A_235 = arith.constant 3792 : i32
        %dma_wait3A_236 = arith.constant 0 : i32
        %dma_wait3A_237 = tpu.memref_slice %arg7[%dma_wait3A_235, %dma_wait3A_236] : memref<10000x128xf32, #tpu.memory_space<vmem_shared>> -> memref<632x128xf32, #tpu.memory_space<vmem_shared>>
        tpu.wait_dma2 semaphore(%run_scoped3A : memref<!tpu.dma_semaphore, #tpu.memory_space<semaphore_mem>>) src(%dma_wait3A_237 : memref<632x128xf32, #tpu.memory_space<vmem_shared>>) dst(%dma_wait3A_234 : memref<632x128xf32, #tpu.memory_space<hbm>>)
        tpu.yield
      }) : () -> ()
    } else {
    }
    %eq3A_179 = arith.constant 7 : i32
    %eq3A_180 = arith.cmpi eq, %arg1, %eq3A_179 : i32
    %convert_element_type3A_181 = arith.extui %eq3A_180 : i1 to i32
    %cond3A_182 = arith.constant 0 : i32
    %cond3A_183 = arith.cmpi ne, %convert_element_type3A_181, %cond3A_182 : i32
    scf.if %cond3A_183 {
      "tpu.region"() ({
        %run_scoped3A = tpu.sem_alloc : memref<!tpu.dma_semaphore, #tpu.memory_space<semaphore_mem>>
        %dma_start3A_224 = arith.constant 4424 : i32
        %dma_start3A_225 = arith.constant 0 : i32
        %dma_start3A_226 = tpu.memref_slice %arg6[%arg0, %dma_start3A_224, %dma_start3A_225] : memref<2x10000x128xf32, #tpu.memory_space<hbm>> -> memref<1x632x128xf32, #tpu.memory_space<hbm>>
        %dma_start3A_227 = tpu.memref_squeeze %dma_start3A_226 : memref<1x632x128xf32, #tpu.memory_space<hbm>> -> memref<632x128xf32, #tpu.memory_space<hbm>>
        %dma_start3A_228 = arith.constant 4424 : i32
        %dma_start3A_229 = arith.constant 0 : i32
        %dma_start3A_230 = tpu.memref_slice %arg7[%dma_start3A_228, %dma_start3A_229] : memref<10000x128xf32, #tpu.memory_space<vmem_shared>> -> memref<632x128xf32, #tpu.memory_space<vmem_shared>>
        tpu.enqueue_dma source(%dma_start3A_230 : memref<632x128xf32, #tpu.memory_space<vmem_shared>>) target(%dma_start3A_227 : memref<632x128xf32, #tpu.memory_space<hbm>>) target_semaphore(%run_scoped3A : memref<!tpu.dma_semaphore, #tpu.memory_space<semaphore_mem>>)
        %dma_wait3A_231 = arith.constant 4424 : i32
        %dma_wait3A_232 = arith.constant 0 : i32
        %dma_wait3A_233 = tpu.memref_slice %arg6[%arg0, %dma_wait3A_231, %dma_wait3A_232] : memref<2x10000x128xf32, #tpu.memory_space<hbm>> -> memref<1x632x128xf32, #tpu.memory_space<hbm>>
        %dma_wait3A_234 = tpu.memref_squeeze %dma_wait3A_233 : memref<1x632x128xf32, #tpu.memory_space<hbm>> -> memref<632x128xf32, #tpu.memory_space<hbm>>
        %dma_wait3A_235 = arith.constant 4424 : i32
        %dma_wait3A_236 = arith.constant 0 : i32
        %dma_wait3A_237 = tpu.memref_slice %arg7[%dma_wait3A_235, %dma_wait3A_236] : memref<10000x128xf32, #tpu.memory_space<vmem_shared>> -> memref<632x128xf32, #tpu.memory_space<vmem_shared>>
        tpu.wait_dma2 semaphore(%run_scoped3A : memref<!tpu.dma_semaphore, #tpu.memory_space<semaphore_mem>>) src(%dma_wait3A_237 : memref<632x128xf32, #tpu.memory_space<vmem_shared>>) dst(%dma_wait3A_234 : memref<632x128xf32, #tpu.memory_space<hbm>>)
        tpu.yield
      }) : () -> ()
    } else {
    }
    %eq3A_184 = arith.constant 8 : i32
    %eq3A_185 = arith.cmpi eq, %arg1, %eq3A_184 : i32
    %convert_element_type3A_186 = arith.extui %eq3A_185 : i1 to i32
    %cond3A_187 = arith.constant 0 : i32
    %cond3A_188 = arith.cmpi ne, %convert_element_type3A_186, %cond3A_187 : i32
    scf.if %cond3A_188 {
      "tpu.region"() ({
        %run_scoped3A = tpu.sem_alloc : memref<!tpu.dma_semaphore, #tpu.memory_space<semaphore_mem>>
        %dma_start3A_224 = arith.constant 5056 : i32
        %dma_start3A_225 = arith.constant 0 : i32
        %dma_start3A_226 = tpu.memref_slice %arg6[%arg0, %dma_start3A_224, %dma_start3A_225] : memref<2x10000x128xf32, #tpu.memory_space<hbm>> -> memref<1x632x128xf32, #tpu.memory_space<hbm>>
        %dma_start3A_227 = tpu.memref_squeeze %dma_start3A_226 : memref<1x632x128xf32, #tpu.memory_space<hbm>> -> memref<632x128xf32, #tpu.memory_space<hbm>>
        %dma_start3A_228 = arith.constant 5056 : i32
        %dma_start3A_229 = arith.constant 0 : i32
        %dma_start3A_230 = tpu.memref_slice %arg7[%dma_start3A_228, %dma_start3A_229] : memref<10000x128xf32, #tpu.memory_space<vmem_shared>> -> memref<632x128xf32, #tpu.memory_space<vmem_shared>>
        tpu.enqueue_dma source(%dma_start3A_230 : memref<632x128xf32, #tpu.memory_space<vmem_shared>>) target(%dma_start3A_227 : memref<632x128xf32, #tpu.memory_space<hbm>>) target_semaphore(%run_scoped3A : memref<!tpu.dma_semaphore, #tpu.memory_space<semaphore_mem>>)
        %dma_wait3A_231 = arith.constant 5056 : i32
        %dma_wait3A_232 = arith.constant 0 : i32
        %dma_wait3A_233 = tpu.memref_slice %arg6[%arg0, %dma_wait3A_231, %dma_wait3A_232] : memref<2x10000x128xf32, #tpu.memory_space<hbm>> -> memref<1x632x128xf32, #tpu.memory_space<hbm>>
        %dma_wait3A_234 = tpu.memref_squeeze %dma_wait3A_233 : memref<1x632x128xf32, #tpu.memory_space<hbm>> -> memref<632x128xf32, #tpu.memory_space<hbm>>
        %dma_wait3A_235 = arith.constant 5056 : i32
        %dma_wait3A_236 = arith.constant 0 : i32
        %dma_wait3A_237 = tpu.memref_slice %arg7[%dma_wait3A_235, %dma_wait3A_236] : memref<10000x128xf32, #tpu.memory_space<vmem_shared>> -> memref<632x128xf32, #tpu.memory_space<vmem_shared>>
        tpu.wait_dma2 semaphore(%run_scoped3A : memref<!tpu.dma_semaphore, #tpu.memory_space<semaphore_mem>>) src(%dma_wait3A_237 : memref<632x128xf32, #tpu.memory_space<vmem_shared>>) dst(%dma_wait3A_234 : memref<632x128xf32, #tpu.memory_space<hbm>>)
        tpu.yield
      }) : () -> ()
    } else {
    }
    %eq3A_189 = arith.constant 9 : i32
    %eq3A_190 = arith.cmpi eq, %arg1, %eq3A_189 : i32
    %convert_element_type3A_191 = arith.extui %eq3A_190 : i1 to i32
    %cond3A_192 = arith.constant 0 : i32
    %cond3A_193 = arith.cmpi ne, %convert_element_type3A_191, %cond3A_192 : i32
    scf.if %cond3A_193 {
      "tpu.region"() ({
        %run_scoped3A = tpu.sem_alloc : memref<!tpu.dma_semaphore, #tpu.memory_space<semaphore_mem>>
        %dma_start3A_224 = arith.constant 5688 : i32
        %dma_start3A_225 = arith.constant 0 : i32
        %dma_start3A_226 = tpu.memref_slice %arg6[%arg0, %dma_start3A_224, %dma_start3A_225] : memref<2x10000x128xf32, #tpu.memory_space<hbm>> -> memref<1x632x128xf32, #tpu.memory_space<hbm>>
        %dma_start3A_227 = tpu.memref_squeeze %dma_start3A_226 : memref<1x632x128xf32, #tpu.memory_space<hbm>> -> memref<632x128xf32, #tpu.memory_space<hbm>>
        %dma_start3A_228 = arith.constant 5688 : i32
        %dma_start3A_229 = arith.constant 0 : i32
        %dma_start3A_230 = tpu.memref_slice %arg7[%dma_start3A_228, %dma_start3A_229] : memref<10000x128xf32, #tpu.memory_space<vmem_shared>> -> memref<632x128xf32, #tpu.memory_space<vmem_shared>>
        tpu.enqueue_dma source(%dma_start3A_230 : memref<632x128xf32, #tpu.memory_space<vmem_shared>>) target(%dma_start3A_227 : memref<632x128xf32, #tpu.memory_space<hbm>>) target_semaphore(%run_scoped3A : memref<!tpu.dma_semaphore, #tpu.memory_space<semaphore_mem>>)
        %dma_wait3A_231 = arith.constant 5688 : i32
        %dma_wait3A_232 = arith.constant 0 : i32
        %dma_wait3A_233 = tpu.memref_slice %arg6[%arg0, %dma_wait3A_231, %dma_wait3A_232] : memref<2x10000x128xf32, #tpu.memory_space<hbm>> -> memref<1x632x128xf32, #tpu.memory_space<hbm>>
        %dma_wait3A_234 = tpu.memref_squeeze %dma_wait3A_233 : memref<1x632x128xf32, #tpu.memory_space<hbm>> -> memref<632x128xf32, #tpu.memory_space<hbm>>
        %dma_wait3A_235 = arith.constant 5688 : i32
        %dma_wait3A_236 = arith.constant 0 : i32
        %dma_wait3A_237 = tpu.memref_slice %arg7[%dma_wait3A_235, %dma_wait3A_236] : memref<10000x128xf32, #tpu.memory_space<vmem_shared>> -> memref<632x128xf32, #tpu.memory_space<vmem_shared>>
        tpu.wait_dma2 semaphore(%run_scoped3A : memref<!tpu.dma_semaphore, #tpu.memory_space<semaphore_mem>>) src(%dma_wait3A_237 : memref<632x128xf32, #tpu.memory_space<vmem_shared>>) dst(%dma_wait3A_234 : memref<632x128xf32, #tpu.memory_space<hbm>>)
        tpu.yield
      }) : () -> ()
    } else {
    }
    %eq3A_194 = arith.constant 10 : i32
    %eq3A_195 = arith.cmpi eq, %arg1, %eq3A_194 : i32
    %convert_element_type3A_196 = arith.extui %eq3A_195 : i1 to i32
    %cond3A_197 = arith.constant 0 : i32
    %cond3A_198 = arith.cmpi ne, %convert_element_type3A_196, %cond3A_197 : i32
    scf.if %cond3A_198 {
      "tpu.region"() ({
        %run_scoped3A = tpu.sem_alloc : memref<!tpu.dma_semaphore, #tpu.memory_space<semaphore_mem>>
        %dma_start3A_224 = arith.constant 6320 : i32
        %dma_start3A_225 = arith.constant 0 : i32
        %dma_start3A_226 = tpu.memref_slice %arg6[%arg0, %dma_start3A_224, %dma_start3A_225] : memref<2x10000x128xf32, #tpu.memory_space<hbm>> -> memref<1x632x128xf32, #tpu.memory_space<hbm>>
        %dma_start3A_227 = tpu.memref_squeeze %dma_start3A_226 : memref<1x632x128xf32, #tpu.memory_space<hbm>> -> memref<632x128xf32, #tpu.memory_space<hbm>>
        %dma_start3A_228 = arith.constant 6320 : i32
        %dma_start3A_229 = arith.constant 0 : i32
        %dma_start3A_230 = tpu.memref_slice %arg7[%dma_start3A_228, %dma_start3A_229] : memref<10000x128xf32, #tpu.memory_space<vmem_shared>> -> memref<632x128xf32, #tpu.memory_space<vmem_shared>>
        tpu.enqueue_dma source(%dma_start3A_230 : memref<632x128xf32, #tpu.memory_space<vmem_shared>>) target(%dma_start3A_227 : memref<632x128xf32, #tpu.memory_space<hbm>>) target_semaphore(%run_scoped3A : memref<!tpu.dma_semaphore, #tpu.memory_space<semaphore_mem>>)
        %dma_wait3A_231 = arith.constant 6320 : i32
        %dma_wait3A_232 = arith.constant 0 : i32
        %dma_wait3A_233 = tpu.memref_slice %arg6[%arg0, %dma_wait3A_231, %dma_wait3A_232] : memref<2x10000x128xf32, #tpu.memory_space<hbm>> -> memref<1x632x128xf32, #tpu.memory_space<hbm>>
        %dma_wait3A_234 = tpu.memref_squeeze %dma_wait3A_233 : memref<1x632x128xf32, #tpu.memory_space<hbm>> -> memref<632x128xf32, #tpu.memory_space<hbm>>
        %dma_wait3A_235 = arith.constant 6320 : i32
        %dma_wait3A_236 = arith.constant 0 : i32
        %dma_wait3A_237 = tpu.memref_slice %arg7[%dma_wait3A_235, %dma_wait3A_236] : memref<10000x128xf32, #tpu.memory_space<vmem_shared>> -> memref<632x128xf32, #tpu.memory_space<vmem_shared>>
        tpu.wait_dma2 semaphore(%run_scoped3A : memref<!tpu.dma_semaphore, #tpu.memory_space<semaphore_mem>>) src(%dma_wait3A_237 : memref<632x128xf32, #tpu.memory_space<vmem_shared>>) dst(%dma_wait3A_234 : memref<632x128xf32, #tpu.memory_space<hbm>>)
        tpu.yield
      }) : () -> ()
    } else {
    }
    %eq3A_199 = arith.constant 11 : i32
    %eq3A_200 = arith.cmpi eq, %arg1, %eq3A_199 : i32
    %convert_element_type3A_201 = arith.extui %eq3A_200 : i1 to i32
    %cond3A_202 = arith.constant 0 : i32
    %cond3A_203 = arith.cmpi ne, %convert_element_type3A_201, %cond3A_202 : i32
    scf.if %cond3A_203 {
      "tpu.region"() ({
        %run_scoped3A = tpu.sem_alloc : memref<!tpu.dma_semaphore, #tpu.memory_space<semaphore_mem>>
        %dma_start3A_224 = arith.constant 6952 : i32
        %dma_start3A_225 = arith.constant 0 : i32
        %dma_start3A_226 = tpu.memref_slice %arg6[%arg0, %dma_start3A_224, %dma_start3A_225] : memref<2x10000x128xf32, #tpu.memory_space<hbm>> -> memref<1x632x128xf32, #tpu.memory_space<hbm>>
        %dma_start3A_227 = tpu.memref_squeeze %dma_start3A_226 : memref<1x632x128xf32, #tpu.memory_space<hbm>> -> memref<632x128xf32, #tpu.memory_space<hbm>>
        %dma_start3A_228 = arith.constant 6952 : i32
        %dma_start3A_229 = arith.constant 0 : i32
        %dma_start3A_230 = tpu.memref_slice %arg7[%dma_start3A_228, %dma_start3A_229] : memref<10000x128xf32, #tpu.memory_space<vmem_shared>> -> memref<632x128xf32, #tpu.memory_space<vmem_shared>>
        tpu.enqueue_dma source(%dma_start3A_230 : memref<632x128xf32, #tpu.memory_space<vmem_shared>>) target(%dma_start3A_227 : memref<632x128xf32, #tpu.memory_space<hbm>>) target_semaphore(%run_scoped3A : memref<!tpu.dma_semaphore, #tpu.memory_space<semaphore_mem>>)
        %dma_wait3A_231 = arith.constant 6952 : i32
        %dma_wait3A_232 = arith.constant 0 : i32
        %dma_wait3A_233 = tpu.memref_slice %arg6[%arg0, %dma_wait3A_231, %dma_wait3A_232] : memref<2x10000x128xf32, #tpu.memory_space<hbm>> -> memref<1x632x128xf32, #tpu.memory_space<hbm>>
        %dma_wait3A_234 = tpu.memref_squeeze %dma_wait3A_233 : memref<1x632x128xf32, #tpu.memory_space<hbm>> -> memref<632x128xf32, #tpu.memory_space<hbm>>
        %dma_wait3A_235 = arith.constant 6952 : i32
        %dma_wait3A_236 = arith.constant 0 : i32
        %dma_wait3A_237 = tpu.memref_slice %arg7[%dma_wait3A_235, %dma_wait3A_236] : memref<10000x128xf32, #tpu.memory_space<vmem_shared>> -> memref<632x128xf32, #tpu.memory_space<vmem_shared>>
        tpu.wait_dma2 semaphore(%run_scoped3A : memref<!tpu.dma_semaphore, #tpu.memory_space<semaphore_mem>>) src(%dma_wait3A_237 : memref<632x128xf32, #tpu.memory_space<vmem_shared>>) dst(%dma_wait3A_234 : memref<632x128xf32, #tpu.memory_space<hbm>>)
        tpu.yield
      }) : () -> ()
    } else {
    }
    %eq3A_204 = arith.constant 12 : i32
    %eq3A_205 = arith.cmpi eq, %arg1, %eq3A_204 : i32
    %convert_element_type3A_206 = arith.extui %eq3A_205 : i1 to i32
    %cond3A_207 = arith.constant 0 : i32
    %cond3A_208 = arith.cmpi ne, %convert_element_type3A_206, %cond3A_207 : i32
    scf.if %cond3A_208 {
      "tpu.region"() ({
        %run_scoped3A = tpu.sem_alloc : memref<!tpu.dma_semaphore, #tpu.memory_space<semaphore_mem>>
        %dma_start3A_224 = arith.constant 7584 : i32
        %dma_start3A_225 = arith.constant 0 : i32
        %dma_start3A_226 = tpu.memref_slice %arg6[%arg0, %dma_start3A_224, %dma_start3A_225] : memref<2x10000x128xf32, #tpu.memory_space<hbm>> -> memref<1x632x128xf32, #tpu.memory_space<hbm>>
        %dma_start3A_227 = tpu.memref_squeeze %dma_start3A_226 : memref<1x632x128xf32, #tpu.memory_space<hbm>> -> memref<632x128xf32, #tpu.memory_space<hbm>>
        %dma_start3A_228 = arith.constant 7584 : i32
        %dma_start3A_229 = arith.constant 0 : i32
        %dma_start3A_230 = tpu.memref_slice %arg7[%dma_start3A_228, %dma_start3A_229] : memref<10000x128xf32, #tpu.memory_space<vmem_shared>> -> memref<632x128xf32, #tpu.memory_space<vmem_shared>>
        tpu.enqueue_dma source(%dma_start3A_230 : memref<632x128xf32, #tpu.memory_space<vmem_shared>>) target(%dma_start3A_227 : memref<632x128xf32, #tpu.memory_space<hbm>>) target_semaphore(%run_scoped3A : memref<!tpu.dma_semaphore, #tpu.memory_space<semaphore_mem>>)
        %dma_wait3A_231 = arith.constant 7584 : i32
        %dma_wait3A_232 = arith.constant 0 : i32
        %dma_wait3A_233 = tpu.memref_slice %arg6[%arg0, %dma_wait3A_231, %dma_wait3A_232] : memref<2x10000x128xf32, #tpu.memory_space<hbm>> -> memref<1x632x128xf32, #tpu.memory_space<hbm>>
        %dma_wait3A_234 = tpu.memref_squeeze %dma_wait3A_233 : memref<1x632x128xf32, #tpu.memory_space<hbm>> -> memref<632x128xf32, #tpu.memory_space<hbm>>
        %dma_wait3A_235 = arith.constant 7584 : i32
        %dma_wait3A_236 = arith.constant 0 : i32
        %dma_wait3A_237 = tpu.memref_slice %arg7[%dma_wait3A_235, %dma_wait3A_236] : memref<10000x128xf32, #tpu.memory_space<vmem_shared>> -> memref<632x128xf32, #tpu.memory_space<vmem_shared>>
        tpu.wait_dma2 semaphore(%run_scoped3A : memref<!tpu.dma_semaphore, #tpu.memory_space<semaphore_mem>>) src(%dma_wait3A_237 : memref<632x128xf32, #tpu.memory_space<vmem_shared>>) dst(%dma_wait3A_234 : memref<632x128xf32, #tpu.memory_space<hbm>>)
        tpu.yield
      }) : () -> ()
    } else {
    }
    %eq3A_209 = arith.constant 13 : i32
    %eq3A_210 = arith.cmpi eq, %arg1, %eq3A_209 : i32
    %convert_element_type3A_211 = arith.extui %eq3A_210 : i1 to i32
    %cond3A_212 = arith.constant 0 : i32
    %cond3A_213 = arith.cmpi ne, %convert_element_type3A_211, %cond3A_212 : i32
    scf.if %cond3A_213 {
      "tpu.region"() ({
        %run_scoped3A = tpu.sem_alloc : memref<!tpu.dma_semaphore, #tpu.memory_space<semaphore_mem>>
        %dma_start3A_224 = arith.constant 8216 : i32
        %dma_start3A_225 = arith.constant 0 : i32
        %dma_start3A_226 = tpu.memref_slice %arg6[%arg0, %dma_start3A_224, %dma_start3A_225] : memref<2x10000x128xf32, #tpu.memory_space<hbm>> -> memref<1x632x128xf32, #tpu.memory_space<hbm>>
        %dma_start3A_227 = tpu.memref_squeeze %dma_start3A_226 : memref<1x632x128xf32, #tpu.memory_space<hbm>> -> memref<632x128xf32, #tpu.memory_space<hbm>>
        %dma_start3A_228 = arith.constant 8216 : i32
        %dma_start3A_229 = arith.constant 0 : i32
        %dma_start3A_230 = tpu.memref_slice %arg7[%dma_start3A_228, %dma_start3A_229] : memref<10000x128xf32, #tpu.memory_space<vmem_shared>> -> memref<632x128xf32, #tpu.memory_space<vmem_shared>>
        tpu.enqueue_dma source(%dma_start3A_230 : memref<632x128xf32, #tpu.memory_space<vmem_shared>>) target(%dma_start3A_227 : memref<632x128xf32, #tpu.memory_space<hbm>>) target_semaphore(%run_scoped3A : memref<!tpu.dma_semaphore, #tpu.memory_space<semaphore_mem>>)
        %dma_wait3A_231 = arith.constant 8216 : i32
        %dma_wait3A_232 = arith.constant 0 : i32
        %dma_wait3A_233 = tpu.memref_slice %arg6[%arg0, %dma_wait3A_231, %dma_wait3A_232] : memref<2x10000x128xf32, #tpu.memory_space<hbm>> -> memref<1x632x128xf32, #tpu.memory_space<hbm>>
        %dma_wait3A_234 = tpu.memref_squeeze %dma_wait3A_233 : memref<1x632x128xf32, #tpu.memory_space<hbm>> -> memref<632x128xf32, #tpu.memory_space<hbm>>
        %dma_wait3A_235 = arith.constant 8216 : i32
        %dma_wait3A_236 = arith.constant 0 : i32
        %dma_wait3A_237 = tpu.memref_slice %arg7[%dma_wait3A_235, %dma_wait3A_236] : memref<10000x128xf32, #tpu.memory_space<vmem_shared>> -> memref<632x128xf32, #tpu.memory_space<vmem_shared>>
        tpu.wait_dma2 semaphore(%run_scoped3A : memref<!tpu.dma_semaphore, #tpu.memory_space<semaphore_mem>>) src(%dma_wait3A_237 : memref<632x128xf32, #tpu.memory_space<vmem_shared>>) dst(%dma_wait3A_234 : memref<632x128xf32, #tpu.memory_space<hbm>>)
        tpu.yield
      }) : () -> ()
    } else {
    }
    %eq3A_214 = arith.constant 14 : i32
    %eq3A_215 = arith.cmpi eq, %arg1, %eq3A_214 : i32
    %convert_element_type3A_216 = arith.extui %eq3A_215 : i1 to i32
    %cond3A_217 = arith.constant 0 : i32
    %cond3A_218 = arith.cmpi ne, %convert_element_type3A_216, %cond3A_217 : i32
    scf.if %cond3A_218 {
      "tpu.region"() ({
        %run_scoped3A = tpu.sem_alloc : memref<!tpu.dma_semaphore, #tpu.memory_space<semaphore_mem>>
        %dma_start3A_224 = arith.constant 8848 : i32
        %dma_start3A_225 = arith.constant 0 : i32
        %dma_start3A_226 = tpu.memref_slice %arg6[%arg0, %dma_start3A_224, %dma_start3A_225] : memref<2x10000x128xf32, #tpu.memory_space<hbm>> -> memref<1x632x128xf32, #tpu.memory_space<hbm>>
        %dma_start3A_227 = tpu.memref_squeeze %dma_start3A_226 : memref<1x632x128xf32, #tpu.memory_space<hbm>> -> memref<632x128xf32, #tpu.memory_space<hbm>>
        %dma_start3A_228 = arith.constant 8848 : i32
        %dma_start3A_229 = arith.constant 0 : i32
        %dma_start3A_230 = tpu.memref_slice %arg7[%dma_start3A_228, %dma_start3A_229] : memref<10000x128xf32, #tpu.memory_space<vmem_shared>> -> memref<632x128xf32, #tpu.memory_space<vmem_shared>>
        tpu.enqueue_dma source(%dma_start3A_230 : memref<632x128xf32, #tpu.memory_space<vmem_shared>>) target(%dma_start3A_227 : memref<632x128xf32, #tpu.memory_space<hbm>>) target_semaphore(%run_scoped3A : memref<!tpu.dma_semaphore, #tpu.memory_space<semaphore_mem>>)
        %dma_wait3A_231 = arith.constant 8848 : i32
        %dma_wait3A_232 = arith.constant 0 : i32
        %dma_wait3A_233 = tpu.memref_slice %arg6[%arg0, %dma_wait3A_231, %dma_wait3A_232] : memref<2x10000x128xf32, #tpu.memory_space<hbm>> -> memref<1x632x128xf32, #tpu.memory_space<hbm>>
        %dma_wait3A_234 = tpu.memref_squeeze %dma_wait3A_233 : memref<1x632x128xf32, #tpu.memory_space<hbm>> -> memref<632x128xf32, #tpu.memory_space<hbm>>
        %dma_wait3A_235 = arith.constant 8848 : i32
        %dma_wait3A_236 = arith.constant 0 : i32
        %dma_wait3A_237 = tpu.memref_slice %arg7[%dma_wait3A_235, %dma_wait3A_236] : memref<10000x128xf32, #tpu.memory_space<vmem_shared>> -> memref<632x128xf32, #tpu.memory_space<vmem_shared>>
        tpu.wait_dma2 semaphore(%run_scoped3A : memref<!tpu.dma_semaphore, #tpu.memory_space<semaphore_mem>>) src(%dma_wait3A_237 : memref<632x128xf32, #tpu.memory_space<vmem_shared>>) dst(%dma_wait3A_234 : memref<632x128xf32, #tpu.memory_space<hbm>>)
        tpu.yield
      }) : () -> ()
    } else {
    }
    %eq3A_219 = arith.constant 15 : i32
    %eq3A_220 = arith.cmpi eq, %arg1, %eq3A_219 : i32
    %convert_element_type3A_221 = arith.extui %eq3A_220 : i1 to i32
    %cond3A_222 = arith.constant 0 : i32
    %cond3A_223 = arith.cmpi ne, %convert_element_type3A_221, %cond3A_222 : i32
    scf.if %cond3A_223 {
      "tpu.region"() ({
        %run_scoped3A = tpu.sem_alloc : memref<!tpu.dma_semaphore, #tpu.memory_space<semaphore_mem>>
        %dma_start3A_224 = arith.constant 9480 : i32
        %dma_start3A_225 = arith.constant 0 : i32
        %dma_start3A_226 = tpu.memref_slice %arg6[%arg0, %dma_start3A_224, %dma_start3A_225] : memref<2x10000x128xf32, #tpu.memory_space<hbm>> -> memref<1x520x128xf32, #tpu.memory_space<hbm>>
        %dma_start3A_227 = tpu.memref_squeeze %dma_start3A_226 : memref<1x520x128xf32, #tpu.memory_space<hbm>> -> memref<520x128xf32, #tpu.memory_space<hbm>>
        %dma_start3A_228 = arith.constant 9480 : i32
        %dma_start3A_229 = arith.constant 0 : i32
        %dma_start3A_230 = tpu.memref_slice %arg7[%dma_start3A_228, %dma_start3A_229] : memref<10000x128xf32, #tpu.memory_space<vmem_shared>> -> memref<520x128xf32, #tpu.memory_space<vmem_shared>>
        tpu.enqueue_dma source(%dma_start3A_230 : memref<520x128xf32, #tpu.memory_space<vmem_shared>>) target(%dma_start3A_227 : memref<520x128xf32, #tpu.memory_space<hbm>>) target_semaphore(%run_scoped3A : memref<!tpu.dma_semaphore, #tpu.memory_space<semaphore_mem>>)
        %dma_wait3A_231 = arith.constant 9480 : i32
        %dma_wait3A_232 = arith.constant 0 : i32
        %dma_wait3A_233 = tpu.memref_slice %arg6[%arg0, %dma_wait3A_231, %dma_wait3A_232] : memref<2x10000x128xf32, #tpu.memory_space<hbm>> -> memref<1x520x128xf32, #tpu.memory_space<hbm>>
        %dma_wait3A_234 = tpu.memref_squeeze %dma_wait3A_233 : memref<1x520x128xf32, #tpu.memory_space<hbm>> -> memref<520x128xf32, #tpu.memory_space<hbm>>
        %dma_wait3A_235 = arith.constant 9480 : i32
        %dma_wait3A_236 = arith.constant 0 : i32
        %dma_wait3A_237 = tpu.memref_slice %arg7[%dma_wait3A_235, %dma_wait3A_236] : memref<10000x128xf32, #tpu.memory_space<vmem_shared>> -> memref<520x128xf32, #tpu.memory_space<vmem_shared>>
        tpu.wait_dma2 semaphore(%run_scoped3A : memref<!tpu.dma_semaphore, #tpu.memory_space<semaphore_mem>>) src(%dma_wait3A_237 : memref<520x128xf32, #tpu.memory_space<vmem_shared>>) dst(%dma_wait3A_234 : memref<520x128xf32, #tpu.memory_space<hbm>>)
        tpu.yield
      }) : () -> ()
    } else {
    }
    return
  }
}

#map = affine_map<(d0, d1) -> (0, 0)>
#map1 = affine_map<(d0, d1) -> (0)>
#map2 = affine_map<(d0, d1) -> (0, 0, 0)>
module attributes {stable_mosaic.version = 14 : i64} {
  func.func @agg_kernel(%arg0: i32, %arg1: i32, %arg2: memref<10000x128xf32, #tpu.memory_space<hbm>>, %arg3: memref<320000xi32, #tpu.memory_space<hbm>>, %arg4: memref<320000xi32, #tpu.memory_space<hbm>>, %arg5: memref<10000x128xf32, #tpu.memory_space<hbm>>, %arg6: memref<2x10000x128xf32, #tpu.memory_space<hbm>>, %arg7: memref<10000x128xf32, #tpu.memory_space<vmem_shared>>, %arg8: memref<64xi32, #tpu.memory_space<vmem>>, %arg9: memref<64xi32, #tpu.memory_space<vmem>>, %arg10: memref<64xi32, #tpu.memory_space<vmem>>, %arg11: memref<64xi32, #tpu.memory_space<vmem>>, %arg12: memref<64xi32, #tpu.memory_space<vmem>>, %arg13: memref<64xi32, #tpu.memory_space<vmem>>, %arg14: memref<64xi32, #tpu.memory_space<vmem>>, %arg15: memref<64xi32, #tpu.memory_space<vmem>>, %arg16: memref<64x128xf32, #tpu.memory_space<vmem>>, %arg17: memref<64x128xf32, #tpu.memory_space<vmem>>, %arg18: memref<64x128xf32, #tpu.memory_space<vmem>>, %arg19: memref<64x128xf32, #tpu.memory_space<vmem>>, %arg20: memref<!tpu.dma_semaphore, #tpu.memory_space<semaphore_mem>>, %arg21: memref<!tpu.dma_semaphore, #tpu.memory_space<semaphore_mem>>, %arg22: memref<!tpu.dma_semaphore, #tpu.memory_space<semaphore_mem>>, %arg23: memref<!tpu.dma_semaphore, #tpu.memory_space<semaphore_mem>>, %arg24: memref<!tpu.dma_semaphore, #tpu.memory_space<semaphore_mem>>, %arg25: memref<!tpu.dma_semaphore, #tpu.memory_space<semaphore_mem>>, %arg26: memref<!tpu.dma_semaphore, #tpu.memory_space<semaphore_mem>>, %arg27: memref<!tpu.dma_semaphore, #tpu.memory_space<semaphore_mem>>, %arg28: memref<!tpu.dma_semaphore, #tpu.memory_space<semaphore_mem>>, %arg29: memref<!tpu.dma_semaphore, #tpu.memory_space<semaphore_mem>>, %arg30: memref<!tpu.dma_semaphore, #tpu.memory_space<semaphore_mem>>, %arg31: memref<!tpu.dma_semaphore, #tpu.memory_space<semaphore_mem>>, %arg32: memref<16xi32, #tpu.memory_space<vmem>>, %arg33: memref<16xi32, #tpu.memory_space<vmem>>, %arg34: memref<16x128xf32, #tpu.memory_space<vmem>>) attributes {dimension_semantics = [#tpu.dimension_semantics<core_parallel>, #tpu.dimension_semantics<subcore_parallel>], iteration_bounds = array<i64: 2, 16>, scalar_prefetch = 0 : i64, scratch_operands = 28 : i64, tpu.core_type = #tpu.core_type<sc_vector_subcore>, window_params = [{transform_indices = #map}, {transform_indices = #map1}, {transform_indices = #map1}, {transform_indices = #map}, {transform_indices = #map2}]} {
    %mul3A = arith.constant 16 : i32
    %mul3A_0 = arith.muli %arg0, %mul3A : i32
    %add3A = arith.addi %mul3A_0, %arg1 : i32
    %mul3A_1 = arith.constant 10000 : i32
    %mul3A_2 = arith.muli %add3A, %mul3A_1 : i32
    %eq3A = arith.constant 0 : i32
    %eq3A_3 = arith.cmpi eq, %arg1, %eq3A : i32
    %convert_element_type3A = arith.extui %eq3A_3 : i1 to i32
    %cond3A = arith.constant 0 : i32
    %cond3A_4 = arith.cmpi ne, %convert_element_type3A, %cond3A : i32
    scf.if %cond3A_4 {
      "tpu.region"() ({
        %run_scoped3A = tpu.sem_alloc : memref<!tpu.dma_semaphore, #tpu.memory_space<semaphore_mem>>
        %dma_start3A_224 = arith.constant 0 : i32
        %dma_start3A_225 = arith.constant 0 : i32
        %dma_start3A_226 = tpu.memref_slice %arg7[%dma_start3A_224, %dma_start3A_225] : memref<10000x128xf32, #tpu.memory_space<vmem_shared>> -> memref<632x128xf32, #tpu.memory_space<vmem_shared>>
        %dma_start3A_227 = arith.constant 0 : i32
        %dma_start3A_228 = arith.constant 0 : i32
        %dma_start3A_229 = tpu.memref_slice %arg5[%dma_start3A_227, %dma_start3A_228] : memref<10000x128xf32, #tpu.memory_space<hbm>> -> memref<632x128xf32, #tpu.memory_space<hbm>>
        tpu.enqueue_dma source(%dma_start3A_229 : memref<632x128xf32, #tpu.memory_space<hbm>>) target(%dma_start3A_226 : memref<632x128xf32, #tpu.memory_space<vmem_shared>>) target_semaphore(%run_scoped3A : memref<!tpu.dma_semaphore, #tpu.memory_space<semaphore_mem>>)
        %dma_wait3A_230 = arith.constant 0 : i32
        %dma_wait3A_231 = arith.constant 0 : i32
        %dma_wait3A_232 = tpu.memref_slice %arg7[%dma_wait3A_230, %dma_wait3A_231] : memref<10000x128xf32, #tpu.memory_space<vmem_shared>> -> memref<632x128xf32, #tpu.memory_space<vmem_shared>>
        %dma_wait3A_233 = arith.constant 0 : i32
        %dma_wait3A_234 = arith.constant 0 : i32
        %dma_wait3A_235 = tpu.memref_slice %arg5[%dma_wait3A_233, %dma_wait3A_234] : memref<10000x128xf32, #tpu.memory_space<hbm>> -> memref<632x128xf32, #tpu.memory_space<hbm>>
        tpu.wait_dma2 semaphore(%run_scoped3A : memref<!tpu.dma_semaphore, #tpu.memory_space<semaphore_mem>>) src(%dma_wait3A_235 : memref<632x128xf32, #tpu.memory_space<hbm>>) dst(%dma_wait3A_232 : memref<632x128xf32, #tpu.memory_space<vmem_shared>>)
        tpu.yield
      }) : () -> ()
    } else {
    }
    %eq3A_5 = arith.constant 1 : i32
    %eq3A_6 = arith.cmpi eq, %arg1, %eq3A_5 : i32
    %convert_element_type3A_7 = arith.extui %eq3A_6 : i1 to i32
    %cond3A_8 = arith.constant 0 : i32
    %cond3A_9 = arith.cmpi ne, %convert_element_type3A_7, %cond3A_8 : i32
    scf.if %cond3A_9 {
      "tpu.region"() ({
        %run_scoped3A = tpu.sem_alloc : memref<!tpu.dma_semaphore, #tpu.memory_space<semaphore_mem>>
        %dma_start3A_224 = arith.constant 632 : i32
        %dma_start3A_225 = arith.constant 0 : i32
        %dma_start3A_226 = tpu.memref_slice %arg7[%dma_start3A_224, %dma_start3A_225] : memref<10000x128xf32, #tpu.memory_space<vmem_shared>> -> memref<632x128xf32, #tpu.memory_space<vmem_shared>>
        %dma_start3A_227 = arith.constant 0 : i32
        %dma_start3A_228 = arith.constant 0 : i32
        %dma_start3A_229 = tpu.memref_slice %arg5[%dma_start3A_227, %dma_start3A_228] : memref<10000x128xf32, #tpu.memory_space<hbm>> -> memref<632x128xf32, #tpu.memory_space<hbm>>
        tpu.enqueue_dma source(%dma_start3A_229 : memref<632x128xf32, #tpu.memory_space<hbm>>) target(%dma_start3A_226 : memref<632x128xf32, #tpu.memory_space<vmem_shared>>) target_semaphore(%run_scoped3A : memref<!tpu.dma_semaphore, #tpu.memory_space<semaphore_mem>>)
        %dma_wait3A_230 = arith.constant 632 : i32
        %dma_wait3A_231 = arith.constant 0 : i32
        %dma_wait3A_232 = tpu.memref_slice %arg7[%dma_wait3A_230, %dma_wait3A_231] : memref<10000x128xf32, #tpu.memory_space<vmem_shared>> -> memref<632x128xf32, #tpu.memory_space<vmem_shared>>
        %dma_wait3A_233 = arith.constant 0 : i32
        %dma_wait3A_234 = arith.constant 0 : i32
        %dma_wait3A_235 = tpu.memref_slice %arg5[%dma_wait3A_233, %dma_wait3A_234] : memref<10000x128xf32, #tpu.memory_space<hbm>> -> memref<632x128xf32, #tpu.memory_space<hbm>>
        tpu.wait_dma2 semaphore(%run_scoped3A : memref<!tpu.dma_semaphore, #tpu.memory_space<semaphore_mem>>) src(%dma_wait3A_235 : memref<632x128xf32, #tpu.memory_space<hbm>>) dst(%dma_wait3A_232 : memref<632x128xf32, #tpu.memory_space<vmem_shared>>)
        tpu.yield
      }) : () -> ()
    } else {
    }
    %eq3A_10 = arith.constant 2 : i32
    %eq3A_11 = arith.cmpi eq, %arg1, %eq3A_10 : i32
    %convert_element_type3A_12 = arith.extui %eq3A_11 : i1 to i32
    %cond3A_13 = arith.constant 0 : i32
    %cond3A_14 = arith.cmpi ne, %convert_element_type3A_12, %cond3A_13 : i32
    scf.if %cond3A_14 {
      "tpu.region"() ({
        %run_scoped3A = tpu.sem_alloc : memref<!tpu.dma_semaphore, #tpu.memory_space<semaphore_mem>>
        %dma_start3A_224 = arith.constant 1264 : i32
        %dma_start3A_225 = arith.constant 0 : i32
        %dma_start3A_226 = tpu.memref_slice %arg7[%dma_start3A_224, %dma_start3A_225] : memref<10000x128xf32, #tpu.memory_space<vmem_shared>> -> memref<632x128xf32, #tpu.memory_space<vmem_shared>>
        %dma_start3A_227 = arith.constant 0 : i32
        %dma_start3A_228 = arith.constant 0 : i32
        %dma_start3A_229 = tpu.memref_slice %arg5[%dma_start3A_227, %dma_start3A_228] : memref<10000x128xf32, #tpu.memory_space<hbm>> -> memref<632x128xf32, #tpu.memory_space<hbm>>
        tpu.enqueue_dma source(%dma_start3A_229 : memref<632x128xf32, #tpu.memory_space<hbm>>) target(%dma_start3A_226 : memref<632x128xf32, #tpu.memory_space<vmem_shared>>) target_semaphore(%run_scoped3A : memref<!tpu.dma_semaphore, #tpu.memory_space<semaphore_mem>>)
        %dma_wait3A_230 = arith.constant 1264 : i32
        %dma_wait3A_231 = arith.constant 0 : i32
        %dma_wait3A_232 = tpu.memref_slice %arg7[%dma_wait3A_230, %dma_wait3A_231] : memref<10000x128xf32, #tpu.memory_space<vmem_shared>> -> memref<632x128xf32, #tpu.memory_space<vmem_shared>>
        %dma_wait3A_233 = arith.constant 0 : i32
        %dma_wait3A_234 = arith.constant 0 : i32
        %dma_wait3A_235 = tpu.memref_slice %arg5[%dma_wait3A_233, %dma_wait3A_234] : memref<10000x128xf32, #tpu.memory_space<hbm>> -> memref<632x128xf32, #tpu.memory_space<hbm>>
        tpu.wait_dma2 semaphore(%run_scoped3A : memref<!tpu.dma_semaphore, #tpu.memory_space<semaphore_mem>>) src(%dma_wait3A_235 : memref<632x128xf32, #tpu.memory_space<hbm>>) dst(%dma_wait3A_232 : memref<632x128xf32, #tpu.memory_space<vmem_shared>>)
        tpu.yield
      }) : () -> ()
    } else {
    }
    %eq3A_15 = arith.constant 3 : i32
    %eq3A_16 = arith.cmpi eq, %arg1, %eq3A_15 : i32
    %convert_element_type3A_17 = arith.extui %eq3A_16 : i1 to i32
    %cond3A_18 = arith.constant 0 : i32
    %cond3A_19 = arith.cmpi ne, %convert_element_type3A_17, %cond3A_18 : i32
    scf.if %cond3A_19 {
      "tpu.region"() ({
        %run_scoped3A = tpu.sem_alloc : memref<!tpu.dma_semaphore, #tpu.memory_space<semaphore_mem>>
        %dma_start3A_224 = arith.constant 1896 : i32
        %dma_start3A_225 = arith.constant 0 : i32
        %dma_start3A_226 = tpu.memref_slice %arg7[%dma_start3A_224, %dma_start3A_225] : memref<10000x128xf32, #tpu.memory_space<vmem_shared>> -> memref<632x128xf32, #tpu.memory_space<vmem_shared>>
        %dma_start3A_227 = arith.constant 0 : i32
        %dma_start3A_228 = arith.constant 0 : i32
        %dma_start3A_229 = tpu.memref_slice %arg5[%dma_start3A_227, %dma_start3A_228] : memref<10000x128xf32, #tpu.memory_space<hbm>> -> memref<632x128xf32, #tpu.memory_space<hbm>>
        tpu.enqueue_dma source(%dma_start3A_229 : memref<632x128xf32, #tpu.memory_space<hbm>>) target(%dma_start3A_226 : memref<632x128xf32, #tpu.memory_space<vmem_shared>>) target_semaphore(%run_scoped3A : memref<!tpu.dma_semaphore, #tpu.memory_space<semaphore_mem>>)
        %dma_wait3A_230 = arith.constant 1896 : i32
        %dma_wait3A_231 = arith.constant 0 : i32
        %dma_wait3A_232 = tpu.memref_slice %arg7[%dma_wait3A_230, %dma_wait3A_231] : memref<10000x128xf32, #tpu.memory_space<vmem_shared>> -> memref<632x128xf32, #tpu.memory_space<vmem_shared>>
        %dma_wait3A_233 = arith.constant 0 : i32
        %dma_wait3A_234 = arith.constant 0 : i32
        %dma_wait3A_235 = tpu.memref_slice %arg5[%dma_wait3A_233, %dma_wait3A_234] : memref<10000x128xf32, #tpu.memory_space<hbm>> -> memref<632x128xf32, #tpu.memory_space<hbm>>
        tpu.wait_dma2 semaphore(%run_scoped3A : memref<!tpu.dma_semaphore, #tpu.memory_space<semaphore_mem>>) src(%dma_wait3A_235 : memref<632x128xf32, #tpu.memory_space<hbm>>) dst(%dma_wait3A_232 : memref<632x128xf32, #tpu.memory_space<vmem_shared>>)
        tpu.yield
      }) : () -> ()
    } else {
    }
    %eq3A_20 = arith.constant 4 : i32
    %eq3A_21 = arith.cmpi eq, %arg1, %eq3A_20 : i32
    %convert_element_type3A_22 = arith.extui %eq3A_21 : i1 to i32
    %cond3A_23 = arith.constant 0 : i32
    %cond3A_24 = arith.cmpi ne, %convert_element_type3A_22, %cond3A_23 : i32
    scf.if %cond3A_24 {
      "tpu.region"() ({
        %run_scoped3A = tpu.sem_alloc : memref<!tpu.dma_semaphore, #tpu.memory_space<semaphore_mem>>
        %dma_start3A_224 = arith.constant 2528 : i32
        %dma_start3A_225 = arith.constant 0 : i32
        %dma_start3A_226 = tpu.memref_slice %arg7[%dma_start3A_224, %dma_start3A_225] : memref<10000x128xf32, #tpu.memory_space<vmem_shared>> -> memref<632x128xf32, #tpu.memory_space<vmem_shared>>
        %dma_start3A_227 = arith.constant 0 : i32
        %dma_start3A_228 = arith.constant 0 : i32
        %dma_start3A_229 = tpu.memref_slice %arg5[%dma_start3A_227, %dma_start3A_228] : memref<10000x128xf32, #tpu.memory_space<hbm>> -> memref<632x128xf32, #tpu.memory_space<hbm>>
        tpu.enqueue_dma source(%dma_start3A_229 : memref<632x128xf32, #tpu.memory_space<hbm>>) target(%dma_start3A_226 : memref<632x128xf32, #tpu.memory_space<vmem_shared>>) target_semaphore(%run_scoped3A : memref<!tpu.dma_semaphore, #tpu.memory_space<semaphore_mem>>)
        %dma_wait3A_230 = arith.constant 2528 : i32
        %dma_wait3A_231 = arith.constant 0 : i32
        %dma_wait3A_232 = tpu.memref_slice %arg7[%dma_wait3A_230, %dma_wait3A_231] : memref<10000x128xf32, #tpu.memory_space<vmem_shared>> -> memref<632x128xf32, #tpu.memory_space<vmem_shared>>
        %dma_wait3A_233 = arith.constant 0 : i32
        %dma_wait3A_234 = arith.constant 0 : i32
        %dma_wait3A_235 = tpu.memref_slice %arg5[%dma_wait3A_233, %dma_wait3A_234] : memref<10000x128xf32, #tpu.memory_space<hbm>> -> memref<632x128xf32, #tpu.memory_space<hbm>>
        tpu.wait_dma2 semaphore(%run_scoped3A : memref<!tpu.dma_semaphore, #tpu.memory_space<semaphore_mem>>) src(%dma_wait3A_235 : memref<632x128xf32, #tpu.memory_space<hbm>>) dst(%dma_wait3A_232 : memref<632x128xf32, #tpu.memory_space<vmem_shared>>)
        tpu.yield
      }) : () -> ()
    } else {
    }
    %eq3A_25 = arith.constant 5 : i32
    %eq3A_26 = arith.cmpi eq, %arg1, %eq3A_25 : i32
    %convert_element_type3A_27 = arith.extui %eq3A_26 : i1 to i32
    %cond3A_28 = arith.constant 0 : i32
    %cond3A_29 = arith.cmpi ne, %convert_element_type3A_27, %cond3A_28 : i32
    scf.if %cond3A_29 {
      "tpu.region"() ({
        %run_scoped3A = tpu.sem_alloc : memref<!tpu.dma_semaphore, #tpu.memory_space<semaphore_mem>>
        %dma_start3A_224 = arith.constant 3160 : i32
        %dma_start3A_225 = arith.constant 0 : i32
        %dma_start3A_226 = tpu.memref_slice %arg7[%dma_start3A_224, %dma_start3A_225] : memref<10000x128xf32, #tpu.memory_space<vmem_shared>> -> memref<632x128xf32, #tpu.memory_space<vmem_shared>>
        %dma_start3A_227 = arith.constant 0 : i32
        %dma_start3A_228 = arith.constant 0 : i32
        %dma_start3A_229 = tpu.memref_slice %arg5[%dma_start3A_227, %dma_start3A_228] : memref<10000x128xf32, #tpu.memory_space<hbm>> -> memref<632x128xf32, #tpu.memory_space<hbm>>
        tpu.enqueue_dma source(%dma_start3A_229 : memref<632x128xf32, #tpu.memory_space<hbm>>) target(%dma_start3A_226 : memref<632x128xf32, #tpu.memory_space<vmem_shared>>) target_semaphore(%run_scoped3A : memref<!tpu.dma_semaphore, #tpu.memory_space<semaphore_mem>>)
        %dma_wait3A_230 = arith.constant 3160 : i32
        %dma_wait3A_231 = arith.constant 0 : i32
        %dma_wait3A_232 = tpu.memref_slice %arg7[%dma_wait3A_230, %dma_wait3A_231] : memref<10000x128xf32, #tpu.memory_space<vmem_shared>> -> memref<632x128xf32, #tpu.memory_space<vmem_shared>>
        %dma_wait3A_233 = arith.constant 0 : i32
        %dma_wait3A_234 = arith.constant 0 : i32
        %dma_wait3A_235 = tpu.memref_slice %arg5[%dma_wait3A_233, %dma_wait3A_234] : memref<10000x128xf32, #tpu.memory_space<hbm>> -> memref<632x128xf32, #tpu.memory_space<hbm>>
        tpu.wait_dma2 semaphore(%run_scoped3A : memref<!tpu.dma_semaphore, #tpu.memory_space<semaphore_mem>>) src(%dma_wait3A_235 : memref<632x128xf32, #tpu.memory_space<hbm>>) dst(%dma_wait3A_232 : memref<632x128xf32, #tpu.memory_space<vmem_shared>>)
        tpu.yield
      }) : () -> ()
    } else {
    }
    %eq3A_30 = arith.constant 6 : i32
    %eq3A_31 = arith.cmpi eq, %arg1, %eq3A_30 : i32
    %convert_element_type3A_32 = arith.extui %eq3A_31 : i1 to i32
    %cond3A_33 = arith.constant 0 : i32
    %cond3A_34 = arith.cmpi ne, %convert_element_type3A_32, %cond3A_33 : i32
    scf.if %cond3A_34 {
      "tpu.region"() ({
        %run_scoped3A = tpu.sem_alloc : memref<!tpu.dma_semaphore, #tpu.memory_space<semaphore_mem>>
        %dma_start3A_224 = arith.constant 3792 : i32
        %dma_start3A_225 = arith.constant 0 : i32
        %dma_start3A_226 = tpu.memref_slice %arg7[%dma_start3A_224, %dma_start3A_225] : memref<10000x128xf32, #tpu.memory_space<vmem_shared>> -> memref<632x128xf32, #tpu.memory_space<vmem_shared>>
        %dma_start3A_227 = arith.constant 0 : i32
        %dma_start3A_228 = arith.constant 0 : i32
        %dma_start3A_229 = tpu.memref_slice %arg5[%dma_start3A_227, %dma_start3A_228] : memref<10000x128xf32, #tpu.memory_space<hbm>> -> memref<632x128xf32, #tpu.memory_space<hbm>>
        tpu.enqueue_dma source(%dma_start3A_229 : memref<632x128xf32, #tpu.memory_space<hbm>>) target(%dma_start3A_226 : memref<632x128xf32, #tpu.memory_space<vmem_shared>>) target_semaphore(%run_scoped3A : memref<!tpu.dma_semaphore, #tpu.memory_space<semaphore_mem>>)
        %dma_wait3A_230 = arith.constant 3792 : i32
        %dma_wait3A_231 = arith.constant 0 : i32
        %dma_wait3A_232 = tpu.memref_slice %arg7[%dma_wait3A_230, %dma_wait3A_231] : memref<10000x128xf32, #tpu.memory_space<vmem_shared>> -> memref<632x128xf32, #tpu.memory_space<vmem_shared>>
        %dma_wait3A_233 = arith.constant 0 : i32
        %dma_wait3A_234 = arith.constant 0 : i32
        %dma_wait3A_235 = tpu.memref_slice %arg5[%dma_wait3A_233, %dma_wait3A_234] : memref<10000x128xf32, #tpu.memory_space<hbm>> -> memref<632x128xf32, #tpu.memory_space<hbm>>
        tpu.wait_dma2 semaphore(%run_scoped3A : memref<!tpu.dma_semaphore, #tpu.memory_space<semaphore_mem>>) src(%dma_wait3A_235 : memref<632x128xf32, #tpu.memory_space<hbm>>) dst(%dma_wait3A_232 : memref<632x128xf32, #tpu.memory_space<vmem_shared>>)
        tpu.yield
      }) : () -> ()
    } else {
    }
    %eq3A_35 = arith.constant 7 : i32
    %eq3A_36 = arith.cmpi eq, %arg1, %eq3A_35 : i32
    %convert_element_type3A_37 = arith.extui %eq3A_36 : i1 to i32
    %cond3A_38 = arith.constant 0 : i32
    %cond3A_39 = arith.cmpi ne, %convert_element_type3A_37, %cond3A_38 : i32
    scf.if %cond3A_39 {
      "tpu.region"() ({
        %run_scoped3A = tpu.sem_alloc : memref<!tpu.dma_semaphore, #tpu.memory_space<semaphore_mem>>
        %dma_start3A_224 = arith.constant 4424 : i32
        %dma_start3A_225 = arith.constant 0 : i32
        %dma_start3A_226 = tpu.memref_slice %arg7[%dma_start3A_224, %dma_start3A_225] : memref<10000x128xf32, #tpu.memory_space<vmem_shared>> -> memref<632x128xf32, #tpu.memory_space<vmem_shared>>
        %dma_start3A_227 = arith.constant 0 : i32
        %dma_start3A_228 = arith.constant 0 : i32
        %dma_start3A_229 = tpu.memref_slice %arg5[%dma_start3A_227, %dma_start3A_228] : memref<10000x128xf32, #tpu.memory_space<hbm>> -> memref<632x128xf32, #tpu.memory_space<hbm>>
        tpu.enqueue_dma source(%dma_start3A_229 : memref<632x128xf32, #tpu.memory_space<hbm>>) target(%dma_start3A_226 : memref<632x128xf32, #tpu.memory_space<vmem_shared>>) target_semaphore(%run_scoped3A : memref<!tpu.dma_semaphore, #tpu.memory_space<semaphore_mem>>)
        %dma_wait3A_230 = arith.constant 4424 : i32
        %dma_wait3A_231 = arith.constant 0 : i32
        %dma_wait3A_232 = tpu.memref_slice %arg7[%dma_wait3A_230, %dma_wait3A_231] : memref<10000x128xf32, #tpu.memory_space<vmem_shared>> -> memref<632x128xf32, #tpu.memory_space<vmem_shared>>
        %dma_wait3A_233 = arith.constant 0 : i32
        %dma_wait3A_234 = arith.constant 0 : i32
        %dma_wait3A_235 = tpu.memref_slice %arg5[%dma_wait3A_233, %dma_wait3A_234] : memref<10000x128xf32, #tpu.memory_space<hbm>> -> memref<632x128xf32, #tpu.memory_space<hbm>>
        tpu.wait_dma2 semaphore(%run_scoped3A : memref<!tpu.dma_semaphore, #tpu.memory_space<semaphore_mem>>) src(%dma_wait3A_235 : memref<632x128xf32, #tpu.memory_space<hbm>>) dst(%dma_wait3A_232 : memref<632x128xf32, #tpu.memory_space<vmem_shared>>)
        tpu.yield
      }) : () -> ()
    } else {
    }
    %eq3A_40 = arith.constant 8 : i32
    %eq3A_41 = arith.cmpi eq, %arg1, %eq3A_40 : i32
    %convert_element_type3A_42 = arith.extui %eq3A_41 : i1 to i32
    %cond3A_43 = arith.constant 0 : i32
    %cond3A_44 = arith.cmpi ne, %convert_element_type3A_42, %cond3A_43 : i32
    scf.if %cond3A_44 {
      "tpu.region"() ({
        %run_scoped3A = tpu.sem_alloc : memref<!tpu.dma_semaphore, #tpu.memory_space<semaphore_mem>>
        %dma_start3A_224 = arith.constant 5056 : i32
        %dma_start3A_225 = arith.constant 0 : i32
        %dma_start3A_226 = tpu.memref_slice %arg7[%dma_start3A_224, %dma_start3A_225] : memref<10000x128xf32, #tpu.memory_space<vmem_shared>> -> memref<632x128xf32, #tpu.memory_space<vmem_shared>>
        %dma_start3A_227 = arith.constant 0 : i32
        %dma_start3A_228 = arith.constant 0 : i32
        %dma_start3A_229 = tpu.memref_slice %arg5[%dma_start3A_227, %dma_start3A_228] : memref<10000x128xf32, #tpu.memory_space<hbm>> -> memref<632x128xf32, #tpu.memory_space<hbm>>
        tpu.enqueue_dma source(%dma_start3A_229 : memref<632x128xf32, #tpu.memory_space<hbm>>) target(%dma_start3A_226 : memref<632x128xf32, #tpu.memory_space<vmem_shared>>) target_semaphore(%run_scoped3A : memref<!tpu.dma_semaphore, #tpu.memory_space<semaphore_mem>>)
        %dma_wait3A_230 = arith.constant 5056 : i32
        %dma_wait3A_231 = arith.constant 0 : i32
        %dma_wait3A_232 = tpu.memref_slice %arg7[%dma_wait3A_230, %dma_wait3A_231] : memref<10000x128xf32, #tpu.memory_space<vmem_shared>> -> memref<632x128xf32, #tpu.memory_space<vmem_shared>>
        %dma_wait3A_233 = arith.constant 0 : i32
        %dma_wait3A_234 = arith.constant 0 : i32
        %dma_wait3A_235 = tpu.memref_slice %arg5[%dma_wait3A_233, %dma_wait3A_234] : memref<10000x128xf32, #tpu.memory_space<hbm>> -> memref<632x128xf32, #tpu.memory_space<hbm>>
        tpu.wait_dma2 semaphore(%run_scoped3A : memref<!tpu.dma_semaphore, #tpu.memory_space<semaphore_mem>>) src(%dma_wait3A_235 : memref<632x128xf32, #tpu.memory_space<hbm>>) dst(%dma_wait3A_232 : memref<632x128xf32, #tpu.memory_space<vmem_shared>>)
        tpu.yield
      }) : () -> ()
    } else {
    }
    %eq3A_45 = arith.constant 9 : i32
    %eq3A_46 = arith.cmpi eq, %arg1, %eq3A_45 : i32
    %convert_element_type3A_47 = arith.extui %eq3A_46 : i1 to i32
    %cond3A_48 = arith.constant 0 : i32
    %cond3A_49 = arith.cmpi ne, %convert_element_type3A_47, %cond3A_48 : i32
    scf.if %cond3A_49 {
      "tpu.region"() ({
        %run_scoped3A = tpu.sem_alloc : memref<!tpu.dma_semaphore, #tpu.memory_space<semaphore_mem>>
        %dma_start3A_224 = arith.constant 5688 : i32
        %dma_start3A_225 = arith.constant 0 : i32
        %dma_start3A_226 = tpu.memref_slice %arg7[%dma_start3A_224, %dma_start3A_225] : memref<10000x128xf32, #tpu.memory_space<vmem_shared>> -> memref<632x128xf32, #tpu.memory_space<vmem_shared>>
        %dma_start3A_227 = arith.constant 0 : i32
        %dma_start3A_228 = arith.constant 0 : i32
        %dma_start3A_229 = tpu.memref_slice %arg5[%dma_start3A_227, %dma_start3A_228] : memref<10000x128xf32, #tpu.memory_space<hbm>> -> memref<632x128xf32, #tpu.memory_space<hbm>>
        tpu.enqueue_dma source(%dma_start3A_229 : memref<632x128xf32, #tpu.memory_space<hbm>>) target(%dma_start3A_226 : memref<632x128xf32, #tpu.memory_space<vmem_shared>>) target_semaphore(%run_scoped3A : memref<!tpu.dma_semaphore, #tpu.memory_space<semaphore_mem>>)
        %dma_wait3A_230 = arith.constant 5688 : i32
        %dma_wait3A_231 = arith.constant 0 : i32
        %dma_wait3A_232 = tpu.memref_slice %arg7[%dma_wait3A_230, %dma_wait3A_231] : memref<10000x128xf32, #tpu.memory_space<vmem_shared>> -> memref<632x128xf32, #tpu.memory_space<vmem_shared>>
        %dma_wait3A_233 = arith.constant 0 : i32
        %dma_wait3A_234 = arith.constant 0 : i32
        %dma_wait3A_235 = tpu.memref_slice %arg5[%dma_wait3A_233, %dma_wait3A_234] : memref<10000x128xf32, #tpu.memory_space<hbm>> -> memref<632x128xf32, #tpu.memory_space<hbm>>
        tpu.wait_dma2 semaphore(%run_scoped3A : memref<!tpu.dma_semaphore, #tpu.memory_space<semaphore_mem>>) src(%dma_wait3A_235 : memref<632x128xf32, #tpu.memory_space<hbm>>) dst(%dma_wait3A_232 : memref<632x128xf32, #tpu.memory_space<vmem_shared>>)
        tpu.yield
      }) : () -> ()
    } else {
    }
    %eq3A_50 = arith.constant 10 : i32
    %eq3A_51 = arith.cmpi eq, %arg1, %eq3A_50 : i32
    %convert_element_type3A_52 = arith.extui %eq3A_51 : i1 to i32
    %cond3A_53 = arith.constant 0 : i32
    %cond3A_54 = arith.cmpi ne, %convert_element_type3A_52, %cond3A_53 : i32
    scf.if %cond3A_54 {
      "tpu.region"() ({
        %run_scoped3A = tpu.sem_alloc : memref<!tpu.dma_semaphore, #tpu.memory_space<semaphore_mem>>
        %dma_start3A_224 = arith.constant 6320 : i32
        %dma_start3A_225 = arith.constant 0 : i32
        %dma_start3A_226 = tpu.memref_slice %arg7[%dma_start3A_224, %dma_start3A_225] : memref<10000x128xf32, #tpu.memory_space<vmem_shared>> -> memref<632x128xf32, #tpu.memory_space<vmem_shared>>
        %dma_start3A_227 = arith.constant 0 : i32
        %dma_start3A_228 = arith.constant 0 : i32
        %dma_start3A_229 = tpu.memref_slice %arg5[%dma_start3A_227, %dma_start3A_228] : memref<10000x128xf32, #tpu.memory_space<hbm>> -> memref<632x128xf32, #tpu.memory_space<hbm>>
        tpu.enqueue_dma source(%dma_start3A_229 : memref<632x128xf32, #tpu.memory_space<hbm>>) target(%dma_start3A_226 : memref<632x128xf32, #tpu.memory_space<vmem_shared>>) target_semaphore(%run_scoped3A : memref<!tpu.dma_semaphore, #tpu.memory_space<semaphore_mem>>)
        %dma_wait3A_230 = arith.constant 6320 : i32
        %dma_wait3A_231 = arith.constant 0 : i32
        %dma_wait3A_232 = tpu.memref_slice %arg7[%dma_wait3A_230, %dma_wait3A_231] : memref<10000x128xf32, #tpu.memory_space<vmem_shared>> -> memref<632x128xf32, #tpu.memory_space<vmem_shared>>
        %dma_wait3A_233 = arith.constant 0 : i32
        %dma_wait3A_234 = arith.constant 0 : i32
        %dma_wait3A_235 = tpu.memref_slice %arg5[%dma_wait3A_233, %dma_wait3A_234] : memref<10000x128xf32, #tpu.memory_space<hbm>> -> memref<632x128xf32, #tpu.memory_space<hbm>>
        tpu.wait_dma2 semaphore(%run_scoped3A : memref<!tpu.dma_semaphore, #tpu.memory_space<semaphore_mem>>) src(%dma_wait3A_235 : memref<632x128xf32, #tpu.memory_space<hbm>>) dst(%dma_wait3A_232 : memref<632x128xf32, #tpu.memory_space<vmem_shared>>)
        tpu.yield
      }) : () -> ()
    } else {
    }
    %eq3A_55 = arith.constant 11 : i32
    %eq3A_56 = arith.cmpi eq, %arg1, %eq3A_55 : i32
    %convert_element_type3A_57 = arith.extui %eq3A_56 : i1 to i32
    %cond3A_58 = arith.constant 0 : i32
    %cond3A_59 = arith.cmpi ne, %convert_element_type3A_57, %cond3A_58 : i32
    scf.if %cond3A_59 {
      "tpu.region"() ({
        %run_scoped3A = tpu.sem_alloc : memref<!tpu.dma_semaphore, #tpu.memory_space<semaphore_mem>>
        %dma_start3A_224 = arith.constant 6952 : i32
        %dma_start3A_225 = arith.constant 0 : i32
        %dma_start3A_226 = tpu.memref_slice %arg7[%dma_start3A_224, %dma_start3A_225] : memref<10000x128xf32, #tpu.memory_space<vmem_shared>> -> memref<632x128xf32, #tpu.memory_space<vmem_shared>>
        %dma_start3A_227 = arith.constant 0 : i32
        %dma_start3A_228 = arith.constant 0 : i32
        %dma_start3A_229 = tpu.memref_slice %arg5[%dma_start3A_227, %dma_start3A_228] : memref<10000x128xf32, #tpu.memory_space<hbm>> -> memref<632x128xf32, #tpu.memory_space<hbm>>
        tpu.enqueue_dma source(%dma_start3A_229 : memref<632x128xf32, #tpu.memory_space<hbm>>) target(%dma_start3A_226 : memref<632x128xf32, #tpu.memory_space<vmem_shared>>) target_semaphore(%run_scoped3A : memref<!tpu.dma_semaphore, #tpu.memory_space<semaphore_mem>>)
        %dma_wait3A_230 = arith.constant 6952 : i32
        %dma_wait3A_231 = arith.constant 0 : i32
        %dma_wait3A_232 = tpu.memref_slice %arg7[%dma_wait3A_230, %dma_wait3A_231] : memref<10000x128xf32, #tpu.memory_space<vmem_shared>> -> memref<632x128xf32, #tpu.memory_space<vmem_shared>>
        %dma_wait3A_233 = arith.constant 0 : i32
        %dma_wait3A_234 = arith.constant 0 : i32
        %dma_wait3A_235 = tpu.memref_slice %arg5[%dma_wait3A_233, %dma_wait3A_234] : memref<10000x128xf32, #tpu.memory_space<hbm>> -> memref<632x128xf32, #tpu.memory_space<hbm>>
        tpu.wait_dma2 semaphore(%run_scoped3A : memref<!tpu.dma_semaphore, #tpu.memory_space<semaphore_mem>>) src(%dma_wait3A_235 : memref<632x128xf32, #tpu.memory_space<hbm>>) dst(%dma_wait3A_232 : memref<632x128xf32, #tpu.memory_space<vmem_shared>>)
        tpu.yield
      }) : () -> ()
    } else {
    }
    %eq3A_60 = arith.constant 12 : i32
    %eq3A_61 = arith.cmpi eq, %arg1, %eq3A_60 : i32
    %convert_element_type3A_62 = arith.extui %eq3A_61 : i1 to i32
    %cond3A_63 = arith.constant 0 : i32
    %cond3A_64 = arith.cmpi ne, %convert_element_type3A_62, %cond3A_63 : i32
    scf.if %cond3A_64 {
      "tpu.region"() ({
        %run_scoped3A = tpu.sem_alloc : memref<!tpu.dma_semaphore, #tpu.memory_space<semaphore_mem>>
        %dma_start3A_224 = arith.constant 7584 : i32
        %dma_start3A_225 = arith.constant 0 : i32
        %dma_start3A_226 = tpu.memref_slice %arg7[%dma_start3A_224, %dma_start3A_225] : memref<10000x128xf32, #tpu.memory_space<vmem_shared>> -> memref<632x128xf32, #tpu.memory_space<vmem_shared>>
        %dma_start3A_227 = arith.constant 0 : i32
        %dma_start3A_228 = arith.constant 0 : i32
        %dma_start3A_229 = tpu.memref_slice %arg5[%dma_start3A_227, %dma_start3A_228] : memref<10000x128xf32, #tpu.memory_space<hbm>> -> memref<632x128xf32, #tpu.memory_space<hbm>>
        tpu.enqueue_dma source(%dma_start3A_229 : memref<632x128xf32, #tpu.memory_space<hbm>>) target(%dma_start3A_226 : memref<632x128xf32, #tpu.memory_space<vmem_shared>>) target_semaphore(%run_scoped3A : memref<!tpu.dma_semaphore, #tpu.memory_space<semaphore_mem>>)
        %dma_wait3A_230 = arith.constant 7584 : i32
        %dma_wait3A_231 = arith.constant 0 : i32
        %dma_wait3A_232 = tpu.memref_slice %arg7[%dma_wait3A_230, %dma_wait3A_231] : memref<10000x128xf32, #tpu.memory_space<vmem_shared>> -> memref<632x128xf32, #tpu.memory_space<vmem_shared>>
        %dma_wait3A_233 = arith.constant 0 : i32
        %dma_wait3A_234 = arith.constant 0 : i32
        %dma_wait3A_235 = tpu.memref_slice %arg5[%dma_wait3A_233, %dma_wait3A_234] : memref<10000x128xf32, #tpu.memory_space<hbm>> -> memref<632x128xf32, #tpu.memory_space<hbm>>
        tpu.wait_dma2 semaphore(%run_scoped3A : memref<!tpu.dma_semaphore, #tpu.memory_space<semaphore_mem>>) src(%dma_wait3A_235 : memref<632x128xf32, #tpu.memory_space<hbm>>) dst(%dma_wait3A_232 : memref<632x128xf32, #tpu.memory_space<vmem_shared>>)
        tpu.yield
      }) : () -> ()
    } else {
    }
    %eq3A_65 = arith.constant 13 : i32
    %eq3A_66 = arith.cmpi eq, %arg1, %eq3A_65 : i32
    %convert_element_type3A_67 = arith.extui %eq3A_66 : i1 to i32
    %cond3A_68 = arith.constant 0 : i32
    %cond3A_69 = arith.cmpi ne, %convert_element_type3A_67, %cond3A_68 : i32
    scf.if %cond3A_69 {
      "tpu.region"() ({
        %run_scoped3A = tpu.sem_alloc : memref<!tpu.dma_semaphore, #tpu.memory_space<semaphore_mem>>
        %dma_start3A_224 = arith.constant 8216 : i32
        %dma_start3A_225 = arith.constant 0 : i32
        %dma_start3A_226 = tpu.memref_slice %arg7[%dma_start3A_224, %dma_start3A_225] : memref<10000x128xf32, #tpu.memory_space<vmem_shared>> -> memref<632x128xf32, #tpu.memory_space<vmem_shared>>
        %dma_start3A_227 = arith.constant 0 : i32
        %dma_start3A_228 = arith.constant 0 : i32
        %dma_start3A_229 = tpu.memref_slice %arg5[%dma_start3A_227, %dma_start3A_228] : memref<10000x128xf32, #tpu.memory_space<hbm>> -> memref<632x128xf32, #tpu.memory_space<hbm>>
        tpu.enqueue_dma source(%dma_start3A_229 : memref<632x128xf32, #tpu.memory_space<hbm>>) target(%dma_start3A_226 : memref<632x128xf32, #tpu.memory_space<vmem_shared>>) target_semaphore(%run_scoped3A : memref<!tpu.dma_semaphore, #tpu.memory_space<semaphore_mem>>)
        %dma_wait3A_230 = arith.constant 8216 : i32
        %dma_wait3A_231 = arith.constant 0 : i32
        %dma_wait3A_232 = tpu.memref_slice %arg7[%dma_wait3A_230, %dma_wait3A_231] : memref<10000x128xf32, #tpu.memory_space<vmem_shared>> -> memref<632x128xf32, #tpu.memory_space<vmem_shared>>
        %dma_wait3A_233 = arith.constant 0 : i32
        %dma_wait3A_234 = arith.constant 0 : i32
        %dma_wait3A_235 = tpu.memref_slice %arg5[%dma_wait3A_233, %dma_wait3A_234] : memref<10000x128xf32, #tpu.memory_space<hbm>> -> memref<632x128xf32, #tpu.memory_space<hbm>>
        tpu.wait_dma2 semaphore(%run_scoped3A : memref<!tpu.dma_semaphore, #tpu.memory_space<semaphore_mem>>) src(%dma_wait3A_235 : memref<632x128xf32, #tpu.memory_space<hbm>>) dst(%dma_wait3A_232 : memref<632x128xf32, #tpu.memory_space<vmem_shared>>)
        tpu.yield
      }) : () -> ()
    } else {
    }
    %eq3A_70 = arith.constant 14 : i32
    %eq3A_71 = arith.cmpi eq, %arg1, %eq3A_70 : i32
    %convert_element_type3A_72 = arith.extui %eq3A_71 : i1 to i32
    %cond3A_73 = arith.constant 0 : i32
    %cond3A_74 = arith.cmpi ne, %convert_element_type3A_72, %cond3A_73 : i32
    scf.if %cond3A_74 {
      "tpu.region"() ({
        %run_scoped3A = tpu.sem_alloc : memref<!tpu.dma_semaphore, #tpu.memory_space<semaphore_mem>>
        %dma_start3A_224 = arith.constant 8848 : i32
        %dma_start3A_225 = arith.constant 0 : i32
        %dma_start3A_226 = tpu.memref_slice %arg7[%dma_start3A_224, %dma_start3A_225] : memref<10000x128xf32, #tpu.memory_space<vmem_shared>> -> memref<632x128xf32, #tpu.memory_space<vmem_shared>>
        %dma_start3A_227 = arith.constant 0 : i32
        %dma_start3A_228 = arith.constant 0 : i32
        %dma_start3A_229 = tpu.memref_slice %arg5[%dma_start3A_227, %dma_start3A_228] : memref<10000x128xf32, #tpu.memory_space<hbm>> -> memref<632x128xf32, #tpu.memory_space<hbm>>
        tpu.enqueue_dma source(%dma_start3A_229 : memref<632x128xf32, #tpu.memory_space<hbm>>) target(%dma_start3A_226 : memref<632x128xf32, #tpu.memory_space<vmem_shared>>) target_semaphore(%run_scoped3A : memref<!tpu.dma_semaphore, #tpu.memory_space<semaphore_mem>>)
        %dma_wait3A_230 = arith.constant 8848 : i32
        %dma_wait3A_231 = arith.constant 0 : i32
        %dma_wait3A_232 = tpu.memref_slice %arg7[%dma_wait3A_230, %dma_wait3A_231] : memref<10000x128xf32, #tpu.memory_space<vmem_shared>> -> memref<632x128xf32, #tpu.memory_space<vmem_shared>>
        %dma_wait3A_233 = arith.constant 0 : i32
        %dma_wait3A_234 = arith.constant 0 : i32
        %dma_wait3A_235 = tpu.memref_slice %arg5[%dma_wait3A_233, %dma_wait3A_234] : memref<10000x128xf32, #tpu.memory_space<hbm>> -> memref<632x128xf32, #tpu.memory_space<hbm>>
        tpu.wait_dma2 semaphore(%run_scoped3A : memref<!tpu.dma_semaphore, #tpu.memory_space<semaphore_mem>>) src(%dma_wait3A_235 : memref<632x128xf32, #tpu.memory_space<hbm>>) dst(%dma_wait3A_232 : memref<632x128xf32, #tpu.memory_space<vmem_shared>>)
        tpu.yield
      }) : () -> ()
    } else {
    }
    %eq3A_75 = arith.constant 15 : i32
    %eq3A_76 = arith.cmpi eq, %arg1, %eq3A_75 : i32
    %convert_element_type3A_77 = arith.extui %eq3A_76 : i1 to i32
    %cond3A_78 = arith.constant 0 : i32
    %cond3A_79 = arith.cmpi ne, %convert_element_type3A_77, %cond3A_78 : i32
    scf.if %cond3A_79 {
      "tpu.region"() ({
        %run_scoped3A = tpu.sem_alloc : memref<!tpu.dma_semaphore, #tpu.memory_space<semaphore_mem>>
        %dma_start3A_224 = arith.constant 9480 : i32
        %dma_start3A_225 = arith.constant 0 : i32
        %dma_start3A_226 = tpu.memref_slice %arg7[%dma_start3A_224, %dma_start3A_225] : memref<10000x128xf32, #tpu.memory_space<vmem_shared>> -> memref<520x128xf32, #tpu.memory_space<vmem_shared>>
        %dma_start3A_227 = arith.constant 0 : i32
        %dma_start3A_228 = arith.constant 0 : i32
        %dma_start3A_229 = tpu.memref_slice %arg5[%dma_start3A_227, %dma_start3A_228] : memref<10000x128xf32, #tpu.memory_space<hbm>> -> memref<520x128xf32, #tpu.memory_space<hbm>>
        tpu.enqueue_dma source(%dma_start3A_229 : memref<520x128xf32, #tpu.memory_space<hbm>>) target(%dma_start3A_226 : memref<520x128xf32, #tpu.memory_space<vmem_shared>>) target_semaphore(%run_scoped3A : memref<!tpu.dma_semaphore, #tpu.memory_space<semaphore_mem>>)
        %dma_wait3A_230 = arith.constant 9480 : i32
        %dma_wait3A_231 = arith.constant 0 : i32
        %dma_wait3A_232 = tpu.memref_slice %arg7[%dma_wait3A_230, %dma_wait3A_231] : memref<10000x128xf32, #tpu.memory_space<vmem_shared>> -> memref<520x128xf32, #tpu.memory_space<vmem_shared>>
        %dma_wait3A_233 = arith.constant 0 : i32
        %dma_wait3A_234 = arith.constant 0 : i32
        %dma_wait3A_235 = tpu.memref_slice %arg5[%dma_wait3A_233, %dma_wait3A_234] : memref<10000x128xf32, #tpu.memory_space<hbm>> -> memref<520x128xf32, #tpu.memory_space<hbm>>
        tpu.wait_dma2 semaphore(%run_scoped3A : memref<!tpu.dma_semaphore, #tpu.memory_space<semaphore_mem>>) src(%dma_wait3A_235 : memref<520x128xf32, #tpu.memory_space<hbm>>) dst(%dma_wait3A_232 : memref<520x128xf32, #tpu.memory_space<vmem_shared>>)
        tpu.yield
      }) : () -> ()
    } else {
    }
    %barrier3A = arith.constant 0 : index
    tpu.barrier barrier_id(%barrier3A)
    %add3A_80 = arith.constant 0 : i32
    %add3A_81 = arith.addi %mul3A_2, %add3A_80 : i32
    %dma_start3A = tpu.memref_slice %arg3[%add3A_81] : memref<320000xi32, #tpu.memory_space<hbm>> -> memref<64xi32, #tpu.memory_space<hbm>>
    %dma_start3A_82 = tpu.memref_slice %arg3[%add3A_81] : memref<320000xi32, #tpu.memory_space<hbm>> -> memref<64xi32, #tpu.memory_space<hbm>>
    tpu.enqueue_dma source(%dma_start3A_82 : memref<64xi32, #tpu.memory_space<hbm>>) target(%arg8 : memref<64xi32, #tpu.memory_space<vmem>>) target_semaphore(%arg20 : memref<!tpu.dma_semaphore, #tpu.memory_space<semaphore_mem>>)
    %dma_start3A_83 = tpu.memref_slice %arg4[%add3A_81] : memref<320000xi32, #tpu.memory_space<hbm>> -> memref<64xi32, #tpu.memory_space<hbm>>
    %dma_start3A_84 = tpu.memref_slice %arg4[%add3A_81] : memref<320000xi32, #tpu.memory_space<hbm>> -> memref<64xi32, #tpu.memory_space<hbm>>
    tpu.enqueue_dma source(%dma_start3A_84 : memref<64xi32, #tpu.memory_space<hbm>>) target(%arg12 : memref<64xi32, #tpu.memory_space<vmem>>) target_semaphore(%arg20 : memref<!tpu.dma_semaphore, #tpu.memory_space<semaphore_mem>>)
    %add3A_85 = arith.constant 64 : i32
    %add3A_86 = arith.addi %mul3A_2, %add3A_85 : i32
    %dma_start3A_87 = tpu.memref_slice %arg3[%add3A_86] : memref<320000xi32, #tpu.memory_space<hbm>> -> memref<64xi32, #tpu.memory_space<hbm>>
    %dma_start3A_88 = tpu.memref_slice %arg3[%add3A_86] : memref<320000xi32, #tpu.memory_space<hbm>> -> memref<64xi32, #tpu.memory_space<hbm>>
    tpu.enqueue_dma source(%dma_start3A_88 : memref<64xi32, #tpu.memory_space<hbm>>) target(%arg9 : memref<64xi32, #tpu.memory_space<vmem>>) target_semaphore(%arg21 : memref<!tpu.dma_semaphore, #tpu.memory_space<semaphore_mem>>)
    %dma_start3A_89 = tpu.memref_slice %arg4[%add3A_86] : memref<320000xi32, #tpu.memory_space<hbm>> -> memref<64xi32, #tpu.memory_space<hbm>>
    %dma_start3A_90 = tpu.memref_slice %arg4[%add3A_86] : memref<320000xi32, #tpu.memory_space<hbm>> -> memref<64xi32, #tpu.memory_space<hbm>>
    tpu.enqueue_dma source(%dma_start3A_90 : memref<64xi32, #tpu.memory_space<hbm>>) target(%arg13 : memref<64xi32, #tpu.memory_space<vmem>>) target_semaphore(%arg21 : memref<!tpu.dma_semaphore, #tpu.memory_space<semaphore_mem>>)
    %add3A_91 = arith.constant 128 : i32
    %add3A_92 = arith.addi %mul3A_2, %add3A_91 : i32
    %dma_start3A_93 = tpu.memref_slice %arg3[%add3A_92] : memref<320000xi32, #tpu.memory_space<hbm>> -> memref<64xi32, #tpu.memory_space<hbm>>
    %dma_start3A_94 = tpu.memref_slice %arg3[%add3A_92] : memref<320000xi32, #tpu.memory_space<hbm>> -> memref<64xi32, #tpu.memory_space<hbm>>
    tpu.enqueue_dma source(%dma_start3A_94 : memref<64xi32, #tpu.memory_space<hbm>>) target(%arg10 : memref<64xi32, #tpu.memory_space<vmem>>) target_semaphore(%arg22 : memref<!tpu.dma_semaphore, #tpu.memory_space<semaphore_mem>>)
    %dma_start3A_95 = tpu.memref_slice %arg4[%add3A_92] : memref<320000xi32, #tpu.memory_space<hbm>> -> memref<64xi32, #tpu.memory_space<hbm>>
    %dma_start3A_96 = tpu.memref_slice %arg4[%add3A_92] : memref<320000xi32, #tpu.memory_space<hbm>> -> memref<64xi32, #tpu.memory_space<hbm>>
    tpu.enqueue_dma source(%dma_start3A_96 : memref<64xi32, #tpu.memory_space<hbm>>) target(%arg14 : memref<64xi32, #tpu.memory_space<vmem>>) target_semaphore(%arg22 : memref<!tpu.dma_semaphore, #tpu.memory_space<semaphore_mem>>)
    %add3A_97 = arith.constant 192 : i32
    %add3A_98 = arith.addi %mul3A_2, %add3A_97 : i32
    %dma_start3A_99 = tpu.memref_slice %arg3[%add3A_98] : memref<320000xi32, #tpu.memory_space<hbm>> -> memref<64xi32, #tpu.memory_space<hbm>>
    %dma_start3A_100 = tpu.memref_slice %arg3[%add3A_98] : memref<320000xi32, #tpu.memory_space<hbm>> -> memref<64xi32, #tpu.memory_space<hbm>>
    tpu.enqueue_dma source(%dma_start3A_100 : memref<64xi32, #tpu.memory_space<hbm>>) target(%arg11 : memref<64xi32, #tpu.memory_space<vmem>>) target_semaphore(%arg23 : memref<!tpu.dma_semaphore, #tpu.memory_space<semaphore_mem>>)
    %dma_start3A_101 = tpu.memref_slice %arg4[%add3A_98] : memref<320000xi32, #tpu.memory_space<hbm>> -> memref<64xi32, #tpu.memory_space<hbm>>
    %dma_start3A_102 = tpu.memref_slice %arg4[%add3A_98] : memref<320000xi32, #tpu.memory_space<hbm>> -> memref<64xi32, #tpu.memory_space<hbm>>
    tpu.enqueue_dma source(%dma_start3A_102 : memref<64xi32, #tpu.memory_space<hbm>>) target(%arg15 : memref<64xi32, #tpu.memory_space<vmem>>) target_semaphore(%arg23 : memref<!tpu.dma_semaphore, #tpu.memory_space<semaphore_mem>>)
    %dma_wait3A = tpu.memref_slice %arg3[%add3A_81] : memref<320000xi32, #tpu.memory_space<hbm>> -> memref<64xi32, #tpu.memory_space<hbm>>
    %dma_wait3A_103 = tpu.memref_slice %arg3[%add3A_81] : memref<320000xi32, #tpu.memory_space<hbm>> -> memref<64xi32, #tpu.memory_space<hbm>>
    tpu.wait_dma2 semaphore(%arg20 : memref<!tpu.dma_semaphore, #tpu.memory_space<semaphore_mem>>) src(%dma_wait3A_103 : memref<64xi32, #tpu.memory_space<hbm>>) dst(%arg8 : memref<64xi32, #tpu.memory_space<vmem>>)
    %dma_wait3A_104 = tpu.memref_slice %arg4[%add3A_81] : memref<320000xi32, #tpu.memory_space<hbm>> -> memref<64xi32, #tpu.memory_space<hbm>>
    %dma_wait3A_105 = tpu.memref_slice %arg4[%add3A_81] : memref<320000xi32, #tpu.memory_space<hbm>> -> memref<64xi32, #tpu.memory_space<hbm>>
    tpu.wait_dma2 semaphore(%arg20 : memref<!tpu.dma_semaphore, #tpu.memory_space<semaphore_mem>>) src(%dma_wait3A_105 : memref<64xi32, #tpu.memory_space<hbm>>) dst(%arg12 : memref<64xi32, #tpu.memory_space<vmem>>)
    %dma_start3A_106 = arith.constant 0 : i32
    %dma_start3A_107 = arith.constant 0 : i32
    %dma_start3A_108 = tpu.memref_slice %arg2[%dma_start3A_106, %dma_start3A_107] : memref<10000x128xf32, #tpu.memory_space<hbm>> -> memref<10000x128xf32, #tpu.memory_space<hbm>>
    tpu.enqueue_indirect_dma source(%dma_start3A_108 : memref<10000x128xf32, #tpu.memory_space<hbm>>) target(%arg16 : memref<64x128xf32, #tpu.memory_space<vmem>>) offsets(%arg8 : memref<64xi32, #tpu.memory_space<vmem>>) semaphore(%arg24 : memref<!tpu.dma_semaphore, #tpu.memory_space<semaphore_mem>>)
    %dma_wait3A_109 = tpu.memref_slice %arg3[%add3A_86] : memref<320000xi32, #tpu.memory_space<hbm>> -> memref<64xi32, #tpu.memory_space<hbm>>
    %dma_wait3A_110 = tpu.memref_slice %arg3[%add3A_86] : memref<320000xi32, #tpu.memory_space<hbm>> -> memref<64xi32, #tpu.memory_space<hbm>>
    tpu.wait_dma2 semaphore(%arg21 : memref<!tpu.dma_semaphore, #tpu.memory_space<semaphore_mem>>) src(%dma_wait3A_110 : memref<64xi32, #tpu.memory_space<hbm>>) dst(%arg9 : memref<64xi32, #tpu.memory_space<vmem>>)
    %dma_wait3A_111 = tpu.memref_slice %arg4[%add3A_86] : memref<320000xi32, #tpu.memory_space<hbm>> -> memref<64xi32, #tpu.memory_space<hbm>>
    %dma_wait3A_112 = tpu.memref_slice %arg4[%add3A_86] : memref<320000xi32, #tpu.memory_space<hbm>> -> memref<64xi32, #tpu.memory_space<hbm>>
    tpu.wait_dma2 semaphore(%arg21 : memref<!tpu.dma_semaphore, #tpu.memory_space<semaphore_mem>>) src(%dma_wait3A_112 : memref<64xi32, #tpu.memory_space<hbm>>) dst(%arg13 : memref<64xi32, #tpu.memory_space<vmem>>)
    %dma_start3A_113 = arith.constant 0 : i32
    %dma_start3A_114 = arith.constant 0 : i32
    %dma_start3A_115 = tpu.memref_slice %arg2[%dma_start3A_113, %dma_start3A_114] : memref<10000x128xf32, #tpu.memory_space<hbm>> -> memref<10000x128xf32, #tpu.memory_space<hbm>>
    tpu.enqueue_indirect_dma source(%dma_start3A_115 : memref<10000x128xf32, #tpu.memory_space<hbm>>) target(%arg17 : memref<64x128xf32, #tpu.memory_space<vmem>>) offsets(%arg9 : memref<64xi32, #tpu.memory_space<vmem>>) semaphore(%arg25 : memref<!tpu.dma_semaphore, #tpu.memory_space<semaphore_mem>>)
    %dma_wait3A_116 = tpu.memref_slice %arg3[%add3A_92] : memref<320000xi32, #tpu.memory_space<hbm>> -> memref<64xi32, #tpu.memory_space<hbm>>
    %dma_wait3A_117 = tpu.memref_slice %arg3[%add3A_92] : memref<320000xi32, #tpu.memory_space<hbm>> -> memref<64xi32, #tpu.memory_space<hbm>>
    tpu.wait_dma2 semaphore(%arg22 : memref<!tpu.dma_semaphore, #tpu.memory_space<semaphore_mem>>) src(%dma_wait3A_117 : memref<64xi32, #tpu.memory_space<hbm>>) dst(%arg10 : memref<64xi32, #tpu.memory_space<vmem>>)
    %dma_wait3A_118 = tpu.memref_slice %arg4[%add3A_92] : memref<320000xi32, #tpu.memory_space<hbm>> -> memref<64xi32, #tpu.memory_space<hbm>>
    %dma_wait3A_119 = tpu.memref_slice %arg4[%add3A_92] : memref<320000xi32, #tpu.memory_space<hbm>> -> memref<64xi32, #tpu.memory_space<hbm>>
    tpu.wait_dma2 semaphore(%arg22 : memref<!tpu.dma_semaphore, #tpu.memory_space<semaphore_mem>>) src(%dma_wait3A_119 : memref<64xi32, #tpu.memory_space<hbm>>) dst(%arg14 : memref<64xi32, #tpu.memory_space<vmem>>)
    %dma_start3A_120 = arith.constant 0 : i32
    %dma_start3A_121 = arith.constant 0 : i32
    %dma_start3A_122 = tpu.memref_slice %arg2[%dma_start3A_120, %dma_start3A_121] : memref<10000x128xf32, #tpu.memory_space<hbm>> -> memref<10000x128xf32, #tpu.memory_space<hbm>>
    tpu.enqueue_indirect_dma source(%dma_start3A_122 : memref<10000x128xf32, #tpu.memory_space<hbm>>) target(%arg18 : memref<64x128xf32, #tpu.memory_space<vmem>>) offsets(%arg10 : memref<64xi32, #tpu.memory_space<vmem>>) semaphore(%arg26 : memref<!tpu.dma_semaphore, #tpu.memory_space<semaphore_mem>>)
    %dma_wait3A_123 = tpu.memref_slice %arg3[%add3A_98] : memref<320000xi32, #tpu.memory_space<hbm>> -> memref<64xi32, #tpu.memory_space<hbm>>
    %dma_wait3A_124 = tpu.memref_slice %arg3[%add3A_98] : memref<320000xi32, #tpu.memory_space<hbm>> -> memref<64xi32, #tpu.memory_space<hbm>>
    tpu.wait_dma2 semaphore(%arg23 : memref<!tpu.dma_semaphore, #tpu.memory_space<semaphore_mem>>) src(%dma_wait3A_124 : memref<64xi32, #tpu.memory_space<hbm>>) dst(%arg11 : memref<64xi32, #tpu.memory_space<vmem>>)
    %dma_wait3A_125 = tpu.memref_slice %arg4[%add3A_98] : memref<320000xi32, #tpu.memory_space<hbm>> -> memref<64xi32, #tpu.memory_space<hbm>>
    %dma_wait3A_126 = tpu.memref_slice %arg4[%add3A_98] : memref<320000xi32, #tpu.memory_space<hbm>> -> memref<64xi32, #tpu.memory_space<hbm>>
    tpu.wait_dma2 semaphore(%arg23 : memref<!tpu.dma_semaphore, #tpu.memory_space<semaphore_mem>>) src(%dma_wait3A_126 : memref<64xi32, #tpu.memory_space<hbm>>) dst(%arg15 : memref<64xi32, #tpu.memory_space<vmem>>)
    %dma_start3A_127 = arith.constant 0 : i32
    %dma_start3A_128 = arith.constant 0 : i32
    %dma_start3A_129 = tpu.memref_slice %arg2[%dma_start3A_127, %dma_start3A_128] : memref<10000x128xf32, #tpu.memory_space<hbm>> -> memref<10000x128xf32, #tpu.memory_space<hbm>>
    tpu.enqueue_indirect_dma source(%dma_start3A_129 : memref<10000x128xf32, #tpu.memory_space<hbm>>) target(%arg19 : memref<64x128xf32, #tpu.memory_space<vmem>>) offsets(%arg11 : memref<64xi32, #tpu.memory_space<vmem>>) semaphore(%arg27 : memref<!tpu.dma_semaphore, #tpu.memory_space<semaphore_mem>>)
    %scan3A = arith.constant 0 : i32
    %scan3A_130 = arith.constant 0 : i32
    %scan3A_131 = arith.constant 39 : i32
    %scan3A_132 = arith.addi %scan3A_130, %scan3A_131 : i32
    %scan3A_133 = arith.constant 1 : i32
    scf.for %scan3A_224 = %scan3A_130 to %scan3A_132 step %scan3A_133  : i32 {
      %dma_wait3A_225 = arith.constant 0 : i32
      %dma_wait3A_226 = arith.constant 0 : i32
      %dma_wait3A_227 = tpu.memref_slice %arg2[%dma_wait3A_225, %dma_wait3A_226] : memref<10000x128xf32, #tpu.memory_space<hbm>> -> memref<10000x128xf32, #tpu.memory_space<hbm>>
      tpu.wait_indirect_dma semaphore(%arg24 : memref<!tpu.dma_semaphore, #tpu.memory_space<semaphore_mem>>) src(%dma_wait3A_227 : memref<10000x128xf32, #tpu.memory_space<hbm>>) dst(%arg16 : memref<64x128xf32, #tpu.memory_space<vmem>>)
      %dma_start3A_228 = arith.constant 0 : i32
      %dma_start3A_229 = arith.constant 0 : i32
      %dma_start3A_230 = tpu.memref_slice %arg7[%dma_start3A_228, %dma_start3A_229] : memref<10000x128xf32, #tpu.memory_space<vmem_shared>> -> memref<10000x128xf32, #tpu.memory_space<vmem_shared>>
      tpu.enqueue_indirect_dma source(%arg16 : memref<64x128xf32, #tpu.memory_space<vmem>>) target(%dma_start3A_230 : memref<10000x128xf32, #tpu.memory_space<vmem_shared>>) offsets(%arg12 : memref<64xi32, #tpu.memory_space<vmem>>) semaphore(%arg28 : memref<!tpu.dma_semaphore, #tpu.memory_space<semaphore_mem>>) {add = true}
      %dma_wait3A_231 = arith.constant 0 : i32
      %dma_wait3A_232 = arith.constant 0 : i32
      %dma_wait3A_233 = tpu.memref_slice %arg2[%dma_wait3A_231, %dma_wait3A_232] : memref<10000x128xf32, #tpu.memory_space<hbm>> -> memref<10000x128xf32, #tpu.memory_space<hbm>>
      tpu.wait_indirect_dma semaphore(%arg25 : memref<!tpu.dma_semaphore, #tpu.memory_space<semaphore_mem>>) src(%dma_wait3A_233 : memref<10000x128xf32, #tpu.memory_space<hbm>>) dst(%arg17 : memref<64x128xf32, #tpu.memory_space<vmem>>)
      %dma_start3A_234 = arith.constant 0 : i32
      %dma_start3A_235 = arith.constant 0 : i32
      %dma_start3A_236 = tpu.memref_slice %arg7[%dma_start3A_234, %dma_start3A_235] : memref<10000x128xf32, #tpu.memory_space<vmem_shared>> -> memref<10000x128xf32, #tpu.memory_space<vmem_shared>>
      tpu.enqueue_indirect_dma source(%arg17 : memref<64x128xf32, #tpu.memory_space<vmem>>) target(%dma_start3A_236 : memref<10000x128xf32, #tpu.memory_space<vmem_shared>>) offsets(%arg13 : memref<64xi32, #tpu.memory_space<vmem>>) semaphore(%arg29 : memref<!tpu.dma_semaphore, #tpu.memory_space<semaphore_mem>>) {add = true}
      %dma_wait3A_237 = arith.constant 0 : i32
      %dma_wait3A_238 = arith.constant 0 : i32
      %dma_wait3A_239 = tpu.memref_slice %arg2[%dma_wait3A_237, %dma_wait3A_238] : memref<10000x128xf32, #tpu.memory_space<hbm>> -> memref<10000x128xf32, #tpu.memory_space<hbm>>
      tpu.wait_indirect_dma semaphore(%arg26 : memref<!tpu.dma_semaphore, #tpu.memory_space<semaphore_mem>>) src(%dma_wait3A_239 : memref<10000x128xf32, #tpu.memory_space<hbm>>) dst(%arg18 : memref<64x128xf32, #tpu.memory_space<vmem>>)
      %dma_start3A_240 = arith.constant 0 : i32
      %dma_start3A_241 = arith.constant 0 : i32
      %dma_start3A_242 = tpu.memref_slice %arg7[%dma_start3A_240, %dma_start3A_241] : memref<10000x128xf32, #tpu.memory_space<vmem_shared>> -> memref<10000x128xf32, #tpu.memory_space<vmem_shared>>
      tpu.enqueue_indirect_dma source(%arg18 : memref<64x128xf32, #tpu.memory_space<vmem>>) target(%dma_start3A_242 : memref<10000x128xf32, #tpu.memory_space<vmem_shared>>) offsets(%arg14 : memref<64xi32, #tpu.memory_space<vmem>>) semaphore(%arg30 : memref<!tpu.dma_semaphore, #tpu.memory_space<semaphore_mem>>) {add = true}
      %dma_wait3A_243 = arith.constant 0 : i32
      %dma_wait3A_244 = arith.constant 0 : i32
      %dma_wait3A_245 = tpu.memref_slice %arg2[%dma_wait3A_243, %dma_wait3A_244] : memref<10000x128xf32, #tpu.memory_space<hbm>> -> memref<10000x128xf32, #tpu.memory_space<hbm>>
      tpu.wait_indirect_dma semaphore(%arg27 : memref<!tpu.dma_semaphore, #tpu.memory_space<semaphore_mem>>) src(%dma_wait3A_245 : memref<10000x128xf32, #tpu.memory_space<hbm>>) dst(%arg19 : memref<64x128xf32, #tpu.memory_space<vmem>>)
      %dma_start3A_246 = arith.constant 0 : i32
      %dma_start3A_247 = arith.constant 0 : i32
      %dma_start3A_248 = tpu.memref_slice %arg7[%dma_start3A_246, %dma_start3A_247] : memref<10000x128xf32, #tpu.memory_space<vmem_shared>> -> memref<10000x128xf32, #tpu.memory_space<vmem_shared>>
      tpu.enqueue_indirect_dma source(%arg19 : memref<64x128xf32, #tpu.memory_space<vmem>>) target(%dma_start3A_248 : memref<10000x128xf32, #tpu.memory_space<vmem_shared>>) offsets(%arg15 : memref<64xi32, #tpu.memory_space<vmem>>) semaphore(%arg31 : memref<!tpu.dma_semaphore, #tpu.memory_space<semaphore_mem>>) {add = true}
      %mul3A_249 = arith.constant 4 : i32
      %mul3A_250 = arith.muli %mul3A_249, %scan3A_224 : i32
      %add3A_251 = arith.constant 0 : i32
      %add3A_252 = arith.addi %mul3A_250, %add3A_251 : i32
      %add3A_253 = arith.constant 4 : i32
      %add3A_254 = arith.addi %add3A_252, %add3A_253 : i32
      %dma_wait3A_255 = arith.constant 0 : i32
      %dma_wait3A_256 = arith.constant 0 : i32
      %dma_wait3A_257 = tpu.memref_slice %arg7[%dma_wait3A_255, %dma_wait3A_256] : memref<10000x128xf32, #tpu.memory_space<vmem_shared>> -> memref<10000x128xf32, #tpu.memory_space<vmem_shared>>
      tpu.wait_indirect_dma semaphore(%arg28 : memref<!tpu.dma_semaphore, #tpu.memory_space<semaphore_mem>>) src(%arg16 : memref<64x128xf32, #tpu.memory_space<vmem>>) dst(%dma_wait3A_257 : memref<10000x128xf32, #tpu.memory_space<vmem_shared>>)
      %lt3A = arith.constant 156 : i32
      %lt3A_258 = arith.cmpi slt, %add3A_254, %lt3A : i32
      %convert_element_type3A_259 = arith.extui %lt3A_258 : i1 to i32
      %cond3A_260 = arith.constant 0 : i32
      %cond3A_261 = arith.cmpi ne, %convert_element_type3A_259, %cond3A_260 : i32
      scf.if %cond3A_261 {
        %mul3A_348 = arith.constant 64 : i32
        %mul3A_349 = arith.muli %add3A_254, %mul3A_348 : i32
        %add3A_350 = arith.addi %mul3A_2, %mul3A_349 : i32
        %dma_start3A_351 = tpu.memref_slice %arg3[%add3A_350] : memref<320000xi32, #tpu.memory_space<hbm>> -> memref<64xi32, #tpu.memory_space<hbm>>
        %dma_start3A_352 = tpu.memref_slice %arg3[%add3A_350] : memref<320000xi32, #tpu.memory_space<hbm>> -> memref<64xi32, #tpu.memory_space<hbm>>
        tpu.enqueue_dma source(%dma_start3A_352 : memref<64xi32, #tpu.memory_space<hbm>>) target(%arg8 : memref<64xi32, #tpu.memory_space<vmem>>) target_semaphore(%arg20 : memref<!tpu.dma_semaphore, #tpu.memory_space<semaphore_mem>>)
        %dma_start3A_353 = tpu.memref_slice %arg4[%add3A_350] : memref<320000xi32, #tpu.memory_space<hbm>> -> memref<64xi32, #tpu.memory_space<hbm>>
        %dma_start3A_354 = tpu.memref_slice %arg4[%add3A_350] : memref<320000xi32, #tpu.memory_space<hbm>> -> memref<64xi32, #tpu.memory_space<hbm>>
        tpu.enqueue_dma source(%dma_start3A_354 : memref<64xi32, #tpu.memory_space<hbm>>) target(%arg12 : memref<64xi32, #tpu.memory_space<vmem>>) target_semaphore(%arg20 : memref<!tpu.dma_semaphore, #tpu.memory_space<semaphore_mem>>)
      } else {
      }
      %mul3A_262 = arith.constant 4 : i32
      %mul3A_263 = arith.muli %mul3A_262, %scan3A_224 : i32
      %add3A_264 = arith.constant 1 : i32
      %add3A_265 = arith.addi %mul3A_263, %add3A_264 : i32
      %add3A_266 = arith.constant 4 : i32
      %add3A_267 = arith.addi %add3A_265, %add3A_266 : i32
      %dma_wait3A_268 = arith.constant 0 : i32
      %dma_wait3A_269 = arith.constant 0 : i32
      %dma_wait3A_270 = tpu.memref_slice %arg7[%dma_wait3A_268, %dma_wait3A_269] : memref<10000x128xf32, #tpu.memory_space<vmem_shared>> -> memref<10000x128xf32, #tpu.memory_space<vmem_shared>>
      tpu.wait_indirect_dma semaphore(%arg29 : memref<!tpu.dma_semaphore, #tpu.memory_space<semaphore_mem>>) src(%arg17 : memref<64x128xf32, #tpu.memory_space<vmem>>) dst(%dma_wait3A_270 : memref<10000x128xf32, #tpu.memory_space<vmem_shared>>)
      %lt3A_271 = arith.constant 156 : i32
      %lt3A_272 = arith.cmpi slt, %add3A_267, %lt3A_271 : i32
      %convert_element_type3A_273 = arith.extui %lt3A_272 : i1 to i32
      %cond3A_274 = arith.constant 0 : i32
      %cond3A_275 = arith.cmpi ne, %convert_element_type3A_273, %cond3A_274 : i32
      scf.if %cond3A_275 {
        %mul3A_348 = arith.constant 64 : i32
        %mul3A_349 = arith.muli %add3A_267, %mul3A_348 : i32
        %add3A_350 = arith.addi %mul3A_2, %mul3A_349 : i32
        %dma_start3A_351 = tpu.memref_slice %arg3[%add3A_350] : memref<320000xi32, #tpu.memory_space<hbm>> -> memref<64xi32, #tpu.memory_space<hbm>>
        %dma_start3A_352 = tpu.memref_slice %arg3[%add3A_350] : memref<320000xi32, #tpu.memory_space<hbm>> -> memref<64xi32, #tpu.memory_space<hbm>>
        tpu.enqueue_dma source(%dma_start3A_352 : memref<64xi32, #tpu.memory_space<hbm>>) target(%arg9 : memref<64xi32, #tpu.memory_space<vmem>>) target_semaphore(%arg21 : memref<!tpu.dma_semaphore, #tpu.memory_space<semaphore_mem>>)
        %dma_start3A_353 = tpu.memref_slice %arg4[%add3A_350] : memref<320000xi32, #tpu.memory_space<hbm>> -> memref<64xi32, #tpu.memory_space<hbm>>
        %dma_start3A_354 = tpu.memref_slice %arg4[%add3A_350] : memref<320000xi32, #tpu.memory_space<hbm>> -> memref<64xi32, #tpu.memory_space<hbm>>
        tpu.enqueue_dma source(%dma_start3A_354 : memref<64xi32, #tpu.memory_space<hbm>>) target(%arg13 : memref<64xi32, #tpu.memory_space<vmem>>) target_semaphore(%arg21 : memref<!tpu.dma_semaphore, #tpu.memory_space<semaphore_mem>>)
      } else {
      }
      %mul3A_276 = arith.constant 4 : i32
      %mul3A_277 = arith.muli %mul3A_276, %scan3A_224 : i32
      %add3A_278 = arith.constant 2 : i32
      %add3A_279 = arith.addi %mul3A_277, %add3A_278 : i32
      %add3A_280 = arith.constant 4 : i32
      %add3A_281 = arith.addi %add3A_279, %add3A_280 : i32
      %dma_wait3A_282 = arith.constant 0 : i32
      %dma_wait3A_283 = arith.constant 0 : i32
      %dma_wait3A_284 = tpu.memref_slice %arg7[%dma_wait3A_282, %dma_wait3A_283] : memref<10000x128xf32, #tpu.memory_space<vmem_shared>> -> memref<10000x128xf32, #tpu.memory_space<vmem_shared>>
      tpu.wait_indirect_dma semaphore(%arg30 : memref<!tpu.dma_semaphore, #tpu.memory_space<semaphore_mem>>) src(%arg18 : memref<64x128xf32, #tpu.memory_space<vmem>>) dst(%dma_wait3A_284 : memref<10000x128xf32, #tpu.memory_space<vmem_shared>>)
      %lt3A_285 = arith.constant 156 : i32
      %lt3A_286 = arith.cmpi slt, %add3A_281, %lt3A_285 : i32
      %convert_element_type3A_287 = arith.extui %lt3A_286 : i1 to i32
      %cond3A_288 = arith.constant 0 : i32
      %cond3A_289 = arith.cmpi ne, %convert_element_type3A_287, %cond3A_288 : i32
      scf.if %cond3A_289 {
        %mul3A_348 = arith.constant 64 : i32
        %mul3A_349 = arith.muli %add3A_281, %mul3A_348 : i32
        %add3A_350 = arith.addi %mul3A_2, %mul3A_349 : i32
        %dma_start3A_351 = tpu.memref_slice %arg3[%add3A_350] : memref<320000xi32, #tpu.memory_space<hbm>> -> memref<64xi32, #tpu.memory_space<hbm>>
        %dma_start3A_352 = tpu.memref_slice %arg3[%add3A_350] : memref<320000xi32, #tpu.memory_space<hbm>> -> memref<64xi32, #tpu.memory_space<hbm>>
        tpu.enqueue_dma source(%dma_start3A_352 : memref<64xi32, #tpu.memory_space<hbm>>) target(%arg10 : memref<64xi32, #tpu.memory_space<vmem>>) target_semaphore(%arg22 : memref<!tpu.dma_semaphore, #tpu.memory_space<semaphore_mem>>)
        %dma_start3A_353 = tpu.memref_slice %arg4[%add3A_350] : memref<320000xi32, #tpu.memory_space<hbm>> -> memref<64xi32, #tpu.memory_space<hbm>>
        %dma_start3A_354 = tpu.memref_slice %arg4[%add3A_350] : memref<320000xi32, #tpu.memory_space<hbm>> -> memref<64xi32, #tpu.memory_space<hbm>>
        tpu.enqueue_dma source(%dma_start3A_354 : memref<64xi32, #tpu.memory_space<hbm>>) target(%arg14 : memref<64xi32, #tpu.memory_space<vmem>>) target_semaphore(%arg22 : memref<!tpu.dma_semaphore, #tpu.memory_space<semaphore_mem>>)
      } else {
      }
      %mul3A_290 = arith.constant 4 : i32
      %mul3A_291 = arith.muli %mul3A_290, %scan3A_224 : i32
      %add3A_292 = arith.constant 3 : i32
      %add3A_293 = arith.addi %mul3A_291, %add3A_292 : i32
      %add3A_294 = arith.constant 4 : i32
      %add3A_295 = arith.addi %add3A_293, %add3A_294 : i32
      %dma_wait3A_296 = arith.constant 0 : i32
      %dma_wait3A_297 = arith.constant 0 : i32
      %dma_wait3A_298 = tpu.memref_slice %arg7[%dma_wait3A_296, %dma_wait3A_297] : memref<10000x128xf32, #tpu.memory_space<vmem_shared>> -> memref<10000x128xf32, #tpu.memory_space<vmem_shared>>
      tpu.wait_indirect_dma semaphore(%arg31 : memref<!tpu.dma_semaphore, #tpu.memory_space<semaphore_mem>>) src(%arg19 : memref<64x128xf32, #tpu.memory_space<vmem>>) dst(%dma_wait3A_298 : memref<10000x128xf32, #tpu.memory_space<vmem_shared>>)
      %lt3A_299 = arith.constant 156 : i32
      %lt3A_300 = arith.cmpi slt, %add3A_295, %lt3A_299 : i32
      %convert_element_type3A_301 = arith.extui %lt3A_300 : i1 to i32
      %cond3A_302 = arith.constant 0 : i32
      %cond3A_303 = arith.cmpi ne, %convert_element_type3A_301, %cond3A_302 : i32
      scf.if %cond3A_303 {
        %mul3A_348 = arith.constant 64 : i32
        %mul3A_349 = arith.muli %add3A_295, %mul3A_348 : i32
        %add3A_350 = arith.addi %mul3A_2, %mul3A_349 : i32
        %dma_start3A_351 = tpu.memref_slice %arg3[%add3A_350] : memref<320000xi32, #tpu.memory_space<hbm>> -> memref<64xi32, #tpu.memory_space<hbm>>
        %dma_start3A_352 = tpu.memref_slice %arg3[%add3A_350] : memref<320000xi32, #tpu.memory_space<hbm>> -> memref<64xi32, #tpu.memory_space<hbm>>
        tpu.enqueue_dma source(%dma_start3A_352 : memref<64xi32, #tpu.memory_space<hbm>>) target(%arg11 : memref<64xi32, #tpu.memory_space<vmem>>) target_semaphore(%arg23 : memref<!tpu.dma_semaphore, #tpu.memory_space<semaphore_mem>>)
        %dma_start3A_353 = tpu.memref_slice %arg4[%add3A_350] : memref<320000xi32, #tpu.memory_space<hbm>> -> memref<64xi32, #tpu.memory_space<hbm>>
        %dma_start3A_354 = tpu.memref_slice %arg4[%add3A_350] : memref<320000xi32, #tpu.memory_space<hbm>> -> memref<64xi32, #tpu.memory_space<hbm>>
        tpu.enqueue_dma source(%dma_start3A_354 : memref<64xi32, #tpu.memory_space<hbm>>) target(%arg15 : memref<64xi32, #tpu.memory_space<vmem>>) target_semaphore(%arg23 : memref<!tpu.dma_semaphore, #tpu.memory_space<semaphore_mem>>)
      } else {
      }
      %mul3A_304 = arith.constant 4 : i32
      %mul3A_305 = arith.muli %mul3A_304, %scan3A_224 : i32
      %add3A_306 = arith.constant 0 : i32
      %add3A_307 = arith.addi %mul3A_305, %add3A_306 : i32
      %add3A_308 = arith.constant 4 : i32
      %add3A_309 = arith.addi %add3A_307, %add3A_308 : i32
      %lt3A_310 = arith.constant 156 : i32
      %lt3A_311 = arith.cmpi slt, %add3A_309, %lt3A_310 : i32
      %convert_element_type3A_312 = arith.extui %lt3A_311 : i1 to i32
      %cond3A_313 = arith.constant 0 : i32
      %cond3A_314 = arith.cmpi ne, %convert_element_type3A_312, %cond3A_313 : i32
      scf.if %cond3A_314 {
        %mul3A_348 = arith.constant 64 : i32
        %mul3A_349 = arith.muli %add3A_309, %mul3A_348 : i32
        %add3A_350 = arith.addi %mul3A_2, %mul3A_349 : i32
        %dma_wait3A_351 = tpu.memref_slice %arg3[%add3A_350] : memref<320000xi32, #tpu.memory_space<hbm>> -> memref<64xi32, #tpu.memory_space<hbm>>
        %dma_wait3A_352 = tpu.memref_slice %arg3[%add3A_350] : memref<320000xi32, #tpu.memory_space<hbm>> -> memref<64xi32, #tpu.memory_space<hbm>>
        tpu.wait_dma2 semaphore(%arg20 : memref<!tpu.dma_semaphore, #tpu.memory_space<semaphore_mem>>) src(%dma_wait3A_352 : memref<64xi32, #tpu.memory_space<hbm>>) dst(%arg8 : memref<64xi32, #tpu.memory_space<vmem>>)
        %dma_wait3A_353 = tpu.memref_slice %arg4[%add3A_350] : memref<320000xi32, #tpu.memory_space<hbm>> -> memref<64xi32, #tpu.memory_space<hbm>>
        %dma_wait3A_354 = tpu.memref_slice %arg4[%add3A_350] : memref<320000xi32, #tpu.memory_space<hbm>> -> memref<64xi32, #tpu.memory_space<hbm>>
        tpu.wait_dma2 semaphore(%arg20 : memref<!tpu.dma_semaphore, #tpu.memory_space<semaphore_mem>>) src(%dma_wait3A_354 : memref<64xi32, #tpu.memory_space<hbm>>) dst(%arg12 : memref<64xi32, #tpu.memory_space<vmem>>)
        %dma_start3A_355 = arith.constant 0 : i32
        %dma_start3A_356 = arith.constant 0 : i32
        %dma_start3A_357 = tpu.memref_slice %arg2[%dma_start3A_355, %dma_start3A_356] : memref<10000x128xf32, #tpu.memory_space<hbm>> -> memref<10000x128xf32, #tpu.memory_space<hbm>>
        tpu.enqueue_indirect_dma source(%dma_start3A_357 : memref<10000x128xf32, #tpu.memory_space<hbm>>) target(%arg16 : memref<64x128xf32, #tpu.memory_space<vmem>>) offsets(%arg8 : memref<64xi32, #tpu.memory_space<vmem>>) semaphore(%arg24 : memref<!tpu.dma_semaphore, #tpu.memory_space<semaphore_mem>>)
      } else {
      }
      %mul3A_315 = arith.constant 4 : i32
      %mul3A_316 = arith.muli %mul3A_315, %scan3A_224 : i32
      %add3A_317 = arith.constant 1 : i32
      %add3A_318 = arith.addi %mul3A_316, %add3A_317 : i32
      %add3A_319 = arith.constant 4 : i32
      %add3A_320 = arith.addi %add3A_318, %add3A_319 : i32
      %lt3A_321 = arith.constant 156 : i32
      %lt3A_322 = arith.cmpi slt, %add3A_320, %lt3A_321 : i32
      %convert_element_type3A_323 = arith.extui %lt3A_322 : i1 to i32
      %cond3A_324 = arith.constant 0 : i32
      %cond3A_325 = arith.cmpi ne, %convert_element_type3A_323, %cond3A_324 : i32
      scf.if %cond3A_325 {
        %mul3A_348 = arith.constant 64 : i32
        %mul3A_349 = arith.muli %add3A_320, %mul3A_348 : i32
        %add3A_350 = arith.addi %mul3A_2, %mul3A_349 : i32
        %dma_wait3A_351 = tpu.memref_slice %arg3[%add3A_350] : memref<320000xi32, #tpu.memory_space<hbm>> -> memref<64xi32, #tpu.memory_space<hbm>>
        %dma_wait3A_352 = tpu.memref_slice %arg3[%add3A_350] : memref<320000xi32, #tpu.memory_space<hbm>> -> memref<64xi32, #tpu.memory_space<hbm>>
        tpu.wait_dma2 semaphore(%arg21 : memref<!tpu.dma_semaphore, #tpu.memory_space<semaphore_mem>>) src(%dma_wait3A_352 : memref<64xi32, #tpu.memory_space<hbm>>) dst(%arg9 : memref<64xi32, #tpu.memory_space<vmem>>)
        %dma_wait3A_353 = tpu.memref_slice %arg4[%add3A_350] : memref<320000xi32, #tpu.memory_space<hbm>> -> memref<64xi32, #tpu.memory_space<hbm>>
        %dma_wait3A_354 = tpu.memref_slice %arg4[%add3A_350] : memref<320000xi32, #tpu.memory_space<hbm>> -> memref<64xi32, #tpu.memory_space<hbm>>
        tpu.wait_dma2 semaphore(%arg21 : memref<!tpu.dma_semaphore, #tpu.memory_space<semaphore_mem>>) src(%dma_wait3A_354 : memref<64xi32, #tpu.memory_space<hbm>>) dst(%arg13 : memref<64xi32, #tpu.memory_space<vmem>>)
        %dma_start3A_355 = arith.constant 0 : i32
        %dma_start3A_356 = arith.constant 0 : i32
        %dma_start3A_357 = tpu.memref_slice %arg2[%dma_start3A_355, %dma_start3A_356] : memref<10000x128xf32, #tpu.memory_space<hbm>> -> memref<10000x128xf32, #tpu.memory_space<hbm>>
        tpu.enqueue_indirect_dma source(%dma_start3A_357 : memref<10000x128xf32, #tpu.memory_space<hbm>>) target(%arg17 : memref<64x128xf32, #tpu.memory_space<vmem>>) offsets(%arg9 : memref<64xi32, #tpu.memory_space<vmem>>) semaphore(%arg25 : memref<!tpu.dma_semaphore, #tpu.memory_space<semaphore_mem>>)
      } else {
      }
      %mul3A_326 = arith.constant 4 : i32
      %mul3A_327 = arith.muli %mul3A_326, %scan3A_224 : i32
      %add3A_328 = arith.constant 2 : i32
      %add3A_329 = arith.addi %mul3A_327, %add3A_328 : i32
      %add3A_330 = arith.constant 4 : i32
      %add3A_331 = arith.addi %add3A_329, %add3A_330 : i32
      %lt3A_332 = arith.constant 156 : i32
      %lt3A_333 = arith.cmpi slt, %add3A_331, %lt3A_332 : i32
      %convert_element_type3A_334 = arith.extui %lt3A_333 : i1 to i32
      %cond3A_335 = arith.constant 0 : i32
      %cond3A_336 = arith.cmpi ne, %convert_element_type3A_334, %cond3A_335 : i32
      scf.if %cond3A_336 {
        %mul3A_348 = arith.constant 64 : i32
        %mul3A_349 = arith.muli %add3A_331, %mul3A_348 : i32
        %add3A_350 = arith.addi %mul3A_2, %mul3A_349 : i32
        %dma_wait3A_351 = tpu.memref_slice %arg3[%add3A_350] : memref<320000xi32, #tpu.memory_space<hbm>> -> memref<64xi32, #tpu.memory_space<hbm>>
        %dma_wait3A_352 = tpu.memref_slice %arg3[%add3A_350] : memref<320000xi32, #tpu.memory_space<hbm>> -> memref<64xi32, #tpu.memory_space<hbm>>
        tpu.wait_dma2 semaphore(%arg22 : memref<!tpu.dma_semaphore, #tpu.memory_space<semaphore_mem>>) src(%dma_wait3A_352 : memref<64xi32, #tpu.memory_space<hbm>>) dst(%arg10 : memref<64xi32, #tpu.memory_space<vmem>>)
        %dma_wait3A_353 = tpu.memref_slice %arg4[%add3A_350] : memref<320000xi32, #tpu.memory_space<hbm>> -> memref<64xi32, #tpu.memory_space<hbm>>
        %dma_wait3A_354 = tpu.memref_slice %arg4[%add3A_350] : memref<320000xi32, #tpu.memory_space<hbm>> -> memref<64xi32, #tpu.memory_space<hbm>>
        tpu.wait_dma2 semaphore(%arg22 : memref<!tpu.dma_semaphore, #tpu.memory_space<semaphore_mem>>) src(%dma_wait3A_354 : memref<64xi32, #tpu.memory_space<hbm>>) dst(%arg14 : memref<64xi32, #tpu.memory_space<vmem>>)
        %dma_start3A_355 = arith.constant 0 : i32
        %dma_start3A_356 = arith.constant 0 : i32
        %dma_start3A_357 = tpu.memref_slice %arg2[%dma_start3A_355, %dma_start3A_356] : memref<10000x128xf32, #tpu.memory_space<hbm>> -> memref<10000x128xf32, #tpu.memory_space<hbm>>
        tpu.enqueue_indirect_dma source(%dma_start3A_357 : memref<10000x128xf32, #tpu.memory_space<hbm>>) target(%arg18 : memref<64x128xf32, #tpu.memory_space<vmem>>) offsets(%arg10 : memref<64xi32, #tpu.memory_space<vmem>>) semaphore(%arg26 : memref<!tpu.dma_semaphore, #tpu.memory_space<semaphore_mem>>)
      } else {
      }
      %mul3A_337 = arith.constant 4 : i32
      %mul3A_338 = arith.muli %mul3A_337, %scan3A_224 : i32
      %add3A_339 = arith.constant 3 : i32
      %add3A_340 = arith.addi %mul3A_338, %add3A_339 : i32
      %add3A_341 = arith.constant 4 : i32
      %add3A_342 = arith.addi %add3A_340, %add3A_341 : i32
      %lt3A_343 = arith.constant 156 : i32
      %lt3A_344 = arith.cmpi slt, %add3A_342, %lt3A_343 : i32
      %convert_element_type3A_345 = arith.extui %lt3A_344 : i1 to i32
      %cond3A_346 = arith.constant 0 : i32
      %cond3A_347 = arith.cmpi ne, %convert_element_type3A_345, %cond3A_346 : i32
      scf.if %cond3A_347 {
        %mul3A_348 = arith.constant 64 : i32
        %mul3A_349 = arith.muli %add3A_342, %mul3A_348 : i32
        %add3A_350 = arith.addi %mul3A_2, %mul3A_349 : i32
        %dma_wait3A_351 = tpu.memref_slice %arg3[%add3A_350] : memref<320000xi32, #tpu.memory_space<hbm>> -> memref<64xi32, #tpu.memory_space<hbm>>
        %dma_wait3A_352 = tpu.memref_slice %arg3[%add3A_350] : memref<320000xi32, #tpu.memory_space<hbm>> -> memref<64xi32, #tpu.memory_space<hbm>>
        tpu.wait_dma2 semaphore(%arg23 : memref<!tpu.dma_semaphore, #tpu.memory_space<semaphore_mem>>) src(%dma_wait3A_352 : memref<64xi32, #tpu.memory_space<hbm>>) dst(%arg11 : memref<64xi32, #tpu.memory_space<vmem>>)
        %dma_wait3A_353 = tpu.memref_slice %arg4[%add3A_350] : memref<320000xi32, #tpu.memory_space<hbm>> -> memref<64xi32, #tpu.memory_space<hbm>>
        %dma_wait3A_354 = tpu.memref_slice %arg4[%add3A_350] : memref<320000xi32, #tpu.memory_space<hbm>> -> memref<64xi32, #tpu.memory_space<hbm>>
        tpu.wait_dma2 semaphore(%arg23 : memref<!tpu.dma_semaphore, #tpu.memory_space<semaphore_mem>>) src(%dma_wait3A_354 : memref<64xi32, #tpu.memory_space<hbm>>) dst(%arg15 : memref<64xi32, #tpu.memory_space<vmem>>)
        %dma_start3A_355 = arith.constant 0 : i32
        %dma_start3A_356 = arith.constant 0 : i32
        %dma_start3A_357 = tpu.memref_slice %arg2[%dma_start3A_355, %dma_start3A_356] : memref<10000x128xf32, #tpu.memory_space<hbm>> -> memref<10000x128xf32, #tpu.memory_space<hbm>>
        tpu.enqueue_indirect_dma source(%dma_start3A_357 : memref<10000x128xf32, #tpu.memory_space<hbm>>) target(%arg19 : memref<64x128xf32, #tpu.memory_space<vmem>>) offsets(%arg11 : memref<64xi32, #tpu.memory_space<vmem>>) semaphore(%arg27 : memref<!tpu.dma_semaphore, #tpu.memory_space<semaphore_mem>>)
      } else {
      }
    }
    %scan3A_134 = arith.constant 39 : i32
    %add3A_135 = arith.constant 9984 : i32
    %add3A_136 = arith.addi %mul3A_2, %add3A_135 : i32
    "tpu.region"() ({
      %run_scoped3A = tpu.sem_alloc : memref<!tpu.dma_semaphore, #tpu.memory_space<semaphore_mem>>
      %dma_start3A_224 = tpu.memref_slice %arg3[%add3A_136] : memref<320000xi32, #tpu.memory_space<hbm>> -> memref<16xi32, #tpu.memory_space<hbm>>
      %dma_start3A_225 = tpu.memref_slice %arg3[%add3A_136] : memref<320000xi32, #tpu.memory_space<hbm>> -> memref<16xi32, #tpu.memory_space<hbm>>
      tpu.enqueue_dma source(%dma_start3A_225 : memref<16xi32, #tpu.memory_space<hbm>>) target(%arg32 : memref<16xi32, #tpu.memory_space<vmem>>) target_semaphore(%run_scoped3A : memref<!tpu.dma_semaphore, #tpu.memory_space<semaphore_mem>>)
      %dma_wait3A_226 = tpu.memref_slice %arg3[%add3A_136] : memref<320000xi32, #tpu.memory_space<hbm>> -> memref<16xi32, #tpu.memory_space<hbm>>
      %dma_wait3A_227 = tpu.memref_slice %arg3[%add3A_136] : memref<320000xi32, #tpu.memory_space<hbm>> -> memref<16xi32, #tpu.memory_space<hbm>>
      tpu.wait_dma2 semaphore(%run_scoped3A : memref<!tpu.dma_semaphore, #tpu.memory_space<semaphore_mem>>) src(%dma_wait3A_227 : memref<16xi32, #tpu.memory_space<hbm>>) dst(%arg32 : memref<16xi32, #tpu.memory_space<vmem>>)
      tpu.yield
    }) : () -> ()
    "tpu.region"() ({
      %run_scoped3A = tpu.sem_alloc : memref<!tpu.dma_semaphore, #tpu.memory_space<semaphore_mem>>
      %dma_start3A_224 = tpu.memref_slice %arg4[%add3A_136] : memref<320000xi32, #tpu.memory_space<hbm>> -> memref<16xi32, #tpu.memory_space<hbm>>
      %dma_start3A_225 = tpu.memref_slice %arg4[%add3A_136] : memref<320000xi32, #tpu.memory_space<hbm>> -> memref<16xi32, #tpu.memory_space<hbm>>
      tpu.enqueue_dma source(%dma_start3A_225 : memref<16xi32, #tpu.memory_space<hbm>>) target(%arg33 : memref<16xi32, #tpu.memory_space<vmem>>) target_semaphore(%run_scoped3A : memref<!tpu.dma_semaphore, #tpu.memory_space<semaphore_mem>>)
      %dma_wait3A_226 = tpu.memref_slice %arg4[%add3A_136] : memref<320000xi32, #tpu.memory_space<hbm>> -> memref<16xi32, #tpu.memory_space<hbm>>
      %dma_wait3A_227 = tpu.memref_slice %arg4[%add3A_136] : memref<320000xi32, #tpu.memory_space<hbm>> -> memref<16xi32, #tpu.memory_space<hbm>>
      tpu.wait_dma2 semaphore(%run_scoped3A : memref<!tpu.dma_semaphore, #tpu.memory_space<semaphore_mem>>) src(%dma_wait3A_227 : memref<16xi32, #tpu.memory_space<hbm>>) dst(%arg33 : memref<16xi32, #tpu.memory_space<vmem>>)
      tpu.yield
    }) : () -> ()
    %dma_start3A_137 = arith.constant 0 : i32
    %dma_start3A_138 = arith.constant 0 : i32
    %dma_start3A_139 = tpu.memref_slice %arg2[%dma_start3A_137, %dma_start3A_138] : memref<10000x128xf32, #tpu.memory_space<hbm>> -> memref<10000x128xf32, #tpu.memory_space<hbm>>
    tpu.enqueue_indirect_dma source(%dma_start3A_139 : memref<10000x128xf32, #tpu.memory_space<hbm>>) target(%arg34 : memref<16x128xf32, #tpu.memory_space<vmem>>) offsets(%arg32 : memref<16xi32, #tpu.memory_space<vmem>>) semaphore(%arg24 : memref<!tpu.dma_semaphore, #tpu.memory_space<semaphore_mem>>)
    %dma_wait3A_140 = arith.constant 0 : i32
    %dma_wait3A_141 = arith.constant 0 : i32
    %dma_wait3A_142 = tpu.memref_slice %arg2[%dma_wait3A_140, %dma_wait3A_141] : memref<10000x128xf32, #tpu.memory_space<hbm>> -> memref<10000x128xf32, #tpu.memory_space<hbm>>
    tpu.wait_indirect_dma semaphore(%arg24 : memref<!tpu.dma_semaphore, #tpu.memory_space<semaphore_mem>>) src(%dma_wait3A_142 : memref<10000x128xf32, #tpu.memory_space<hbm>>) dst(%arg34 : memref<16x128xf32, #tpu.memory_space<vmem>>)
    "tpu.region"() ({
      %run_scoped3A = tpu.sem_alloc : memref<!tpu.dma_semaphore, #tpu.memory_space<semaphore_mem>>
      %dma_start3A_224 = arith.constant 0 : i32
      %dma_start3A_225 = arith.constant 0 : i32
      %dma_start3A_226 = tpu.memref_slice %arg7[%dma_start3A_224, %dma_start3A_225] : memref<10000x128xf32, #tpu.memory_space<vmem_shared>> -> memref<10000x128xf32, #tpu.memory_space<vmem_shared>>
      tpu.enqueue_indirect_dma source(%arg34 : memref<16x128xf32, #tpu.memory_space<vmem>>) target(%dma_start3A_226 : memref<10000x128xf32, #tpu.memory_space<vmem_shared>>) offsets(%arg33 : memref<16xi32, #tpu.memory_space<vmem>>) semaphore(%run_scoped3A : memref<!tpu.dma_semaphore, #tpu.memory_space<semaphore_mem>>) {add = true}
      %dma_wait3A_227 = arith.constant 0 : i32
      %dma_wait3A_228 = arith.constant 0 : i32
      %dma_wait3A_229 = tpu.memref_slice %arg7[%dma_wait3A_227, %dma_wait3A_228] : memref<10000x128xf32, #tpu.memory_space<vmem_shared>> -> memref<10000x128xf32, #tpu.memory_space<vmem_shared>>
      tpu.wait_indirect_dma semaphore(%run_scoped3A : memref<!tpu.dma_semaphore, #tpu.memory_space<semaphore_mem>>) src(%arg34 : memref<16x128xf32, #tpu.memory_space<vmem>>) dst(%dma_wait3A_229 : memref<10000x128xf32, #tpu.memory_space<vmem_shared>>)
      tpu.yield
    }) : () -> ()
    %barrier3A_143 = arith.constant 0 : index
    tpu.barrier barrier_id(%barrier3A_143)
    %eq3A_144 = arith.constant 0 : i32
    %eq3A_145 = arith.cmpi eq, %arg1, %eq3A_144 : i32
    %convert_element_type3A_146 = arith.extui %eq3A_145 : i1 to i32
    %cond3A_147 = arith.constant 0 : i32
    %cond3A_148 = arith.cmpi ne, %convert_element_type3A_146, %cond3A_147 : i32
    scf.if %cond3A_148 {
      "tpu.region"() ({
        %run_scoped3A = tpu.sem_alloc : memref<!tpu.dma_semaphore, #tpu.memory_space<semaphore_mem>>
        %dma_start3A_224 = arith.constant 0 : i32
        %dma_start3A_225 = arith.constant 0 : i32
        %dma_start3A_226 = tpu.memref_slice %arg6[%arg0, %dma_start3A_224, %dma_start3A_225] : memref<2x10000x128xf32, #tpu.memory_space<hbm>> -> memref<1x632x128xf32, #tpu.memory_space<hbm>>
        %dma_start3A_227 = tpu.memref_squeeze %dma_start3A_226 : memref<1x632x128xf32, #tpu.memory_space<hbm>> -> memref<632x128xf32, #tpu.memory_space<hbm>>
        %dma_start3A_228 = arith.constant 0 : i32
        %dma_start3A_229 = arith.constant 0 : i32
        %dma_start3A_230 = tpu.memref_slice %arg7[%dma_start3A_228, %dma_start3A_229] : memref<10000x128xf32, #tpu.memory_space<vmem_shared>> -> memref<632x128xf32, #tpu.memory_space<vmem_shared>>
        tpu.enqueue_dma source(%dma_start3A_230 : memref<632x128xf32, #tpu.memory_space<vmem_shared>>) target(%dma_start3A_227 : memref<632x128xf32, #tpu.memory_space<hbm>>) target_semaphore(%run_scoped3A : memref<!tpu.dma_semaphore, #tpu.memory_space<semaphore_mem>>)
        %dma_wait3A_231 = arith.constant 0 : i32
        %dma_wait3A_232 = arith.constant 0 : i32
        %dma_wait3A_233 = tpu.memref_slice %arg6[%arg0, %dma_wait3A_231, %dma_wait3A_232] : memref<2x10000x128xf32, #tpu.memory_space<hbm>> -> memref<1x632x128xf32, #tpu.memory_space<hbm>>
        %dma_wait3A_234 = tpu.memref_squeeze %dma_wait3A_233 : memref<1x632x128xf32, #tpu.memory_space<hbm>> -> memref<632x128xf32, #tpu.memory_space<hbm>>
        %dma_wait3A_235 = arith.constant 0 : i32
        %dma_wait3A_236 = arith.constant 0 : i32
        %dma_wait3A_237 = tpu.memref_slice %arg7[%dma_wait3A_235, %dma_wait3A_236] : memref<10000x128xf32, #tpu.memory_space<vmem_shared>> -> memref<632x128xf32, #tpu.memory_space<vmem_shared>>
        tpu.wait_dma2 semaphore(%run_scoped3A : memref<!tpu.dma_semaphore, #tpu.memory_space<semaphore_mem>>) src(%dma_wait3A_237 : memref<632x128xf32, #tpu.memory_space<vmem_shared>>) dst(%dma_wait3A_234 : memref<632x128xf32, #tpu.memory_space<hbm>>)
        tpu.yield
      }) : () -> ()
    } else {
    }
    %eq3A_149 = arith.constant 1 : i32
    %eq3A_150 = arith.cmpi eq, %arg1, %eq3A_149 : i32
    %convert_element_type3A_151 = arith.extui %eq3A_150 : i1 to i32
    %cond3A_152 = arith.constant 0 : i32
    %cond3A_153 = arith.cmpi ne, %convert_element_type3A_151, %cond3A_152 : i32
    scf.if %cond3A_153 {
      "tpu.region"() ({
        %run_scoped3A = tpu.sem_alloc : memref<!tpu.dma_semaphore, #tpu.memory_space<semaphore_mem>>
        %dma_start3A_224 = arith.constant 632 : i32
        %dma_start3A_225 = arith.constant 0 : i32
        %dma_start3A_226 = tpu.memref_slice %arg6[%arg0, %dma_start3A_224, %dma_start3A_225] : memref<2x10000x128xf32, #tpu.memory_space<hbm>> -> memref<1x632x128xf32, #tpu.memory_space<hbm>>
        %dma_start3A_227 = tpu.memref_squeeze %dma_start3A_226 : memref<1x632x128xf32, #tpu.memory_space<hbm>> -> memref<632x128xf32, #tpu.memory_space<hbm>>
        %dma_start3A_228 = arith.constant 632 : i32
        %dma_start3A_229 = arith.constant 0 : i32
        %dma_start3A_230 = tpu.memref_slice %arg7[%dma_start3A_228, %dma_start3A_229] : memref<10000x128xf32, #tpu.memory_space<vmem_shared>> -> memref<632x128xf32, #tpu.memory_space<vmem_shared>>
        tpu.enqueue_dma source(%dma_start3A_230 : memref<632x128xf32, #tpu.memory_space<vmem_shared>>) target(%dma_start3A_227 : memref<632x128xf32, #tpu.memory_space<hbm>>) target_semaphore(%run_scoped3A : memref<!tpu.dma_semaphore, #tpu.memory_space<semaphore_mem>>)
        %dma_wait3A_231 = arith.constant 632 : i32
        %dma_wait3A_232 = arith.constant 0 : i32
        %dma_wait3A_233 = tpu.memref_slice %arg6[%arg0, %dma_wait3A_231, %dma_wait3A_232] : memref<2x10000x128xf32, #tpu.memory_space<hbm>> -> memref<1x632x128xf32, #tpu.memory_space<hbm>>
        %dma_wait3A_234 = tpu.memref_squeeze %dma_wait3A_233 : memref<1x632x128xf32, #tpu.memory_space<hbm>> -> memref<632x128xf32, #tpu.memory_space<hbm>>
        %dma_wait3A_235 = arith.constant 632 : i32
        %dma_wait3A_236 = arith.constant 0 : i32
        %dma_wait3A_237 = tpu.memref_slice %arg7[%dma_wait3A_235, %dma_wait3A_236] : memref<10000x128xf32, #tpu.memory_space<vmem_shared>> -> memref<632x128xf32, #tpu.memory_space<vmem_shared>>
        tpu.wait_dma2 semaphore(%run_scoped3A : memref<!tpu.dma_semaphore, #tpu.memory_space<semaphore_mem>>) src(%dma_wait3A_237 : memref<632x128xf32, #tpu.memory_space<vmem_shared>>) dst(%dma_wait3A_234 : memref<632x128xf32, #tpu.memory_space<hbm>>)
        tpu.yield
      }) : () -> ()
    } else {
    }
    %eq3A_154 = arith.constant 2 : i32
    %eq3A_155 = arith.cmpi eq, %arg1, %eq3A_154 : i32
    %convert_element_type3A_156 = arith.extui %eq3A_155 : i1 to i32
    %cond3A_157 = arith.constant 0 : i32
    %cond3A_158 = arith.cmpi ne, %convert_element_type3A_156, %cond3A_157 : i32
    scf.if %cond3A_158 {
      "tpu.region"() ({
        %run_scoped3A = tpu.sem_alloc : memref<!tpu.dma_semaphore, #tpu.memory_space<semaphore_mem>>
        %dma_start3A_224 = arith.constant 1264 : i32
        %dma_start3A_225 = arith.constant 0 : i32
        %dma_start3A_226 = tpu.memref_slice %arg6[%arg0, %dma_start3A_224, %dma_start3A_225] : memref<2x10000x128xf32, #tpu.memory_space<hbm>> -> memref<1x632x128xf32, #tpu.memory_space<hbm>>
        %dma_start3A_227 = tpu.memref_squeeze %dma_start3A_226 : memref<1x632x128xf32, #tpu.memory_space<hbm>> -> memref<632x128xf32, #tpu.memory_space<hbm>>
        %dma_start3A_228 = arith.constant 1264 : i32
        %dma_start3A_229 = arith.constant 0 : i32
        %dma_start3A_230 = tpu.memref_slice %arg7[%dma_start3A_228, %dma_start3A_229] : memref<10000x128xf32, #tpu.memory_space<vmem_shared>> -> memref<632x128xf32, #tpu.memory_space<vmem_shared>>
        tpu.enqueue_dma source(%dma_start3A_230 : memref<632x128xf32, #tpu.memory_space<vmem_shared>>) target(%dma_start3A_227 : memref<632x128xf32, #tpu.memory_space<hbm>>) target_semaphore(%run_scoped3A : memref<!tpu.dma_semaphore, #tpu.memory_space<semaphore_mem>>)
        %dma_wait3A_231 = arith.constant 1264 : i32
        %dma_wait3A_232 = arith.constant 0 : i32
        %dma_wait3A_233 = tpu.memref_slice %arg6[%arg0, %dma_wait3A_231, %dma_wait3A_232] : memref<2x10000x128xf32, #tpu.memory_space<hbm>> -> memref<1x632x128xf32, #tpu.memory_space<hbm>>
        %dma_wait3A_234 = tpu.memref_squeeze %dma_wait3A_233 : memref<1x632x128xf32, #tpu.memory_space<hbm>> -> memref<632x128xf32, #tpu.memory_space<hbm>>
        %dma_wait3A_235 = arith.constant 1264 : i32
        %dma_wait3A_236 = arith.constant 0 : i32
        %dma_wait3A_237 = tpu.memref_slice %arg7[%dma_wait3A_235, %dma_wait3A_236] : memref<10000x128xf32, #tpu.memory_space<vmem_shared>> -> memref<632x128xf32, #tpu.memory_space<vmem_shared>>
        tpu.wait_dma2 semaphore(%run_scoped3A : memref<!tpu.dma_semaphore, #tpu.memory_space<semaphore_mem>>) src(%dma_wait3A_237 : memref<632x128xf32, #tpu.memory_space<vmem_shared>>) dst(%dma_wait3A_234 : memref<632x128xf32, #tpu.memory_space<hbm>>)
        tpu.yield
      }) : () -> ()
    } else {
    }
    %eq3A_159 = arith.constant 3 : i32
    %eq3A_160 = arith.cmpi eq, %arg1, %eq3A_159 : i32
    %convert_element_type3A_161 = arith.extui %eq3A_160 : i1 to i32
    %cond3A_162 = arith.constant 0 : i32
    %cond3A_163 = arith.cmpi ne, %convert_element_type3A_161, %cond3A_162 : i32
    scf.if %cond3A_163 {
      "tpu.region"() ({
        %run_scoped3A = tpu.sem_alloc : memref<!tpu.dma_semaphore, #tpu.memory_space<semaphore_mem>>
        %dma_start3A_224 = arith.constant 1896 : i32
        %dma_start3A_225 = arith.constant 0 : i32
        %dma_start3A_226 = tpu.memref_slice %arg6[%arg0, %dma_start3A_224, %dma_start3A_225] : memref<2x10000x128xf32, #tpu.memory_space<hbm>> -> memref<1x632x128xf32, #tpu.memory_space<hbm>>
        %dma_start3A_227 = tpu.memref_squeeze %dma_start3A_226 : memref<1x632x128xf32, #tpu.memory_space<hbm>> -> memref<632x128xf32, #tpu.memory_space<hbm>>
        %dma_start3A_228 = arith.constant 1896 : i32
        %dma_start3A_229 = arith.constant 0 : i32
        %dma_start3A_230 = tpu.memref_slice %arg7[%dma_start3A_228, %dma_start3A_229] : memref<10000x128xf32, #tpu.memory_space<vmem_shared>> -> memref<632x128xf32, #tpu.memory_space<vmem_shared>>
        tpu.enqueue_dma source(%dma_start3A_230 : memref<632x128xf32, #tpu.memory_space<vmem_shared>>) target(%dma_start3A_227 : memref<632x128xf32, #tpu.memory_space<hbm>>) target_semaphore(%run_scoped3A : memref<!tpu.dma_semaphore, #tpu.memory_space<semaphore_mem>>)
        %dma_wait3A_231 = arith.constant 1896 : i32
        %dma_wait3A_232 = arith.constant 0 : i32
        %dma_wait3A_233 = tpu.memref_slice %arg6[%arg0, %dma_wait3A_231, %dma_wait3A_232] : memref<2x10000x128xf32, #tpu.memory_space<hbm>> -> memref<1x632x128xf32, #tpu.memory_space<hbm>>
        %dma_wait3A_234 = tpu.memref_squeeze %dma_wait3A_233 : memref<1x632x128xf32, #tpu.memory_space<hbm>> -> memref<632x128xf32, #tpu.memory_space<hbm>>
        %dma_wait3A_235 = arith.constant 1896 : i32
        %dma_wait3A_236 = arith.constant 0 : i32
        %dma_wait3A_237 = tpu.memref_slice %arg7[%dma_wait3A_235, %dma_wait3A_236] : memref<10000x128xf32, #tpu.memory_space<vmem_shared>> -> memref<632x128xf32, #tpu.memory_space<vmem_shared>>
        tpu.wait_dma2 semaphore(%run_scoped3A : memref<!tpu.dma_semaphore, #tpu.memory_space<semaphore_mem>>) src(%dma_wait3A_237 : memref<632x128xf32, #tpu.memory_space<vmem_shared>>) dst(%dma_wait3A_234 : memref<632x128xf32, #tpu.memory_space<hbm>>)
        tpu.yield
      }) : () -> ()
    } else {
    }
    %eq3A_164 = arith.constant 4 : i32
    %eq3A_165 = arith.cmpi eq, %arg1, %eq3A_164 : i32
    %convert_element_type3A_166 = arith.extui %eq3A_165 : i1 to i32
    %cond3A_167 = arith.constant 0 : i32
    %cond3A_168 = arith.cmpi ne, %convert_element_type3A_166, %cond3A_167 : i32
    scf.if %cond3A_168 {
      "tpu.region"() ({
        %run_scoped3A = tpu.sem_alloc : memref<!tpu.dma_semaphore, #tpu.memory_space<semaphore_mem>>
        %dma_start3A_224 = arith.constant 2528 : i32
        %dma_start3A_225 = arith.constant 0 : i32
        %dma_start3A_226 = tpu.memref_slice %arg6[%arg0, %dma_start3A_224, %dma_start3A_225] : memref<2x10000x128xf32, #tpu.memory_space<hbm>> -> memref<1x632x128xf32, #tpu.memory_space<hbm>>
        %dma_start3A_227 = tpu.memref_squeeze %dma_start3A_226 : memref<1x632x128xf32, #tpu.memory_space<hbm>> -> memref<632x128xf32, #tpu.memory_space<hbm>>
        %dma_start3A_228 = arith.constant 2528 : i32
        %dma_start3A_229 = arith.constant 0 : i32
        %dma_start3A_230 = tpu.memref_slice %arg7[%dma_start3A_228, %dma_start3A_229] : memref<10000x128xf32, #tpu.memory_space<vmem_shared>> -> memref<632x128xf32, #tpu.memory_space<vmem_shared>>
        tpu.enqueue_dma source(%dma_start3A_230 : memref<632x128xf32, #tpu.memory_space<vmem_shared>>) target(%dma_start3A_227 : memref<632x128xf32, #tpu.memory_space<hbm>>) target_semaphore(%run_scoped3A : memref<!tpu.dma_semaphore, #tpu.memory_space<semaphore_mem>>)
        %dma_wait3A_231 = arith.constant 2528 : i32
        %dma_wait3A_232 = arith.constant 0 : i32
        %dma_wait3A_233 = tpu.memref_slice %arg6[%arg0, %dma_wait3A_231, %dma_wait3A_232] : memref<2x10000x128xf32, #tpu.memory_space<hbm>> -> memref<1x632x128xf32, #tpu.memory_space<hbm>>
        %dma_wait3A_234 = tpu.memref_squeeze %dma_wait3A_233 : memref<1x632x128xf32, #tpu.memory_space<hbm>> -> memref<632x128xf32, #tpu.memory_space<hbm>>
        %dma_wait3A_235 = arith.constant 2528 : i32
        %dma_wait3A_236 = arith.constant 0 : i32
        %dma_wait3A_237 = tpu.memref_slice %arg7[%dma_wait3A_235, %dma_wait3A_236] : memref<10000x128xf32, #tpu.memory_space<vmem_shared>> -> memref<632x128xf32, #tpu.memory_space<vmem_shared>>
        tpu.wait_dma2 semaphore(%run_scoped3A : memref<!tpu.dma_semaphore, #tpu.memory_space<semaphore_mem>>) src(%dma_wait3A_237 : memref<632x128xf32, #tpu.memory_space<vmem_shared>>) dst(%dma_wait3A_234 : memref<632x128xf32, #tpu.memory_space<hbm>>)
        tpu.yield
      }) : () -> ()
    } else {
    }
    %eq3A_169 = arith.constant 5 : i32
    %eq3A_170 = arith.cmpi eq, %arg1, %eq3A_169 : i32
    %convert_element_type3A_171 = arith.extui %eq3A_170 : i1 to i32
    %cond3A_172 = arith.constant 0 : i32
    %cond3A_173 = arith.cmpi ne, %convert_element_type3A_171, %cond3A_172 : i32
    scf.if %cond3A_173 {
      "tpu.region"() ({
        %run_scoped3A = tpu.sem_alloc : memref<!tpu.dma_semaphore, #tpu.memory_space<semaphore_mem>>
        %dma_start3A_224 = arith.constant 3160 : i32
        %dma_start3A_225 = arith.constant 0 : i32
        %dma_start3A_226 = tpu.memref_slice %arg6[%arg0, %dma_start3A_224, %dma_start3A_225] : memref<2x10000x128xf32, #tpu.memory_space<hbm>> -> memref<1x632x128xf32, #tpu.memory_space<hbm>>
        %dma_start3A_227 = tpu.memref_squeeze %dma_start3A_226 : memref<1x632x128xf32, #tpu.memory_space<hbm>> -> memref<632x128xf32, #tpu.memory_space<hbm>>
        %dma_start3A_228 = arith.constant 3160 : i32
        %dma_start3A_229 = arith.constant 0 : i32
        %dma_start3A_230 = tpu.memref_slice %arg7[%dma_start3A_228, %dma_start3A_229] : memref<10000x128xf32, #tpu.memory_space<vmem_shared>> -> memref<632x128xf32, #tpu.memory_space<vmem_shared>>
        tpu.enqueue_dma source(%dma_start3A_230 : memref<632x128xf32, #tpu.memory_space<vmem_shared>>) target(%dma_start3A_227 : memref<632x128xf32, #tpu.memory_space<hbm>>) target_semaphore(%run_scoped3A : memref<!tpu.dma_semaphore, #tpu.memory_space<semaphore_mem>>)
        %dma_wait3A_231 = arith.constant 3160 : i32
        %dma_wait3A_232 = arith.constant 0 : i32
        %dma_wait3A_233 = tpu.memref_slice %arg6[%arg0, %dma_wait3A_231, %dma_wait3A_232] : memref<2x10000x128xf32, #tpu.memory_space<hbm>> -> memref<1x632x128xf32, #tpu.memory_space<hbm>>
        %dma_wait3A_234 = tpu.memref_squeeze %dma_wait3A_233 : memref<1x632x128xf32, #tpu.memory_space<hbm>> -> memref<632x128xf32, #tpu.memory_space<hbm>>
        %dma_wait3A_235 = arith.constant 3160 : i32
        %dma_wait3A_236 = arith.constant 0 : i32
        %dma_wait3A_237 = tpu.memref_slice %arg7[%dma_wait3A_235, %dma_wait3A_236] : memref<10000x128xf32, #tpu.memory_space<vmem_shared>> -> memref<632x128xf32, #tpu.memory_space<vmem_shared>>
        tpu.wait_dma2 semaphore(%run_scoped3A : memref<!tpu.dma_semaphore, #tpu.memory_space<semaphore_mem>>) src(%dma_wait3A_237 : memref<632x128xf32, #tpu.memory_space<vmem_shared>>) dst(%dma_wait3A_234 : memref<632x128xf32, #tpu.memory_space<hbm>>)
        tpu.yield
      }) : () -> ()
    } else {
    }
    %eq3A_174 = arith.constant 6 : i32
    %eq3A_175 = arith.cmpi eq, %arg1, %eq3A_174 : i32
    %convert_element_type3A_176 = arith.extui %eq3A_175 : i1 to i32
    %cond3A_177 = arith.constant 0 : i32
    %cond3A_178 = arith.cmpi ne, %convert_element_type3A_176, %cond3A_177 : i32
    scf.if %cond3A_178 {
      "tpu.region"() ({
        %run_scoped3A = tpu.sem_alloc : memref<!tpu.dma_semaphore, #tpu.memory_space<semaphore_mem>>
        %dma_start3A_224 = arith.constant 3792 : i32
        %dma_start3A_225 = arith.constant 0 : i32
        %dma_start3A_226 = tpu.memref_slice %arg6[%arg0, %dma_start3A_224, %dma_start3A_225] : memref<2x10000x128xf32, #tpu.memory_space<hbm>> -> memref<1x632x128xf32, #tpu.memory_space<hbm>>
        %dma_start3A_227 = tpu.memref_squeeze %dma_start3A_226 : memref<1x632x128xf32, #tpu.memory_space<hbm>> -> memref<632x128xf32, #tpu.memory_space<hbm>>
        %dma_start3A_228 = arith.constant 3792 : i32
        %dma_start3A_229 = arith.constant 0 : i32
        %dma_start3A_230 = tpu.memref_slice %arg7[%dma_start3A_228, %dma_start3A_229] : memref<10000x128xf32, #tpu.memory_space<vmem_shared>> -> memref<632x128xf32, #tpu.memory_space<vmem_shared>>
        tpu.enqueue_dma source(%dma_start3A_230 : memref<632x128xf32, #tpu.memory_space<vmem_shared>>) target(%dma_start3A_227 : memref<632x128xf32, #tpu.memory_space<hbm>>) target_semaphore(%run_scoped3A : memref<!tpu.dma_semaphore, #tpu.memory_space<semaphore_mem>>)
        %dma_wait3A_231 = arith.constant 3792 : i32
        %dma_wait3A_232 = arith.constant 0 : i32
        %dma_wait3A_233 = tpu.memref_slice %arg6[%arg0, %dma_wait3A_231, %dma_wait3A_232] : memref<2x10000x128xf32, #tpu.memory_space<hbm>> -> memref<1x632x128xf32, #tpu.memory_space<hbm>>
        %dma_wait3A_234 = tpu.memref_squeeze %dma_wait3A_233 : memref<1x632x128xf32, #tpu.memory_space<hbm>> -> memref<632x128xf32, #tpu.memory_space<hbm>>
        %dma_wait3A_235 = arith.constant 3792 : i32
        %dma_wait3A_236 = arith.constant 0 : i32
        %dma_wait3A_237 = tpu.memref_slice %arg7[%dma_wait3A_235, %dma_wait3A_236] : memref<10000x128xf32, #tpu.memory_space<vmem_shared>> -> memref<632x128xf32, #tpu.memory_space<vmem_shared>>
        tpu.wait_dma2 semaphore(%run_scoped3A : memref<!tpu.dma_semaphore, #tpu.memory_space<semaphore_mem>>) src(%dma_wait3A_237 : memref<632x128xf32, #tpu.memory_space<vmem_shared>>) dst(%dma_wait3A_234 : memref<632x128xf32, #tpu.memory_space<hbm>>)
        tpu.yield
      }) : () -> ()
    } else {
    }
    %eq3A_179 = arith.constant 7 : i32
    %eq3A_180 = arith.cmpi eq, %arg1, %eq3A_179 : i32
    %convert_element_type3A_181 = arith.extui %eq3A_180 : i1 to i32
    %cond3A_182 = arith.constant 0 : i32
    %cond3A_183 = arith.cmpi ne, %convert_element_type3A_181, %cond3A_182 : i32
    scf.if %cond3A_183 {
      "tpu.region"() ({
        %run_scoped3A = tpu.sem_alloc : memref<!tpu.dma_semaphore, #tpu.memory_space<semaphore_mem>>
        %dma_start3A_224 = arith.constant 4424 : i32
        %dma_start3A_225 = arith.constant 0 : i32
        %dma_start3A_226 = tpu.memref_slice %arg6[%arg0, %dma_start3A_224, %dma_start3A_225] : memref<2x10000x128xf32, #tpu.memory_space<hbm>> -> memref<1x632x128xf32, #tpu.memory_space<hbm>>
        %dma_start3A_227 = tpu.memref_squeeze %dma_start3A_226 : memref<1x632x128xf32, #tpu.memory_space<hbm>> -> memref<632x128xf32, #tpu.memory_space<hbm>>
        %dma_start3A_228 = arith.constant 4424 : i32
        %dma_start3A_229 = arith.constant 0 : i32
        %dma_start3A_230 = tpu.memref_slice %arg7[%dma_start3A_228, %dma_start3A_229] : memref<10000x128xf32, #tpu.memory_space<vmem_shared>> -> memref<632x128xf32, #tpu.memory_space<vmem_shared>>
        tpu.enqueue_dma source(%dma_start3A_230 : memref<632x128xf32, #tpu.memory_space<vmem_shared>>) target(%dma_start3A_227 : memref<632x128xf32, #tpu.memory_space<hbm>>) target_semaphore(%run_scoped3A : memref<!tpu.dma_semaphore, #tpu.memory_space<semaphore_mem>>)
        %dma_wait3A_231 = arith.constant 4424 : i32
        %dma_wait3A_232 = arith.constant 0 : i32
        %dma_wait3A_233 = tpu.memref_slice %arg6[%arg0, %dma_wait3A_231, %dma_wait3A_232] : memref<2x10000x128xf32, #tpu.memory_space<hbm>> -> memref<1x632x128xf32, #tpu.memory_space<hbm>>
        %dma_wait3A_234 = tpu.memref_squeeze %dma_wait3A_233 : memref<1x632x128xf32, #tpu.memory_space<hbm>> -> memref<632x128xf32, #tpu.memory_space<hbm>>
        %dma_wait3A_235 = arith.constant 4424 : i32
        %dma_wait3A_236 = arith.constant 0 : i32
        %dma_wait3A_237 = tpu.memref_slice %arg7[%dma_wait3A_235, %dma_wait3A_236] : memref<10000x128xf32, #tpu.memory_space<vmem_shared>> -> memref<632x128xf32, #tpu.memory_space<vmem_shared>>
        tpu.wait_dma2 semaphore(%run_scoped3A : memref<!tpu.dma_semaphore, #tpu.memory_space<semaphore_mem>>) src(%dma_wait3A_237 : memref<632x128xf32, #tpu.memory_space<vmem_shared>>) dst(%dma_wait3A_234 : memref<632x128xf32, #tpu.memory_space<hbm>>)
        tpu.yield
      }) : () -> ()
    } else {
    }
    %eq3A_184 = arith.constant 8 : i32
    %eq3A_185 = arith.cmpi eq, %arg1, %eq3A_184 : i32
    %convert_element_type3A_186 = arith.extui %eq3A_185 : i1 to i32
    %cond3A_187 = arith.constant 0 : i32
    %cond3A_188 = arith.cmpi ne, %convert_element_type3A_186, %cond3A_187 : i32
    scf.if %cond3A_188 {
      "tpu.region"() ({
        %run_scoped3A = tpu.sem_alloc : memref<!tpu.dma_semaphore, #tpu.memory_space<semaphore_mem>>
        %dma_start3A_224 = arith.constant 5056 : i32
        %dma_start3A_225 = arith.constant 0 : i32
        %dma_start3A_226 = tpu.memref_slice %arg6[%arg0, %dma_start3A_224, %dma_start3A_225] : memref<2x10000x128xf32, #tpu.memory_space<hbm>> -> memref<1x632x128xf32, #tpu.memory_space<hbm>>
        %dma_start3A_227 = tpu.memref_squeeze %dma_start3A_226 : memref<1x632x128xf32, #tpu.memory_space<hbm>> -> memref<632x128xf32, #tpu.memory_space<hbm>>
        %dma_start3A_228 = arith.constant 5056 : i32
        %dma_start3A_229 = arith.constant 0 : i32
        %dma_start3A_230 = tpu.memref_slice %arg7[%dma_start3A_228, %dma_start3A_229] : memref<10000x128xf32, #tpu.memory_space<vmem_shared>> -> memref<632x128xf32, #tpu.memory_space<vmem_shared>>
        tpu.enqueue_dma source(%dma_start3A_230 : memref<632x128xf32, #tpu.memory_space<vmem_shared>>) target(%dma_start3A_227 : memref<632x128xf32, #tpu.memory_space<hbm>>) target_semaphore(%run_scoped3A : memref<!tpu.dma_semaphore, #tpu.memory_space<semaphore_mem>>)
        %dma_wait3A_231 = arith.constant 5056 : i32
        %dma_wait3A_232 = arith.constant 0 : i32
        %dma_wait3A_233 = tpu.memref_slice %arg6[%arg0, %dma_wait3A_231, %dma_wait3A_232] : memref<2x10000x128xf32, #tpu.memory_space<hbm>> -> memref<1x632x128xf32, #tpu.memory_space<hbm>>
        %dma_wait3A_234 = tpu.memref_squeeze %dma_wait3A_233 : memref<1x632x128xf32, #tpu.memory_space<hbm>> -> memref<632x128xf32, #tpu.memory_space<hbm>>
        %dma_wait3A_235 = arith.constant 5056 : i32
        %dma_wait3A_236 = arith.constant 0 : i32
        %dma_wait3A_237 = tpu.memref_slice %arg7[%dma_wait3A_235, %dma_wait3A_236] : memref<10000x128xf32, #tpu.memory_space<vmem_shared>> -> memref<632x128xf32, #tpu.memory_space<vmem_shared>>
        tpu.wait_dma2 semaphore(%run_scoped3A : memref<!tpu.dma_semaphore, #tpu.memory_space<semaphore_mem>>) src(%dma_wait3A_237 : memref<632x128xf32, #tpu.memory_space<vmem_shared>>) dst(%dma_wait3A_234 : memref<632x128xf32, #tpu.memory_space<hbm>>)
        tpu.yield
      }) : () -> ()
    } else {
    }
    %eq3A_189 = arith.constant 9 : i32
    %eq3A_190 = arith.cmpi eq, %arg1, %eq3A_189 : i32
    %convert_element_type3A_191 = arith.extui %eq3A_190 : i1 to i32
    %cond3A_192 = arith.constant 0 : i32
    %cond3A_193 = arith.cmpi ne, %convert_element_type3A_191, %cond3A_192 : i32
    scf.if %cond3A_193 {
      "tpu.region"() ({
        %run_scoped3A = tpu.sem_alloc : memref<!tpu.dma_semaphore, #tpu.memory_space<semaphore_mem>>
        %dma_start3A_224 = arith.constant 5688 : i32
        %dma_start3A_225 = arith.constant 0 : i32
        %dma_start3A_226 = tpu.memref_slice %arg6[%arg0, %dma_start3A_224, %dma_start3A_225] : memref<2x10000x128xf32, #tpu.memory_space<hbm>> -> memref<1x632x128xf32, #tpu.memory_space<hbm>>
        %dma_start3A_227 = tpu.memref_squeeze %dma_start3A_226 : memref<1x632x128xf32, #tpu.memory_space<hbm>> -> memref<632x128xf32, #tpu.memory_space<hbm>>
        %dma_start3A_228 = arith.constant 5688 : i32
        %dma_start3A_229 = arith.constant 0 : i32
        %dma_start3A_230 = tpu.memref_slice %arg7[%dma_start3A_228, %dma_start3A_229] : memref<10000x128xf32, #tpu.memory_space<vmem_shared>> -> memref<632x128xf32, #tpu.memory_space<vmem_shared>>
        tpu.enqueue_dma source(%dma_start3A_230 : memref<632x128xf32, #tpu.memory_space<vmem_shared>>) target(%dma_start3A_227 : memref<632x128xf32, #tpu.memory_space<hbm>>) target_semaphore(%run_scoped3A : memref<!tpu.dma_semaphore, #tpu.memory_space<semaphore_mem>>)
        %dma_wait3A_231 = arith.constant 5688 : i32
        %dma_wait3A_232 = arith.constant 0 : i32
        %dma_wait3A_233 = tpu.memref_slice %arg6[%arg0, %dma_wait3A_231, %dma_wait3A_232] : memref<2x10000x128xf32, #tpu.memory_space<hbm>> -> memref<1x632x128xf32, #tpu.memory_space<hbm>>
        %dma_wait3A_234 = tpu.memref_squeeze %dma_wait3A_233 : memref<1x632x128xf32, #tpu.memory_space<hbm>> -> memref<632x128xf32, #tpu.memory_space<hbm>>
        %dma_wait3A_235 = arith.constant 5688 : i32
        %dma_wait3A_236 = arith.constant 0 : i32
        %dma_wait3A_237 = tpu.memref_slice %arg7[%dma_wait3A_235, %dma_wait3A_236] : memref<10000x128xf32, #tpu.memory_space<vmem_shared>> -> memref<632x128xf32, #tpu.memory_space<vmem_shared>>
        tpu.wait_dma2 semaphore(%run_scoped3A : memref<!tpu.dma_semaphore, #tpu.memory_space<semaphore_mem>>) src(%dma_wait3A_237 : memref<632x128xf32, #tpu.memory_space<vmem_shared>>) dst(%dma_wait3A_234 : memref<632x128xf32, #tpu.memory_space<hbm>>)
        tpu.yield
      }) : () -> ()
    } else {
    }
    %eq3A_194 = arith.constant 10 : i32
    %eq3A_195 = arith.cmpi eq, %arg1, %eq3A_194 : i32
    %convert_element_type3A_196 = arith.extui %eq3A_195 : i1 to i32
    %cond3A_197 = arith.constant 0 : i32
    %cond3A_198 = arith.cmpi ne, %convert_element_type3A_196, %cond3A_197 : i32
    scf.if %cond3A_198 {
      "tpu.region"() ({
        %run_scoped3A = tpu.sem_alloc : memref<!tpu.dma_semaphore, #tpu.memory_space<semaphore_mem>>
        %dma_start3A_224 = arith.constant 6320 : i32
        %dma_start3A_225 = arith.constant 0 : i32
        %dma_start3A_226 = tpu.memref_slice %arg6[%arg0, %dma_start3A_224, %dma_start3A_225] : memref<2x10000x128xf32, #tpu.memory_space<hbm>> -> memref<1x632x128xf32, #tpu.memory_space<hbm>>
        %dma_start3A_227 = tpu.memref_squeeze %dma_start3A_226 : memref<1x632x128xf32, #tpu.memory_space<hbm>> -> memref<632x128xf32, #tpu.memory_space<hbm>>
        %dma_start3A_228 = arith.constant 6320 : i32
        %dma_start3A_229 = arith.constant 0 : i32
        %dma_start3A_230 = tpu.memref_slice %arg7[%dma_start3A_228, %dma_start3A_229] : memref<10000x128xf32, #tpu.memory_space<vmem_shared>> -> memref<632x128xf32, #tpu.memory_space<vmem_shared>>
        tpu.enqueue_dma source(%dma_start3A_230 : memref<632x128xf32, #tpu.memory_space<vmem_shared>>) target(%dma_start3A_227 : memref<632x128xf32, #tpu.memory_space<hbm>>) target_semaphore(%run_scoped3A : memref<!tpu.dma_semaphore, #tpu.memory_space<semaphore_mem>>)
        %dma_wait3A_231 = arith.constant 6320 : i32
        %dma_wait3A_232 = arith.constant 0 : i32
        %dma_wait3A_233 = tpu.memref_slice %arg6[%arg0, %dma_wait3A_231, %dma_wait3A_232] : memref<2x10000x128xf32, #tpu.memory_space<hbm>> -> memref<1x632x128xf32, #tpu.memory_space<hbm>>
        %dma_wait3A_234 = tpu.memref_squeeze %dma_wait3A_233 : memref<1x632x128xf32, #tpu.memory_space<hbm>> -> memref<632x128xf32, #tpu.memory_space<hbm>>
        %dma_wait3A_235 = arith.constant 6320 : i32
        %dma_wait3A_236 = arith.constant 0 : i32
        %dma_wait3A_237 = tpu.memref_slice %arg7[%dma_wait3A_235, %dma_wait3A_236] : memref<10000x128xf32, #tpu.memory_space<vmem_shared>> -> memref<632x128xf32, #tpu.memory_space<vmem_shared>>
        tpu.wait_dma2 semaphore(%run_scoped3A : memref<!tpu.dma_semaphore, #tpu.memory_space<semaphore_mem>>) src(%dma_wait3A_237 : memref<632x128xf32, #tpu.memory_space<vmem_shared>>) dst(%dma_wait3A_234 : memref<632x128xf32, #tpu.memory_space<hbm>>)
        tpu.yield
      }) : () -> ()
    } else {
    }
    %eq3A_199 = arith.constant 11 : i32
    %eq3A_200 = arith.cmpi eq, %arg1, %eq3A_199 : i32
    %convert_element_type3A_201 = arith.extui %eq3A_200 : i1 to i32
    %cond3A_202 = arith.constant 0 : i32
    %cond3A_203 = arith.cmpi ne, %convert_element_type3A_201, %cond3A_202 : i32
    scf.if %cond3A_203 {
      "tpu.region"() ({
        %run_scoped3A = tpu.sem_alloc : memref<!tpu.dma_semaphore, #tpu.memory_space<semaphore_mem>>
        %dma_start3A_224 = arith.constant 6952 : i32
        %dma_start3A_225 = arith.constant 0 : i32
        %dma_start3A_226 = tpu.memref_slice %arg6[%arg0, %dma_start3A_224, %dma_start3A_225] : memref<2x10000x128xf32, #tpu.memory_space<hbm>> -> memref<1x632x128xf32, #tpu.memory_space<hbm>>
        %dma_start3A_227 = tpu.memref_squeeze %dma_start3A_226 : memref<1x632x128xf32, #tpu.memory_space<hbm>> -> memref<632x128xf32, #tpu.memory_space<hbm>>
        %dma_start3A_228 = arith.constant 6952 : i32
        %dma_start3A_229 = arith.constant 0 : i32
        %dma_start3A_230 = tpu.memref_slice %arg7[%dma_start3A_228, %dma_start3A_229] : memref<10000x128xf32, #tpu.memory_space<vmem_shared>> -> memref<632x128xf32, #tpu.memory_space<vmem_shared>>
        tpu.enqueue_dma source(%dma_start3A_230 : memref<632x128xf32, #tpu.memory_space<vmem_shared>>) target(%dma_start3A_227 : memref<632x128xf32, #tpu.memory_space<hbm>>) target_semaphore(%run_scoped3A : memref<!tpu.dma_semaphore, #tpu.memory_space<semaphore_mem>>)
        %dma_wait3A_231 = arith.constant 6952 : i32
        %dma_wait3A_232 = arith.constant 0 : i32
        %dma_wait3A_233 = tpu.memref_slice %arg6[%arg0, %dma_wait3A_231, %dma_wait3A_232] : memref<2x10000x128xf32, #tpu.memory_space<hbm>> -> memref<1x632x128xf32, #tpu.memory_space<hbm>>
        %dma_wait3A_234 = tpu.memref_squeeze %dma_wait3A_233 : memref<1x632x128xf32, #tpu.memory_space<hbm>> -> memref<632x128xf32, #tpu.memory_space<hbm>>
        %dma_wait3A_235 = arith.constant 6952 : i32
        %dma_wait3A_236 = arith.constant 0 : i32
        %dma_wait3A_237 = tpu.memref_slice %arg7[%dma_wait3A_235, %dma_wait3A_236] : memref<10000x128xf32, #tpu.memory_space<vmem_shared>> -> memref<632x128xf32, #tpu.memory_space<vmem_shared>>
        tpu.wait_dma2 semaphore(%run_scoped3A : memref<!tpu.dma_semaphore, #tpu.memory_space<semaphore_mem>>) src(%dma_wait3A_237 : memref<632x128xf32, #tpu.memory_space<vmem_shared>>) dst(%dma_wait3A_234 : memref<632x128xf32, #tpu.memory_space<hbm>>)
        tpu.yield
      }) : () -> ()
    } else {
    }
    %eq3A_204 = arith.constant 12 : i32
    %eq3A_205 = arith.cmpi eq, %arg1, %eq3A_204 : i32
    %convert_element_type3A_206 = arith.extui %eq3A_205 : i1 to i32
    %cond3A_207 = arith.constant 0 : i32
    %cond3A_208 = arith.cmpi ne, %convert_element_type3A_206, %cond3A_207 : i32
    scf.if %cond3A_208 {
      "tpu.region"() ({
        %run_scoped3A = tpu.sem_alloc : memref<!tpu.dma_semaphore, #tpu.memory_space<semaphore_mem>>
        %dma_start3A_224 = arith.constant 7584 : i32
        %dma_start3A_225 = arith.constant 0 : i32
        %dma_start3A_226 = tpu.memref_slice %arg6[%arg0, %dma_start3A_224, %dma_start3A_225] : memref<2x10000x128xf32, #tpu.memory_space<hbm>> -> memref<1x632x128xf32, #tpu.memory_space<hbm>>
        %dma_start3A_227 = tpu.memref_squeeze %dma_start3A_226 : memref<1x632x128xf32, #tpu.memory_space<hbm>> -> memref<632x128xf32, #tpu.memory_space<hbm>>
        %dma_start3A_228 = arith.constant 7584 : i32
        %dma_start3A_229 = arith.constant 0 : i32
        %dma_start3A_230 = tpu.memref_slice %arg7[%dma_start3A_228, %dma_start3A_229] : memref<10000x128xf32, #tpu.memory_space<vmem_shared>> -> memref<632x128xf32, #tpu.memory_space<vmem_shared>>
        tpu.enqueue_dma source(%dma_start3A_230 : memref<632x128xf32, #tpu.memory_space<vmem_shared>>) target(%dma_start3A_227 : memref<632x128xf32, #tpu.memory_space<hbm>>) target_semaphore(%run_scoped3A : memref<!tpu.dma_semaphore, #tpu.memory_space<semaphore_mem>>)
        %dma_wait3A_231 = arith.constant 7584 : i32
        %dma_wait3A_232 = arith.constant 0 : i32
        %dma_wait3A_233 = tpu.memref_slice %arg6[%arg0, %dma_wait3A_231, %dma_wait3A_232] : memref<2x10000x128xf32, #tpu.memory_space<hbm>> -> memref<1x632x128xf32, #tpu.memory_space<hbm>>
        %dma_wait3A_234 = tpu.memref_squeeze %dma_wait3A_233 : memref<1x632x128xf32, #tpu.memory_space<hbm>> -> memref<632x128xf32, #tpu.memory_space<hbm>>
        %dma_wait3A_235 = arith.constant 7584 : i32
        %dma_wait3A_236 = arith.constant 0 : i32
        %dma_wait3A_237 = tpu.memref_slice %arg7[%dma_wait3A_235, %dma_wait3A_236] : memref<10000x128xf32, #tpu.memory_space<vmem_shared>> -> memref<632x128xf32, #tpu.memory_space<vmem_shared>>
        tpu.wait_dma2 semaphore(%run_scoped3A : memref<!tpu.dma_semaphore, #tpu.memory_space<semaphore_mem>>) src(%dma_wait3A_237 : memref<632x128xf32, #tpu.memory_space<vmem_shared>>) dst(%dma_wait3A_234 : memref<632x128xf32, #tpu.memory_space<hbm>>)
        tpu.yield
      }) : () -> ()
    } else {
    }
    %eq3A_209 = arith.constant 13 : i32
    %eq3A_210 = arith.cmpi eq, %arg1, %eq3A_209 : i32
    %convert_element_type3A_211 = arith.extui %eq3A_210 : i1 to i32
    %cond3A_212 = arith.constant 0 : i32
    %cond3A_213 = arith.cmpi ne, %convert_element_type3A_211, %cond3A_212 : i32
    scf.if %cond3A_213 {
      "tpu.region"() ({
        %run_scoped3A = tpu.sem_alloc : memref<!tpu.dma_semaphore, #tpu.memory_space<semaphore_mem>>
        %dma_start3A_224 = arith.constant 8216 : i32
        %dma_start3A_225 = arith.constant 0 : i32
        %dma_start3A_226 = tpu.memref_slice %arg6[%arg0, %dma_start3A_224, %dma_start3A_225] : memref<2x10000x128xf32, #tpu.memory_space<hbm>> -> memref<1x632x128xf32, #tpu.memory_space<hbm>>
        %dma_start3A_227 = tpu.memref_squeeze %dma_start3A_226 : memref<1x632x128xf32, #tpu.memory_space<hbm>> -> memref<632x128xf32, #tpu.memory_space<hbm>>
        %dma_start3A_228 = arith.constant 8216 : i32
        %dma_start3A_229 = arith.constant 0 : i32
        %dma_start3A_230 = tpu.memref_slice %arg7[%dma_start3A_228, %dma_start3A_229] : memref<10000x128xf32, #tpu.memory_space<vmem_shared>> -> memref<632x128xf32, #tpu.memory_space<vmem_shared>>
        tpu.enqueue_dma source(%dma_start3A_230 : memref<632x128xf32, #tpu.memory_space<vmem_shared>>) target(%dma_start3A_227 : memref<632x128xf32, #tpu.memory_space<hbm>>) target_semaphore(%run_scoped3A : memref<!tpu.dma_semaphore, #tpu.memory_space<semaphore_mem>>)
        %dma_wait3A_231 = arith.constant 8216 : i32
        %dma_wait3A_232 = arith.constant 0 : i32
        %dma_wait3A_233 = tpu.memref_slice %arg6[%arg0, %dma_wait3A_231, %dma_wait3A_232] : memref<2x10000x128xf32, #tpu.memory_space<hbm>> -> memref<1x632x128xf32, #tpu.memory_space<hbm>>
        %dma_wait3A_234 = tpu.memref_squeeze %dma_wait3A_233 : memref<1x632x128xf32, #tpu.memory_space<hbm>> -> memref<632x128xf32, #tpu.memory_space<hbm>>
        %dma_wait3A_235 = arith.constant 8216 : i32
        %dma_wait3A_236 = arith.constant 0 : i32
        %dma_wait3A_237 = tpu.memref_slice %arg7[%dma_wait3A_235, %dma_wait3A_236] : memref<10000x128xf32, #tpu.memory_space<vmem_shared>> -> memref<632x128xf32, #tpu.memory_space<vmem_shared>>
        tpu.wait_dma2 semaphore(%run_scoped3A : memref<!tpu.dma_semaphore, #tpu.memory_space<semaphore_mem>>) src(%dma_wait3A_237 : memref<632x128xf32, #tpu.memory_space<vmem_shared>>) dst(%dma_wait3A_234 : memref<632x128xf32, #tpu.memory_space<hbm>>)
        tpu.yield
      }) : () -> ()
    } else {
    }
    %eq3A_214 = arith.constant 14 : i32
    %eq3A_215 = arith.cmpi eq, %arg1, %eq3A_214 : i32
    %convert_element_type3A_216 = arith.extui %eq3A_215 : i1 to i32
    %cond3A_217 = arith.constant 0 : i32
    %cond3A_218 = arith.cmpi ne, %convert_element_type3A_216, %cond3A_217 : i32
    scf.if %cond3A_218 {
      "tpu.region"() ({
        %run_scoped3A = tpu.sem_alloc : memref<!tpu.dma_semaphore, #tpu.memory_space<semaphore_mem>>
        %dma_start3A_224 = arith.constant 8848 : i32
        %dma_start3A_225 = arith.constant 0 : i32
        %dma_start3A_226 = tpu.memref_slice %arg6[%arg0, %dma_start3A_224, %dma_start3A_225] : memref<2x10000x128xf32, #tpu.memory_space<hbm>> -> memref<1x632x128xf32, #tpu.memory_space<hbm>>
        %dma_start3A_227 = tpu.memref_squeeze %dma_start3A_226 : memref<1x632x128xf32, #tpu.memory_space<hbm>> -> memref<632x128xf32, #tpu.memory_space<hbm>>
        %dma_start3A_228 = arith.constant 8848 : i32
        %dma_start3A_229 = arith.constant 0 : i32
        %dma_start3A_230 = tpu.memref_slice %arg7[%dma_start3A_228, %dma_start3A_229] : memref<10000x128xf32, #tpu.memory_space<vmem_shared>> -> memref<632x128xf32, #tpu.memory_space<vmem_shared>>
        tpu.enqueue_dma source(%dma_start3A_230 : memref<632x128xf32, #tpu.memory_space<vmem_shared>>) target(%dma_start3A_227 : memref<632x128xf32, #tpu.memory_space<hbm>>) target_semaphore(%run_scoped3A : memref<!tpu.dma_semaphore, #tpu.memory_space<semaphore_mem>>)
        %dma_wait3A_231 = arith.constant 8848 : i32
        %dma_wait3A_232 = arith.constant 0 : i32
        %dma_wait3A_233 = tpu.memref_slice %arg6[%arg0, %dma_wait3A_231, %dma_wait3A_232] : memref<2x10000x128xf32, #tpu.memory_space<hbm>> -> memref<1x632x128xf32, #tpu.memory_space<hbm>>
        %dma_wait3A_234 = tpu.memref_squeeze %dma_wait3A_233 : memref<1x632x128xf32, #tpu.memory_space<hbm>> -> memref<632x128xf32, #tpu.memory_space<hbm>>
        %dma_wait3A_235 = arith.constant 8848 : i32
        %dma_wait3A_236 = arith.constant 0 : i32
        %dma_wait3A_237 = tpu.memref_slice %arg7[%dma_wait3A_235, %dma_wait3A_236] : memref<10000x128xf32, #tpu.memory_space<vmem_shared>> -> memref<632x128xf32, #tpu.memory_space<vmem_shared>>
        tpu.wait_dma2 semaphore(%run_scoped3A : memref<!tpu.dma_semaphore, #tpu.memory_space<semaphore_mem>>) src(%dma_wait3A_237 : memref<632x128xf32, #tpu.memory_space<vmem_shared>>) dst(%dma_wait3A_234 : memref<632x128xf32, #tpu.memory_space<hbm>>)
        tpu.yield
      }) : () -> ()
    } else {
    }
    %eq3A_219 = arith.constant 15 : i32
    %eq3A_220 = arith.cmpi eq, %arg1, %eq3A_219 : i32
    %convert_element_type3A_221 = arith.extui %eq3A_220 : i1 to i32
    %cond3A_222 = arith.constant 0 : i32
    %cond3A_223 = arith.cmpi ne, %convert_element_type3A_221, %cond3A_222 : i32
    scf.if %cond3A_223 {
      "tpu.region"() ({
        %run_scoped3A = tpu.sem_alloc : memref<!tpu.dma_semaphore, #tpu.memory_space<semaphore_mem>>
        %dma_start3A_224 = arith.constant 9480 : i32
        %dma_start3A_225 = arith.constant 0 : i32
        %dma_start3A_226 = tpu.memref_slice %arg6[%arg0, %dma_start3A_224, %dma_start3A_225] : memref<2x10000x128xf32, #tpu.memory_space<hbm>> -> memref<1x520x128xf32, #tpu.memory_space<hbm>>
        %dma_start3A_227 = tpu.memref_squeeze %dma_start3A_226 : memref<1x520x128xf32, #tpu.memory_space<hbm>> -> memref<520x128xf32, #tpu.memory_space<hbm>>
        %dma_start3A_228 = arith.constant 9480 : i32
        %dma_start3A_229 = arith.constant 0 : i32
        %dma_start3A_230 = tpu.memref_slice %arg7[%dma_start3A_228, %dma_start3A_229] : memref<10000x128xf32, #tpu.memory_space<vmem_shared>> -> memref<520x128xf32, #tpu.memory_space<vmem_shared>>
        tpu.enqueue_dma source(%dma_start3A_230 : memref<520x128xf32, #tpu.memory_space<vmem_shared>>) target(%dma_start3A_227 : memref<520x128xf32, #tpu.memory_space<hbm>>) target_semaphore(%run_scoped3A : memref<!tpu.dma_semaphore, #tpu.memory_space<semaphore_mem>>)
        %dma_wait3A_231 = arith.constant 9480 : i32
        %dma_wait3A_232 = arith.constant 0 : i32
        %dma_wait3A_233 = tpu.memref_slice %arg6[%arg0, %dma_wait3A_231, %dma_wait3A_232] : memref<2x10000x128xf32, #tpu.memory_space<hbm>> -> memref<1x520x128xf32, #tpu.memory_space<hbm>>
        %dma_wait3A_234 = tpu.memref_squeeze %dma_wait3A_233 : memref<1x520x128xf32, #tpu.memory_space<hbm>> -> memref<520x128xf32, #tpu.memory_space<hbm>>
        %dma_wait3A_235 = arith.constant 9480 : i32
        %dma_wait3A_236 = arith.constant 0 : i32
        %dma_wait3A_237 = tpu.memref_slice %arg7[%dma_wait3A_235, %dma_wait3A_236] : memref<10000x128xf32, #tpu.memory_space<vmem_shared>> -> memref<520x128xf32, #tpu.memory_space<vmem_shared>>
        tpu.wait_dma2 semaphore(%run_scoped3A : memref<!tpu.dma_semaphore, #tpu.memory_space<semaphore_mem>>) src(%dma_wait3A_237 : memref<520x128xf32, #tpu.memory_space<vmem_shared>>) dst(%dma_wait3A_234 : memref<520x128xf32, #tpu.memory_space<hbm>>)
        tpu.yield
      }) : () -> ()
    } else {
    }
    return
  }
}

module attributes {stable_mosaic.version = 14 : i64} {
  func.func @_tc1_body(%arg0: memref<10000x128xf32, #tpu.memory_space<vmem>>, %arg1: memref<128x128xf32, #tpu.memory_space<vmem>>, %arg2: memref<2x10000xf32, #tpu.memory_space<vmem>>, %arg3: memref<10000x128xf32, #tpu.memory_space<vmem>>) attributes {dimension_semantics = [], scalar_prefetch = 0 : i64, scratch_operands = 0 : i64, tpu.core_type = #tpu.core_type<tc>} {
    %get3A = arith.constant 0 : index
    %get3A_0 = arith.constant 0 : index
    %get3A_1 = vector.load %arg2[%get3A, %get3A_0] : memref<2x10000xf32, #tpu.memory_space<vmem>>, vector<2x10000xf32>
    %slice3A = vector.extract_strided_slice %get3A_1 {offsets = [0, 0], sizes = [1, 10000], strides = [1, 1]} : vector<2x10000xf32> to vector<1x10000xf32>
    %squeeze3A = vector.shape_cast %slice3A : vector<1x10000xf32> to vector<10000xf32>
    %slice3A_2 = vector.extract_strided_slice %get3A_1 {offsets = [1, 0], sizes = [1, 10000], strides = [1, 1]} : vector<2x10000xf32> to vector<1x10000xf32>
    %squeeze3A_3 = vector.shape_cast %slice3A_2 : vector<1x10000xf32> to vector<10000xf32>
    %add3A = arith.addf %squeeze3A, %squeeze3A_3 : vector<10000xf32>
    %gt3A = arith.constant 0.000000e+00 : f32
    %gt3A_4 = vector.broadcast %gt3A : f32 to vector<10000xf32>
    %gt3A_5 = arith.cmpf ogt, %add3A, %gt3A_4 : vector<10000xf32>
    %rsqrt3A = math.rsqrt %add3A : vector<10000xf32>
    %jit3A = arith.constant 0.000000e+00 : f32
    %broadcast_in_dim3A = vector.broadcast %jit3A : f32 to vector<10000xf32>
    %select_n3A = arith.select %gt3A_5, %rsqrt3A, %broadcast_in_dim3A : vector<10000xi1>, vector<10000xf32>
    %get3A_6 = arith.constant 0 : index
    %get3A_7 = arith.constant 0 : index
    %get3A_8 = vector.load %arg0[%get3A_6, %get3A_7] : memref<10000x128xf32, #tpu.memory_space<vmem>>, vector<10000x128xf32>
    %get3A_9 = arith.constant 0 : index
    %get3A_10 = arith.constant 0 : index
    %get3A_11 = vector.load %arg1[%get3A_9, %get3A_10] : memref<128x128xf32, #tpu.memory_space<vmem>>, vector<128x128xf32>
    %dot_general3A = arith.constant dense<0.000000e+00> : vector<10000x128xf32>
    %dot_general3A_12 = tpu.matmul %get3A_8, %get3A_11, %dot_general3A {dimension_numbers = #tpu.dot_dimension_numbers<[1], [1], [0], [0], [0, 0, 1, 0], [], []>, transpose_lhs_hint = false} : vector<10000x128xf32>, vector<128x128xf32>, vector<10000x128xf32> -> vector<10000x128xf32>
    %broadcast_in_dim3A_13 = vector.shape_cast %select_n3A : vector<10000xf32> to vector<10000x1xf32>
    %mul3A = vector.broadcast %broadcast_in_dim3A_13 : vector<10000x1xf32> to vector<10000x128xf32>
    %mul3A_14 = arith.mulf %dot_general3A_12, %mul3A : vector<10000x128xf32>
    %swap3A = arith.constant 0 : index
    %swap3A_15 = arith.constant 0 : index
    %swap3A_16 = vector.load %arg3[%swap3A, %swap3A_15] : memref<10000x128xf32, #tpu.memory_space<vmem>>, vector<10000x128xf32>
    tpu.vector_store %arg3[%swap3A, %swap3A_15], %mul3A_14 {strides = array<i32>} : memref<10000x128xf32, #tpu.memory_space<vmem>>, vector<10000x128xf32>,
    return
  }
}

module attributes {stable_mosaic.version = 14 : i64} {
  func.func @_tc2_body(%arg0: memref<2x10000x128xf32, #tpu.memory_space<vmem>>, %arg1: memref<2x10000xf32, #tpu.memory_space<vmem>>, %arg2: memref<128x128xf32, #tpu.memory_space<vmem>>, %arg3: memref<10000x128xf32, #tpu.memory_space<vmem>>, %arg4: memref<10000x128xf32, #tpu.memory_space<vmem>>) attributes {dimension_semantics = [], scalar_prefetch = 0 : i64, scratch_operands = 0 : i64, tpu.core_type = #tpu.core_type<tc>} {
    %get3A = arith.constant 0 : index
    %get3A_0 = arith.constant 0 : index
    %get3A_1 = vector.load %arg1[%get3A, %get3A_0] : memref<2x10000xf32, #tpu.memory_space<vmem>>, vector<2x10000xf32>
    %slice3A = vector.extract_strided_slice %get3A_1 {offsets = [0, 0], sizes = [1, 10000], strides = [1, 1]} : vector<2x10000xf32> to vector<1x10000xf32>
    %squeeze3A = vector.shape_cast %slice3A : vector<1x10000xf32> to vector<10000xf32>
    %slice3A_2 = vector.extract_strided_slice %get3A_1 {offsets = [1, 0], sizes = [1, 10000], strides = [1, 1]} : vector<2x10000xf32> to vector<1x10000xf32>
    %squeeze3A_3 = vector.shape_cast %slice3A_2 : vector<1x10000xf32> to vector<10000xf32>
    %add3A = arith.addf %squeeze3A, %squeeze3A_3 : vector<10000xf32>
    %gt3A = arith.constant 0.000000e+00 : f32
    %gt3A_4 = vector.broadcast %gt3A : f32 to vector<10000xf32>
    %gt3A_5 = arith.cmpf ogt, %add3A, %gt3A_4 : vector<10000xf32>
    %rsqrt3A = math.rsqrt %add3A : vector<10000xf32>
    %jit3A = arith.constant 0.000000e+00 : f32
    %broadcast_in_dim3A = vector.broadcast %jit3A : f32 to vector<10000xf32>
    %select_n3A = arith.select %gt3A_5, %rsqrt3A, %broadcast_in_dim3A : vector<10000xi1>, vector<10000xf32>
    %get3A_6 = arith.constant 0 : index
    %get3A_7 = arith.constant 0 : index
    %get3A_8 = arith.constant 0 : index
    %get3A_9 = vector.load %arg0[%get3A_6, %get3A_7, %get3A_8] : memref<2x10000x128xf32, #tpu.memory_space<vmem>>, vector<1x10000x128xf32>
    %get3A_10 = vector.shape_cast %get3A_9 : vector<1x10000x128xf32> to vector<10000x128xf32>
    %get3A_11 = arith.constant 1 : index
    %get3A_12 = arith.constant 0 : index
    %get3A_13 = arith.constant 0 : index
    %get3A_14 = vector.load %arg0[%get3A_11, %get3A_12, %get3A_13] : memref<2x10000x128xf32, #tpu.memory_space<vmem>>, vector<1x10000x128xf32>
    %get3A_15 = vector.shape_cast %get3A_14 : vector<1x10000x128xf32> to vector<10000x128xf32>
    %add3A_16 = arith.addf %get3A_10, %get3A_15 : vector<10000x128xf32>
    %broadcast_in_dim3A_17 = vector.shape_cast %select_n3A : vector<10000xf32> to vector<10000x1xf32>
    %mul3A = vector.broadcast %broadcast_in_dim3A_17 : vector<10000x1xf32> to vector<10000x128xf32>
    %mul3A_18 = arith.mulf %add3A_16, %mul3A : vector<10000x128xf32>
    %reduce_sum3A = arith.constant dense<0.000000e+00> : vector<128xf32>
    %reduce_sum3A_19 = vector.multi_reduction <add>, %mul3A_18, %reduce_sum3A [0] : vector<10000x128xf32> to vector<128xf32>
    %broadcast_in_dim3A_20 = vector.shape_cast %reduce_sum3A_19 : vector<128xf32> to vector<1x128xf32>
    %div3A = arith.constant 1.000000e+04 : f32
    %div3A_21 = vector.broadcast %div3A : f32 to vector<1x128xf32>
    %div3A_22 = arith.divf %broadcast_in_dim3A_20, %div3A_21 : vector<1x128xf32>
    %sub3A = vector.broadcast %div3A_22 : vector<1x128xf32> to vector<10000x128xf32>
    %sub3A_23 = arith.subf %mul3A_18, %sub3A : vector<10000x128xf32>
    %integer_pow3A = arith.mulf %sub3A_23, %sub3A_23 : vector<10000x128xf32>
    %reduce_sum3A_24 = arith.constant dense<0.000000e+00> : vector<128xf32>
    %reduce_sum3A_25 = vector.multi_reduction <add>, %integer_pow3A, %reduce_sum3A_24 [0] : vector<10000x128xf32> to vector<128xf32>
    %broadcast_in_dim3A_26 = vector.shape_cast %reduce_sum3A_25 : vector<128xf32> to vector<1x128xf32>
    %div3A_27 = arith.constant 1.000000e+04 : f32
    %div3A_28 = vector.broadcast %div3A_27 : f32 to vector<1x128xf32>
    %div3A_29 = arith.divf %broadcast_in_dim3A_26, %div3A_28 : vector<1x128xf32>
    %sub3A_30 = vector.broadcast %div3A_22 : vector<1x128xf32> to vector<10000x128xf32>
    %sub3A_31 = arith.subf %mul3A_18, %sub3A_30 : vector<10000x128xf32>
    %add3A_32 = arith.constant 9.99999974E-6 : f32
    %add3A_33 = vector.broadcast %add3A_32 : f32 to vector<1x128xf32>
    %add3A_34 = arith.addf %div3A_29, %add3A_33 : vector<1x128xf32>
    %sqrt3A = math.sqrt %add3A_34 : vector<1x128xf32>
    %div3A_35 = vector.broadcast %sqrt3A : vector<1x128xf32> to vector<10000x128xf32>
    %div3A_36 = arith.divf %sub3A_31, %div3A_35 : vector<10000x128xf32>
    %max3A = arith.constant 0.000000e+00 : f32
    %max3A_37 = vector.broadcast %max3A : f32 to vector<10000x128xf32>
    %max3A_38 = arith.maximumf %div3A_36, %max3A_37 : vector<10000x128xf32>
    %swap3A = arith.constant 0 : index
    %swap3A_39 = arith.constant 0 : index
    %swap3A_40 = vector.load %arg3[%swap3A, %swap3A_39] : memref<10000x128xf32, #tpu.memory_space<vmem>>, vector<10000x128xf32>
    tpu.vector_store %arg3[%swap3A, %swap3A_39], %max3A_38 {strides = array<i32>} : memref<10000x128xf32, #tpu.memory_space<vmem>>, vector<10000x128xf32>,
    %get3A_41 = arith.constant 0 : index
    %get3A_42 = arith.constant 0 : index
    %get3A_43 = vector.load %arg2[%get3A_41, %get3A_42] : memref<128x128xf32, #tpu.memory_space<vmem>>, vector<128x128xf32>
    %dot_general3A = arith.constant dense<0.000000e+00> : vector<10000x128xf32>
    %dot_general3A_44 = tpu.matmul %max3A_38, %get3A_43, %dot_general3A {dimension_numbers = #tpu.dot_dimension_numbers<[1], [1], [0], [0], [0, 0, 1, 0], [], []>, transpose_lhs_hint = false} : vector<10000x128xf32>, vector<128x128xf32>, vector<10000x128xf32> -> vector<10000x128xf32>
    %broadcast_in_dim3A_45 = vector.shape_cast %select_n3A : vector<10000xf32> to vector<10000x1xf32>
    %mul3A_46 = vector.broadcast %broadcast_in_dim3A_45 : vector<10000x1xf32> to vector<10000x128xf32>
    %mul3A_47 = arith.mulf %dot_general3A_44, %mul3A_46 : vector<10000x128xf32>
    %swap3A_48 = arith.constant 0 : index
    %swap3A_49 = arith.constant 0 : index
    %swap3A_50 = vector.load %arg4[%swap3A_48, %swap3A_49] : memref<10000x128xf32, #tpu.memory_space<vmem>>, vector<10000x128xf32>
    tpu.vector_store %arg4[%swap3A_48, %swap3A_49], %mul3A_47 {strides = array<i32>} : memref<10000x128xf32, #tpu.memory_space<vmem>>, vector<10000x128xf32>,
    return
  }
}

module attributes {stable_mosaic.version = 14 : i64} {
  func.func @_tc3_body(%arg0: memref<2x10000x128xf32, #tpu.memory_space<vmem>>, %arg1: memref<2x10000xf32, #tpu.memory_space<vmem>>, %arg2: memref<10000x128xf32, #tpu.memory_space<vmem>>, %arg3: memref<128x256xf32, #tpu.memory_space<vmem>>, %arg4: memref<10000x128xf32, #tpu.memory_space<vmem>>) attributes {dimension_semantics = [], scalar_prefetch = 0 : i64, scratch_operands = 0 : i64, tpu.core_type = #tpu.core_type<tc>} {
    %get3A = arith.constant 0 : index
    %get3A_0 = arith.constant 0 : index
    %get3A_1 = vector.load %arg1[%get3A, %get3A_0] : memref<2x10000xf32, #tpu.memory_space<vmem>>, vector<2x10000xf32>
    %slice3A = vector.extract_strided_slice %get3A_1 {offsets = [0, 0], sizes = [1, 10000], strides = [1, 1]} : vector<2x10000xf32> to vector<1x10000xf32>
    %squeeze3A = vector.shape_cast %slice3A : vector<1x10000xf32> to vector<10000xf32>
    %slice3A_2 = vector.extract_strided_slice %get3A_1 {offsets = [1, 0], sizes = [1, 10000], strides = [1, 1]} : vector<2x10000xf32> to vector<1x10000xf32>
    %squeeze3A_3 = vector.shape_cast %slice3A_2 : vector<1x10000xf32> to vector<10000xf32>
    %add3A = arith.addf %squeeze3A, %squeeze3A_3 : vector<10000xf32>
    %gt3A = arith.constant 0.000000e+00 : f32
    %gt3A_4 = vector.broadcast %gt3A : f32 to vector<10000xf32>
    %gt3A_5 = arith.cmpf ogt, %add3A, %gt3A_4 : vector<10000xf32>
    %rsqrt3A = math.rsqrt %add3A : vector<10000xf32>
    %jit3A = arith.constant 0.000000e+00 : f32
    %broadcast_in_dim3A = vector.broadcast %jit3A : f32 to vector<10000xf32>
    %select_n3A = arith.select %gt3A_5, %rsqrt3A, %broadcast_in_dim3A : vector<10000xi1>, vector<10000xf32>
    %get3A_6 = arith.constant 0 : index
    %get3A_7 = arith.constant 0 : index
    %get3A_8 = arith.constant 0 : index
    %get3A_9 = vector.load %arg0[%get3A_6, %get3A_7, %get3A_8] : memref<2x10000x128xf32, #tpu.memory_space<vmem>>, vector<1x10000x128xf32>
    %get3A_10 = vector.shape_cast %get3A_9 : vector<1x10000x128xf32> to vector<10000x128xf32>
    %get3A_11 = arith.constant 1 : index
    %get3A_12 = arith.constant 0 : index
    %get3A_13 = arith.constant 0 : index
    %get3A_14 = vector.load %arg0[%get3A_11, %get3A_12, %get3A_13] : memref<2x10000x128xf32, #tpu.memory_space<vmem>>, vector<1x10000x128xf32>
    %get3A_15 = vector.shape_cast %get3A_14 : vector<1x10000x128xf32> to vector<10000x128xf32>
    %add3A_16 = arith.addf %get3A_10, %get3A_15 : vector<10000x128xf32>
    %broadcast_in_dim3A_17 = vector.shape_cast %select_n3A : vector<10000xf32> to vector<10000x1xf32>
    %mul3A = vector.broadcast %broadcast_in_dim3A_17 : vector<10000x1xf32> to vector<10000x128xf32>
    %mul3A_18 = arith.mulf %add3A_16, %mul3A : vector<10000x128xf32>
    %reduce_sum3A = arith.constant dense<0.000000e+00> : vector<128xf32>
    %reduce_sum3A_19 = vector.multi_reduction <add>, %mul3A_18, %reduce_sum3A [0] : vector<10000x128xf32> to vector<128xf32>
    %broadcast_in_dim3A_20 = vector.shape_cast %reduce_sum3A_19 : vector<128xf32> to vector<1x128xf32>
    %div3A = arith.constant 1.000000e+04 : f32
    %div3A_21 = vector.broadcast %div3A : f32 to vector<1x128xf32>
    %div3A_22 = arith.divf %broadcast_in_dim3A_20, %div3A_21 : vector<1x128xf32>
    %sub3A = vector.broadcast %div3A_22 : vector<1x128xf32> to vector<10000x128xf32>
    %sub3A_23 = arith.subf %mul3A_18, %sub3A : vector<10000x128xf32>
    %integer_pow3A = arith.mulf %sub3A_23, %sub3A_23 : vector<10000x128xf32>
    %reduce_sum3A_24 = arith.constant dense<0.000000e+00> : vector<128xf32>
    %reduce_sum3A_25 = vector.multi_reduction <add>, %integer_pow3A, %reduce_sum3A_24 [0] : vector<10000x128xf32> to vector<128xf32>
    %broadcast_in_dim3A_26 = vector.shape_cast %reduce_sum3A_25 : vector<128xf32> to vector<1x128xf32>
    %div3A_27 = arith.constant 1.000000e+04 : f32
    %div3A_28 = vector.broadcast %div3A_27 : f32 to vector<1x128xf32>
    %div3A_29 = arith.divf %broadcast_in_dim3A_26, %div3A_28 : vector<1x128xf32>
    %sub3A_30 = vector.broadcast %div3A_22 : vector<1x128xf32> to vector<10000x128xf32>
    %sub3A_31 = arith.subf %mul3A_18, %sub3A_30 : vector<10000x128xf32>
    %add3A_32 = arith.constant 9.99999974E-6 : f32
    %add3A_33 = vector.broadcast %add3A_32 : f32 to vector<1x128xf32>
    %add3A_34 = arith.addf %div3A_29, %add3A_33 : vector<1x128xf32>
    %sqrt3A = math.sqrt %add3A_34 : vector<1x128xf32>
    %div3A_35 = vector.broadcast %sqrt3A : vector<1x128xf32> to vector<10000x128xf32>
    %div3A_36 = arith.divf %sub3A_31, %div3A_35 : vector<10000x128xf32>
    %max3A = arith.constant 0.000000e+00 : f32
    %max3A_37 = vector.broadcast %max3A : f32 to vector<10000x128xf32>
    %max3A_38 = arith.maximumf %div3A_36, %max3A_37 : vector<10000x128xf32>
    %get3A_39 = arith.constant 0 : index
    %get3A_40 = arith.constant 0 : index
    %get3A_41 = vector.load %arg3[%get3A_39, %get3A_40] : memref<128x256xf32, #tpu.memory_space<vmem>>, vector<128x128xf32>
    %get3A_42 = arith.constant 0 : index
    %get3A_43 = arith.constant 128 : index
    %get3A_44 = vector.load %arg3[%get3A_42, %get3A_43] : memref<128x256xf32, #tpu.memory_space<vmem>>, vector<128x128xf32>
    %get3A_45 = arith.constant 0 : index
    %get3A_46 = arith.constant 0 : index
    %get3A_47 = vector.load %arg2[%get3A_45, %get3A_46] : memref<10000x128xf32, #tpu.memory_space<vmem>>, vector<10000x128xf32>
    %dot_general3A = arith.constant dense<0.000000e+00> : vector<10000x128xf32>
    %dot_general3A_48 = tpu.matmul %get3A_47, %get3A_41, %dot_general3A {dimension_numbers = #tpu.dot_dimension_numbers<[1], [1], [0], [0], [0, 0, 1, 0], [], []>, transpose_lhs_hint = false} : vector<10000x128xf32>, vector<128x128xf32>, vector<10000x128xf32> -> vector<10000x128xf32>
    %dot_general3A_49 = arith.constant dense<0.000000e+00> : vector<10000x128xf32>
    %dot_general3A_50 = tpu.matmul %max3A_38, %get3A_44, %dot_general3A_49 {dimension_numbers = #tpu.dot_dimension_numbers<[1], [1], [0], [0], [0, 0, 1, 0], [], []>, transpose_lhs_hint = false} : vector<10000x128xf32>, vector<128x128xf32>, vector<10000x128xf32> -> vector<10000x128xf32>
    %add3A_51 = arith.addf %dot_general3A_48, %dot_general3A_50 : vector<10000x128xf32>
    %swap3A = arith.constant 0 : index
    %swap3A_52 = arith.constant 0 : index
    %swap3A_53 = vector.load %arg4[%swap3A, %swap3A_52] : memref<10000x128xf32, #tpu.memory_space<vmem>>, vector<10000x128xf32>
    tpu.vector_store %arg4[%swap3A, %swap3A_52], %add3A_51 {strides = array<i32>} : memref<10000x128xf32, #tpu.memory_space<vmem>>, vector<10000x128xf32>,
    return
  }
}

</mosaic_0001>

<sc_bundles>
// kernel: kernel.11.cloned.1.call-start
scs
__scs_entry_jumppad:
0x0: {  	(pc) =	sbr.rel $0x88, $3  }
0x1: {  	(tag) =	ssettag $0x0;
	lr =	simm.s32 $0x1  }
0x2: {  	[smem:$0x3F9C] =	sst lr;
	_ =	strace $0xD0000000  }
0x3: {  	_ = 	snop  }
0x4: {  	_ = 	snop  }
0x5: {  	_ = 	snop  }
0x6: {  	_ = 	snop  }
0x7: {  	_ = 	snop  }
__scs_overlays_trampoline_lowered:
0x8: {  	[smem:$0x3FAB] =	sst s0  }
0x9: {  	[smem:$0x3FAC] =	sst s1  }
0xa: {  	[smem:$0x3FAD] =	sst s2  }
0xb: {  	[smem:$0x3FAE] =	sst s3  }
0xc: {  	[smem:$0x3FAF] =	sst s4  }
0xd: {  	[smem:$0x3FB0] =	sst s5  }
0xe: {  	[smem:$0x3FB1] =	sst s6  }
0xf: {  	[smem:$0x3FB2] =	sst s7  }
0x10: {  	[smem:$0x3FB3] =	sst s8  }
0x11: {  	[smem:$0x3FB4] =	sst s9;
	s0 =	simm.s32 @!p0 $0x0  }
0x12: {  	s1 =	sld [smem:$0x3F9A];
	s0 =	simm.s32 @p0 $0x1  }
0x13: {  	[smem:$0x3FB5] =	sst s0;
	s0 =	simm.s32 @!p1 $0x0  }
0x14: {  	s2 =	sld [smem:$0x3F99];
	s0 =	simm.s32 @p1 $0x1  }
0x15: {  	[smem:$0x3FB6] =	sst s0;
	s0 =	simm.s32 @!p2 $0x0  }
0x16: {  	s3 =	sld [smem:$0x3FDB];
	s0 =	simm.s32 @p2 $0x1  }
0x17: {  	s4 =	simm.s32 $0x1BF5;
	[smem:$0x3FB8] =	sst s0  }
0x18: {  	s0 =	sld [smem:$0x3F9B];
	_ =	swait.ge [sflag:s4], $0x0  }
0x19: {  	s7 =	sld [smem:$0x3F9C]  }
0x1a: {  	s8 =	sadd.s32 $0xFFFFE003, lr  }
0x1b: {  	s9 =	sadd.s32 $0xFFFFFEF7, lr;
	s5 =	simm.s32 $0xFFFFFFFF;
	p2 =	slt.u32 s8, $0xFFFFF086  }
0x1c: {  	p1 =	slt.u32 s9, $0xF7A;
	s5 =	simm.s32 @!p2 $0x0  }
0x1d: {  	s5 =	simm.s32 @p1 $0x1;
	p0 =	seq.s32 s7, s2  }
0x1e: {  	s7 =	smul.u32 @!p0 $0xF7A, s2;
	p2 =	seq.s32 @!p0 s5, $0x0  }
0x1f: {  	s9 =	smul.u32 $0xF7A, s1;
	s8 =	simm.s32 @!p0 $0x1BF5;
	p2 =	por !p2, p0  }
0x20: {  	[sflag:s8] =	ssyncset.s32 @!p0 $0xFFFFF086;
	s6 =	sadd.s32 @!p0 s3, s7;
	s7 =	simm.s32 @!p0 $0x108  }
0x21: {  	s3 =	sadd.s32 s3, s9;
	s6 =	sadd.s32 @!p0 $0x88, s6;
	s7 =	simm.s32 @p2 $0x1082  }
0x22: {  	[simem:s7], [sflag:s8] =	dma.local @!p0 [hbm:s6], $0xF7A  }
0x23: {  	s9 =	sor.u32 $0xD0000000, s2;
	s6 =	simm.s32 $0x108;
	_ =	swait.ge @!p0 [sflag:s8], $0x0  }
0x24: {  	s3 =	sadd.s32 $0x88, s3;
	s6 =	simm.s32 @!p1 $0x1082;
	[sflag:s4] =	ssyncset.s32 $0xFFFFF086  }
0x25: {  	[simem:s6], [sflag:s4] =	dma.local [hbm:s3], $0xF7A  }
0x26: {  	[smem:$0x3F9C] =	sst s1;
	(tag) =	ssettag s2;
	_ =	strace s9  }
0x27: {  	s1 =	sld [smem:$0x3FAC]  }
0x28: {  	s2 =	sld [smem:$0x3FAD]  }
0x29: {  	s4 =	sld [smem:$0x3FAF]  }
0x2a: {  	p0 =	seq.s32 s5, $0x0;
	s5 =	sld [smem:$0x3FB0]  }
0x2b: {  	s6 =	sld [smem:$0x3FB1]  }
0x2c: {  	s7 =	sld [smem:$0x3FB2]  }
0x2d: {  	s3 =	simm.s32 $0x108;
	s8 =	sld [smem:$0x3FB3]  }
0x2e: {  	s3 =	simm.s32 @!p0 $0x1082;
	s9 =	sld [smem:$0x3FB4]  }
0x2f: {  	lr =	sadd.s32 s0, s3;
	s0 =	sld [smem:$0x3FAB]  }
0x30: {  	s3 =	sld [smem:$0x3FAE]  }
0x31: {  	[smem:$0x3FB7] =	sst s10  }
0x32: {  	s10 =	sld [smem:$0x3FB5];
	_ =	sdelay $0x3  }
0x33: {  	p0 =	seq.s32 s10, $0x1;
	s10 =	sld [smem:$0x3FB7];
	_ =	sdelay $0x3  }
0x34: {  	[smem:$0x3FB7] =	sst s10  }
0x35: {  	s10 =	sld [smem:$0x3FB6];
	_ =	sdelay $0x3  }
0x36: {  	p1 =	seq.s32 s10, $0x1;
	s10 =	sld [smem:$0x3FB7];
	_ =	sdelay $0x3  }
0x37: {  	[smem:$0x3FB7] =	sst s10  }
0x38: {  	s10 =	sld [smem:$0x3FB8]  }
0x39: {  	_ = 	snop;
	(pc) =	sbr.ind lr, $3  }
0x3a: {  	_ = 	snop  }
0x3b: {  	_ = 	snop  }
0x3c: {  	p2 =	seq.s32 s10, $0x1;
	s10 =	sld [smem:$0x3FB7]  }
0x3d: {  	_ =	shalt  }
0x3e: {  	_ =	shalt  }
0x3f: {  	_ =	shalt  }
0x40: {  	_ =	shalt  }
0x41: {  	_ =	shalt  }
0x42: {  	_ =	shalt  }
0x43: {  	_ =	shalt  }
0x44: {  	_ =	shalt  }
0x45: {  	_ =	shalt  }
0x46: {  	_ =	shalt  }
0x47: {  	_ =	shalt  }
0x48: {  	_ =	shalt  }
0x49: {  	_ =	shalt  }
0x4a: {  	_ =	shalt  }
0x4b: {  	_ =	shalt  }
0x4c: {  	_ =	shalt  }
0x4d: {  	_ =	shalt  }
0x4e: {  	_ =	shalt  }
0x4f: {  	_ =	shalt  }
0x50: {  	_ =	shalt  }
0x51: {  	_ =	shalt  }
0x52: {  	_ =	shalt  }
0x53: {  	_ =	shalt  }
0x54: {  	_ =	shalt  }
0x55: {  	_ =	shalt  }
0x56: {  	_ =	shalt  }
0x57: {  	_ =	shalt  }
0x58: {  	_ =	shalt  }
0x59: {  	_ =	shalt  }
0x5a: {  	_ =	shalt  }
0x5b: {  	_ =	shalt  }
0x5c: {  	_ =	shalt  }
0x5d: {  	_ =	shalt  }
0x5e: {  	_ =	shalt  }
0x5f: {  	_ =	shalt  }
0x60: {  	_ =	shalt  }
0x61: {  	_ =	shalt  }
0x62: {  	_ =	shalt  }
0x63: {  	_ =	shalt  }
0x64: {  	_ =	shalt  }
0x65: {  	_ =	shalt  }
0x66: {  	_ =	shalt  }
0x67: {  	_ =	shalt  }
0x68: {  	_ =	shalt  }
0x69: {  	_ =	shalt  }
0x6a: {  	_ =	shalt  }
0x6b: {  	_ =	shalt  }
0x6c: {  	_ =	shalt  }
0x6d: {  	_ =	shalt  }
0x6e: {  	_ =	shalt  }
0x6f: {  	_ =	shalt  }
0x70: {  	_ =	shalt  }
0x71: {  	_ =	shalt  }
0x72: {  	_ =	shalt  }
0x73: {  	_ =	shalt  }
0x74: {  	_ =	shalt  }
0x75: {  	_ =	shalt  }
0x76: {  	_ =	shalt  }
0x77: {  	_ =	shalt  }
0x78: {  	_ =	shalt  }
0x79: {  	_ =	shalt  }
0x7a: {  	_ =	shalt  }
0x7b: {  	_ =	shalt  }
0x7c: {  	_ =	shalt  }
0x7d: {  	_ =	shalt  }
0x7e: {  	_ =	shalt  }
0x7f: {  	_ =	shalt  }
0x80: {  	_ =	shalt  }
0x81: {  	_ =	shalt  }
0x82: {  	_ =	shalt  }
0x83: {  	_ =	shalt  }
0x84: {  	_ =	shalt  }
0x85: {  	_ =	shalt  }
0x86: {  	_ =	shalt  }
0x87: {  	_ =	shalt  }
.Lfunc_end0:
.L_simem_size_0:
called_computation.1_lowered:
.L_overlay_start_0:
0x88: {  	s2 =	sld [smem:$0x3FD9]  }
0x89: {  	s3 =	sld [smem:$0x3FFE];
	_ =	sdelay $0x1  }
0x8a: {  	s1 =	srdreg.scid  }
0x8b: {  	s0 =	sand.u32 $0x1, s1  }
0x8c: {  	s17 =	sshll.u32 s0, $0xA;
	s2 =	sadd.s32 s3, s2  }
0x8d: {  	s2 =	sadd.s32 s2, s17  }
0x8e: {  	[smem:$0x3FC3] =	sst s2  }
0x8f: {  	_ = 	snop  }
0x90: {  	s2 =	sld [smem:$0x3FD0];
	(tm) =	ssettm $0x1  }
0x91: {  	s18 =	sld [smem:$0x3FFB];
	_ =	sdelay $0x3  }
0x92: {  	_ =	strace s18  }
0x93: {  	s3 =	sld [smem:$0x3FFC];
	_ =	sdelay $0x3  }
0x94: {  	_ =	strace s3  }
0x95: {  	s3 =	sld [smem:$0x3FFD];
	_ =	sdelay $0x3  }
0x96: {  	_ =	strace s3  }
0x97: {  	_ =	strace $0x8FFFFFFF  }
0x98: {  	s19 =	sld [smem:$0x3FDB];
	_ =	sdelay $0x1  }
0x99: {  	s4 =	simm.s32 $_scs_section_size  }
0x9a: {  	s5 =	simm.s32 $_size__tile_overlayer_lowered;
	s6 =	simm.s32 $_tile_overlayer_lowered  }
0x9b: {  	s22 =	simm.s32 $0x1BFF;
	s21 =	sshll.u32 s6, $0x1;
	s3 =	sadd.s32 s4, s19  }
0x9c: {  	s7 =	simm.s32 $0x0;
	s20 =	sshll.u32 s5, $0x1;
	s5 =	sadd.s32 s21, s3  }
0x9d: {  	[timem:s7], [sflag:s22] =	dma.local [hbm:s5], s20  }
0x9e: {  	_ =	swait.ge [sflag:s22], s20  }
0x9f: {  	s4 =	ssub.s32 $0x0, s20;
	[sflag:s22] =	ssyncset.done $0x0  }
0xa0: {  	[sflag:s22] =	ssyncadd.s32 s4;
	_ =	sdelay $0x1  }
0xa1: {  	s23 =	simm.s32 $0x1B8B  }
0xa2: {  	_ =	swait.ge [sflag:s23], $0x1  }
0xa3: {  	[sflag:s23] =	ssyncset.done $0x0  }
0xa4: {  	s25 =	simm.s32 $0x1B8E;
	s24 =	sld [smem:$0x3FFE];
	[sflag:s23] =	ssyncadd.s32 $0xFFFFFFFF  }
0xa5: {  	s26 =	simm.s32 $execute0_lowered;
	[smem:$0x3FD2] =	sst s25  }
0xa6: {  	s5 =	sshll.u32 s26, $0x1;
	_ =	strace $0x80000049;
	[dreg:$0x1] =	wrdreg $0xFFFFFFFF  }
0xa7: {  	s28 =	simm.s32 $_size_execute0_lowered;
	s3 =	sadd.s32 s3, s5;
	[dreg:$0x0] =	wrdreg $0x0  }
0xa8: {  	s5 =	sshll.u32 s28, $0x1;
	[dreg:$0x2] =	wrdreg s3  }
0xa9: {  	[dreg:$0x3] =	wrdreg s5  }
0xaa: {  	[dreg:$0x4] =	wrdreg $0xC0  }
0xab: {  	_ =	task [dreg:s7], $0x5FFFF  }
0xac: {  	[dreg:$0x1] =	wrdreg $0xFFFFFFFF  }
0xad: {  	[dreg:$0x0] =	wrdreg $0x60  }
0xae: {  	[dreg:$0x2] =	wrdreg s2  }
0xaf: {  	[dreg:$0x3] =	wrdreg s24  }
0xb0: {  	[dreg:$0x4] =	wrdreg $0x0  }
0xb1: {  	[dreg:$0x5] =	wrdreg $0x9  }
0xb2: {  	_ =	task.clear_ibuf [dreg:s7], $0x6FFFF;
	_ =	strace $0x90000049  }
0xb3: {  	s29 =	simm.s32 $0x9;
	_ =	strace $0x8000004B  }
0xb4: {  	_ =	swait.ge [sflag:s29], $0x1  }
0xb5: {  	[sflag:s29] =	ssyncadd.s32 $0xFFFFFFFF  }
0xb6: {  	_ =	strace $0x9000004B  }
0xb7: {  	_ =	sfence  }
0xb8: {  	s30 =	sld [smem:$0x0];
	_ =	sdelay $0x2  }
0xb9: {  	s31 =	sshll.u32 s1, $0xD;
	s1 =	sshrl.u32 s1, $0x2  }
0xba: {  	s3 =	sand.u32 $0x4000, s31;
	s1 =	sadd.s32 s1, s30  }
0xbb: {  	s0 =	sor.u32 s3, s0;
	s1 =	sshll.u32 s1, $0x11  }
0xbc: {  	s0 =	sor.u32 s1, s0  }
0xbd: {  	s0 =	sadd.s32 $0x8F2B, s0  }
0xbe: {  	[sflag:s0] =	ssyncadd.remote.s32 $0x1  }
0xbf: {  	_ =	sfence.sel $0xFFFF  }
0xc0: {  	[dreg:$0x0] =	wrdreg $0xFFFFFFFF;
	(pc) =	sbr.abs _section_cstart, $3  }
0xc1: {  	[dreg:$0x1] =	wrdreg $0xFFFFFFFF  }
0xc2: {  	_ =	task.clear_ibuf [dreg:s7], $0x2FFFF;
	_ =	strace $0x9FFFFFFF  }
0xc3: {  	(tm) =	ssettm $0x7FFFFFFF  }
tec
execute0_lowered:
.L_overlay_start_1:
0x0: {  	(tag) =	ssettag $0x1  }
0x1: {  	s1 =	rddreg [dreg:$0x0]  }
0x2: {  	s0 =	rddreg [dreg:$0x1];
	s3 =	srdreg.scid  }
0x3: {  	s2 =	rddreg [dreg:$0x2];
	s15 =	stileid.u32;
	s4 =	sand.u32 $0x1, s3  }
0x4: {  	s3 =	simm.s32 $0x0;
	s9 =	sadd.s32 $0x1E00, s0;
	s10 =	sadd.s32 $0xBC00, s0  }
0x5: {  	s7 =	sadd.s32 $0x15A00, s0;
	s0 =	sadd.s32 $0x3CC00, s0;
	s5 =	sshll.u32 s4, $0x4  }
0x6: {  	[smem:$0x7FF] =	sst s3;
	s6 =	ssub.s32 $0x2, s4;
	s18 =	smul.u32 $0x138800, s4  }
0x7: {  	s4 =	smul.u32 $0x27100, s4;
	_ =	strace $0x8000004A;
	[dreg:$0x6] =	wrdreg s7  }
0x8: {  	s23 =	smul.u32 $0x2710, s15;
	[dreg:$0x5] =	wrdreg s10;
	s21 =	sshrl.u32 s18, $0x3  }
0x9: {  	[dreg:$0x4] =	wrdreg s9;
	s22 =	sadd.s32 s0, s21;
	s0 =	sadd.s32 s0, s4  }
0xa: {  	s5 =	sor.u32 s15, s5;
	[dreg:$0x11] =	wrdreg s0;
	s24 =	sadd.s32 $0x2780, s22  }
0xb: {  	s8 =	sshrl.u32 s6, $0x1;
	s25 =	sadd.s32 $0x4F00, s22;
	[dreg:$0x12] =	wrdreg s24  }
0xc: {  	s5 =	smul.u32 $0x2710, s5;
	s26 =	sadd.s32 $0x7680, s22;
	[dreg:$0x13] =	wrdreg s25  }
0xd: {  	s6 =	ssub.s32 s6, s8;
	s18 =	sadd.s32 $0x1DA00, s22;
	[dreg:$0x14] =	wrdreg s26  }
0xe: {  	s5 =	sshrl.u32 s5, $0x3;
	s21 =	sadd.s32 $0x25080, s22;
	[dreg:$0x1d] =	wrdreg s18  }
0xf: {  	s0 =	sadd.s32 s23, s4;
	s23 =	smax.u32 s6, $0x1;
	[smem:$0x7DA] =	sst s21  }
0x10: {  	s11 =	sadd.s32 s9, s5;
	[smem:$0x7DB] =	sst s23  }
0x11: {  	s12 =	sadd.s32 s10, s5;
	[dreg:$0x7] =	wrdreg s11  }
0x12: {  	s18 =	sadd.s32 $0xB1C00, s2;
	[dreg:$0x8] =	wrdreg s12  }
0x13: {  	s21 =	sadd.s32 $0x76800, s2;
	[smem:$0x7F5] =	sst s18  }
0x14: {  	s13 =	sadd.s32 $0x8, s5;
	s23 =	sadd.s32 $0x4F000, s2;
	[smem:$0x7F8] =	sst s21  }
0x15: {  	s11 =	sadd.s32 s9, s13;
	[smem:$0x7FA] =	sst s23  }
0x16: {  	s8 =	sadd.s32 $0x10, s5;
	s7 =	sadd.s32 s10, s13;
	[dreg:$0x9] =	wrdreg s11  }
0x17: {  	s14 =	sadd.s32 s9, s8;
	[dreg:$0xa] =	wrdreg s7  }
0x18: {  	s17 =	sadd.s32 $0x18, s5;
	s16 =	sadd.s32 s10, s8;
	[dreg:$0xb] =	wrdreg s14  }
0x19: {  	s5 =	sadd.s32 $0x4E0, s5;
	s19 =	sadd.s32 s9, s17;
	[dreg:$0xc] =	wrdreg s16  }
0x1a: {  	s20 =	sadd.s32 s9, s5;
	[dreg:$0xd] =	wrdreg s19  }
0x1b: {  	s5 =	sadd.s32 s10, s5;
	[dreg:$0xf] =	wrdreg s20  }
0x1c: {  	s8 =	sadd.s32 $0xC580, s22;
	[dreg:$0x10] =	wrdreg s5  }
0x1d: {  	s12 =	sadd.s32 $0x11480, s22;
	[dreg:$0x16] =	wrdreg s8  }
0x1e: {  	s28 =	simm.s32 $0x15C80;
	s13 =	sadd.s32 $0x13C00, s22;
	[dreg:$0x18] =	wrdreg s12  }
0x1f: {  	s29 =	simm.s32 $0x3;
	s7 =	sadd.s32 s10, s17;
	[dreg:$0x19] =	wrdreg s13  }
0x20: {  	s30 =	simm.s32 $0x17C80;
	s11 =	sadd.s32 $0xED00, s22;
	[dreg:$0xe] =	wrdreg s7  }
0x21: {  	s31 =	simm.s32 $0x4;
	s14 =	sadd.s32 $0x16380, s22;
	[dreg:$0x17] =	wrdreg s11  }
0x22: {  	p2 =	sgt.s32 s15, $0x1;
	s16 =	sadd.s32 $0x18B00, s22;
	[dreg:$0x1a] =	wrdreg s14  }
0x23: {  	p3 =	sgt.s32 s15, $0x5;
	s17 =	sadd.s32 $0x1B280, s22;
	[dreg:$0x1b] =	wrdreg s16  }
0x24: {  	p0 =	seq.s32 @p2 s15, $0x2;
	s19 =	sadd.s32 $0x20180, s22;
	[dreg:$0x1c] =	wrdreg s17  }
0x25: {  	p1 =	por !p0, !p2;
	s20 =	sadd.s32 $0x22900, s22;
	[dreg:$0x1e] =	wrdreg s19  }
0x26: {  	p0 =	por p0, !p2;
	s12 =	sadd.s32 $0x114800, s2;
	[dreg:$0x1f] =	wrdreg s20  }
0x27: {  	s24 =	sadd.s32 $0x180, s0;
	s13 =	sadd.s32 $0x100C00, s2;
	[smem:$0x7EF] =	sst s12  }
0x28: {  	s5 =	sshrl.u32 s24, $0x3;
	s24 =	sadd.s32 $0x3B400, s2;
	[smem:$0x7F1] =	sst s13  }
0x29: {  	s6 =	simm.s32 $0x9;
	s7 =	sadd.s32 $0x9E00, s22;
	[smem:$0x7FB] =	sst s24  }
0x2a: {  	s26 =	sadd.s32 $0x140, s0;
	s8 =	sadd.s32 s5, s10;
	[dreg:$0x15] =	wrdreg s7  }
0x2b: {  	s18 =	simm.s32 $0x13B00;
	s5 =	sadd.s32 s5, s9;
	[smem:$0x7DE] =	sst s8  }
0x2c: {  	s22 =	sadd.s32 $0x1C0, s0;
	s0 =	sadd.s32 $0x100, s0;
	[smem:$0x7DF] =	sst s5  }
0x2d: {  	s21 =	simm.s32 $0x13A00;
	s11 =	sadd.s32 $0x128400, s2;
	[smem:$0x7E2] =	sst s0  }
0x2e: {  	s23 =	simm.s32 $0x1;
	s14 =	sadd.s32 $0xED000, s2;
	[smem:$0x7EE] =	sst s11  }
0x2f: {  	s16 =	sadd.s32 $0xD9400, s2;
	s17 =	sadd.s32 $0xC5800, s2;
	[smem:$0x7F2] =	sst s14  }
0x30: {  	s19 =	sadd.s32 $0x9E000, s2;
	s20 =	sadd.s32 $0x8A400, s2;
	[smem:$0x7F3] =	sst s16  }
0x31: {  	s24 =	simm.s32 $0x40;
	s12 =	simm.s32 $0xB;
	[smem:$0x7F4] =	sst s17  }
0x32: {  	s13 =	simm.s32 $0xC;
	s4 =	sshrl.u32 s22, $0x3;
	[smem:$0x7F6] =	sst s19  }
0x33: {  	s7 =	sshrl.u32 s26, $0x3;
	s0 =	simm.s32 @!p1 $0x0;
	[smem:$0x7F7] =	sst s20  }
0x34: {  	s22 =	sadd.s32 $0x62C00, s2;
	s26 =	sadd.s32 $0x13C00, s2;
	s19 =	simm.s32 $0x13980  }
0x35: {  	s20 =	simm.s32 $0x13B80;
	s8 =	simm.s32 $0x5;
	s0 =	simm.s32 @p1 $0x1  }
0x36: {  	p1 =	seq.s32 @!p2 s15, $0x0;
	[smem:$0x7E3] =	sst s0;
	s0 =	simm.s32 @!p0 $0x0  }
0x37: {  	s5 =	simm.s32 $0x8;
	s0 =	simm.s32 @p0 $0x1;
	p0 =	por !p1, p2  }
0x38: {  	s11 =	simm.s32 $0xA;
	[smem:$0x7E4] =	sst s0;
	s0 =	simm.s32 @!p0 $0x0  }
0x39: {  	s16 =	simm.s32 $0x0;
	s17 =	simm.s32 $0x13A80;
	s0 =	simm.s32 @p0 $0x1  }
0x3a: {  	s25 =	sadd.s32 s4, s10;
	[smem:$0x7E5] =	sst s0;
	s0 =	simm.s32 @!p2 $0x0  }
0x3b: {  	[smem:$0x7F9] =	sst s22;
	p1 =	por p1, p2;
	s0 =	simm.s32 @p2 $0x1  }
0x3c: {  	p0 =	seq.s32 @p3 s15, $0x6;
	[smem:$0x7E6] =	sst s0;
	s0 =	simm.s32 @!p1 $0x0  }
0x3d: {  	[smem:$0x7FD] =	sst s26;
	s0 =	simm.s32 @p1 $0x1;
	p1 =	por !p0, !p3  }
0x3e: {  	s4 =	sadd.s32 s4, s9;
	[smem:$0x7E7] =	sst s0;
	s0 =	simm.s32 @!p1 $0x0  }
0x3f: {  	[smem:$0x7DC] =	sst s25;
	p0 =	por p0, !p3;
	s0 =	simm.s32 @p1 $0x1  }
0x40: {  	p1 =	seq.s32 @!p3 s15, $0x4;
	[smem:$0x7E8] =	sst s0;
	s0 =	simm.s32 @!p0 $0x0  }
0x41: {  	[smem:$0x7DD] =	sst s4;
	s0 =	simm.s32 @p0 $0x1;
	p0 =	por !p1, p3  }
0x42: {  	s10 =	sadd.s32 s7, s10;
	[smem:$0x7E9] =	sst s0;
	s0 =	simm.s32 @!p0 $0x0  }
0x43: {  	s22 =	simm.s32 $0x13C00;
	[smem:$0x7E0] =	sst s10;
	s0 =	simm.s32 @p0 $0x1  }
0x44: {  	s26 =	simm.s32 $0x2;
	[smem:$0x7EA] =	sst s0;
	s0 =	simm.s32 @!p3 $0x0  }
0x45: {  	s4 =	sadd.s32 s7, s9;
	p0 =	por p1, p3;
	s0 =	simm.s32 @p3 $0x1  }
0x46: {  	s25 =	sadd.s32 $0x27800, s2;
	[smem:$0x7EB] =	sst s0;
	s0 =	simm.s32 @!p0 $0x0  }
0x47: {  	s10 =	simm.s32 $0x13A80;
	s0 =	simm.s32 @p0 $0x1;
	p0 =	sgt.s32 s15, $0x7  }
.Ltmp0:
0x48: {  	[smem:$0x7EC] =	sst s0;
	s0 =	simm.s32 @!p0 $0x0;
	(pc) =	sbr.rel .LBB2_1-.Ltmp0, $4  }
0x49: {  	[smem:$0x7E1] =	sst s4;
	s0 =	simm.s32 @p0 $0x1;
	p0 =	sgt.s32 s15, $0x3  }
0x4a: {  	s7 =	simm.s32 $0x6;
	[smem:$0x7ED] =	sst s0;
	s0 =	simm.s32 @!p0 $0x0  }
0x4b: {  	[smem:$0x7FC] =	sst s25;
	s25 =	simm.s32 $0x13C80;
	s0 =	simm.s32 @p0 $0x1  }
0x4c: {  	s4 =	simm.s32 $0x7;
	[smem:$0x7F0] =	sst s0;
	s0 =	simm.s32 $0x19C80  }
.LBB2_11:
0x4d: {  	_ =	swait.ge [sflag:s11], $0x2000  }
0x4e: {  	[sflag:s11] =	ssyncset.done $0x0  }
0x4f: {  	[sflag:s11] =	ssyncadd.s32 $0xFFFFE000  }
0x50: {  	_ =	swait.ge [sflag:s12], $0x2000  }
0x51: {  	[sflag:s12] =	ssyncset.done $0x0  }
0x52: {  	[sflag:s12] =	ssyncadd.s32 $0xFFFFE000  }
0x53: {  	_ =	swait.ge [sflag:s13], $0x2000  }
0x54: {  	s10 =	simm.s32 $0x1BC80;
	[sflag:s13] =	ssyncset.done $0x0  }
0x55: {  	s14 =	simm.s32 $0xD;
	s9 =	rddreg [dreg:$0xf];
	[sflag:s13] =	ssyncadd.s32 $0xFFFFE000  }
0x56: {  	[tilespmem:s10], [sflag:$0xD] =	stream.linear.gather [hbm4b:s9+s3], $0x10, $0x38;
	[tilespmem:$0x1C580] =	vst v63  }
0x57: {  	_ =	swait.ge [sflag:s14], $0x10  }
0x58: {  	[sflag:s14] =	ssyncset.done $0x0  }
0x59: {  	s15 =	simm.s32 $0x1BD00;
	s16 =	rddreg [dreg:$0x10];
	[sflag:s14] =	ssyncadd.s32 $0xFFFFFFF0  }
0x5a: {  	[tilespmem:s15], [sflag:$0xD] =	stream.linear.gather [hbm4b:s16+s3], $0x10, $0x38;
	[tilespmem:$0x1C580] =	vst v63  }
0x5b: {  	_ =	swait.ge [sflag:s14], $0x10  }
0x5c: {  	[sflag:s14] =	ssyncset.done $0x0  }
0x5d: {  	s9 =	simm.s32 $0x10;
	s16 =	simm.s32 $0x1BD80;
	[sflag:s14] =	ssyncadd.s32 $0xFFFFFFF0  }
0x5e: {  	[tilespmem:s16], [sflag:$0x5] =	stream.indirect.gather [hbm4b:s1+s9], $0x80, s10, s9, $0xb8;
	[tilespmem:$0x1C580] =	vst v63  }
0x5f: {  	_ =	swait.ge [sflag:s8], $0x800  }
0x60: {  	[sflag:s8] =	ssyncset.done $0x0  }
0x61: {  	[sflag:s8] =	ssyncadd.s32 $0xFFFFF800  }
0x62: {  	[spmem:s2] =	stream.indirect.scatter.add.f32 [tilespmem:s16], [sflag:$0xD], $0x80, s15, s9, $0xb8;
	[tilespmem:$0x1C580] =	vst v63  }
0x63: {  	_ =	swait.ge [sflag:s14], $0x800  }
0x64: {  	[sflag:s14] =	ssyncset.done $0x0  }
0x65: {  	s15 =	stileid.u32;
	[sflag:s14] =	ssyncadd.s32 $0xFFFFF800  }
0x66: {  	p1 =	sne.s32 s15, $0x0;
	[bflag:$0x0] =	sbarrier.arrive $0xFFFF  }
0x67: {  	s9 =	sshrl.u32 @!p1 s2, $0x3;
	s14 =	simm.s32 @!p1 $0x1C0D;
	s16 =	rddreg [dreg:$0x11]  }
0x68: {  	[hbm:s16], [sflag:s14] =	dma.local @!p1 [spmem:s9], $0x2780  }
0x69: {  	s9 =	simm.s32 @!p1 $0xD  }
0x6a: {  	_ =	swait.ge @!p1 [sflag:s9], $0x2780  }
0x6b: {  	s14 =	sshll.u32 @p2 s15, $0x6;
	[sflag:s9] =	ssyncset.done @!p1 $0x0  }
0x6c: {  	[sflag:s9] =	ssyncadd.s32 @!p1 $0xFFFFD880;
	s9 =	sor.u32 @p2 $0x1C0D, s14;
	s14 =	sld [smem:$0x7FD]  }
0x6d: {  	_ =	sdelay $0x1  }
0x6e: {  	s16 =	rddreg [dreg:$0x12];
	s14 =	sshrl.u32 @p2 s14, $0x3  }
0x6f: {  	[hbm:s16], [sflag:s9] =	dma.local @p2 [spmem:s14], $0x2780  }
0x70: {  	s9 =	simm.s32 @p2 $0xD  }
0x71: {  	_ =	swait.ge @p2 [sflag:s9], $0x2780  }
0x72: {  	s14 =	sshll.u32 @p4 s15, $0x6;
	[sflag:s9] =	ssyncset.done @p2 $0x0  }
0x73: {  	[sflag:s9] =	ssyncadd.s32 @p2 $0xFFFFD880;
	s9 =	sor.u32 @p4 $0x1C0D, s14;
	s14 =	sld [smem:$0x7FC]  }
0x74: {  	_ =	sdelay $0x1  }
0x75: {  	s16 =	rddreg [dreg:$0x13];
	s14 =	sshrl.u32 @p4 s14, $0x3  }
0x76: {  	[hbm:s16], [sflag:s9] =	dma.local @p4 [spmem:s14], $0x2780  }
0x77: {  	s9 =	simm.s32 @p4 $0xD  }
0x78: {  	_ =	swait.ge @p4 [sflag:s9], $0x2780  }
0x79: {  	s16 =	sld [smem:$0x7D4];
	_ =	sdelay $0x2  }
0x7a: {  	p3 =	seq.s32 s16, $0x1  }
0x7b: {  	[sflag:s9] =	ssyncset.done @p4 $0x0;
	s14 =	sshll.u32 @p3 s15, $0x6  }
0x7c: {  	[sflag:s9] =	ssyncadd.s32 @p4 $0xFFFFD880;
	s9 =	sor.u32 @p3 $0x1C0D, s14;
	s14 =	sld [smem:$0x7FB]  }
0x7d: {  	_ =	sdelay $0x1  }
0x7e: {  	s16 =	rddreg [dreg:$0x14];
	s14 =	sshrl.u32 @p3 s14, $0x3  }
0x7f: {  	[hbm:s16], [sflag:s9] =	dma.local @p3 [spmem:s14], $0x2780  }
0x80: {  	s9 =	simm.s32 @p3 $0xD  }
0x81: {  	_ =	swait.ge @p3 [sflag:s9], $0x2780  }
0x82: {  	s14 =	sld [smem:$0x7D5];
	_ =	sdelay $0x2  }
0x83: {  	p4 =	seq.s32 s14, $0x1  }
0x84: {  	[sflag:s9] =	ssyncset.done @p3 $0x0;
	s14 =	sshll.u32 @p4 s15, $0x6  }
0x85: {  	[sflag:s9] =	ssyncadd.s32 @p3 $0xFFFFD880;
	s9 =	sor.u32 @p4 $0x1C0D, s14;
	s14 =	sld [smem:$0x7FA]  }
0x86: {  	_ =	sdelay $0x1  }
0x87: {  	s16 =	rddreg [dreg:$0x15];
	s14 =	sshrl.u32 @p4 s14, $0x3  }
0x88: {  	[hbm:s16], [sflag:s9] =	dma.local @p4 [spmem:s14], $0x2780  }
0x89: {  	s9 =	simm.s32 @p4 $0xD  }
0x8a: {  	_ =	swait.ge @p4 [sflag:s9], $0x2780  }
0x8b: {  	s16 =	sld [smem:$0x7D3];
	_ =	sdelay $0x2  }
0x8c: {  	p2 =	seq.s32 s16, $0x1  }
0x8d: {  	[sflag:s9] =	ssyncset.done @p4 $0x0;
	s14 =	sshll.u32 @p2 s15, $0x6  }
0x8e: {  	[sflag:s9] =	ssyncadd.s32 @p4 $0xFFFFD880;
	s9 =	sor.u32 @p2 $0x1C0D, s14;
	s14 =	sld [smem:$0x7F9]  }
0x8f: {  	_ =	sdelay $0x1  }
0x90: {  	s16 =	rddreg [dreg:$0x16];
	s14 =	sshrl.u32 @p2 s14, $0x3  }
0x91: {  	[hbm:s16], [sflag:s9] =	dma.local @p2 [spmem:s14], $0x2780  }
0x92: {  	s9 =	simm.s32 @p2 $0xD  }
0x93: {  	_ =	swait.ge @p2 [sflag:s9], $0x2780  }
0x94: {  	s14 =	sld [smem:$0x7D6];
	_ =	sdelay $0x2  }
0x95: {  	p3 =	seq.s32 s14, $0x1  }
0x96: {  	[sflag:s9] =	ssyncset.done @p2 $0x0;
	s14 =	sshll.u32 @p3 s15, $0x6  }
0x97: {  	[sflag:s9] =	ssyncadd.s32 @p2 $0xFFFFD880;
	s9 =	sor.u32 @p3 $0x1C0D, s14;
	s14 =	sld [smem:$0x7F8]  }
0x98: {  	_ =	sdelay $0x1  }
0x99: {  	s16 =	rddreg [dreg:$0x17];
	s14 =	sshrl.u32 @p3 s14, $0x3  }
0x9a: {  	[hbm:s16], [sflag:s9] =	dma.local @p3 [spmem:s14], $0x2780  }
0x9b: {  	s9 =	simm.s32 @p3 $0xD  }
0x9c: {  	_ =	swait.ge @p3 [sflag:s9], $0x2780  }
0x9d: {  	s16 =	sld [smem:$0x7D2];
	_ =	sdelay $0x2  }
0x9e: {  	p0 =	seq.s32 s16, $0x1  }
0x9f: {  	[sflag:s9] =	ssyncset.done @p3 $0x0;
	s14 =	sshll.u32 @p0 s15, $0x6  }
0xa0: {  	[sflag:s9] =	ssyncadd.s32 @p3 $0xFFFFD880;
	s9 =	sor.u32 @p0 $0x1C0D, s14;
	s14 =	sld [smem:$0x7F7]  }
0xa1: {  	_ =	sdelay $0x1  }
0xa2: {  	s16 =	rddreg [dreg:$0x18];
	s14 =	sshrl.u32 @p0 s14, $0x3  }
0xa3: {  	[hbm:s16], [sflag:s9] =	dma.local @p0 [spmem:s14], $0x2780  }
0xa4: {  	s9 =	simm.s32 @p0 $0xD  }
0xa5: {  	_ =	swait.ge @p0 [sflag:s9], $0x2780  }
0xa6: {  	s14 =	sld [smem:$0x7D7];
	_ =	sdelay $0x2  }
0xa7: {  	p2 =	seq.s32 s14, $0x1  }
0xa8: {  	[sflag:s9] =	ssyncset.done @p0 $0x0;
	s14 =	sshll.u32 @p2 s15, $0x6  }
0xa9: {  	[sflag:s9] =	ssyncadd.s32 @p0 $0xFFFFD880;
	s9 =	sor.u32 @p2 $0x1C0D, s14;
	s14 =	sld [smem:$0x7F6]  }
0xaa: {  	_ =	sdelay $0x1  }
0xab: {  	s16 =	rddreg [dreg:$0x19];
	s14 =	sshrl.u32 @p2 s14, $0x3  }
0xac: {  	[hbm:s16], [sflag:s9] =	dma.local @p2 [spmem:s14], $0x2780  }
0xad: {  	s9 =	simm.s32 @p2 $0xD  }
0xae: {  	_ =	swait.ge @p2 [sflag:s9], $0x2780  }
0xaf: {  	s16 =	sld [smem:$0x7D1];
	_ =	sdelay $0x2  }
0xb0: {  	p0 =	seq.s32 s16, $0x1  }
0xb1: {  	[sflag:s9] =	ssyncset.done @p2 $0x0;
	s14 =	sshll.u32 @p0 s15, $0x6  }
0xb2: {  	[sflag:s9] =	ssyncadd.s32 @p2 $0xFFFFD880;
	s9 =	sor.u32 @p0 $0x1C0D, s14;
	s14 =	sld [smem:$0x7F5]  }
0xb3: {  	_ =	sdelay $0x1  }
0xb4: {  	s16 =	rddreg [dreg:$0x1a];
	s14 =	sshrl.u32 @p0 s14, $0x3  }
0xb5: {  	[hbm:s16], [sflag:s9] =	dma.local @p0 [spmem:s14], $0x2780  }
0xb6: {  	s9 =	simm.s32 @p0 $0xD  }
0xb7: {  	_ =	swait.ge @p0 [sflag:s9], $0x2780  }
0xb8: {  	s14 =	sld [smem:$0x7D8];
	_ =	sdelay $0x2  }
0xb9: {  	p3 =	seq.s32 s14, $0x1  }
0xba: {  	[sflag:s9] =	ssyncset.done @p0 $0x0;
	s14 =	sshll.u32 @p3 s15, $0x6  }
0xbb: {  	[sflag:s9] =	ssyncadd.s32 @p0 $0xFFFFD880;
	s9 =	sor.u32 @p3 $0x1C0D, s14;
	s14 =	sld [smem:$0x7F4]  }
0xbc: {  	_ =	sdelay $0x1  }
0xbd: {  	s16 =	rddreg [dreg:$0x1b];
	s14 =	sshrl.u32 @p3 s14, $0x3  }
0xbe: {  	[hbm:s16], [sflag:s9] =	dma.local @p3 [spmem:s14], $0x2780  }
0xbf: {  	s9 =	simm.s32 @p3 $0xD  }
0xc0: {  	_ =	swait.ge @p3 [sflag:s9], $0x2780  }
0xc1: {  	s16 =	sld [smem:$0x7D0];
	_ =	sdelay $0x2  }
0xc2: {  	p2 =	seq.s32 s16, $0x1  }
0xc3: {  	[sflag:s9] =	ssyncset.done @p3 $0x0;
	s14 =	sshll.u32 @p2 s15, $0x6  }
0xc4: {  	[sflag:s9] =	ssyncadd.s32 @p3 $0xFFFFD880;
	s9 =	sor.u32 @p2 $0x1C0D, s14;
	s14 =	sld [smem:$0x7F3]  }
0xc5: {  	_ =	sdelay $0x1  }
0xc6: {  	s16 =	rddreg [dreg:$0x1c];
	s14 =	sshrl.u32 @p2 s14, $0x3  }
0xc7: {  	[hbm:s16], [sflag:s9] =	dma.local @p2 [spmem:s14], $0x2780  }
0xc8: {  	s9 =	simm.s32 @p2 $0xD  }
0xc9: {  	_ =	swait.ge @p2 [sflag:s9], $0x2780  }
0xca: {  	s14 =	sshll.u32 @p6 s15, $0x6;
	[sflag:s9] =	ssyncset.done @p2 $0x0  }
0xcb: {  	[sflag:s9] =	ssyncadd.s32 @p2 $0xFFFFD880;
	s9 =	sor.u32 @p6 $0x1C0D, s14;
	s14 =	sld [smem:$0x7F2]  }
0xcc: {  	_ =	sdelay $0x1  }
0xcd: {  	s16 =	rddreg [dreg:$0x1d];
	s14 =	sshrl.u32 @p6 s14, $0x3  }
0xce: {  	[hbm:s16], [sflag:s9] =	dma.local @p6 [spmem:s14], $0x2780  }
0xcf: {  	s9 =	simm.s32 @p6 $0xD  }
0xd0: {  	_ =	swait.ge @p6 [sflag:s9], $0x2780  }
0xd1: {  	s14 =	sld [smem:$0x7CF];
	_ =	sdelay $0x2  }
0xd2: {  	p2 =	seq.s32 s14, $0x1  }
0xd3: {  	[sflag:s9] =	ssyncset.done @p6 $0x0;
	s14 =	sshll.u32 @p2 s15, $0x6  }
0xd4: {  	[sflag:s9] =	ssyncadd.s32 @p6 $0xFFFFD880;
	s9 =	sor.u32 @p2 $0x1C0D, s14;
	s14 =	sld [smem:$0x7F1]  }
0xd5: {  	_ =	sdelay $0x1  }
0xd6: {  	s16 =	rddreg [dreg:$0x1e];
	s14 =	sshrl.u32 @p2 s14, $0x3  }
0xd7: {  	[hbm:s16], [sflag:s9] =	dma.local @p2 [spmem:s14], $0x2780  }
0xd8: {  	s9 =	simm.s32 @p2 $0xD  }
0xd9: {  	_ =	swait.ge @p2 [sflag:s9], $0x2780  }
0xda: {  	s14 =	sshll.u32 @p5 s15, $0x6;
	[sflag:s9] =	ssyncset.done @p2 $0x0  }
0xdb: {  	[sflag:s9] =	ssyncadd.s32 @p2 $0xFFFFD880;
	s9 =	sor.u32 @p5 $0x1C0D, s14;
	s14 =	sld [smem:$0x7EF]  }
0xdc: {  	_ =	sdelay $0x1  }
0xdd: {  	s16 =	rddreg [dreg:$0x1f];
	s14 =	sshrl.u32 @p5 s14, $0x3  }
0xde: {  	[hbm:s16], [sflag:s9] =	dma.local @p5 [spmem:s14], $0x2780  }
0xdf: {  	s9 =	simm.s32 @p5 $0xD  }
0xe0: {  	_ =	swait.ge @p5 [sflag:s9], $0x2780  }
0xe1: {  	s16 =	sld [smem:$0x7CE];
	_ =	sdelay $0x2  }
0xe2: {  	p2 =	seq.s32 s16, $0x1  }
0xe3: {  	[sflag:s9] =	ssyncset.done @p5 $0x0;
	s14 =	sshll.u32 @p2 s15, $0x6  }
0xe4: {  	[sflag:s9] =	ssyncadd.s32 @p5 $0xFFFFD880;
	s9 =	sor.u32 @p2 $0x1C0D, s14;
	s14 =	sld [smem:$0x7EE]  }
0xe5: {  	s16 =	sld [smem:$0x7DA];
	_ =	sdelay $0x1  }
0xe6: {  	s14 =	sshrl.u32 @p2 s14, $0x3  }
0xe7: {  	[hbm:s16], [sflag:s9] =	dma.local @p2 [spmem:s14], $0x2080  }
0xe8: {  	s9 =	simm.s32 @p2 $0xD  }
0xe9: {  	_ =	swait.ge @p2 [sflag:s9], $0x2080  }
0xea: {  	s14 =	sld [smem:$0x7D9]  }
0xeb: {  	s10 =	sld [smem:$0x7DB];
	_ =	sdelay $0x1  }
0xec: {  	s16 =	sadd.s32 $0x1, s14  }
0xed: {  	p0 =	sne.s32 s16, s10  }
.Ltmp1:
0xee: {  	_ = 	snop;
	(pc) =	sbr.rel @!p0 .LBB2_12-.Ltmp1, $3  }
0xef: {  	_ =	sdelay $0x1  }
0xf0: {  	[sflag:s9] =	ssyncset.done @p2 $0x0  }
0xf1: {  	[sflag:s9] =	ssyncadd.s32 @p2 $0xFFFFDF80;
	s10 =	simm.s32 $0x13A80  }
.LBB2_1:
0xf2: {  	s9 =	sld [smem:$0x7ED];
	_ =	sdelay $0x2  }
0xf3: {  	p0 =	seq.s32 s9, $0x1  }
.Ltmp2:
0xf4: {  	_ = 	snop;
	(pc) =	sbr.rel @p0 .LBB2_5-.Ltmp2, $2  }
0xf5: {  	_ =	sdelay $0x2  }
0xf6: {  	[smem:$0x7D9] =	sst s16  }
0xf7: {  	s9 =	sld [smem:$0x7F0];
	_ =	sdelay $0x2  }
0xf8: {  	p0 =	seq.s32 s9, $0x1  }
.Ltmp3:
0xf9: {  	_ = 	snop;
	(pc) =	sbr.rel @p0 .LBB2_4-.Ltmp3, $1  }
0xfa: {  	_ =	sdelay $0x3  }
0xfb: {  	s9 =	sld [smem:$0x7E3];
	_ =	sdelay $0x2  }
0xfc: {  	p6 =	seq.s32 s9, $0x1;
	s9 =	sld [smem:$0x7FC];
	_ =	sdelay $0x2  }
0xfd: {  	s15 =	simm.s32 @!p6 $0x1C8D;
	s14 =	sshrl.u32 @!p6 s9, $0x3;
	s9 =	rddreg [dreg:$0x6]  }
0xfe: {  	[spmem:s14], [sflag:s15] =	dma.local @!p6 [hbm:s9], $0x2780  }
0xff: {  	s14 =	simm.s32 @!p6 $0xD  }
0x100: {  	_ =	swait.ge @!p6 [sflag:s14], $0x2780  }
0x101: {  	[sflag:s14] =	ssyncset.done @!p6 $0x0;
	s15 =	sld [smem:$0x7E4]  }
0x102: {  	[sflag:s14] =	ssyncadd.s32 @!p6 $0xFFFFD880;
	s14 =	sld [smem:$0x7FB];
	_ =	sdelay $0x1  }
0x103: {  	p2 =	seq.s32 s15, $0x1  }
0x104: {  	s14 =	sshrl.u32 @!p2 s14, $0x3;
	s15 =	simm.s32 @!p2 $0x1CCD  }
0x105: {  	[spmem:s14], [sflag:s15] =	dma.local @!p2 [hbm:s9], $0x2780  }
0x106: {  	s14 =	simm.s32 @!p2 $0xD  }
0x107: {  	_ =	swait.ge @!p2 [sflag:s14], $0x2780  }
0x108: {  	s16 =	sld [smem:$0x7E5];
	_ =	sdelay $0x2  }
0x109: {  	[sflag:s14] =	ssyncset.done @!p2 $0x0;
	p0 =	seq.s32 s16, $0x1  }
0x10a: {  	[sflag:s14] =	ssyncadd.s32 @!p2 $0xFFFFD880;
	s14 =	sshrl.u32 @!p0 s2, $0x3;
	s15 =	simm.s32 @!p0 $0x1C0D  }
0x10b: {  	[spmem:s14], [sflag:s15] =	dma.local @!p0 [hbm:s9], $0x2780  }
0x10c: {  	s14 =	simm.s32 @!p0 $0xD  }
0x10d: {  	_ =	swait.ge @!p0 [sflag:s14], $0x2780  }
0x10e: {  	[sflag:s14] =	ssyncset.done @!p0 $0x0;
	s15 =	sld [smem:$0x7E7]  }
0x10f: {  	p1 =	por @!p6 $0x0, $0x0;
	[sflag:s14] =	ssyncadd.s32 @!p0 $0xFFFFD880;
	s14 =	sld [smem:$0x7FD]  }
0x110: {  	p3 =	por @!p2 $0x1, $0x1;
	p5 =	por @!p2 $0x0, $0x0;
	p4 =	por @!p2 $0x0, $0x0  }
0x111: {  	p5 =	por @!p6 p1, p1;
	p3 =	por @!p6 p1, p1;
	p2 =	seq.s32 s15, $0x1  }
0x112: {  	p1 =	por @!p6 $0x1, $0x1;
	s14 =	sshrl.u32 @!p2 s14, $0x3;
	s15 =	simm.s32 @!p2 $0x1C4D  }
0x113: {  	[spmem:s14], [sflag:s15] =	dma.local @!p2 [hbm:s9], $0x2780  }
0x114: {  	p4 =	por @!p6 p1, p1;
	s9 =	simm.s32 @!p3 $0x0  }
0x115: {  	s9 =	simm.s32 @p3 $0x1;
	p3 =	por @!p2 $0x1, $0x1;
	s16 =	sld [smem:$0x7E6]  }
0x116: {  	p1 =	por @!p2 $0x0, $0x0;
	p2 =	por @!p0 $0x0, $0x0;
	p6 =	por p3, p3  }
0x117: {  	p3 =	por @!p0 $0x0, $0x0;
	p6 =	por @!p0 p2, p2  }
0x118: {  	p1 =	por @!p0 p3, p3;
	p0 =	por p5, p5;
	p3 =	seq.s32 s16, $0x1  }
0x119: {  	[smem:$0x7D4] =	sst s9;
	p2 =	por p5, p5;
	p0 =	por @!p3 p1, p1  }
0x11a: {  	p2 =	por @!p3 p6, p6;
	p6 =	por p5, p5;
	s9 =	simm.s32 @!p0 $0x0  }
0x11b: {  	p6 =	por @!p3 p1, p1;
	s9 =	simm.s32 @p0 $0x1  }
0x11c: {  	[smem:$0x7CE] =	sst s9;
	s9 =	simm.s32 @!p6 $0x0  }
0x11d: {  	s9 =	simm.s32 @p6 $0x1;
	p6 =	por p5, p5  }
0x11e: {  	p6 =	por @!p3 p1, p1  }
0x11f: {  	p0 =	por p5, p5;
	[smem:$0x7CF] =	sst s9;
	s9 =	simm.s32 @!p6 $0x0  }
0x120: {  	p0 =	por @!p3 p1, p1;
	s9 =	simm.s32 @p6 $0x1  }
0x121: {  	[smem:$0x7D0] =	sst s9;
	s9 =	simm.s32 @!p0 $0x0  }
0x122: {  	s9 =	simm.s32 @p0 $0x1;
	p0 =	por p5, p5  }
0x123: {  	s14 =	sld [smem:$0x7E7];
	p0 =	por @!p3 p1, p1  }
0x124: {  	p6 =	por p5, p5;
	[smem:$0x7D1] =	sst s9;
	s9 =	simm.s32 @!p0 $0x0  }
0x125: {  	s15 =	sld [smem:$0x7D4];
	p6 =	por @!p3 p1, p1;
	s9 =	simm.s32 @p0 $0x1  }
0x126: {  	[smem:$0x7D2] =	sst s9;
	s9 =	simm.s32 @!p6 $0x0  }
0x127: {  	s9 =	simm.s32 @p6 $0x1;
	p6 =	seq.s32 s14, $0x1  }
0x128: {  	s14 =	simm.s32 @!p6 $0xD;
	p6 =	seq.s32 s15, $0x1  }
0x129: {  	p6 =	por @!p3 p1, p1  }
0x12a: {  	[smem:$0x7D3] =	sst s9;
	s9 =	simm.s32 @!p6 $0x0  }
0x12b: {  	s16 =	sld [smem:$0x7E7];
	s9 =	simm.s32 @p6 $0x1  }
0x12c: {  	[smem:$0x7D4] =	sst s9;
	s9 =	simm.s32 @!p5 $0x0  }
0x12d: {  	s9 =	simm.s32 @p5 $0x1  }
0x12e: {  	p6 =	seq.s32 s16, $0x1;
	[smem:$0x7D6] =	sst s9  }
0x12f: {  	_ =	swait.ge @!p6 [sflag:s14], $0x2780  }
0x130: {  	p0 =	por p5, p5;
	s15 =	sld [smem:$0x7D6]  }
0x131: {  	p0 =	por @!p3 p1, p1  }
0x132: {  	s9 =	simm.s32 @!p0 $0x0  }
0x133: {  	s9 =	simm.s32 @p0 $0x1;
	p0 =	seq.s32 s15, $0x1  }
0x134: {  	p0 =	por @!p3 p1, p1  }
0x135: {  	[smem:$0x7D5] =	sst s9;
	s9 =	simm.s32 @!p0 $0x0  }
0x136: {  	s9 =	simm.s32 @p0 $0x1  }
0x137: {  	[smem:$0x7D6] =	sst s9;
	s9 =	simm.s32 @!p5 $0x0  }
0x138: {  	s16 =	sld [smem:$0x7E7];
	s9 =	simm.s32 @p5 $0x1  }
0x139: {  	[smem:$0x7D8] =	sst s9  }
0x13a: {  	p0 =	por p5, p5;
	s15 =	sld [smem:$0x7D8]  }
0x13b: {  	p4 =	por @!p3 p1, p1;
	p0 =	por @!p3 p1, p1  }
0x13c: {  	p6 =	seq.s32 s16, $0x1;
	s16 =	sld [smem:$0x7E7];
	s9 =	simm.s32 @!p0 $0x0  }
.Ltmp4:
0x13d: {  	s9 =	simm.s32 @p0 $0x1;
	p0 =	seq.s32 s15, $0x1;
	(pc) =	sbr.rel .LBB2_8-.Ltmp4, $4  }
0x13e: {  	[sflag:s14] =	ssyncset.done @!p6 $0x0;
	p6 =	por p5, p5;
	p0 =	por @!p3 p1, p1  }
0x13f: {  	p6 =	por @!p3 p1, p1;
	[smem:$0x7D7] =	sst s9;
	s9 =	simm.s32 @!p0 $0x0  }
0x140: {  	p5 =	por @!p3 p1, p1;
	p1 =	seq.s32 s16, $0x1;
	s9 =	simm.s32 @p0 $0x1  }
0x141: {  	[sflag:s14] =	ssyncadd.s32 @!p1 $0xFFFFD880;
	[smem:$0x7D8] =	sst s9  }
.LBB2_5:
0x142: {  	p0 =	sgt.s32 s15, $0xB  }
.Ltmp5:
0x143: {  	_ = 	snop;
	(pc) =	sbr.rel @p0 .LBB2_7-.Ltmp5, $1  }
0x144: {  	_ =	sdelay $0x3  }
0x145: {  	p1 =	sgt.s32 s15, $0x9;
	s9 =	sld [smem:$0x7F4]  }
0x146: {  	p2 =	seq.s32 @p1 s15, $0xA  }
0x147: {  	p0 =	por !p2, !p1  }
0x148: {  	s16 =	rddreg [dreg:$0x6];
	s14 =	sshrl.u32 @!p0 s9, $0x3;
	s15 =	simm.s32 @!p0 $0x1E8D  }
0x149: {  	[spmem:s14], [sflag:s15] =	dma.local @!p0 [hbm:s16], $0x2780  }
0x14a: {  	s14 =	simm.s32 @!p0 $0xD  }
0x14b: {  	_ =	swait.ge @!p0 [sflag:s14], $0x2780  }
0x14c: {  	[sflag:s14] =	ssyncset.done @!p0 $0x0  }
0x14d: {  	[sflag:s14] =	ssyncadd.s32 @!p0 $0xFFFFD880;
	s14 =	sld [smem:$0x7F3];
	_ =	sdelay $0x1  }
0x14e: {  	p2 =	por p2, !p1;
	s9 =	stileid.u32  }
0x14f: {  	s15 =	simm.s32 @!p2 $0x1ECD;
	p4 =	seq.s32 @!p1 s9, $0x8;
	s14 =	sshrl.u32 @!p2 s14, $0x3  }
0x150: {  	[spmem:s14], [sflag:s15] =	dma.local @!p2 [hbm:s16], $0x2780  }
0x151: {  	s9 =	simm.s32 @!p4 $0x0;
	s14 =	simm.s32 @!p2 $0xD  }
0x152: {  	s9 =	simm.s32 @p4 $0x1;
	_ =	swait.ge @!p2 [sflag:s14], $0x2780  }
0x153: {  	[smem:$0x7CB] =	sst s9  }
0x154: {  	s9 =	sld [smem:$0x7F6]  }
0x155: {  	p3 =	por @!p2 $0x0, $0x0;
	p6 =	por @!p2 $0x1, $0x1;
	[sflag:s14] =	ssyncset.done @!p2 $0x0  }
0x156: {  	p5 =	por p3, p3;
	[sflag:s14] =	ssyncadd.s32 @!p2 $0xFFFFD880;
	p2 =	por !p4, p1  }
0x157: {  	p4 =	por @!p0 $0x0, $0x0;
	s15 =	simm.s32 @!p2 $0x1E0D;
	s14 =	sshrl.u32 @!p2 s9, $0x3  }
0x158: {  	[spmem:s14], [sflag:s15] =	dma.local @!p2 [hbm:s16], $0x2780  }
0x159: {  	p5 =	por @!p0 p4, p4;
	p4 =	por @!p0 $0x0, $0x0;
	s10 =	sld [smem:$0x7CB]  }
0x15a: {  	p6 =	por @!p0 p4, p4  }
0x15b: {  	s9 =	simm.s32 @!p6 $0x0  }
0x15c: {  	s9 =	simm.s32 @p6 $0x1;
	p6 =	seq.s32 s10, $0x1  }
0x15d: {  	s14 =	simm.s32 @!p2 $0xD;
	p4 =	por p6, p1  }
0x15e: {  	[smem:$0x7D0] =	sst s9;
	p6 =	por @!p0 $0x1, $0x1;
	s9 =	simm.s32 @!p4 $0x0  }
0x15f: {  	_ =	swait.ge @!p2 [sflag:s14], $0x2780;
	p3 =	por @!p0 p6, p6;
	s9 =	simm.s32 @p4 $0x1  }
0x160: {  	p6 =	por @!p4 $0x0, $0x0;
	[smem:$0x7CC] =	sst s9;
	s9 =	simm.s32 @!p3 $0x0  }
0x161: {  	p0 =	por @!p2 $0x0, $0x0;
	s9 =	simm.s32 @p3 $0x1;
	p3 =	por p6, p6  }
0x162: {  	p3 =	por @!p2 p0, p0;
	p0 =	por @!p4 $0x1, $0x1;
	p4 =	por @!p2 $0x0, $0x0  }
0x163: {  	[sflag:s14] =	ssyncset.done @!p2 $0x0;
	p0 =	por @!p2 p4, p4;
	p4 =	por @!p2 $0x1, $0x1  }
0x164: {  	[sflag:s14] =	ssyncadd.s32 @!p2 $0xFFFFD880;
	p6 =	por @!p2 p4, p4;
	p2 =	por p5, p5  }
0x165: {  	p2 =	por @!p1 p0, p0  }
0x166: {  	[smem:$0x7D8] =	sst s9;
	s9 =	simm.s32 @!p2 $0x0  }
0x167: {  	s10 =	sld [smem:$0x7CC];
	s9 =	simm.s32 @p2 $0x1  }
0x168: {  	[smem:$0x7D1] =	sst s9  }
0x169: {  	s9 =	sld [smem:$0x7F5];
	_ =	sdelay $0x1  }
0x16a: {  	p0 =	seq.s32 s10, $0x1;
	p2 =	por p5, p5  }
0x16b: {  	s15 =	simm.s32 @!p0 $0x1E4D;
	p2 =	por @!p1 p6, p6;
	s14 =	sshrl.u32 @!p0 s9, $0x3  }
0x16c: {  	[spmem:s14], [sflag:s15] =	dma.local @!p0 [hbm:s16], $0x2780  }
0x16d: {  	s9 =	simm.s32 @!p2 $0x0;
	p0 =	por p5, p5  }
0x16e: {  	s9 =	simm.s32 @p2 $0x1;
	p0 =	por @!p1 p3, p3;
	s14 =	sld [smem:$0x7D0]  }
0x16f: {  	p2 =	por p5, p5;
	[smem:$0x7D7] =	sst s9;
	s9 =	simm.s32 @!p0 $0x0  }
0x170: {  	p2 =	por @!p1 p3, p3;
	s9 =	simm.s32 @p0 $0x1  }
0x171: {  	[smem:$0x7CE] =	sst s9;
	s9 =	simm.s32 @!p2 $0x0;
	p0 =	seq.s32 s14, $0x1  }
0x172: {  	s9 =	simm.s32 @p2 $0x1;
	p0 =	por @!p1 p3, p3  }
0x173: {  	[smem:$0x7CF] =	sst s9;
	s9 =	simm.s32 @!p0 $0x0  }
0x174: {  	s9 =	simm.s32 @p0 $0x1;
	p0 =	por p5, p5  }
0x175: {  	s15 =	sld [smem:$0x7CC];
	p0 =	por @!p1 p3, p3  }
0x176: {  	p2 =	por p5, p5;
	[smem:$0x7D0] =	sst s9;
	s9 =	simm.s32 @!p0 $0x0  }
0x177: {  	s16 =	sld [smem:$0x7CC];
	p2 =	por @!p1 p3, p3;
	s9 =	simm.s32 @p0 $0x1  }
0x178: {  	p4 =	por p5, p5;
	[smem:$0x7D2] =	sst s9;
	s9 =	simm.s32 @!p2 $0x0  }
0x179: {  	p4 =	por @!p1 p3, p3;
	s9 =	simm.s32 @p2 $0x1  }
0x17a: {  	p6 =	seq.s32 s15, $0x1;
	[smem:$0x7D3] =	sst s9;
	s9 =	simm.s32 @!p4 $0x0  }
0x17b: {  	s14 =	simm.s32 @!p6 $0xD;
	p6 =	seq.s32 s16, $0x1;
	s9 =	simm.s32 @p4 $0x1  }
0x17c: {  	p0 =	por p5, p5;
	p2 =	por p5, p5;
	[smem:$0x7D4] =	sst s9  }
0x17d: {  	p0 =	por @!p1 p3, p3;
	p2 =	por @!p1 p3, p3;
	_ =	swait.ge @!p6 [sflag:s14], $0x2780  }
0x17e: {  	s9 =	simm.s32 @!p0 $0x0;
	p6 =	por p5, p5;
	s10 =	sld [smem:$0x7CC]  }
0x17f: {  	s9 =	simm.s32 @p0 $0x1;
	p6 =	por @!p1 p3, p3;
	s15 =	sld [smem:$0x7D8]  }
0x180: {  	p4 =	por p5, p5;
	[smem:$0x7D5] =	sst s9;
	s9 =	simm.s32 @!p6 $0x0  }
0x181: {  	p4 =	por @!p1 p3, p3;
	s16 =	sld [smem:$0x7CC];
	s9 =	simm.s32 @p6 $0x1  }
.Ltmp6:
0x182: {  	p0 =	seq.s32 s10, $0x1;
	p6 =	seq.s32 s15, $0x1;
	(pc) =	sbr.rel .LBB2_8-.Ltmp6, $4  }
0x183: {  	[smem:$0x7D6] =	sst s9;
	s10 =	simm.s32 $0x13A80;
	p6 =	por @!p1 p3, p3  }
0x184: {  	[sflag:s14] =	ssyncset.done @!p0 $0x0;
	p0 =	seq.s32 s16, $0x1;
	s9 =	simm.s32 @!p6 $0x0  }
0x185: {  	[sflag:s14] =	ssyncadd.s32 @!p0 $0xFFFFD880;
	s9 =	simm.s32 @p6 $0x1;
	p6 =	por p5, p5  }
0x186: {  	p5 =	por @!p1 p3, p3;
	[smem:$0x7D8] =	sst s9;
	p6 =	por @!p1 p3, p3  }
.LBB2_4:
0x187: {  	s9 =	sld [smem:$0x7E8];
	_ =	sdelay $0x2  }
0x188: {  	p2 =	seq.s32 s9, $0x1;
	s9 =	sld [smem:$0x7F8];
	_ =	sdelay $0x2  }
0x189: {  	s15 =	simm.s32 @!p2 $0x1D8D;
	s14 =	sshrl.u32 @!p2 s9, $0x3;
	s9 =	rddreg [dreg:$0x6]  }
0x18a: {  	[spmem:s14], [sflag:s15] =	dma.local @!p2 [hbm:s9], $0x2780  }
0x18b: {  	s14 =	simm.s32 @!p2 $0xD  }
0x18c: {  	_ =	swait.ge @!p2 [sflag:s14], $0x2780  }
0x18d: {  	[sflag:s14] =	ssyncset.done @!p2 $0x0;
	s15 =	sld [smem:$0x7E9]  }
0x18e: {  	[sflag:s14] =	ssyncadd.s32 @!p2 $0xFFFFD880;
	s14 =	sld [smem:$0x7F7];
	_ =	sdelay $0x1  }
0x18f: {  	p3 =	seq.s32 s15, $0x1  }
0x190: {  	s14 =	sshrl.u32 @!p3 s14, $0x3;
	s15 =	simm.s32 @!p3 $0x1DCD  }
0x191: {  	[spmem:s14], [sflag:s15] =	dma.local @!p3 [hbm:s9], $0x2780  }
0x192: {  	s14 =	simm.s32 @!p3 $0xD  }
0x193: {  	_ =	swait.ge @!p3 [sflag:s14], $0x2780  }
0x194: {  	[sflag:s14] =	ssyncset.done @!p3 $0x0;
	s16 =	sld [smem:$0x7EA]  }
0x195: {  	[sflag:s14] =	ssyncadd.s32 @!p3 $0xFFFFD880;
	s14 =	sld [smem:$0x7FA]  }
0x196: {  	p0 =	por @!p2 $0x1, $0x1;
	p1 =	por @!p2 $0x0, $0x0  }
0x197: {  	p4 =	por @!p3 $0x1, $0x1;
	p5 =	por @!p3 $0x0, $0x0;
	p6 =	seq.s32 s16, $0x1  }
0x198: {  	p4 =	por @!p2 p1, p1;
	s14 =	sshrl.u32 @!p6 s14, $0x3;
	s15 =	simm.s32 @!p6 $0x1D0D  }
0x199: {  	[spmem:s14], [sflag:s15] =	dma.local @!p6 [hbm:s9], $0x2780  }
0x19a: {  	p3 =	por @!p3 $0x0, $0x0;
	s14 =	simm.s32 @!p6 $0xD;
	s15 =	simm.s32 @!p4 $0x0  }
0x19b: {  	p3 =	por @!p2 p0, p0;
	_ =	swait.ge @!p6 [sflag:s14], $0x2780;
	s15 =	simm.s32 @p4 $0x1  }
0x19c: {  	[smem:$0x7D2] =	sst s15;
	s15 =	simm.s32 @!p3 $0x0  }
0x19d: {  	s15 =	simm.s32 @p3 $0x1  }
0x19e: {  	[smem:$0x7D6] =	sst s15  }
0x19f: {  	[sflag:s14] =	ssyncset.done @!p6 $0x0;
	s15 =	sld [smem:$0x7EC]  }
0x1a0: {  	[sflag:s14] =	ssyncadd.s32 @!p6 $0xFFFFD880;
	s14 =	sld [smem:$0x7F9];
	_ =	sdelay $0x1  }
0x1a1: {  	p5 =	por @!p2 p1, p1;
	p2 =	por @!p6 $0x0, $0x0;
	p0 =	seq.s32 s15, $0x1  }
0x1a2: {  	s14 =	sshrl.u32 @!p0 s14, $0x3;
	s15 =	simm.s32 @!p0 $0x1D4D;
	p4 =	por @!p0 $0x1, $0x1  }
0x1a3: {  	[spmem:s14], [sflag:s15] =	dma.local @!p0 [hbm:s9], $0x2780  }
0x1a4: {  	p4 =	por @!p6 p2, p2  }
0x1a5: {  	s9 =	simm.s32 @!p4 $0x0  }
0x1a6: {  	s16 =	sld [smem:$0x7EB];
	s9 =	simm.s32 @p4 $0x1  }
0x1a7: {  	[smem:$0x7CD] =	sst s9  }
0x1a8: {  	s14 =	sld [smem:$0x7CD]  }
0x1a9: {  	p3 =	por @!p6 $0x1, $0x1;
	p1 =	por @!p0 $0x0, $0x0  }
0x1aa: {  	p1 =	por @!p6 p2, p2;
	p2 =	por p5, p5;
	p4 =	por @!p0 $0x0, $0x0  }
0x1ab: {  	p4 =	por @!p6 p3, p3;
	p3 =	seq.s32 s16, $0x1;
	p6 =	seq.s32 s14, $0x1  }
0x1ac: {  	p2 =	por @!p3 p6, p6  }
0x1ad: {  	s9 =	simm.s32 @!p2 $0x0  }
0x1ae: {  	s9 =	simm.s32 @p2 $0x1;
	p2 =	por p5, p5  }
0x1af: {  	p2 =	por @!p3 p4, p4  }
0x1b0: {  	p6 =	por p5, p5;
	[smem:$0x7D3] =	sst s9;
	s9 =	simm.s32 @!p2 $0x0  }
0x1b1: {  	p6 =	por @!p3 p1, p1;
	s9 =	simm.s32 @p2 $0x1  }
0x1b2: {  	p4 =	por p5, p5;
	[smem:$0x7D5] =	sst s9;
	s9 =	simm.s32 @!p6 $0x0  }
0x1b3: {  	p4 =	por @!p3 p1, p1;
	s9 =	simm.s32 @p6 $0x1  }
0x1b4: {  	p2 =	por p5, p5;
	[smem:$0x7CE] =	sst s9;
	s9 =	simm.s32 @!p4 $0x0  }
0x1b5: {  	p2 =	por @!p3 p1, p1;
	s9 =	simm.s32 @p4 $0x1  }
0x1b6: {  	[smem:$0x7CF] =	sst s9;
	s9 =	simm.s32 @!p2 $0x0  }
0x1b7: {  	s15 =	sld [smem:$0x7D2];
	s9 =	simm.s32 @p2 $0x1;
	p2 =	por p5, p5  }
0x1b8: {  	p2 =	por @!p3 p1, p1  }
0x1b9: {  	[smem:$0x7D0] =	sst s9;
	s9 =	simm.s32 @!p2 $0x0  }
0x1ba: {  	s9 =	simm.s32 @p2 $0x1;
	p2 =	seq.s32 s15, $0x1  }
0x1bb: {  	p2 =	por @!p3 p1, p1  }
0x1bc: {  	p4 =	por p5, p5;
	[smem:$0x7D1] =	sst s9;
	s9 =	simm.s32 @!p2 $0x0  }
0x1bd: {  	p4 =	por @!p3 p1, p1;
	s9 =	simm.s32 @p2 $0x1  }
0x1be: {  	[smem:$0x7D2] =	sst s9;
	s9 =	simm.s32 @!p4 $0x0  }
0x1bf: {  	s9 =	simm.s32 @p4 $0x1  }
0x1c0: {  	s14 =	simm.s32 @!p0 $0xD;
	[smem:$0x7D4] =	sst s9  }
0x1c1: {  	_ =	swait.ge @!p0 [sflag:s14], $0x2780  }
0x1c2: {  	s16 =	sld [smem:$0x7D6];
	_ =	sdelay $0x2  }
0x1c3: {  	p6 =	seq.s32 s16, $0x1  }
0x1c4: {  	p6 =	por @!p3 p1, p1  }
0x1c5: {  	s9 =	simm.s32 @!p6 $0x0  }
0x1c6: {  	s9 =	simm.s32 @p6 $0x1  }
0x1c7: {  	[smem:$0x7D6] =	sst s9;
	s9 =	simm.s32 @!p5 $0x0  }
0x1c8: {  	s9 =	simm.s32 @p5 $0x1  }
0x1c9: {  	[smem:$0x7D7] =	sst s9  }
0x1ca: {  	s9 =	simm.s32 @!p5 $0x0;
	s15 =	sld [smem:$0x7D7]  }
0x1cb: {  	s9 =	simm.s32 @p5 $0x1  }
0x1cc: {  	[smem:$0x7D8] =	sst s9  }
0x1cd: {  	s16 =	sld [smem:$0x7D8];
	p6 =	seq.s32 s15, $0x1  }
0x1ce: {  	p6 =	por @!p3 p1, p1  }
0x1cf: {  	p2 =	por p5, p5;
	p4 =	por p5, p5;
	s9 =	simm.s32 @!p6 $0x0  }
.Ltmp7:
0x1d0: {  	s9 =	simm.s32 @p6 $0x1;
	p6 =	seq.s32 s16, $0x1;
	(pc) =	sbr.rel .LBB2_8-.Ltmp7, $4  }
0x1d1: {  	p2 =	por @!p3 p1, p1;
	p4 =	por @!p3 p1, p1;
	p6 =	por @!p3 p1, p1  }
0x1d2: {  	[sflag:s14] =	ssyncset.done @!p0 $0x0;
	[smem:$0x7D7] =	sst s9;
	s9 =	simm.s32 @!p6 $0x0  }
0x1d3: {  	[sflag:s14] =	ssyncadd.s32 @!p0 $0xFFFFD880;
	s9 =	simm.s32 @p6 $0x1;
	p6 =	por p5, p5  }
0x1d4: {  	p5 =	por @!p3 p1, p1;
	[smem:$0x7D8] =	sst s9;
	p6 =	por @!p3 p1, p1  }
.LBB2_7:
0x1d5: {  	p1 =	sgt.s32 s15, $0xD;
	s9 =	sld [smem:$0x7EF]  }
0x1d6: {  	p2 =	seq.s32 @p1 s15, $0xE  }
0x1d7: {  	p0 =	por !p2, !p1  }
0x1d8: {  	s16 =	rddreg [dreg:$0x6];
	s14 =	sshrl.u32 @!p0 s9, $0x3;
	s15 =	simm.s32 @!p0 $0x1F8D  }
0x1d9: {  	[spmem:s14], [sflag:s15] =	dma.local @!p0 [hbm:s16], $0x2780  }
0x1da: {  	s14 =	simm.s32 @!p0 $0xD  }
0x1db: {  	_ =	swait.ge @!p0 [sflag:s14], $0x2780  }
0x1dc: {  	[sflag:s14] =	ssyncset.done @!p0 $0x0  }
0x1dd: {  	[sflag:s14] =	ssyncadd.s32 @!p0 $0xFFFFD880;
	s14 =	sld [smem:$0x7EE]  }
0x1de: {  	p2 =	por p2, !p1  }
0x1df: {  	s9 =	stileid.u32;
	p3 =	por @!p0 $0x0, $0x0;
	p6 =	por @!p2 $0x1, $0x1  }
0x1e0: {  	s15 =	simm.s32 @!p2 $0x1FCD;
	p6 =	por @!p0 p3, p3;
	s14 =	sshrl.u32 @!p2 s14, $0x3  }
0x1e1: {  	[spmem:s14], [sflag:s15] =	dma.local @!p2 [hbm:s16], $0x2080  }
0x1e2: {  	p4 =	seq.s32 @!p1 s9, $0xC;
	s9 =	simm.s32 @!p6 $0x0;
	s14 =	simm.s32 @!p2 $0xD  }
0x1e3: {  	s9 =	simm.s32 @p6 $0x1;
	_ =	swait.ge @!p2 [sflag:s14], $0x2080  }
0x1e4: {  	p5 =	por @!p2 $0x0, $0x0;
	[smem:$0x7CE] =	sst s9  }
0x1e5: {  	p6 =	por p5, p5;
	s9 =	sld [smem:$0x7F2]  }
0x1e6: {  	p6 =	por @!p0 p3, p3;
	[sflag:s14] =	ssyncset.done @!p2 $0x0  }
0x1e7: {  	p3 =	por p4, p1;
	[sflag:s14] =	ssyncadd.s32 @!p2 $0xFFFFDF80;
	p2 =	por !p4, p1  }
0x1e8: {  	s15 =	simm.s32 @!p2 $0x1F0D;
	s14 =	sshrl.u32 @!p2 s9, $0x3;
	s9 =	simm.s32 @!p3 $0x0  }
0x1e9: {  	[spmem:s14], [sflag:s15] =	dma.local @!p2 [hbm:s16], $0x2780  }
0x1ea: {  	s9 =	simm.s32 @p3 $0x1  }
0x1eb: {  	s14 =	simm.s32 @!p2 $0xD;
	[smem:$0x7C9] =	sst s9  }
0x1ec: {  	_ =	swait.ge @!p2 [sflag:s14], $0x2780  }
0x1ed: {  	s10 =	sld [smem:$0x7C9]  }
0x1ee: {  	p4 =	por @!p0 $0x1, $0x1;
	p3 =	por @!p3 $0x0, $0x0  }
0x1ef: {  	p5 =	por @!p0 p4, p4;
	p0 =	por @!p2 $0x0, $0x0;
	s9 =	simm.s32 @!p3 $0x0  }
0x1f0: {  	s9 =	simm.s32 @p3 $0x1;
	p3 =	por @!p2 p0, p0;
	p0 =	seq.s32 s10, $0x1  }
0x1f1: {  	p4 =	por @!p2 $0x0, $0x0;
	p0 =	por @!p0 $0x1, $0x1  }
0x1f2: {  	p0 =	por @!p2 p4, p4  }
0x1f3: {  	[smem:$0x7C8] =	sst s9;
	s9 =	simm.s32 @!p0 $0x0  }
0x1f4: {  	s15 =	sld [smem:$0x7C8];
	s9 =	simm.s32 @p0 $0x1  }
0x1f5: {  	[smem:$0x7C7] =	sst s9  }
0x1f6: {  	s10 =	sld [smem:$0x7C7]  }
0x1f7: {  	[sflag:s14] =	ssyncset.done @!p2 $0x0;
	p4 =	seq.s32 s15, $0x1;
	p0 =	por @!p2 $0x1, $0x1  }
0x1f8: {  	[sflag:s14] =	ssyncadd.s32 @!p2 $0xFFFFD880;
	p4 =	por @!p2 p0, p0  }
0x1f9: {  	p2 =	por p6, p6;
	s9 =	simm.s32 @!p4 $0x0;
	p0 =	seq.s32 s10, $0x1  }
0x1fa: {  	s9 =	simm.s32 @p4 $0x1;
	p2 =	por @!p1 p0, p0  }
0x1fb: {  	[smem:$0x7C8] =	sst s9;
	s9 =	simm.s32 @!p2 $0x0  }
0x1fc: {  	s10 =	sld [smem:$0x7C9];
	s9 =	simm.s32 @p2 $0x1  }
0x1fd: {  	[smem:$0x7CF] =	sst s9  }
0x1fe: {  	s9 =	sld [smem:$0x7F1];
	_ =	sdelay $0x1  }
0x1ff: {  	p0 =	seq.s32 s10, $0x1  }
0x200: {  	s15 =	simm.s32 @!p0 $0x1F4D;
	s14 =	sshrl.u32 @!p0 s9, $0x3;
	s9 =	simm.s32 @!p6 $0x0  }
0x201: {  	[spmem:s14], [sflag:s15] =	dma.local @!p0 [hbm:s16], $0x2780  }
0x202: {  	s9 =	simm.s32 @p6 $0x1  }
0x203: {  	[smem:$0x7D1] =	sst s9;
	s9 =	simm.s32 @!p6 $0x0  }
0x204: {  	s9 =	simm.s32 @p6 $0x1  }
0x205: {  	[smem:$0x7D2] =	sst s9;
	s9 =	simm.s32 @!p6 $0x0  }
0x206: {  	s9 =	simm.s32 @p6 $0x1  }
0x207: {  	[smem:$0x7D3] =	sst s9;
	s9 =	simm.s32 @!p6 $0x0  }
0x208: {  	s9 =	simm.s32 @p6 $0x1  }
0x209: {  	[smem:$0x7D4] =	sst s9;
	s9 =	simm.s32 @!p6 $0x0  }
0x20a: {  	s9 =	simm.s32 @p6 $0x1  }
0x20b: {  	[smem:$0x7CA] =	sst s9;
	s9 =	simm.s32 @!p6 $0x0  }
0x20c: {  	s14 =	sld [smem:$0x7C8];
	s9 =	simm.s32 @p6 $0x1  }
0x20d: {  	[smem:$0x7D5] =	sst s9;
	s9 =	simm.s32 @!p6 $0x0  }
0x20e: {  	s15 =	sld [smem:$0x7CE];
	s9 =	simm.s32 @p6 $0x1  }
0x20f: {  	[smem:$0x7D6] =	sst s9;
	s9 =	simm.s32 @!p6 $0x0  }
0x210: {  	p4 =	por p6, p6;
	p2 =	por p6, p6;
	s9 =	simm.s32 @p6 $0x1  }
0x211: {  	p0 =	seq.s32 s14, $0x1;
	[smem:$0x7D7] =	sst s9;
	s9 =	simm.s32 @!p6 $0x0  }
0x212: {  	s9 =	simm.s32 @p6 $0x1;
	p6 =	por @!p1 p0, p0;
	p0 =	seq.s32 s15, $0x1  }
0x213: {  	s16 =	sld [smem:$0x7D1];
	p0 =	por @!p1 p3, p3  }
0x214: {  	[smem:$0x7D8] =	sst s9;
	s9 =	simm.s32 @!p0 $0x0  }
0x215: {  	p2 =	por @!p1 p3, p3;
	s10 =	sld [smem:$0x7D2];
	s9 =	simm.s32 @p0 $0x1  }
0x216: {  	p0 =	seq.s32 s16, $0x1;
	[smem:$0x7CE] =	sst s9;
	s9 =	simm.s32 @!p2 $0x0  }
0x217: {  	p0 =	por @!p1 p3, p3;
	s9 =	simm.s32 @p2 $0x1  }
0x218: {  	[smem:$0x7D0] =	sst s9;
	s9 =	simm.s32 @!p0 $0x0  }
0x219: {  	s14 =	sld [smem:$0x7D3];
	s9 =	simm.s32 @p0 $0x1;
	p0 =	seq.s32 s10, $0x1  }
0x21a: {  	s16 =	sld [smem:$0x7D4];
	p0 =	por @!p1 p3, p3  }
0x21b: {  	[smem:$0x7D1] =	sst s9;
	s9 =	simm.s32 @!p0 $0x0  }
0x21c: {  	s9 =	simm.s32 @p0 $0x1;
	p0 =	seq.s32 s14, $0x1  }
0x21d: {  	s10 =	sld [smem:$0x7CA];
	p0 =	por @!p1 p3, p3  }
0x21e: {  	p2 =	seq.s32 s16, $0x1;
	[smem:$0x7D2] =	sst s9;
	s9 =	simm.s32 @!p0 $0x0  }
0x21f: {  	p2 =	por @!p1 p3, p3;
	s9 =	simm.s32 @p0 $0x1  }
0x220: {  	[smem:$0x7D3] =	sst s9;
	s9 =	simm.s32 @!p2 $0x0  }
0x221: {  	s15 =	sld [smem:$0x7C9];
	s9 =	simm.s32 @p2 $0x1;
	p2 =	seq.s32 s10, $0x1  }
0x222: {  	p2 =	por @!p1 p3, p3  }
0x223: {  	[smem:$0x7D4] =	sst s9;
	s9 =	simm.s32 @!p2 $0x0  }
0x224: {  	p0 =	seq.s32 s15, $0x1;
	s9 =	simm.s32 @p2 $0x1  }
0x225: {  	s14 =	simm.s32 @!p0 $0xD;
	[smem:$0x7CA] =	sst s9  }
0x226: {  	_ =	swait.ge @!p0 [sflag:s14], $0x2780  }
0x227: {  	s15 =	sld [smem:$0x7D5];
	_ =	sdelay $0x2  }
0x228: {  	s16 =	sld [smem:$0x7D6];
	p2 =	seq.s32 s15, $0x1  }
0x229: {  	p2 =	por @!p1 p3, p3  }
0x22a: {  	s9 =	simm.s32 @!p2 $0x0  }
0x22b: {  	s10 =	sld [smem:$0x7D7];
	s9 =	simm.s32 @p2 $0x1;
	p2 =	seq.s32 s16, $0x1  }
0x22c: {  	p2 =	por @!p1 p3, p3  }
0x22d: {  	[smem:$0x7D5] =	sst s9;
	s9 =	simm.s32 @!p2 $0x0  }
0x22e: {  	s15 =	sld [smem:$0x7D8];
	s9 =	simm.s32 @p2 $0x1;
	p2 =	seq.s32 s10, $0x1  }
0x22f: {  	p2 =	por @!p1 p3, p3  }
0x230: {  	[smem:$0x7D6] =	sst s9;
	s9 =	simm.s32 @!p2 $0x0  }
0x231: {  	s9 =	simm.s32 @p2 $0x1;
	p2 =	seq.s32 s15, $0x1  }
0x232: {  	p5 =	por @!p1 p3, p3;
	s16 =	sld [smem:$0x7CA];
	p2 =	por @!p1 p3, p3  }
0x233: {  	[sflag:s14] =	ssyncset.done @!p0 $0x0;
	[smem:$0x7D7] =	sst s9;
	s9 =	simm.s32 @!p2 $0x0  }
0x234: {  	p4 =	por @!p1 p3, p3;
	[sflag:s14] =	ssyncadd.s32 @!p0 $0xFFFFD880;
	s9 =	simm.s32 @p2 $0x1  }
0x235: {  	s10 =	simm.s32 $0x13A80;
	p2 =	seq.s32 s16, $0x1;
	[smem:$0x7D8] =	sst s9  }
.LBB2_8:
0x236: {  	[bflag:$0x0] =	sbarrier.arrive $0xFFFF  }
0x237: {  	s14 =	simm.s32 $0x0;
	s15 =	simm.s32 $0x13880;
	s9 =	rddreg [dreg:$0x7]  }
0x238: {  	[tilespmem:s15], [sflag:$0x1] =	stream.linear.gather [hbm4b:s9+s14], $0x40, $0x38;
	[tilespmem:$0x1C580] =	vst v63  }
0x239: {  	s16 =	rddreg [dreg:$0x8]  }
0x23a: {  	[tilespmem:s10], [sflag:$0x1] =	stream.linear.gather [hbm4b:s16+s14], $0x40, $0x38;
	[tilespmem:$0x1C580] =	vst v63  }
0x23b: {  	s9 =	rddreg [dreg:$0x9];
	s16 =	simm.s32 $0x13900  }
0x23c: {  	[tilespmem:s16], [sflag:$0x2] =	stream.linear.gather [hbm4b:s9+s14], $0x40, $0x38;
	[tilespmem:$0x1C580] =	vst v63  }
0x23d: {  	s9 =	rddreg [dreg:$0xa]  }
0x23e: {  	[tilespmem:s18], [sflag:$0x2] =	stream.linear.gather [hbm4b:s9+s14], $0x40, $0x38;
	[tilespmem:$0x1C580] =	vst v63  }
0x23f: {  	s9 =	rddreg [dreg:$0xb]  }
0x240: {  	[tilespmem:s19], [sflag:$0x3] =	stream.linear.gather [hbm4b:s9+s14], $0x40, $0x38;
	[tilespmem:$0x1C580] =	vst v63  }
0x241: {  	s9 =	rddreg [dreg:$0xc]  }
0x242: {  	[tilespmem:s20], [sflag:$0x3] =	stream.linear.gather [hbm4b:s9+s14], $0x40, $0x38;
	[tilespmem:$0x1C580] =	vst v63  }
0x243: {  	s9 =	rddreg [dreg:$0xd]  }
0x244: {  	[tilespmem:s21], [sflag:$0x4] =	stream.linear.gather [hbm4b:s9+s14], $0x40, $0x38;
	[tilespmem:$0x1C580] =	vst v63  }
0x245: {  	s9 =	rddreg [dreg:$0xe]  }
0x246: {  	[tilespmem:s22], [sflag:$0x4] =	stream.linear.gather [hbm4b:s9+s14], $0x40, $0x38;
	[tilespmem:$0x1C580] =	vst v63  }
0x247: {  	_ =	swait.ge [sflag:s23], $0x40  }
0x248: {  	[sflag:s23] =	ssyncset.done $0x0  }
0x249: {  	[sflag:s23] =	ssyncadd.s32 $0xFFFFFFC0  }
0x24a: {  	_ =	swait.ge [sflag:s23], $0x40  }
0x24b: {  	[sflag:s23] =	ssyncset.done $0x0  }
0x24c: {  	[sflag:s23] =	ssyncadd.s32 $0xFFFFFFC0  }
0x24d: {  	[tilespmem:s25], [sflag:$0x5] =	stream.indirect.gather [hbm4b:s1+s24], $0x80, s15, s24, $0xb8;
	[tilespmem:$0x1C580] =	vst v63  }
0x24e: {  	_ =	swait.ge [sflag:s26], $0x40  }
0x24f: {  	[sflag:s26] =	ssyncset.done $0x0  }
0x250: {  	[sflag:s26] =	ssyncadd.s32 $0xFFFFFFC0  }
0x251: {  	_ =	swait.ge [sflag:s26], $0x40  }
0x252: {  	[sflag:s26] =	ssyncset.done $0x0  }
0x253: {  	[sflag:s26] =	ssyncadd.s32 $0xFFFFFFC0  }
0x254: {  	[tilespmem:s28], [sflag:$0x6] =	stream.indirect.gather [hbm4b:s1+s24], $0x80, s16, s24, $0xb8;
	[tilespmem:$0x1C580] =	vst v63  }
0x255: {  	_ =	swait.ge [sflag:s29], $0x40  }
0x256: {  	[sflag:s29] =	ssyncset.done $0x0  }
0x257: {  	[sflag:s29] =	ssyncadd.s32 $0xFFFFFFC0  }
0x258: {  	_ =	swait.ge [sflag:s29], $0x40  }
0x259: {  	[sflag:s29] =	ssyncset.done $0x0  }
0x25a: {  	[sflag:s29] =	ssyncadd.s32 $0xFFFFFFC0  }
0x25b: {  	[tilespmem:s30], [sflag:$0x7] =	stream.indirect.gather [hbm4b:s1+s24], $0x80, s19, s24, $0xb8;
	[tilespmem:$0x1C580] =	vst v63  }
0x25c: {  	_ =	swait.ge [sflag:s31], $0x40  }
0x25d: {  	[sflag:s31] =	ssyncset.done $0x0  }
0x25e: {  	[sflag:s31] =	ssyncadd.s32 $0xFFFFFFC0  }
0x25f: {  	_ =	swait.ge [sflag:s31], $0x40  }
0x260: {  	[sflag:s31] =	ssyncset.done $0x0  }
0x261: {  	s15 =	sld [smem:$0x7E2];
	[sflag:s31] =	ssyncadd.s32 $0xFFFFFFC0  }
0x262: {  	[tilespmem:s0], [sflag:$0x8] =	stream.indirect.gather [hbm4b:s1+s24], $0x80, s21, s24, $0xb8;
	[tilespmem:$0x1C580] =	vst v63  }
.LBB2_9:
0x263: {  	_ =	swait.ge [sflag:s8], $0x2000  }
0x264: {  	[sflag:s8] =	ssyncset.done $0x0  }
0x265: {  	[sflag:s8] =	ssyncadd.s32 $0xFFFFE000  }
0x266: {  	[spmem:s2] =	stream.indirect.scatter.add.f32 [tilespmem:s25], [sflag:$0x9], $0x80, s10, s24, $0xb8;
	[tilespmem:$0x1C580] =	vst v63  }
0x267: {  	_ =	swait.ge [sflag:s7], $0x2000  }
0x268: {  	[sflag:s7] =	ssyncset.done $0x0  }
0x269: {  	[sflag:s7] =	ssyncadd.s32 $0xFFFFE000  }
0x26a: {  	[spmem:s2] =	stream.indirect.scatter.add.f32 [tilespmem:s28], [sflag:$0xA], $0x80, s18, s24, $0xb8;
	[tilespmem:$0x1C580] =	vst v63  }
0x26b: {  	_ =	swait.ge [sflag:s4], $0x2000  }
0x26c: {  	[sflag:s4] =	ssyncset.done $0x0  }
0x26d: {  	[sflag:s4] =	ssyncadd.s32 $0xFFFFE000  }
0x26e: {  	[spmem:s2] =	stream.indirect.scatter.add.f32 [tilespmem:s30], [sflag:$0xB], $0x80, s20, s24, $0xb8;
	[tilespmem:$0x1C580] =	vst v63  }
0x26f: {  	_ =	swait.ge [sflag:s5], $0x2000  }
0x270: {  	p1 =	seq.s32 s14, $0x4C0;
	[sflag:s5] =	ssyncset.done $0x0  }
.Ltmp8:
0x271: {  	[sflag:s5] =	ssyncadd.s32 $0xFFFFE000;
	(pc) =	sbr.rel @p1 .LBB2_11-.Ltmp8, $4  }
0x272: {  	[spmem:s2] =	stream.indirect.scatter.add.f32 [tilespmem:s0], [sflag:$0xC], $0x80, s22, s24, $0xb8;
	[tilespmem:$0x1C580] =	vst v63  }
0x273: {  	_ =	swait.ge [sflag:s6], $0x2000  }
0x274: {  	[sflag:s6] =	ssyncset.done $0x0  }
0x275: {  	[sflag:s6] =	ssyncadd.s32 $0xFFFFE000  }
0x276: {  	s16 =	sshrl.u32 s15, $0x3;
	s9 =	rddreg [dreg:$0x4]  }
0x277: {  	s10 =	simm.s32 $0x13880;
	s9 =	sadd.s32 s9, s16  }
0x278: {  	[tilespmem:s10], [sflag:$0x1] =	stream.linear.gather [hbm4b:s9+s3], $0x40, $0x38;
	[tilespmem:$0x1C580] =	vst v63  }
0x279: {  	s9 =	rddreg [dreg:$0x5]  }
0x27a: {  	s9 =	sadd.s32 s9, s16  }
0x27b: {  	[tilespmem:s17], [sflag:$0x1] =	stream.linear.gather [hbm4b:s9+s3], $0x40, $0x38;
	[tilespmem:$0x1C580] =	vst v63  }
0x27c: {  	_ =	swait.ge [sflag:s11], $0x2000  }
0x27d: {  	s16 =	sld [smem:$0x7E1];
	_ =	sdelay $0x1  }
0x27e: {  	[sflag:s11] =	ssyncset.done $0x0  }
0x27f: {  	[sflag:s11] =	ssyncadd.s32 $0xFFFFE000;
	s9 =	sadd.s32 s14, s16;
	s16 =	simm.s32 $0x13900  }
0x280: {  	[tilespmem:s16], [sflag:$0x2] =	stream.linear.gather [hbm4b:s9+s3], $0x40, $0x38;
	[tilespmem:$0x1C580] =	vst v63  }
0x281: {  	s9 =	sld [smem:$0x7E0];
	_ =	sdelay $0x2  }
0x282: {  	s9 =	sadd.s32 s14, s9  }
0x283: {  	[tilespmem:s18], [sflag:$0x2] =	stream.linear.gather [hbm4b:s9+s3], $0x40, $0x38;
	[tilespmem:$0x1C580] =	vst v63  }
0x284: {  	_ =	swait.ge [sflag:s12], $0x2000  }
0x285: {  	s9 =	sld [smem:$0x7DF];
	_ =	sdelay $0x1  }
0x286: {  	[sflag:s12] =	ssyncset.done $0x0  }
0x287: {  	[sflag:s12] =	ssyncadd.s32 $0xFFFFE000;
	s9 =	sadd.s32 s14, s9  }
0x288: {  	[tilespmem:s19], [sflag:$0x3] =	stream.linear.gather [hbm4b:s9+s3], $0x40, $0x38;
	[tilespmem:$0x1C580] =	vst v63  }
0x289: {  	s9 =	sld [smem:$0x7DE];
	_ =	sdelay $0x2  }
0x28a: {  	s9 =	sadd.s32 s14, s9  }
0x28b: {  	[tilespmem:s20], [sflag:$0x3] =	stream.linear.gather [hbm4b:s9+s3], $0x40, $0x38;
	[tilespmem:$0x1C580] =	vst v63  }
0x28c: {  	_ =	swait.ge [sflag:s13], $0x2000  }
0x28d: {  	s9 =	sld [smem:$0x7DD];
	_ =	sdelay $0x1  }
0x28e: {  	[sflag:s13] =	ssyncset.done $0x0  }
0x28f: {  	[sflag:s13] =	ssyncadd.s32 $0xFFFFE000;
	s9 =	sadd.s32 s14, s9  }
0x290: {  	[tilespmem:s21], [sflag:$0x4] =	stream.linear.gather [hbm4b:s9+s3], $0x40, $0x38;
	[tilespmem:$0x1C580] =	vst v63  }
0x291: {  	s9 =	sld [smem:$0x7DC];
	_ =	sdelay $0x2  }
0x292: {  	s9 =	sadd.s32 s14, s9  }
0x293: {  	[tilespmem:s22], [sflag:$0x4] =	stream.linear.gather [hbm4b:s9+s3], $0x40, $0x38;
	[tilespmem:$0x1C580] =	vst v63  }
0x294: {  	_ =	swait.ge [sflag:s23], $0x40  }
0x295: {  	[sflag:s23] =	ssyncset.done $0x0  }
0x296: {  	[sflag:s23] =	ssyncadd.s32 $0xFFFFFFC0  }
0x297: {  	_ =	swait.ge [sflag:s23], $0x40  }
0x298: {  	[sflag:s23] =	ssyncset.done $0x0  }
0x299: {  	[sflag:s23] =	ssyncadd.s32 $0xFFFFFFC0  }
0x29a: {  	[tilespmem:s25], [sflag:$0x5] =	stream.indirect.gather [hbm4b:s1+s24], $0x80, s10, s24, $0xb8;
	[tilespmem:$0x1C580] =	vst v63  }
0x29b: {  	_ =	swait.ge [sflag:s26], $0x40  }
0x29c: {  	[sflag:s26] =	ssyncset.done $0x0  }
0x29d: {  	[sflag:s26] =	ssyncadd.s32 $0xFFFFFFC0  }
0x29e: {  	_ =	swait.ge [sflag:s26], $0x40  }
0x29f: {  	[sflag:s26] =	ssyncset.done $0x0  }
0x2a0: {  	[sflag:s26] =	ssyncadd.s32 $0xFFFFFFC0  }
0x2a1: {  	[tilespmem:s28], [sflag:$0x6] =	stream.indirect.gather [hbm4b:s1+s24], $0x80, s16, s24, $0xb8;
	[tilespmem:$0x1C580] =	vst v63  }
0x2a2: {  	_ =	swait.ge [sflag:s29], $0x40  }
0x2a3: {  	[sflag:s29] =	ssyncset.done $0x0  }
0x2a4: {  	[sflag:s29] =	ssyncadd.s32 $0xFFFFFFC0  }
0x2a5: {  	_ =	swait.ge [sflag:s29], $0x40  }
0x2a6: {  	[sflag:s29] =	ssyncset.done $0x0  }
0x2a7: {  	[sflag:s29] =	ssyncadd.s32 $0xFFFFFFC0  }
0x2a8: {  	[tilespmem:s30], [sflag:$0x7] =	stream.indirect.gather [hbm4b:s1+s24], $0x80, s19, s24, $0xb8;
	[tilespmem:$0x1C580] =	vst v63  }
0x2a9: {  	_ =	swait.ge [sflag:s31], $0x40  }
0x2aa: {  	[sflag:s31] =	ssyncset.done $0x0  }
.Ltmp9:
0x2ab: {  	[sflag:s31] =	ssyncadd.s32 $0xFFFFFFC0;
	(pc) =	sbr.rel .LBB2_9-.Ltmp9, $4  }
0x2ac: {  	_ =	swait.ge [sflag:s31], $0x40  }
0x2ad: {  	s15 =	sadd.s32 $0x100, s15;
	[sflag:s31] =	ssyncset.done $0x0  }
0x2ae: {  	s14 =	sadd.s32 $0x20, s14;
	s10 =	simm.s32 $0x13A80;
	[sflag:s31] =	ssyncadd.s32 $0xFFFFFFC0  }
0x2af: {  	[tilespmem:s0], [sflag:$0x8] =	stream.indirect.gather [hbm4b:s1+s24], $0x80, s21, s24, $0xb8;
	[tilespmem:$0x1C580] =	vst v63  }
.LBB2_12:
0x2b0: {  	_ =	sfence.sel $0x180000  }
0x2b1: {  	[bflag:$0x0] =	sbarrier.arrive $0xFFFF  }
0x2b2: {  	_ =	strace $0x9000004A  }
0x2b3: {  	[bflag:$0x2] =	sbarrier.arrive $0xFFFF  }
0x2b4: {  	s0 =	rddreg [dreg:$0x3]  }
0x2b5: {  	s0 =	sadd.s32 @!p1 $0x100000, s0  }
0x2b6: {  	[sflag:s0] =	ssyncadd.tile.s32 @!p1 $0x1;
	_ =	shalt  }
.Lfunc_end2:
_tile_overlayer_lowered:
.L_overlay_start_2:
0x2b7: {  	(tag) =	ssettag $0x2  }
0x2b8: {  	s0 =	rddreg [dreg:$0x0];
	s2 =	stileid.u32  }
0x2b9: {  	s1 =	rddreg [dreg:$0x1];
	p0 =	sne.s32 s2, $0x0  }
0x2ba: {  	s3 =	rddreg [dreg:$0x2];
	[bflag:$0x3] =	sbarrier.arrive $0xFFFF;
	s2 =	simm.s32 @!p0 $0x1C0D  }
0x2bb: {  	[timem:s3], [sflag:s2] =	dma.local @!p0 [hbm:s0], s1  }
0x2bc: {  	s0 =	simm.s32 @!p0 $0xD  }
0x2bd: {  	_ =	swait.ge @!p0 [sflag:s0], s1  }
0x2be: {  	s1 =	ssub.s32 @!p0 $0x0, s1;
	[sflag:s0] =	ssyncset.done @!p0 $0x0  }
0x2bf: {  	[sflag:s0] =	ssyncadd.s32 @!p0 s1  }
0x2c0: {  	[bflag:$0x3] =	sbarrier.arrive $0xFFFF  }
0x2c1: {  	_ =	shalt  }

// kernel: kernel.14.cloned.1.call-start
scs
__scs_entry_jumppad:
0x0: {  	(pc) =	sbr.rel $0x88, $3  }
0x1: {  	(tag) =	ssettag $0x0;
	lr =	simm.s32 $0x1  }
0x2: {  	[smem:$0x3F9C] =	sst lr;
	_ =	strace $0xD0000000  }
0x3: {  	_ = 	snop  }
0x4: {  	_ = 	snop  }
0x5: {  	_ = 	snop  }
0x6: {  	_ = 	snop  }
0x7: {  	_ = 	snop  }
__scs_overlays_trampoline_lowered:
0x8: {  	[smem:$0x3FAB] =	sst s0  }
0x9: {  	[smem:$0x3FAC] =	sst s1  }
0xa: {  	[smem:$0x3FAD] =	sst s2  }
0xb: {  	[smem:$0x3FAE] =	sst s3  }
0xc: {  	[smem:$0x3FAF] =	sst s4  }
0xd: {  	[smem:$0x3FB0] =	sst s5  }
0xe: {  	[smem:$0x3FB1] =	sst s6  }
0xf: {  	[smem:$0x3FB2] =	sst s7  }
0x10: {  	[smem:$0x3FB3] =	sst s8  }
0x11: {  	[smem:$0x3FB4] =	sst s9;
	s0 =	simm.s32 @!p0 $0x0  }
0x12: {  	s1 =	sld [smem:$0x3F9A];
	s0 =	simm.s32 @p0 $0x1  }
0x13: {  	[smem:$0x3FB5] =	sst s0;
	s0 =	simm.s32 @!p1 $0x0  }
0x14: {  	s2 =	sld [smem:$0x3F99];
	s0 =	simm.s32 @p1 $0x1  }
0x15: {  	[smem:$0x3FB6] =	sst s0;
	s0 =	simm.s32 @!p2 $0x0  }
0x16: {  	s3 =	sld [smem:$0x3FDB];
	s0 =	simm.s32 @p2 $0x1  }
0x17: {  	s4 =	simm.s32 $0x1BF5;
	[smem:$0x3FB8] =	sst s0  }
0x18: {  	s0 =	sld [smem:$0x3F9B];
	_ =	swait.ge [sflag:s4], $0x0  }
0x19: {  	s7 =	sld [smem:$0x3F9C]  }
0x1a: {  	s8 =	sadd.s32 $0xFFFFE003, lr  }
0x1b: {  	s9 =	sadd.s32 $0xFFFFFEF7, lr;
	s5 =	simm.s32 $0xFFFFFFFF;
	p2 =	slt.u32 s8, $0xFFFFF086  }
0x1c: {  	p1 =	slt.u32 s9, $0xF7A;
	s5 =	simm.s32 @!p2 $0x0  }
0x1d: {  	s5 =	simm.s32 @p1 $0x1;
	p0 =	seq.s32 s7, s2  }
0x1e: {  	s7 =	smul.u32 @!p0 $0xF7A, s2;
	p2 =	seq.s32 @!p0 s5, $0x0  }
0x1f: {  	s9 =	smul.u32 $0xF7A, s1;
	s8 =	simm.s32 @!p0 $0x1BF5;
	p2 =	por !p2, p0  }
0x20: {  	[sflag:s8] =	ssyncset.s32 @!p0 $0xFFFFF086;
	s6 =	sadd.s32 @!p0 s3, s7;
	s7 =	simm.s32 @!p0 $0x108  }
0x21: {  	s3 =	sadd.s32 s3, s9;
	s6 =	sadd.s32 @!p0 $0x88, s6;
	s7 =	simm.s32 @p2 $0x1082  }
0x22: {  	[simem:s7], [sflag:s8] =	dma.local @!p0 [hbm:s6], $0xF7A  }
0x23: {  	s9 =	sor.u32 $0xD0000000, s2;
	s6 =	simm.s32 $0x108;
	_ =	swait.ge @!p0 [sflag:s8], $0x0  }
0x24: {  	s3 =	sadd.s32 $0x88, s3;
	s6 =	simm.s32 @!p1 $0x1082;
	[sflag:s4] =	ssyncset.s32 $0xFFFFF086  }
0x25: {  	[simem:s6], [sflag:s4] =	dma.local [hbm:s3], $0xF7A  }
0x26: {  	[smem:$0x3F9C] =	sst s1;
	(tag) =	ssettag s2;
	_ =	strace s9  }
0x27: {  	s1 =	sld [smem:$0x3FAC]  }
0x28: {  	s2 =	sld [smem:$0x3FAD]  }
0x29: {  	s4 =	sld [smem:$0x3FAF]  }
0x2a: {  	p0 =	seq.s32 s5, $0x0;
	s5 =	sld [smem:$0x3FB0]  }
0x2b: {  	s6 =	sld [smem:$0x3FB1]  }
0x2c: {  	s7 =	sld [smem:$0x3FB2]  }
0x2d: {  	s3 =	simm.s32 $0x108;
	s8 =	sld [smem:$0x3FB3]  }
0x2e: {  	s3 =	simm.s32 @!p0 $0x1082;
	s9 =	sld [smem:$0x3FB4]  }
0x2f: {  	lr =	sadd.s32 s0, s3;
	s0 =	sld [smem:$0x3FAB]  }
0x30: {  	s3 =	sld [smem:$0x3FAE]  }
0x31: {  	[smem:$0x3FB7] =	sst s10  }
0x32: {  	s10 =	sld [smem:$0x3FB5];
	_ =	sdelay $0x3  }
0x33: {  	p0 =	seq.s32 s10, $0x1;
	s10 =	sld [smem:$0x3FB7];
	_ =	sdelay $0x3  }
0x34: {  	[smem:$0x3FB7] =	sst s10  }
0x35: {  	s10 =	sld [smem:$0x3FB6];
	_ =	sdelay $0x3  }
0x36: {  	p1 =	seq.s32 s10, $0x1;
	s10 =	sld [smem:$0x3FB7];
	_ =	sdelay $0x3  }
0x37: {  	[smem:$0x3FB7] =	sst s10  }
0x38: {  	s10 =	sld [smem:$0x3FB8]  }
0x39: {  	_ = 	snop;
	(pc) =	sbr.ind lr, $3  }
0x3a: {  	_ = 	snop  }
0x3b: {  	_ = 	snop  }
0x3c: {  	p2 =	seq.s32 s10, $0x1;
	s10 =	sld [smem:$0x3FB7]  }
0x3d: {  	_ =	shalt  }
0x3e: {  	_ =	shalt  }
0x3f: {  	_ =	shalt  }
0x40: {  	_ =	shalt  }
0x41: {  	_ =	shalt  }
0x42: {  	_ =	shalt  }
0x43: {  	_ =	shalt  }
0x44: {  	_ =	shalt  }
0x45: {  	_ =	shalt  }
0x46: {  	_ =	shalt  }
0x47: {  	_ =	shalt  }
0x48: {  	_ =	shalt  }
0x49: {  	_ =	shalt  }
0x4a: {  	_ =	shalt  }
0x4b: {  	_ =	shalt  }
0x4c: {  	_ =	shalt  }
0x4d: {  	_ =	shalt  }
0x4e: {  	_ =	shalt  }
0x4f: {  	_ =	shalt  }
0x50: {  	_ =	shalt  }
0x51: {  	_ =	shalt  }
0x52: {  	_ =	shalt  }
0x53: {  	_ =	shalt  }
0x54: {  	_ =	shalt  }
0x55: {  	_ =	shalt  }
0x56: {  	_ =	shalt  }
0x57: {  	_ =	shalt  }
0x58: {  	_ =	shalt  }
0x59: {  	_ =	shalt  }
0x5a: {  	_ =	shalt  }
0x5b: {  	_ =	shalt  }
0x5c: {  	_ =	shalt  }
0x5d: {  	_ =	shalt  }
0x5e: {  	_ =	shalt  }
0x5f: {  	_ =	shalt  }
0x60: {  	_ =	shalt  }
0x61: {  	_ =	shalt  }
0x62: {  	_ =	shalt  }
0x63: {  	_ =	shalt  }
0x64: {  	_ =	shalt  }
0x65: {  	_ =	shalt  }
0x66: {  	_ =	shalt  }
0x67: {  	_ =	shalt  }
0x68: {  	_ =	shalt  }
0x69: {  	_ =	shalt  }
0x6a: {  	_ =	shalt  }
0x6b: {  	_ =	shalt  }
0x6c: {  	_ =	shalt  }
0x6d: {  	_ =	shalt  }
0x6e: {  	_ =	shalt  }
0x6f: {  	_ =	shalt  }
0x70: {  	_ =	shalt  }
0x71: {  	_ =	shalt  }
0x72: {  	_ =	shalt  }
0x73: {  	_ =	shalt  }
0x74: {  	_ =	shalt  }
0x75: {  	_ =	shalt  }
0x76: {  	_ =	shalt  }
0x77: {  	_ =	shalt  }
0x78: {  	_ =	shalt  }
0x79: {  	_ =	shalt  }
0x7a: {  	_ =	shalt  }
0x7b: {  	_ =	shalt  }
0x7c: {  	_ =	shalt  }
0x7d: {  	_ =	shalt  }
0x7e: {  	_ =	shalt  }
0x7f: {  	_ =	shalt  }
0x80: {  	_ =	shalt  }
0x81: {  	_ =	shalt  }
0x82: {  	_ =	shalt  }
0x83: {  	_ =	shalt  }
0x84: {  	_ =	shalt  }
0x85: {  	_ =	shalt  }
0x86: {  	_ =	shalt  }
0x87: {  	_ =	shalt  }
.Lfunc_end0:
.L_simem_size_0:
called_computation.2_lowered:
.L_overlay_start_0:
0x88: {  	s2 =	sld [smem:$0x3FD9]  }
0x89: {  	s3 =	sld [smem:$0x3FFE];
	_ =	sdelay $0x1  }
0x8a: {  	s1 =	srdreg.scid  }
0x8b: {  	s0 =	sand.u32 $0x1, s1  }
0x8c: {  	s17 =	sshll.u32 s0, $0xA;
	s2 =	sadd.s32 s3, s2  }
0x8d: {  	s2 =	sadd.s32 s2, s17  }
0x8e: {  	[smem:$0x3FC3] =	sst s2  }
0x8f: {  	_ = 	snop  }
0x90: {  	s2 =	sld [smem:$0x3FD0];
	(tm) =	ssettm $0x1  }
0x91: {  	s18 =	sld [smem:$0x3FFB];
	_ =	sdelay $0x3  }
0x92: {  	_ =	strace s18  }
0x93: {  	s3 =	sld [smem:$0x3FFC];
	_ =	sdelay $0x3  }
0x94: {  	_ =	strace s3  }
0x95: {  	s3 =	sld [smem:$0x3FFD];
	_ =	sdelay $0x3  }
0x96: {  	_ =	strace s3  }
0x97: {  	_ =	strace $0x8FFFFFFF  }
0x98: {  	s19 =	sld [smem:$0x3FDB];
	_ =	sdelay $0x1  }
0x99: {  	s4 =	simm.s32 $_scs_section_size  }
0x9a: {  	s5 =	simm.s32 $_size__tile_overlayer_lowered;
	s6 =	simm.s32 $_tile_overlayer_lowered  }
0x9b: {  	s22 =	simm.s32 $0x1BFF;
	s21 =	sshll.u32 s6, $0x1;
	s3 =	sadd.s32 s4, s19  }
0x9c: {  	s7 =	simm.s32 $0x0;
	s20 =	sshll.u32 s5, $0x1;
	s5 =	sadd.s32 s21, s3  }
0x9d: {  	[timem:s7], [sflag:s22] =	dma.local [hbm:s5], s20  }
0x9e: {  	_ =	swait.ge [sflag:s22], s20  }
0x9f: {  	s4 =	ssub.s32 $0x0, s20;
	[sflag:s22] =	ssyncset.done $0x0  }
0xa0: {  	[sflag:s22] =	ssyncadd.s32 s4;
	_ =	sdelay $0x1  }
0xa1: {  	s23 =	simm.s32 $0x1B8B  }
0xa2: {  	_ =	swait.ge [sflag:s23], $0x1  }
0xa3: {  	[sflag:s23] =	ssyncset.done $0x0  }
0xa4: {  	s25 =	simm.s32 $0x1B8E;
	s24 =	sld [smem:$0x3FFE];
	[sflag:s23] =	ssyncadd.s32 $0xFFFFFFFF  }
0xa5: {  	s26 =	simm.s32 $execute0_lowered;
	[smem:$0x3FD2] =	sst s25  }
0xa6: {  	s5 =	sshll.u32 s26, $0x1;
	_ =	strace $0x8000004C;
	[dreg:$0x1] =	wrdreg $0xFFFFFFFF  }
0xa7: {  	s28 =	simm.s32 $_size_execute0_lowered;
	s3 =	sadd.s32 s3, s5;
	[dreg:$0x0] =	wrdreg $0x0  }
0xa8: {  	s5 =	sshll.u32 s28, $0x1;
	[dreg:$0x2] =	wrdreg s3  }
0xa9: {  	[dreg:$0x3] =	wrdreg s5  }
0xaa: {  	[dreg:$0x4] =	wrdreg $0xC0  }
0xab: {  	_ =	task [dreg:s7], $0x5FFFF  }
0xac: {  	[dreg:$0x1] =	wrdreg $0xFFFFFFFF  }
0xad: {  	[dreg:$0x0] =	wrdreg $0x60  }
0xae: {  	[dreg:$0x2] =	wrdreg s2  }
0xaf: {  	[dreg:$0x3] =	wrdreg s24  }
0xb0: {  	[dreg:$0x4] =	wrdreg $0x0  }
0xb1: {  	[dreg:$0x5] =	wrdreg $0x9  }
0xb2: {  	_ =	task.clear_ibuf [dreg:s7], $0x6FFFF;
	_ =	strace $0x9000004C  }
0xb3: {  	s29 =	simm.s32 $0x9;
	_ =	strace $0x8000004E  }
0xb4: {  	_ =	swait.ge [sflag:s29], $0x1  }
0xb5: {  	[sflag:s29] =	ssyncadd.s32 $0xFFFFFFFF  }
0xb6: {  	_ =	strace $0x9000004E  }
0xb7: {  	_ =	sfence  }
0xb8: {  	s30 =	sld [smem:$0x0];
	_ =	sdelay $0x2  }
0xb9: {  	s31 =	sshll.u32 s1, $0xD;
	s1 =	sshrl.u32 s1, $0x2  }
0xba: {  	s3 =	sand.u32 $0x4000, s31;
	s1 =	sadd.s32 s1, s30  }
0xbb: {  	s0 =	sor.u32 s3, s0;
	s1 =	sshll.u32 s1, $0x11  }
0xbc: {  	s0 =	sor.u32 s1, s0  }
0xbd: {  	s0 =	sadd.s32 $0x8F2B, s0  }
0xbe: {  	[sflag:s0] =	ssyncadd.remote.s32 $0x1  }
0xbf: {  	_ =	sfence.sel $0xFFFF  }
0xc0: {  	[dreg:$0x0] =	wrdreg $0xFFFFFFFF;
	(pc) =	sbr.abs _section_cstart, $3  }
0xc1: {  	[dreg:$0x1] =	wrdreg $0xFFFFFFFF  }
0xc2: {  	_ =	task.clear_ibuf [dreg:s7], $0x2FFFF;
	_ =	strace $0x9FFFFFFF  }
0xc3: {  	(tm) =	ssettm $0x7FFFFFFF  }
tec
execute0_lowered:
.L_overlay_start_1:
0x0: {  	(tag) =	ssettag $0x1  }
0x1: {  	s1 =	rddreg [dreg:$0x0]  }
0x2: {  	s0 =	rddreg [dreg:$0x1];
	s3 =	srdreg.scid  }
0x3: {  	s2 =	rddreg [dreg:$0x2];
	s15 =	stileid.u32;
	s4 =	sand.u32 $0x1, s3  }
0x4: {  	s3 =	simm.s32 $0x0;
	s9 =	sadd.s32 $0x1E00, s0;
	s10 =	sadd.s32 $0xBC00, s0  }
0x5: {  	s7 =	sadd.s32 $0x15A00, s0;
	s0 =	sadd.s32 $0x3CC00, s0;
	s5 =	sshll.u32 s4, $0x4  }
0x6: {  	[smem:$0x7FF] =	sst s3;
	s6 =	ssub.s32 $0x2, s4;
	s18 =	smul.u32 $0x138800, s4  }
0x7: {  	s4 =	smul.u32 $0x27100, s4;
	_ =	strace $0x8000004D;
	[dreg:$0x6] =	wrdreg s7  }
0x8: {  	s23 =	smul.u32 $0x2710, s15;
	[dreg:$0x5] =	wrdreg s10;
	s21 =	sshrl.u32 s18, $0x3  }
0x9: {  	[dreg:$0x4] =	wrdreg s9;
	s22 =	sadd.s32 s0, s21;
	s0 =	sadd.s32 s0, s4  }
0xa: {  	s5 =	sor.u32 s15, s5;
	[dreg:$0x11] =	wrdreg s0;
	s24 =	sadd.s32 $0x2780, s22  }
0xb: {  	s8 =	sshrl.u32 s6, $0x1;
	s25 =	sadd.s32 $0x4F00, s22;
	[dreg:$0x12] =	wrdreg s24  }
0xc: {  	s5 =	smul.u32 $0x2710, s5;
	s26 =	sadd.s32 $0x7680, s22;
	[dreg:$0x13] =	wrdreg s25  }
0xd: {  	s6 =	ssub.s32 s6, s8;
	s18 =	sadd.s32 $0x1DA00, s22;
	[dreg:$0x14] =	wrdreg s26  }
0xe: {  	s5 =	sshrl.u32 s5, $0x3;
	s21 =	sadd.s32 $0x25080, s22;
	[dreg:$0x1d] =	wrdreg s18  }
0xf: {  	s0 =	sadd.s32 s23, s4;
	s23 =	smax.u32 s6, $0x1;
	[smem:$0x7DA] =	sst s21  }
0x10: {  	s11 =	sadd.s32 s9, s5;
	[smem:$0x7DB] =	sst s23  }
0x11: {  	s12 =	sadd.s32 s10, s5;
	[dreg:$0x7] =	wrdreg s11  }
0x12: {  	s18 =	sadd.s32 $0xB1C00, s2;
	[dreg:$0x8] =	wrdreg s12  }
0x13: {  	s21 =	sadd.s32 $0x76800, s2;
	[smem:$0x7F5] =	sst s18  }
0x14: {  	s13 =	sadd.s32 $0x8, s5;
	s23 =	sadd.s32 $0x4F000, s2;
	[smem:$0x7F8] =	sst s21  }
0x15: {  	s11 =	sadd.s32 s9, s13;
	[smem:$0x7FA] =	sst s23  }
0x16: {  	s8 =	sadd.s32 $0x10, s5;
	s7 =	sadd.s32 s10, s13;
	[dreg:$0x9] =	wrdreg s11  }
0x17: {  	s14 =	sadd.s32 s9, s8;
	[dreg:$0xa] =	wrdreg s7  }
0x18: {  	s17 =	sadd.s32 $0x18, s5;
	s16 =	sadd.s32 s10, s8;
	[dreg:$0xb] =	wrdreg s14  }
0x19: {  	s5 =	sadd.s32 $0x4E0, s5;
	s19 =	sadd.s32 s9, s17;
	[dreg:$0xc] =	wrdreg s16  }
0x1a: {  	s20 =	sadd.s32 s9, s5;
	[dreg:$0xd] =	wrdreg s19  }
0x1b: {  	s5 =	sadd.s32 s10, s5;
	[dreg:$0xf] =	wrdreg s20  }
0x1c: {  	s8 =	sadd.s32 $0xC580, s22;
	[dreg:$0x10] =	wrdreg s5  }
0x1d: {  	s12 =	sadd.s32 $0x11480, s22;
	[dreg:$0x16] =	wrdreg s8  }
0x1e: {  	s28 =	simm.s32 $0x15C80;
	s13 =	sadd.s32 $0x13C00, s22;
	[dreg:$0x18] =	wrdreg s12  }
0x1f: {  	s29 =	simm.s32 $0x3;
	s7 =	sadd.s32 s10, s17;
	[dreg:$0x19] =	wrdreg s13  }
0x20: {  	s30 =	simm.s32 $0x17C80;
	s11 =	sadd.s32 $0xED00, s22;
	[dreg:$0xe] =	wrdreg s7  }
0x21: {  	s31 =	simm.s32 $0x4;
	s14 =	sadd.s32 $0x16380, s22;
	[dreg:$0x17] =	wrdreg s11  }
0x22: {  	p2 =	sgt.s32 s15, $0x1;
	s16 =	sadd.s32 $0x18B00, s22;
	[dreg:$0x1a] =	wrdreg s14  }
0x23: {  	p3 =	sgt.s32 s15, $0x5;
	s17 =	sadd.s32 $0x1B280, s22;
	[dreg:$0x1b] =	wrdreg s16  }
0x24: {  	p0 =	seq.s32 @p2 s15, $0x2;
	s19 =	sadd.s32 $0x20180, s22;
	[dreg:$0x1c] =	wrdreg s17  }
0x25: {  	p1 =	por !p0, !p2;
	s20 =	sadd.s32 $0x22900, s22;
	[dreg:$0x1e] =	wrdreg s19  }
0x26: {  	p0 =	por p0, !p2;
	s12 =	sadd.s32 $0x114800, s2;
	[dreg:$0x1f] =	wrdreg s20  }
0x27: {  	s24 =	sadd.s32 $0x180, s0;
	s13 =	sadd.s32 $0x100C00, s2;
	[smem:$0x7EF] =	sst s12  }
0x28: {  	s5 =	sshrl.u32 s24, $0x3;
	s24 =	sadd.s32 $0x3B400, s2;
	[smem:$0x7F1] =	sst s13  }
0x29: {  	s6 =	simm.s32 $0x9;
	s7 =	sadd.s32 $0x9E00, s22;
	[smem:$0x7FB] =	sst s24  }
0x2a: {  	s26 =	sadd.s32 $0x140, s0;
	s8 =	sadd.s32 s5, s10;
	[dreg:$0x15] =	wrdreg s7  }
0x2b: {  	s18 =	simm.s32 $0x13B00;
	s5 =	sadd.s32 s5, s9;
	[smem:$0x7DE] =	sst s8  }
0x2c: {  	s22 =	sadd.s32 $0x1C0, s0;
	s0 =	sadd.s32 $0x100, s0;
	[smem:$0x7DF] =	sst s5  }
0x2d: {  	s21 =	simm.s32 $0x13A00;
	s11 =	sadd.s32 $0x128400, s2;
	[smem:$0x7E2] =	sst s0  }
0x2e: {  	s23 =	simm.s32 $0x1;
	s14 =	sadd.s32 $0xED000, s2;
	[smem:$0x7EE] =	sst s11  }
0x2f: {  	s16 =	sadd.s32 $0xD9400, s2;
	s17 =	sadd.s32 $0xC5800, s2;
	[smem:$0x7F2] =	sst s14  }
0x30: {  	s19 =	sadd.s32 $0x9E000, s2;
	s20 =	sadd.s32 $0x8A400, s2;
	[smem:$0x7F3] =	sst s16  }
0x31: {  	s24 =	simm.s32 $0x40;
	s12 =	simm.s32 $0xB;
	[smem:$0x7F4] =	sst s17  }
0x32: {  	s13 =	simm.s32 $0xC;
	s4 =	sshrl.u32 s22, $0x3;
	[smem:$0x7F6] =	sst s19  }
0x33: {  	s7 =	sshrl.u32 s26, $0x3;
	s0 =	simm.s32 @!p1 $0x0;
	[smem:$0x7F7] =	sst s20  }
0x34: {  	s22 =	sadd.s32 $0x62C00, s2;
	s26 =	sadd.s32 $0x13C00, s2;
	s19 =	simm.s32 $0x13980  }
0x35: {  	s20 =	simm.s32 $0x13B80;
	s8 =	simm.s32 $0x5;
	s0 =	simm.s32 @p1 $0x1  }
0x36: {  	p1 =	seq.s32 @!p2 s15, $0x0;
	[smem:$0x7E3] =	sst s0;
	s0 =	simm.s32 @!p0 $0x0  }
0x37: {  	s5 =	simm.s32 $0x8;
	s0 =	simm.s32 @p0 $0x1;
	p0 =	por !p1, p2  }
0x38: {  	s11 =	simm.s32 $0xA;
	[smem:$0x7E4] =	sst s0;
	s0 =	simm.s32 @!p0 $0x0  }
0x39: {  	s16 =	simm.s32 $0x0;
	s17 =	simm.s32 $0x13A80;
	s0 =	simm.s32 @p0 $0x1  }
0x3a: {  	s25 =	sadd.s32 s4, s10;
	[smem:$0x7E5] =	sst s0;
	s0 =	simm.s32 @!p2 $0x0  }
0x3b: {  	[smem:$0x7F9] =	sst s22;
	p1 =	por p1, p2;
	s0 =	simm.s32 @p2 $0x1  }
0x3c: {  	p0 =	seq.s32 @p3 s15, $0x6;
	[smem:$0x7E6] =	sst s0;
	s0 =	simm.s32 @!p1 $0x0  }
0x3d: {  	[smem:$0x7FD] =	sst s26;
	s0 =	simm.s32 @p1 $0x1;
	p1 =	por !p0, !p3  }
0x3e: {  	s4 =	sadd.s32 s4, s9;
	[smem:$0x7E7] =	sst s0;
	s0 =	simm.s32 @!p1 $0x0  }
0x3f: {  	[smem:$0x7DC] =	sst s25;
	p0 =	por p0, !p3;
	s0 =	simm.s32 @p1 $0x1  }
0x40: {  	p1 =	seq.s32 @!p3 s15, $0x4;
	[smem:$0x7E8] =	sst s0;
	s0 =	simm.s32 @!p0 $0x0  }
0x41: {  	[smem:$0x7DD] =	sst s4;
	s0 =	simm.s32 @p0 $0x1;
	p0 =	por !p1, p3  }
0x42: {  	s10 =	sadd.s32 s7, s10;
	[smem:$0x7E9] =	sst s0;
	s0 =	simm.s32 @!p0 $0x0  }
0x43: {  	s22 =	simm.s32 $0x13C00;
	[smem:$0x7E0] =	sst s10;
	s0 =	simm.s32 @p0 $0x1  }
0x44: {  	s26 =	simm.s32 $0x2;
	[smem:$0x7EA] =	sst s0;
	s0 =	simm.s32 @!p3 $0x0  }
0x45: {  	s4 =	sadd.s32 s7, s9;
	p0 =	por p1, p3;
	s0 =	simm.s32 @p3 $0x1  }
0x46: {  	s25 =	sadd.s32 $0x27800, s2;
	[smem:$0x7EB] =	sst s0;
	s0 =	simm.s32 @!p0 $0x0  }
0x47: {  	s10 =	simm.s32 $0x13A80;
	s0 =	simm.s32 @p0 $0x1;
	p0 =	sgt.s32 s15, $0x7  }
.Ltmp0:
0x48: {  	[smem:$0x7EC] =	sst s0;
	s0 =	simm.s32 @!p0 $0x0;
	(pc) =	sbr.rel .LBB2_1-.Ltmp0, $4  }
0x49: {  	[smem:$0x7E1] =	sst s4;
	s0 =	simm.s32 @p0 $0x1;
	p0 =	sgt.s32 s15, $0x3  }
0x4a: {  	s7 =	simm.s32 $0x6;
	[smem:$0x7ED] =	sst s0;
	s0 =	simm.s32 @!p0 $0x0  }
0x4b: {  	[smem:$0x7FC] =	sst s25;
	s25 =	simm.s32 $0x13C80;
	s0 =	simm.s32 @p0 $0x1  }
0x4c: {  	s4 =	simm.s32 $0x7;
	[smem:$0x7F0] =	sst s0;
	s0 =	simm.s32 $0x19C80  }
.LBB2_11:
0x4d: {  	_ =	swait.ge [sflag:s11], $0x2000  }
0x4e: {  	[sflag:s11] =	ssyncset.done $0x0  }
0x4f: {  	[sflag:s11] =	ssyncadd.s32 $0xFFFFE000  }
0x50: {  	_ =	swait.ge [sflag:s12], $0x2000  }
0x51: {  	[sflag:s12] =	ssyncset.done $0x0  }
0x52: {  	[sflag:s12] =	ssyncadd.s32 $0xFFFFE000  }
0x53: {  	_ =	swait.ge [sflag:s13], $0x2000  }
0x54: {  	s10 =	simm.s32 $0x1BC80;
	[sflag:s13] =	ssyncset.done $0x0  }
0x55: {  	s14 =	simm.s32 $0xD;
	s9 =	rddreg [dreg:$0xf];
	[sflag:s13] =	ssyncadd.s32 $0xFFFFE000  }
0x56: {  	[tilespmem:s10], [sflag:$0xD] =	stream.linear.gather [hbm4b:s9+s3], $0x10, $0x38;
	[tilespmem:$0x1C580] =	vst v63  }
0x57: {  	_ =	swait.ge [sflag:s14], $0x10  }
0x58: {  	[sflag:s14] =	ssyncset.done $0x0  }
0x59: {  	s15 =	simm.s32 $0x1BD00;
	s16 =	rddreg [dreg:$0x10];
	[sflag:s14] =	ssyncadd.s32 $0xFFFFFFF0  }
0x5a: {  	[tilespmem:s15], [sflag:$0xD] =	stream.linear.gather [hbm4b:s16+s3], $0x10, $0x38;
	[tilespmem:$0x1C580] =	vst v63  }
0x5b: {  	_ =	swait.ge [sflag:s14], $0x10  }
0x5c: {  	[sflag:s14] =	ssyncset.done $0x0  }
0x5d: {  	s9 =	simm.s32 $0x10;
	s16 =	simm.s32 $0x1BD80;
	[sflag:s14] =	ssyncadd.s32 $0xFFFFFFF0  }
0x5e: {  	[tilespmem:s16], [sflag:$0x5] =	stream.indirect.gather [hbm4b:s1+s9], $0x80, s10, s9, $0xb8;
	[tilespmem:$0x1C580] =	vst v63  }
0x5f: {  	_ =	swait.ge [sflag:s8], $0x800  }
0x60: {  	[sflag:s8] =	ssyncset.done $0x0  }
0x61: {  	[sflag:s8] =	ssyncadd.s32 $0xFFFFF800  }
0x62: {  	[spmem:s2] =	stream.indirect.scatter.add.f32 [tilespmem:s16], [sflag:$0xD], $0x80, s15, s9, $0xb8;
	[tilespmem:$0x1C580] =	vst v63  }
0x63: {  	_ =	swait.ge [sflag:s14], $0x800  }
0x64: {  	[sflag:s14] =	ssyncset.done $0x0  }
0x65: {  	s15 =	stileid.u32;
	[sflag:s14] =	ssyncadd.s32 $0xFFFFF800  }
0x66: {  	p1 =	sne.s32 s15, $0x0;
	[bflag:$0x0] =	sbarrier.arrive $0xFFFF  }
0x67: {  	s9 =	sshrl.u32 @!p1 s2, $0x3;
	s14 =	simm.s32 @!p1 $0x1C0D;
	s16 =	rddreg [dreg:$0x11]  }
0x68: {  	[hbm:s16], [sflag:s14] =	dma.local @!p1 [spmem:s9], $0x2780  }
0x69: {  	s9 =	simm.s32 @!p1 $0xD  }
0x6a: {  	_ =	swait.ge @!p1 [sflag:s9], $0x2780  }
0x6b: {  	s14 =	sshll.u32 @p2 s15, $0x6;
	[sflag:s9] =	ssyncset.done @!p1 $0x0  }
0x6c: {  	[sflag:s9] =	ssyncadd.s32 @!p1 $0xFFFFD880;
	s9 =	sor.u32 @p2 $0x1C0D, s14;
	s14 =	sld [smem:$0x7FD]  }
0x6d: {  	_ =	sdelay $0x1  }
0x6e: {  	s16 =	rddreg [dreg:$0x12];
	s14 =	sshrl.u32 @p2 s14, $0x3  }
0x6f: {  	[hbm:s16], [sflag:s9] =	dma.local @p2 [spmem:s14], $0x2780  }
0x70: {  	s9 =	simm.s32 @p2 $0xD  }
0x71: {  	_ =	swait.ge @p2 [sflag:s9], $0x2780  }
0x72: {  	s14 =	sshll.u32 @p4 s15, $0x6;
	[sflag:s9] =	ssyncset.done @p2 $0x0  }
0x73: {  	[sflag:s9] =	ssyncadd.s32 @p2 $0xFFFFD880;
	s9 =	sor.u32 @p4 $0x1C0D, s14;
	s14 =	sld [smem:$0x7FC]  }
0x74: {  	_ =	sdelay $0x1  }
0x75: {  	s16 =	rddreg [dreg:$0x13];
	s14 =	sshrl.u32 @p4 s14, $0x3  }
0x76: {  	[hbm:s16], [sflag:s9] =	dma.local @p4 [spmem:s14], $0x2780  }
0x77: {  	s9 =	simm.s32 @p4 $0xD  }
0x78: {  	_ =	swait.ge @p4 [sflag:s9], $0x2780  }
0x79: {  	s16 =	sld [smem:$0x7D4];
	_ =	sdelay $0x2  }
0x7a: {  	p3 =	seq.s32 s16, $0x1  }
0x7b: {  	[sflag:s9] =	ssyncset.done @p4 $0x0;
	s14 =	sshll.u32 @p3 s15, $0x6  }
0x7c: {  	[sflag:s9] =	ssyncadd.s32 @p4 $0xFFFFD880;
	s9 =	sor.u32 @p3 $0x1C0D, s14;
	s14 =	sld [smem:$0x7FB]  }
0x7d: {  	_ =	sdelay $0x1  }
0x7e: {  	s16 =	rddreg [dreg:$0x14];
	s14 =	sshrl.u32 @p3 s14, $0x3  }
0x7f: {  	[hbm:s16], [sflag:s9] =	dma.local @p3 [spmem:s14], $0x2780  }
0x80: {  	s9 =	simm.s32 @p3 $0xD  }
0x81: {  	_ =	swait.ge @p3 [sflag:s9], $0x2780  }
0x82: {  	s14 =	sld [smem:$0x7D5];
	_ =	sdelay $0x2  }
0x83: {  	p4 =	seq.s32 s14, $0x1  }
0x84: {  	[sflag:s9] =	ssyncset.done @p3 $0x0;
	s14 =	sshll.u32 @p4 s15, $0x6  }
0x85: {  	[sflag:s9] =	ssyncadd.s32 @p3 $0xFFFFD880;
	s9 =	sor.u32 @p4 $0x1C0D, s14;
	s14 =	sld [smem:$0x7FA]  }
0x86: {  	_ =	sdelay $0x1  }
0x87: {  	s16 =	rddreg [dreg:$0x15];
	s14 =	sshrl.u32 @p4 s14, $0x3  }
0x88: {  	[hbm:s16], [sflag:s9] =	dma.local @p4 [spmem:s14], $0x2780  }
0x89: {  	s9 =	simm.s32 @p4 $0xD  }
0x8a: {  	_ =	swait.ge @p4 [sflag:s9], $0x2780  }
0x8b: {  	s16 =	sld [smem:$0x7D3];
	_ =	sdelay $0x2  }
0x8c: {  	p2 =	seq.s32 s16, $0x1  }
0x8d: {  	[sflag:s9] =	ssyncset.done @p4 $0x0;
	s14 =	sshll.u32 @p2 s15, $0x6  }
0x8e: {  	[sflag:s9] =	ssyncadd.s32 @p4 $0xFFFFD880;
	s9 =	sor.u32 @p2 $0x1C0D, s14;
	s14 =	sld [smem:$0x7F9]  }
0x8f: {  	_ =	sdelay $0x1  }
0x90: {  	s16 =	rddreg [dreg:$0x16];
	s14 =	sshrl.u32 @p2 s14, $0x3  }
0x91: {  	[hbm:s16], [sflag:s9] =	dma.local @p2 [spmem:s14], $0x2780  }
0x92: {  	s9 =	simm.s32 @p2 $0xD  }
0x93: {  	_ =	swait.ge @p2 [sflag:s9], $0x2780  }
0x94: {  	s14 =	sld [smem:$0x7D6];
	_ =	sdelay $0x2  }
0x95: {  	p3 =	seq.s32 s14, $0x1  }
0x96: {  	[sflag:s9] =	ssyncset.done @p2 $0x0;
	s14 =	sshll.u32 @p3 s15, $0x6  }
0x97: {  	[sflag:s9] =	ssyncadd.s32 @p2 $0xFFFFD880;
	s9 =	sor.u32 @p3 $0x1C0D, s14;
	s14 =	sld [smem:$0x7F8]  }
0x98: {  	_ =	sdelay $0x1  }
0x99: {  	s16 =	rddreg [dreg:$0x17];
	s14 =	sshrl.u32 @p3 s14, $0x3  }
0x9a: {  	[hbm:s16], [sflag:s9] =	dma.local @p3 [spmem:s14], $0x2780  }
0x9b: {  	s9 =	simm.s32 @p3 $0xD  }
0x9c: {  	_ =	swait.ge @p3 [sflag:s9], $0x2780  }
0x9d: {  	s16 =	sld [smem:$0x7D2];
	_ =	sdelay $0x2  }
0x9e: {  	p0 =	seq.s32 s16, $0x1  }
0x9f: {  	[sflag:s9] =	ssyncset.done @p3 $0x0;
	s14 =	sshll.u32 @p0 s15, $0x6  }
0xa0: {  	[sflag:s9] =	ssyncadd.s32 @p3 $0xFFFFD880;
	s9 =	sor.u32 @p0 $0x1C0D, s14;
	s14 =	sld [smem:$0x7F7]  }
0xa1: {  	_ =	sdelay $0x1  }
0xa2: {  	s16 =	rddreg [dreg:$0x18];
	s14 =	sshrl.u32 @p0 s14, $0x3  }
0xa3: {  	[hbm:s16], [sflag:s9] =	dma.local @p0 [spmem:s14], $0x2780  }
0xa4: {  	s9 =	simm.s32 @p0 $0xD  }
0xa5: {  	_ =	swait.ge @p0 [sflag:s9], $0x2780  }
0xa6: {  	s14 =	sld [smem:$0x7D7];
	_ =	sdelay $0x2  }
0xa7: {  	p2 =	seq.s32 s14, $0x1  }
0xa8: {  	[sflag:s9] =	ssyncset.done @p0 $0x0;
	s14 =	sshll.u32 @p2 s15, $0x6  }
0xa9: {  	[sflag:s9] =	ssyncadd.s32 @p0 $0xFFFFD880;
	s9 =	sor.u32 @p2 $0x1C0D, s14;
	s14 =	sld [smem:$0x7F6]  }
0xaa: {  	_ =	sdelay $0x1  }
0xab: {  	s16 =	rddreg [dreg:$0x19];
	s14 =	sshrl.u32 @p2 s14, $0x3  }
0xac: {  	[hbm:s16], [sflag:s9] =	dma.local @p2 [spmem:s14], $0x2780  }
0xad: {  	s9 =	simm.s32 @p2 $0xD  }
0xae: {  	_ =	swait.ge @p2 [sflag:s9], $0x2780  }
0xaf: {  	s16 =	sld [smem:$0x7D1];
	_ =	sdelay $0x2  }
0xb0: {  	p0 =	seq.s32 s16, $0x1  }
0xb1: {  	[sflag:s9] =	ssyncset.done @p2 $0x0;
	s14 =	sshll.u32 @p0 s15, $0x6  }
0xb2: {  	[sflag:s9] =	ssyncadd.s32 @p2 $0xFFFFD880;
	s9 =	sor.u32 @p0 $0x1C0D, s14;
	s14 =	sld [smem:$0x7F5]  }
0xb3: {  	_ =	sdelay $0x1  }
0xb4: {  	s16 =	rddreg [dreg:$0x1a];
	s14 =	sshrl.u32 @p0 s14, $0x3  }
0xb5: {  	[hbm:s16], [sflag:s9] =	dma.local @p0 [spmem:s14], $0x2780  }
0xb6: {  	s9 =	simm.s32 @p0 $0xD  }
0xb7: {  	_ =	swait.ge @p0 [sflag:s9], $0x2780  }
0xb8: {  	s14 =	sld [smem:$0x7D8];
	_ =	sdelay $0x2  }
0xb9: {  	p3 =	seq.s32 s14, $0x1  }
0xba: {  	[sflag:s9] =	ssyncset.done @p0 $0x0;
	s14 =	sshll.u32 @p3 s15, $0x6  }
0xbb: {  	[sflag:s9] =	ssyncadd.s32 @p0 $0xFFFFD880;
	s9 =	sor.u32 @p3 $0x1C0D, s14;
	s14 =	sld [smem:$0x7F4]  }
0xbc: {  	_ =	sdelay $0x1  }
0xbd: {  	s16 =	rddreg [dreg:$0x1b];
	s14 =	sshrl.u32 @p3 s14, $0x3  }
0xbe: {  	[hbm:s16], [sflag:s9] =	dma.local @p3 [spmem:s14], $0x2780  }
0xbf: {  	s9 =	simm.s32 @p3 $0xD  }
0xc0: {  	_ =	swait.ge @p3 [sflag:s9], $0x2780  }
0xc1: {  	s16 =	sld [smem:$0x7D0];
	_ =	sdelay $0x2  }
0xc2: {  	p2 =	seq.s32 s16, $0x1  }
0xc3: {  	[sflag:s9] =	ssyncset.done @p3 $0x0;
	s14 =	sshll.u32 @p2 s15, $0x6  }
0xc4: {  	[sflag:s9] =	ssyncadd.s32 @p3 $0xFFFFD880;
	s9 =	sor.u32 @p2 $0x1C0D, s14;
	s14 =	sld [smem:$0x7F3]  }
0xc5: {  	_ =	sdelay $0x1  }
0xc6: {  	s16 =	rddreg [dreg:$0x1c];
	s14 =	sshrl.u32 @p2 s14, $0x3  }
0xc7: {  	[hbm:s16], [sflag:s9] =	dma.local @p2 [spmem:s14], $0x2780  }
0xc8: {  	s9 =	simm.s32 @p2 $0xD  }
0xc9: {  	_ =	swait.ge @p2 [sflag:s9], $0x2780  }
0xca: {  	s14 =	sshll.u32 @p6 s15, $0x6;
	[sflag:s9] =	ssyncset.done @p2 $0x0  }
0xcb: {  	[sflag:s9] =	ssyncadd.s32 @p2 $0xFFFFD880;
	s9 =	sor.u32 @p6 $0x1C0D, s14;
	s14 =	sld [smem:$0x7F2]  }
0xcc: {  	_ =	sdelay $0x1  }
0xcd: {  	s16 =	rddreg [dreg:$0x1d];
	s14 =	sshrl.u32 @p6 s14, $0x3  }
0xce: {  	[hbm:s16], [sflag:s9] =	dma.local @p6 [spmem:s14], $0x2780  }
0xcf: {  	s9 =	simm.s32 @p6 $0xD  }
0xd0: {  	_ =	swait.ge @p6 [sflag:s9], $0x2780  }
0xd1: {  	s14 =	sld [smem:$0x7CF];
	_ =	sdelay $0x2  }
0xd2: {  	p2 =	seq.s32 s14, $0x1  }
0xd3: {  	[sflag:s9] =	ssyncset.done @p6 $0x0;
	s14 =	sshll.u32 @p2 s15, $0x6  }
0xd4: {  	[sflag:s9] =	ssyncadd.s32 @p6 $0xFFFFD880;
	s9 =	sor.u32 @p2 $0x1C0D, s14;
	s14 =	sld [smem:$0x7F1]  }
0xd5: {  	_ =	sdelay $0x1  }
0xd6: {  	s16 =	rddreg [dreg:$0x1e];
	s14 =	sshrl.u32 @p2 s14, $0x3  }
0xd7: {  	[hbm:s16], [sflag:s9] =	dma.local @p2 [spmem:s14], $0x2780  }
0xd8: {  	s9 =	simm.s32 @p2 $0xD  }
0xd9: {  	_ =	swait.ge @p2 [sflag:s9], $0x2780  }
0xda: {  	s14 =	sshll.u32 @p5 s15, $0x6;
	[sflag:s9] =	ssyncset.done @p2 $0x0  }
0xdb: {  	[sflag:s9] =	ssyncadd.s32 @p2 $0xFFFFD880;
	s9 =	sor.u32 @p5 $0x1C0D, s14;
	s14 =	sld [smem:$0x7EF]  }
0xdc: {  	_ =	sdelay $0x1  }
0xdd: {  	s16 =	rddreg [dreg:$0x1f];
	s14 =	sshrl.u32 @p5 s14, $0x3  }
0xde: {  	[hbm:s16], [sflag:s9] =	dma.local @p5 [spmem:s14], $0x2780  }
0xdf: {  	s9 =	simm.s32 @p5 $0xD  }
0xe0: {  	_ =	swait.ge @p5 [sflag:s9], $0x2780  }
0xe1: {  	s16 =	sld [smem:$0x7CE];
	_ =	sdelay $0x2  }
0xe2: {  	p2 =	seq.s32 s16, $0x1  }
0xe3: {  	[sflag:s9] =	ssyncset.done @p5 $0x0;
	s14 =	sshll.u32 @p2 s15, $0x6  }
0xe4: {  	[sflag:s9] =	ssyncadd.s32 @p5 $0xFFFFD880;
	s9 =	sor.u32 @p2 $0x1C0D, s14;
	s14 =	sld [smem:$0x7EE]  }
0xe5: {  	s16 =	sld [smem:$0x7DA];
	_ =	sdelay $0x1  }
0xe6: {  	s14 =	sshrl.u32 @p2 s14, $0x3  }
0xe7: {  	[hbm:s16], [sflag:s9] =	dma.local @p2 [spmem:s14], $0x2080  }
0xe8: {  	s9 =	simm.s32 @p2 $0xD  }
0xe9: {  	_ =	swait.ge @p2 [sflag:s9], $0x2080  }
0xea: {  	s14 =	sld [smem:$0x7D9]  }
0xeb: {  	s10 =	sld [smem:$0x7DB];
	_ =	sdelay $0x1  }
0xec: {  	s16 =	sadd.s32 $0x1, s14  }
0xed: {  	p0 =	sne.s32 s16, s10  }
.Ltmp1:
0xee: {  	_ = 	snop;
	(pc) =	sbr.rel @!p0 .LBB2_12-.Ltmp1, $3  }
0xef: {  	_ =	sdelay $0x1  }
0xf0: {  	[sflag:s9] =	ssyncset.done @p2 $0x0  }
0xf1: {  	[sflag:s9] =	ssyncadd.s32 @p2 $0xFFFFDF80;
	s10 =	simm.s32 $0x13A80  }
.LBB2_1:
0xf2: {  	s9 =	sld [smem:$0x7ED];
	_ =	sdelay $0x2  }
0xf3: {  	p0 =	seq.s32 s9, $0x1  }
.Ltmp2:
0xf4: {  	_ = 	snop;
	(pc) =	sbr.rel @p0 .LBB2_5-.Ltmp2, $2  }
0xf5: {  	_ =	sdelay $0x2  }
0xf6: {  	[smem:$0x7D9] =	sst s16  }
0xf7: {  	s9 =	sld [smem:$0x7F0];
	_ =	sdelay $0x2  }
0xf8: {  	p0 =	seq.s32 s9, $0x1  }
.Ltmp3:
0xf9: {  	_ = 	snop;
	(pc) =	sbr.rel @p0 .LBB2_4-.Ltmp3, $1  }
0xfa: {  	_ =	sdelay $0x3  }
0xfb: {  	s9 =	sld [smem:$0x7E3];
	_ =	sdelay $0x2  }
0xfc: {  	p6 =	seq.s32 s9, $0x1;
	s9 =	sld [smem:$0x7FC];
	_ =	sdelay $0x2  }
0xfd: {  	s15 =	simm.s32 @!p6 $0x1C8D;
	s14 =	sshrl.u32 @!p6 s9, $0x3;
	s9 =	rddreg [dreg:$0x6]  }
0xfe: {  	[spmem:s14], [sflag:s15] =	dma.local @!p6 [hbm:s9], $0x2780  }
0xff: {  	s14 =	simm.s32 @!p6 $0xD  }
0x100: {  	_ =	swait.ge @!p6 [sflag:s14], $0x2780  }
0x101: {  	[sflag:s14] =	ssyncset.done @!p6 $0x0;
	s15 =	sld [smem:$0x7E4]  }
0x102: {  	[sflag:s14] =	ssyncadd.s32 @!p6 $0xFFFFD880;
	s14 =	sld [smem:$0x7FB];
	_ =	sdelay $0x1  }
0x103: {  	p2 =	seq.s32 s15, $0x1  }
0x104: {  	s14 =	sshrl.u32 @!p2 s14, $0x3;
	s15 =	simm.s32 @!p2 $0x1CCD  }
0x105: {  	[spmem:s14], [sflag:s15] =	dma.local @!p2 [hbm:s9], $0x2780  }
0x106: {  	s14 =	simm.s32 @!p2 $0xD  }
0x107: {  	_ =	swait.ge @!p2 [sflag:s14], $0x2780  }
0x108: {  	s16 =	sld [smem:$0x7E5];
	_ =	sdelay $0x2  }
0x109: {  	[sflag:s14] =	ssyncset.done @!p2 $0x0;
	p0 =	seq.s32 s16, $0x1  }
0x10a: {  	[sflag:s14] =	ssyncadd.s32 @!p2 $0xFFFFD880;
	s14 =	sshrl.u32 @!p0 s2, $0x3;
	s15 =	simm.s32 @!p0 $0x1C0D  }
0x10b: {  	[spmem:s14], [sflag:s15] =	dma.local @!p0 [hbm:s9], $0x2780  }
0x10c: {  	s14 =	simm.s32 @!p0 $0xD  }
0x10d: {  	_ =	swait.ge @!p0 [sflag:s14], $0x2780  }
0x10e: {  	[sflag:s14] =	ssyncset.done @!p0 $0x0;
	s15 =	sld [smem:$0x7E7]  }
0x10f: {  	p1 =	por @!p6 $0x0, $0x0;
	[sflag:s14] =	ssyncadd.s32 @!p0 $0xFFFFD880;
	s14 =	sld [smem:$0x7FD]  }
0x110: {  	p3 =	por @!p2 $0x1, $0x1;
	p5 =	por @!p2 $0x0, $0x0;
	p4 =	por @!p2 $0x0, $0x0  }
0x111: {  	p5 =	por @!p6 p1, p1;
	p3 =	por @!p6 p1, p1;
	p2 =	seq.s32 s15, $0x1  }
0x112: {  	p1 =	por @!p6 $0x1, $0x1;
	s14 =	sshrl.u32 @!p2 s14, $0x3;
	s15 =	simm.s32 @!p2 $0x1C4D  }
0x113: {  	[spmem:s14], [sflag:s15] =	dma.local @!p2 [hbm:s9], $0x2780  }
0x114: {  	p4 =	por @!p6 p1, p1;
	s9 =	simm.s32 @!p3 $0x0  }
0x115: {  	s9 =	simm.s32 @p3 $0x1;
	p3 =	por @!p2 $0x1, $0x1;
	s16 =	sld [smem:$0x7E6]  }
0x116: {  	p1 =	por @!p2 $0x0, $0x0;
	p2 =	por @!p0 $0x0, $0x0;
	p6 =	por p3, p3  }
0x117: {  	p3 =	por @!p0 $0x0, $0x0;
	p6 =	por @!p0 p2, p2  }
0x118: {  	p1 =	por @!p0 p3, p3;
	p0 =	por p5, p5;
	p3 =	seq.s32 s16, $0x1  }
0x119: {  	[smem:$0x7D4] =	sst s9;
	p2 =	por p5, p5;
	p0 =	por @!p3 p1, p1  }
0x11a: {  	p2 =	por @!p3 p6, p6;
	p6 =	por p5, p5;
	s9 =	simm.s32 @!p0 $0x0  }
0x11b: {  	p6 =	por @!p3 p1, p1;
	s9 =	simm.s32 @p0 $0x1  }
0x11c: {  	[smem:$0x7CE] =	sst s9;
	s9 =	simm.s32 @!p6 $0x0  }
0x11d: {  	s9 =	simm.s32 @p6 $0x1;
	p6 =	por p5, p5  }
0x11e: {  	p6 =	por @!p3 p1, p1  }
0x11f: {  	p0 =	por p5, p5;
	[smem:$0x7CF] =	sst s9;
	s9 =	simm.s32 @!p6 $0x0  }
0x120: {  	p0 =	por @!p3 p1, p1;
	s9 =	simm.s32 @p6 $0x1  }
0x121: {  	[smem:$0x7D0] =	sst s9;
	s9 =	simm.s32 @!p0 $0x0  }
0x122: {  	s9 =	simm.s32 @p0 $0x1;
	p0 =	por p5, p5  }
0x123: {  	s14 =	sld [smem:$0x7E7];
	p0 =	por @!p3 p1, p1  }
0x124: {  	p6 =	por p5, p5;
	[smem:$0x7D1] =	sst s9;
	s9 =	simm.s32 @!p0 $0x0  }
0x125: {  	s15 =	sld [smem:$0x7D4];
	p6 =	por @!p3 p1, p1;
	s9 =	simm.s32 @p0 $0x1  }
0x126: {  	[smem:$0x7D2] =	sst s9;
	s9 =	simm.s32 @!p6 $0x0  }
0x127: {  	s9 =	simm.s32 @p6 $0x1;
	p6 =	seq.s32 s14, $0x1  }
0x128: {  	s14 =	simm.s32 @!p6 $0xD;
	p6 =	seq.s32 s15, $0x1  }
0x129: {  	p6 =	por @!p3 p1, p1  }
0x12a: {  	[smem:$0x7D3] =	sst s9;
	s9 =	simm.s32 @!p6 $0x0  }
0x12b: {  	s16 =	sld [smem:$0x7E7];
	s9 =	simm.s32 @p6 $0x1  }
0x12c: {  	[smem:$0x7D4] =	sst s9;
	s9 =	simm.s32 @!p5 $0x0  }
0x12d: {  	s9 =	simm.s32 @p5 $0x1  }
0x12e: {  	p6 =	seq.s32 s16, $0x1;
	[smem:$0x7D6] =	sst s9  }
0x12f: {  	_ =	swait.ge @!p6 [sflag:s14], $0x2780  }
0x130: {  	p0 =	por p5, p5;
	s15 =	sld [smem:$0x7D6]  }
0x131: {  	p0 =	por @!p3 p1, p1  }
0x132: {  	s9 =	simm.s32 @!p0 $0x0  }
0x133: {  	s9 =	simm.s32 @p0 $0x1;
	p0 =	seq.s32 s15, $0x1  }
0x134: {  	p0 =	por @!p3 p1, p1  }
0x135: {  	[smem:$0x7D5] =	sst s9;
	s9 =	simm.s32 @!p0 $0x0  }
0x136: {  	s9 =	simm.s32 @p0 $0x1  }
0x137: {  	[smem:$0x7D6] =	sst s9;
	s9 =	simm.s32 @!p5 $0x0  }
0x138: {  	s16 =	sld [smem:$0x7E7];
	s9 =	simm.s32 @p5 $0x1  }
0x139: {  	[smem:$0x7D8] =	sst s9  }
0x13a: {  	p0 =	por p5, p5;
	s15 =	sld [smem:$0x7D8]  }
0x13b: {  	p4 =	por @!p3 p1, p1;
	p0 =	por @!p3 p1, p1  }
0x13c: {  	p6 =	seq.s32 s16, $0x1;
	s16 =	sld [smem:$0x7E7];
	s9 =	simm.s32 @!p0 $0x0  }
.Ltmp4:
0x13d: {  	s9 =	simm.s32 @p0 $0x1;
	p0 =	seq.s32 s15, $0x1;
	(pc) =	sbr.rel .LBB2_8-.Ltmp4, $4  }
0x13e: {  	[sflag:s14] =	ssyncset.done @!p6 $0x0;
	p6 =	por p5, p5;
	p0 =	por @!p3 p1, p1  }
0x13f: {  	p6 =	por @!p3 p1, p1;
	[smem:$0x7D7] =	sst s9;
	s9 =	simm.s32 @!p0 $0x0  }
0x140: {  	p5 =	por @!p3 p1, p1;
	p1 =	seq.s32 s16, $0x1;
	s9 =	simm.s32 @p0 $0x1  }
0x141: {  	[sflag:s14] =	ssyncadd.s32 @!p1 $0xFFFFD880;
	[smem:$0x7D8] =	sst s9  }
.LBB2_5:
0x142: {  	p0 =	sgt.s32 s15, $0xB  }
.Ltmp5:
0x143: {  	_ = 	snop;
	(pc) =	sbr.rel @p0 .LBB2_7-.Ltmp5, $1  }
0x144: {  	_ =	sdelay $0x3  }
0x145: {  	p1 =	sgt.s32 s15, $0x9;
	s9 =	sld [smem:$0x7F4]  }
0x146: {  	p2 =	seq.s32 @p1 s15, $0xA  }
0x147: {  	p0 =	por !p2, !p1  }
0x148: {  	s16 =	rddreg [dreg:$0x6];
	s14 =	sshrl.u32 @!p0 s9, $0x3;
	s15 =	simm.s32 @!p0 $0x1E8D  }
0x149: {  	[spmem:s14], [sflag:s15] =	dma.local @!p0 [hbm:s16], $0x2780  }
0x14a: {  	s14 =	simm.s32 @!p0 $0xD  }
0x14b: {  	_ =	swait.ge @!p0 [sflag:s14], $0x2780  }
0x14c: {  	[sflag:s14] =	ssyncset.done @!p0 $0x0  }
0x14d: {  	[sflag:s14] =	ssyncadd.s32 @!p0 $0xFFFFD880;
	s14 =	sld [smem:$0x7F3];
	_ =	sdelay $0x1  }
0x14e: {  	p2 =	por p2, !p1;
	s9 =	stileid.u32  }
0x14f: {  	s15 =	simm.s32 @!p2 $0x1ECD;
	p4 =	seq.s32 @!p1 s9, $0x8;
	s14 =	sshrl.u32 @!p2 s14, $0x3  }
0x150: {  	[spmem:s14], [sflag:s15] =	dma.local @!p2 [hbm:s16], $0x2780  }
0x151: {  	s9 =	simm.s32 @!p4 $0x0;
	s14 =	simm.s32 @!p2 $0xD  }
0x152: {  	s9 =	simm.s32 @p4 $0x1;
	_ =	swait.ge @!p2 [sflag:s14], $0x2780  }
0x153: {  	[smem:$0x7CB] =	sst s9  }
0x154: {  	s9 =	sld [smem:$0x7F6]  }
0x155: {  	p3 =	por @!p2 $0x0, $0x0;
	p6 =	por @!p2 $0x1, $0x1;
	[sflag:s14] =	ssyncset.done @!p2 $0x0  }
0x156: {  	p5 =	por p3, p3;
	[sflag:s14] =	ssyncadd.s32 @!p2 $0xFFFFD880;
	p2 =	por !p4, p1  }
0x157: {  	p4 =	por @!p0 $0x0, $0x0;
	s15 =	simm.s32 @!p2 $0x1E0D;
	s14 =	sshrl.u32 @!p2 s9, $0x3  }
0x158: {  	[spmem:s14], [sflag:s15] =	dma.local @!p2 [hbm:s16], $0x2780  }
0x159: {  	p5 =	por @!p0 p4, p4;
	p4 =	por @!p0 $0x0, $0x0;
	s10 =	sld [smem:$0x7CB]  }
0x15a: {  	p6 =	por @!p0 p4, p4  }
0x15b: {  	s9 =	simm.s32 @!p6 $0x0  }
0x15c: {  	s9 =	simm.s32 @p6 $0x1;
	p6 =	seq.s32 s10, $0x1  }
0x15d: {  	s14 =	simm.s32 @!p2 $0xD;
	p4 =	por p6, p1  }
0x15e: {  	[smem:$0x7D0] =	sst s9;
	p6 =	por @!p0 $0x1, $0x1;
	s9 =	simm.s32 @!p4 $0x0  }
0x15f: {  	_ =	swait.ge @!p2 [sflag:s14], $0x2780;
	p3 =	por @!p0 p6, p6;
	s9 =	simm.s32 @p4 $0x1  }
0x160: {  	p6 =	por @!p4 $0x0, $0x0;
	[smem:$0x7CC] =	sst s9;
	s9 =	simm.s32 @!p3 $0x0  }
0x161: {  	p0 =	por @!p2 $0x0, $0x0;
	s9 =	simm.s32 @p3 $0x1;
	p3 =	por p6, p6  }
0x162: {  	p3 =	por @!p2 p0, p0;
	p0 =	por @!p4 $0x1, $0x1;
	p4 =	por @!p2 $0x0, $0x0  }
0x163: {  	[sflag:s14] =	ssyncset.done @!p2 $0x0;
	p0 =	por @!p2 p4, p4;
	p4 =	por @!p2 $0x1, $0x1  }
0x164: {  	[sflag:s14] =	ssyncadd.s32 @!p2 $0xFFFFD880;
	p6 =	por @!p2 p4, p4;
	p2 =	por p5, p5  }
0x165: {  	p2 =	por @!p1 p0, p0  }
0x166: {  	[smem:$0x7D8] =	sst s9;
	s9 =	simm.s32 @!p2 $0x0  }
0x167: {  	s10 =	sld [smem:$0x7CC];
	s9 =	simm.s32 @p2 $0x1  }
0x168: {  	[smem:$0x7D1] =	sst s9  }
0x169: {  	s9 =	sld [smem:$0x7F5];
	_ =	sdelay $0x1  }
0x16a: {  	p0 =	seq.s32 s10, $0x1;
	p2 =	por p5, p5  }
0x16b: {  	s15 =	simm.s32 @!p0 $0x1E4D;
	p2 =	por @!p1 p6, p6;
	s14 =	sshrl.u32 @!p0 s9, $0x3  }
0x16c: {  	[spmem:s14], [sflag:s15] =	dma.local @!p0 [hbm:s16], $0x2780  }
0x16d: {  	s9 =	simm.s32 @!p2 $0x0;
	p0 =	por p5, p5  }
0x16e: {  	s9 =	simm.s32 @p2 $0x1;
	p0 =	por @!p1 p3, p3;
	s14 =	sld [smem:$0x7D0]  }
0x16f: {  	p2 =	por p5, p5;
	[smem:$0x7D7] =	sst s9;
	s9 =	simm.s32 @!p0 $0x0  }
0x170: {  	p2 =	por @!p1 p3, p3;
	s9 =	simm.s32 @p0 $0x1  }
0x171: {  	[smem:$0x7CE] =	sst s9;
	s9 =	simm.s32 @!p2 $0x0;
	p0 =	seq.s32 s14, $0x1  }
0x172: {  	s9 =	simm.s32 @p2 $0x1;
	p0 =	por @!p1 p3, p3  }
0x173: {  	[smem:$0x7CF] =	sst s9;
	s9 =	simm.s32 @!p0 $0x0  }
0x174: {  	s9 =	simm.s32 @p0 $0x1;
	p0 =	por p5, p5  }
0x175: {  	s15 =	sld [smem:$0x7CC];
	p0 =	por @!p1 p3, p3  }
0x176: {  	p2 =	por p5, p5;
	[smem:$0x7D0] =	sst s9;
	s9 =	simm.s32 @!p0 $0x0  }
0x177: {  	s16 =	sld [smem:$0x7CC];
	p2 =	por @!p1 p3, p3;
	s9 =	simm.s32 @p0 $0x1  }
0x178: {  	p4 =	por p5, p5;
	[smem:$0x7D2] =	sst s9;
	s9 =	simm.s32 @!p2 $0x0  }
0x179: {  	p4 =	por @!p1 p3, p3;
	s9 =	simm.s32 @p2 $0x1  }
0x17a: {  	p6 =	seq.s32 s15, $0x1;
	[smem:$0x7D3] =	sst s9;
	s9 =	simm.s32 @!p4 $0x0  }
0x17b: {  	s14 =	simm.s32 @!p6 $0xD;
	p6 =	seq.s32 s16, $0x1;
	s9 =	simm.s32 @p4 $0x1  }
0x17c: {  	p0 =	por p5, p5;
	p2 =	por p5, p5;
	[smem:$0x7D4] =	sst s9  }
0x17d: {  	p0 =	por @!p1 p3, p3;
	p2 =	por @!p1 p3, p3;
	_ =	swait.ge @!p6 [sflag:s14], $0x2780  }
0x17e: {  	s9 =	simm.s32 @!p0 $0x0;
	p6 =	por p5, p5;
	s10 =	sld [smem:$0x7CC]  }
0x17f: {  	s9 =	simm.s32 @p0 $0x1;
	p6 =	por @!p1 p3, p3;
	s15 =	sld [smem:$0x7D8]  }
0x180: {  	p4 =	por p5, p5;
	[smem:$0x7D5] =	sst s9;
	s9 =	simm.s32 @!p6 $0x0  }
0x181: {  	p4 =	por @!p1 p3, p3;
	s16 =	sld [smem:$0x7CC];
	s9 =	simm.s32 @p6 $0x1  }
.Ltmp6:
0x182: {  	p0 =	seq.s32 s10, $0x1;
	p6 =	seq.s32 s15, $0x1;
	(pc) =	sbr.rel .LBB2_8-.Ltmp6, $4  }
0x183: {  	[smem:$0x7D6] =	sst s9;
	s10 =	simm.s32 $0x13A80;
	p6 =	por @!p1 p3, p3  }
0x184: {  	[sflag:s14] =	ssyncset.done @!p0 $0x0;
	p0 =	seq.s32 s16, $0x1;
	s9 =	simm.s32 @!p6 $0x0  }
0x185: {  	[sflag:s14] =	ssyncadd.s32 @!p0 $0xFFFFD880;
	s9 =	simm.s32 @p6 $0x1;
	p6 =	por p5, p5  }
0x186: {  	p5 =	por @!p1 p3, p3;
	[smem:$0x7D8] =	sst s9;
	p6 =	por @!p1 p3, p3  }
.LBB2_4:
0x187: {  	s9 =	sld [smem:$0x7E8];
	_ =	sdelay $0x2  }
0x188: {  	p2 =	seq.s32 s9, $0x1;
	s9 =	sld [smem:$0x7F8];
	_ =	sdelay $0x2  }
0x189: {  	s15 =	simm.s32 @!p2 $0x1D8D;
	s14 =	sshrl.u32 @!p2 s9, $0x3;
	s9 =	rddreg [dreg:$0x6]  }
0x18a: {  	[spmem:s14], [sflag:s15] =	dma.local @!p2 [hbm:s9], $0x2780  }
0x18b: {  	s14 =	simm.s32 @!p2 $0xD  }
0x18c: {  	_ =	swait.ge @!p2 [sflag:s14], $0x2780  }
0x18d: {  	[sflag:s14] =	ssyncset.done @!p2 $0x0;
	s15 =	sld [smem:$0x7E9]  }
0x18e: {  	[sflag:s14] =	ssyncadd.s32 @!p2 $0xFFFFD880;
	s14 =	sld [smem:$0x7F7];
	_ =	sdelay $0x1  }
0x18f: {  	p3 =	seq.s32 s15, $0x1  }
0x190: {  	s14 =	sshrl.u32 @!p3 s14, $0x3;
	s15 =	simm.s32 @!p3 $0x1DCD  }
0x191: {  	[spmem:s14], [sflag:s15] =	dma.local @!p3 [hbm:s9], $0x2780  }
0x192: {  	s14 =	simm.s32 @!p3 $0xD  }
0x193: {  	_ =	swait.ge @!p3 [sflag:s14], $0x2780  }
0x194: {  	[sflag:s14] =	ssyncset.done @!p3 $0x0;
	s16 =	sld [smem:$0x7EA]  }
0x195: {  	[sflag:s14] =	ssyncadd.s32 @!p3 $0xFFFFD880;
	s14 =	sld [smem:$0x7FA]  }
0x196: {  	p0 =	por @!p2 $0x1, $0x1;
	p1 =	por @!p2 $0x0, $0x0  }
0x197: {  	p4 =	por @!p3 $0x1, $0x1;
	p5 =	por @!p3 $0x0, $0x0;
	p6 =	seq.s32 s16, $0x1  }
0x198: {  	p4 =	por @!p2 p1, p1;
	s14 =	sshrl.u32 @!p6 s14, $0x3;
	s15 =	simm.s32 @!p6 $0x1D0D  }
0x199: {  	[spmem:s14], [sflag:s15] =	dma.local @!p6 [hbm:s9], $0x2780  }
0x19a: {  	p3 =	por @!p3 $0x0, $0x0;
	s14 =	simm.s32 @!p6 $0xD;
	s15 =	simm.s32 @!p4 $0x0  }
0x19b: {  	p3 =	por @!p2 p0, p0;
	_ =	swait.ge @!p6 [sflag:s14], $0x2780;
	s15 =	simm.s32 @p4 $0x1  }
0x19c: {  	[smem:$0x7D2] =	sst s15;
	s15 =	simm.s32 @!p3 $0x0  }
0x19d: {  	s15 =	simm.s32 @p3 $0x1  }
0x19e: {  	[smem:$0x7D6] =	sst s15  }
0x19f: {  	[sflag:s14] =	ssyncset.done @!p6 $0x0;
	s15 =	sld [smem:$0x7EC]  }
0x1a0: {  	[sflag:s14] =	ssyncadd.s32 @!p6 $0xFFFFD880;
	s14 =	sld [smem:$0x7F9];
	_ =	sdelay $0x1  }
0x1a1: {  	p5 =	por @!p2 p1, p1;
	p2 =	por @!p6 $0x0, $0x0;
	p0 =	seq.s32 s15, $0x1  }
0x1a2: {  	s14 =	sshrl.u32 @!p0 s14, $0x3;
	s15 =	simm.s32 @!p0 $0x1D4D;
	p4 =	por @!p0 $0x1, $0x1  }
0x1a3: {  	[spmem:s14], [sflag:s15] =	dma.local @!p0 [hbm:s9], $0x2780  }
0x1a4: {  	p4 =	por @!p6 p2, p2  }
0x1a5: {  	s9 =	simm.s32 @!p4 $0x0  }
0x1a6: {  	s16 =	sld [smem:$0x7EB];
	s9 =	simm.s32 @p4 $0x1  }
0x1a7: {  	[smem:$0x7CD] =	sst s9  }
0x1a8: {  	s14 =	sld [smem:$0x7CD]  }
0x1a9: {  	p3 =	por @!p6 $0x1, $0x1;
	p1 =	por @!p0 $0x0, $0x0  }
0x1aa: {  	p1 =	por @!p6 p2, p2;
	p2 =	por p5, p5;
	p4 =	por @!p0 $0x0, $0x0  }
0x1ab: {  	p4 =	por @!p6 p3, p3;
	p3 =	seq.s32 s16, $0x1;
	p6 =	seq.s32 s14, $0x1  }
0x1ac: {  	p2 =	por @!p3 p6, p6  }
0x1ad: {  	s9 =	simm.s32 @!p2 $0x0  }
0x1ae: {  	s9 =	simm.s32 @p2 $0x1;
	p2 =	por p5, p5  }
0x1af: {  	p2 =	por @!p3 p4, p4  }
0x1b0: {  	p6 =	por p5, p5;
	[smem:$0x7D3] =	sst s9;
	s9 =	simm.s32 @!p2 $0x0  }
0x1b1: {  	p6 =	por @!p3 p1, p1;
	s9 =	simm.s32 @p2 $0x1  }
0x1b2: {  	p4 =	por p5, p5;
	[smem:$0x7D5] =	sst s9;
	s9 =	simm.s32 @!p6 $0x0  }
0x1b3: {  	p4 =	por @!p3 p1, p1;
	s9 =	simm.s32 @p6 $0x1  }
0x1b4: {  	p2 =	por p5, p5;
	[smem:$0x7CE] =	sst s9;
	s9 =	simm.s32 @!p4 $0x0  }
0x1b5: {  	p2 =	por @!p3 p1, p1;
	s9 =	simm.s32 @p4 $0x1  }
0x1b6: {  	[smem:$0x7CF] =	sst s9;
	s9 =	simm.s32 @!p2 $0x0  }
0x1b7: {  	s15 =	sld [smem:$0x7D2];
	s9 =	simm.s32 @p2 $0x1;
	p2 =	por p5, p5  }
0x1b8: {  	p2 =	por @!p3 p1, p1  }
0x1b9: {  	[smem:$0x7D0] =	sst s9;
	s9 =	simm.s32 @!p2 $0x0  }
0x1ba: {  	s9 =	simm.s32 @p2 $0x1;
	p2 =	seq.s32 s15, $0x1  }
0x1bb: {  	p2 =	por @!p3 p1, p1  }
0x1bc: {  	p4 =	por p5, p5;
	[smem:$0x7D1] =	sst s9;
	s9 =	simm.s32 @!p2 $0x0  }
0x1bd: {  	p4 =	por @!p3 p1, p1;
	s9 =	simm.s32 @p2 $0x1  }
0x1be: {  	[smem:$0x7D2] =	sst s9;
	s9 =	simm.s32 @!p4 $0x0  }
0x1bf: {  	s9 =	simm.s32 @p4 $0x1  }
0x1c0: {  	s14 =	simm.s32 @!p0 $0xD;
	[smem:$0x7D4] =	sst s9  }
0x1c1: {  	_ =	swait.ge @!p0 [sflag:s14], $0x2780  }
0x1c2: {  	s16 =	sld [smem:$0x7D6];
	_ =	sdelay $0x2  }
0x1c3: {  	p6 =	seq.s32 s16, $0x1  }
0x1c4: {  	p6 =	por @!p3 p1, p1  }
0x1c5: {  	s9 =	simm.s32 @!p6 $0x0  }
0x1c6: {  	s9 =	simm.s32 @p6 $0x1  }
0x1c7: {  	[smem:$0x7D6] =	sst s9;
	s9 =	simm.s32 @!p5 $0x0  }
0x1c8: {  	s9 =	simm.s32 @p5 $0x1  }
0x1c9: {  	[smem:$0x7D7] =	sst s9  }
0x1ca: {  	s9 =	simm.s32 @!p5 $0x0;
	s15 =	sld [smem:$0x7D7]  }
0x1cb: {  	s9 =	simm.s32 @p5 $0x1  }
0x1cc: {  	[smem:$0x7D8] =	sst s9  }
0x1cd: {  	s16 =	sld [smem:$0x7D8];
	p6 =	seq.s32 s15, $0x1  }
0x1ce: {  	p6 =	por @!p3 p1, p1  }
0x1cf: {  	p2 =	por p5, p5;
	p4 =	por p5, p5;
	s9 =	simm.s32 @!p6 $0x0  }
.Ltmp7:
0x1d0: {  	s9 =	simm.s32 @p6 $0x1;
	p6 =	seq.s32 s16, $0x1;
	(pc) =	sbr.rel .LBB2_8-.Ltmp7, $4  }
0x1d1: {  	p2 =	por @!p3 p1, p1;
	p4 =	por @!p3 p1, p1;
	p6 =	por @!p3 p1, p1  }
0x1d2: {  	[sflag:s14] =	ssyncset.done @!p0 $0x0;
	[smem:$0x7D7] =	sst s9;
	s9 =	simm.s32 @!p6 $0x0  }
0x1d3: {  	[sflag:s14] =	ssyncadd.s32 @!p0 $0xFFFFD880;
	s9 =	simm.s32 @p6 $0x1;
	p6 =	por p5, p5  }
0x1d4: {  	p5 =	por @!p3 p1, p1;
	[smem:$0x7D8] =	sst s9;
	p6 =	por @!p3 p1, p1  }
.LBB2_7:
0x1d5: {  	p1 =	sgt.s32 s15, $0xD;
	s9 =	sld [smem:$0x7EF]  }
0x1d6: {  	p2 =	seq.s32 @p1 s15, $0xE  }
0x1d7: {  	p0 =	por !p2, !p1  }
0x1d8: {  	s16 =	rddreg [dreg:$0x6];
	s14 =	sshrl.u32 @!p0 s9, $0x3;
	s15 =	simm.s32 @!p0 $0x1F8D  }
0x1d9: {  	[spmem:s14], [sflag:s15] =	dma.local @!p0 [hbm:s16], $0x2780  }
0x1da: {  	s14 =	simm.s32 @!p0 $0xD  }
0x1db: {  	_ =	swait.ge @!p0 [sflag:s14], $0x2780  }
0x1dc: {  	[sflag:s14] =	ssyncset.done @!p0 $0x0  }
0x1dd: {  	[sflag:s14] =	ssyncadd.s32 @!p0 $0xFFFFD880;
	s14 =	sld [smem:$0x7EE]  }
0x1de: {  	p2 =	por p2, !p1  }
0x1df: {  	s9 =	stileid.u32;
	p3 =	por @!p0 $0x0, $0x0;
	p6 =	por @!p2 $0x1, $0x1  }
0x1e0: {  	s15 =	simm.s32 @!p2 $0x1FCD;
	p6 =	por @!p0 p3, p3;
	s14 =	sshrl.u32 @!p2 s14, $0x3  }
0x1e1: {  	[spmem:s14], [sflag:s15] =	dma.local @!p2 [hbm:s16], $0x2080  }
0x1e2: {  	p4 =	seq.s32 @!p1 s9, $0xC;
	s9 =	simm.s32 @!p6 $0x0;
	s14 =	simm.s32 @!p2 $0xD  }
0x1e3: {  	s9 =	simm.s32 @p6 $0x1;
	_ =	swait.ge @!p2 [sflag:s14], $0x2080  }
0x1e4: {  	p5 =	por @!p2 $0x0, $0x0;
	[smem:$0x7CE] =	sst s9  }
0x1e5: {  	p6 =	por p5, p5;
	s9 =	sld [smem:$0x7F2]  }
0x1e6: {  	p6 =	por @!p0 p3, p3;
	[sflag:s14] =	ssyncset.done @!p2 $0x0  }
0x1e7: {  	p3 =	por p4, p1;
	[sflag:s14] =	ssyncadd.s32 @!p2 $0xFFFFDF80;
	p2 =	por !p4, p1  }
0x1e8: {  	s15 =	simm.s32 @!p2 $0x1F0D;
	s14 =	sshrl.u32 @!p2 s9, $0x3;
	s9 =	simm.s32 @!p3 $0x0  }
0x1e9: {  	[spmem:s14], [sflag:s15] =	dma.local @!p2 [hbm:s16], $0x2780  }
0x1ea: {  	s9 =	simm.s32 @p3 $0x1  }
0x1eb: {  	s14 =	simm.s32 @!p2 $0xD;
	[smem:$0x7C9] =	sst s9  }
0x1ec: {  	_ =	swait.ge @!p2 [sflag:s14], $0x2780  }
0x1ed: {  	s10 =	sld [smem:$0x7C9]  }
0x1ee: {  	p4 =	por @!p0 $0x1, $0x1;
	p3 =	por @!p3 $0x0, $0x0  }
0x1ef: {  	p5 =	por @!p0 p4, p4;
	p0 =	por @!p2 $0x0, $0x0;
	s9 =	simm.s32 @!p3 $0x0  }
0x1f0: {  	s9 =	simm.s32 @p3 $0x1;
	p3 =	por @!p2 p0, p0;
	p0 =	seq.s32 s10, $0x1  }
0x1f1: {  	p4 =	por @!p2 $0x0, $0x0;
	p0 =	por @!p0 $0x1, $0x1  }
0x1f2: {  	p0 =	por @!p2 p4, p4  }
0x1f3: {  	[smem:$0x7C8] =	sst s9;
	s9 =	simm.s32 @!p0 $0x0  }
0x1f4: {  	s15 =	sld [smem:$0x7C8];
	s9 =	simm.s32 @p0 $0x1  }
0x1f5: {  	[smem:$0x7C7] =	sst s9  }
0x1f6: {  	s10 =	sld [smem:$0x7C7]  }
0x1f7: {  	[sflag:s14] =	ssyncset.done @!p2 $0x0;
	p4 =	seq.s32 s15, $0x1;
	p0 =	por @!p2 $0x1, $0x1  }
0x1f8: {  	[sflag:s14] =	ssyncadd.s32 @!p2 $0xFFFFD880;
	p4 =	por @!p2 p0, p0  }
0x1f9: {  	p2 =	por p6, p6;
	s9 =	simm.s32 @!p4 $0x0;
	p0 =	seq.s32 s10, $0x1  }
0x1fa: {  	s9 =	simm.s32 @p4 $0x1;
	p2 =	por @!p1 p0, p0  }
0x1fb: {  	[smem:$0x7C8] =	sst s9;
	s9 =	simm.s32 @!p2 $0x0  }
0x1fc: {  	s10 =	sld [smem:$0x7C9];
	s9 =	simm.s32 @p2 $0x1  }
0x1fd: {  	[smem:$0x7CF] =	sst s9  }
0x1fe: {  	s9 =	sld [smem:$0x7F1];
	_ =	sdelay $0x1  }
0x1ff: {  	p0 =	seq.s32 s10, $0x1  }
0x200: {  	s15 =	simm.s32 @!p0 $0x1F4D;
	s14 =	sshrl.u32 @!p0 s9, $0x3;
	s9 =	simm.s32 @!p6 $0x0  }
0x201: {  	[spmem:s14], [sflag:s15] =	dma.local @!p0 [hbm:s16], $0x2780  }
0x202: {  	s9 =	simm.s32 @p6 $0x1  }
0x203: {  	[smem:$0x7D1] =	sst s9;
	s9 =	simm.s32 @!p6 $0x0  }
0x204: {  	s9 =	simm.s32 @p6 $0x1  }
0x205: {  	[smem:$0x7D2] =	sst s9;
	s9 =	simm.s32 @!p6 $0x0  }
0x206: {  	s9 =	simm.s32 @p6 $0x1  }
0x207: {  	[smem:$0x7D3] =	sst s9;
	s9 =	simm.s32 @!p6 $0x0  }
0x208: {  	s9 =	simm.s32 @p6 $0x1  }
0x209: {  	[smem:$0x7D4] =	sst s9;
	s9 =	simm.s32 @!p6 $0x0  }
0x20a: {  	s9 =	simm.s32 @p6 $0x1  }
0x20b: {  	[smem:$0x7CA] =	sst s9;
	s9 =	simm.s32 @!p6 $0x0  }
0x20c: {  	s14 =	sld [smem:$0x7C8];
	s9 =	simm.s32 @p6 $0x1  }
0x20d: {  	[smem:$0x7D5] =	sst s9;
	s9 =	simm.s32 @!p6 $0x0  }
0x20e: {  	s15 =	sld [smem:$0x7CE];
	s9 =	simm.s32 @p6 $0x1  }
0x20f: {  	[smem:$0x7D6] =	sst s9;
	s9 =	simm.s32 @!p6 $0x0  }
0x210: {  	p4 =	por p6, p6;
	p2 =	por p6, p6;
	s9 =	simm.s32 @p6 $0x1  }
0x211: {  	p0 =	seq.s32 s14, $0x1;
	[smem:$0x7D7] =	sst s9;
	s9 =	simm.s32 @!p6 $0x0  }
0x212: {  	s9 =	simm.s32 @p6 $0x1;
	p6 =	por @!p1 p0, p0;
	p0 =	seq.s32 s15, $0x1  }
0x213: {  	s16 =	sld [smem:$0x7D1];
	p0 =	por @!p1 p3, p3  }
0x214: {  	[smem:$0x7D8] =	sst s9;
	s9 =	simm.s32 @!p0 $0x0  }
0x215: {  	p2 =	por @!p1 p3, p3;
	s10 =	sld [smem:$0x7D2];
	s9 =	simm.s32 @p0 $0x1  }
0x216: {  	p0 =	seq.s32 s16, $0x1;
	[smem:$0x7CE] =	sst s9;
	s9 =	simm.s32 @!p2 $0x0  }
0x217: {  	p0 =	por @!p1 p3, p3;
	s9 =	simm.s32 @p2 $0x1  }
0x218: {  	[smem:$0x7D0] =	sst s9;
	s9 =	simm.s32 @!p0 $0x0  }
0x219: {  	s14 =	sld [smem:$0x7D3];
	s9 =	simm.s32 @p0 $0x1;
	p0 =	seq.s32 s10, $0x1  }
0x21a: {  	s16 =	sld [smem:$0x7D4];
	p0 =	por @!p1 p3, p3  }
0x21b: {  	[smem:$0x7D1] =	sst s9;
	s9 =	simm.s32 @!p0 $0x0  }
0x21c: {  	s9 =	simm.s32 @p0 $0x1;
	p0 =	seq.s32 s14, $0x1  }
0x21d: {  	s10 =	sld [smem:$0x7CA];
	p0 =	por @!p1 p3, p3  }
0x21e: {  	p2 =	seq.s32 s16, $0x1;
	[smem:$0x7D2] =	sst s9;
	s9 =	simm.s32 @!p0 $0x0  }
0x21f: {  	p2 =	por @!p1 p3, p3;
	s9 =	simm.s32 @p0 $0x1  }
0x220: {  	[smem:$0x7D3] =	sst s9;
	s9 =	simm.s32 @!p2 $0x0  }
0x221: {  	s15 =	sld [smem:$0x7C9];
	s9 =	simm.s32 @p2 $0x1;
	p2 =	seq.s32 s10, $0x1  }
0x222: {  	p2 =	por @!p1 p3, p3  }
0x223: {  	[smem:$0x7D4] =	sst s9;
	s9 =	simm.s32 @!p2 $0x0  }
0x224: {  	p0 =	seq.s32 s15, $0x1;
	s9 =	simm.s32 @p2 $0x1  }
0x225: {  	s14 =	simm.s32 @!p0 $0xD;
	[smem:$0x7CA] =	sst s9  }
0x226: {  	_ =	swait.ge @!p0 [sflag:s14], $0x2780  }
0x227: {  	s15 =	sld [smem:$0x7D5];
	_ =	sdelay $0x2  }
0x228: {  	s16 =	sld [smem:$0x7D6];
	p2 =	seq.s32 s15, $0x1  }
0x229: {  	p2 =	por @!p1 p3, p3  }
0x22a: {  	s9 =	simm.s32 @!p2 $0x0  }
0x22b: {  	s10 =	sld [smem:$0x7D7];
	s9 =	simm.s32 @p2 $0x1;
	p2 =	seq.s32 s16, $0x1  }
0x22c: {  	p2 =	por @!p1 p3, p3  }
0x22d: {  	[smem:$0x7D5] =	sst s9;
	s9 =	simm.s32 @!p2 $0x0  }
0x22e: {  	s15 =	sld [smem:$0x7D8];
	s9 =	simm.s32 @p2 $0x1;
	p2 =	seq.s32 s10, $0x1  }
0x22f: {  	p2 =	por @!p1 p3, p3  }
0x230: {  	[smem:$0x7D6] =	sst s9;
	s9 =	simm.s32 @!p2 $0x0  }
0x231: {  	s9 =	simm.s32 @p2 $0x1;
	p2 =	seq.s32 s15, $0x1  }
0x232: {  	p5 =	por @!p1 p3, p3;
	s16 =	sld [smem:$0x7CA];
	p2 =	por @!p1 p3, p3  }
0x233: {  	[sflag:s14] =	ssyncset.done @!p0 $0x0;
	[smem:$0x7D7] =	sst s9;
	s9 =	simm.s32 @!p2 $0x0  }
0x234: {  	p4 =	por @!p1 p3, p3;
	[sflag:s14] =	ssyncadd.s32 @!p0 $0xFFFFD880;
	s9 =	simm.s32 @p2 $0x1  }
0x235: {  	s10 =	simm.s32 $0x13A80;
	p2 =	seq.s32 s16, $0x1;
	[smem:$0x7D8] =	sst s9  }
.LBB2_8:
0x236: {  	[bflag:$0x0] =	sbarrier.arrive $0xFFFF  }
0x237: {  	s14 =	simm.s32 $0x0;
	s15 =	simm.s32 $0x13880;
	s9 =	rddreg [dreg:$0x7]  }
0x238: {  	[tilespmem:s15], [sflag:$0x1] =	stream.linear.gather [hbm4b:s9+s14], $0x40, $0x38;
	[tilespmem:$0x1C580] =	vst v63  }
0x239: {  	s16 =	rddreg [dreg:$0x8]  }
0x23a: {  	[tilespmem:s10], [sflag:$0x1] =	stream.linear.gather [hbm4b:s16+s14], $0x40, $0x38;
	[tilespmem:$0x1C580] =	vst v63  }
0x23b: {  	s9 =	rddreg [dreg:$0x9];
	s16 =	simm.s32 $0x13900  }
0x23c: {  	[tilespmem:s16], [sflag:$0x2] =	stream.linear.gather [hbm4b:s9+s14], $0x40, $0x38;
	[tilespmem:$0x1C580] =	vst v63  }
0x23d: {  	s9 =	rddreg [dreg:$0xa]  }
0x23e: {  	[tilespmem:s18], [sflag:$0x2] =	stream.linear.gather [hbm4b:s9+s14], $0x40, $0x38;
	[tilespmem:$0x1C580] =	vst v63  }
0x23f: {  	s9 =	rddreg [dreg:$0xb]  }
0x240: {  	[tilespmem:s19], [sflag:$0x3] =	stream.linear.gather [hbm4b:s9+s14], $0x40, $0x38;
	[tilespmem:$0x1C580] =	vst v63  }
0x241: {  	s9 =	rddreg [dreg:$0xc]  }
0x242: {  	[tilespmem:s20], [sflag:$0x3] =	stream.linear.gather [hbm4b:s9+s14], $0x40, $0x38;
	[tilespmem:$0x1C580] =	vst v63  }
0x243: {  	s9 =	rddreg [dreg:$0xd]  }
0x244: {  	[tilespmem:s21], [sflag:$0x4] =	stream.linear.gather [hbm4b:s9+s14], $0x40, $0x38;
	[tilespmem:$0x1C580] =	vst v63  }
0x245: {  	s9 =	rddreg [dreg:$0xe]  }
0x246: {  	[tilespmem:s22], [sflag:$0x4] =	stream.linear.gather [hbm4b:s9+s14], $0x40, $0x38;
	[tilespmem:$0x1C580] =	vst v63  }
0x247: {  	_ =	swait.ge [sflag:s23], $0x40  }
0x248: {  	[sflag:s23] =	ssyncset.done $0x0  }
0x249: {  	[sflag:s23] =	ssyncadd.s32 $0xFFFFFFC0  }
0x24a: {  	_ =	swait.ge [sflag:s23], $0x40  }
0x24b: {  	[sflag:s23] =	ssyncset.done $0x0  }
0x24c: {  	[sflag:s23] =	ssyncadd.s32 $0xFFFFFFC0  }
0x24d: {  	[tilespmem:s25], [sflag:$0x5] =	stream.indirect.gather [hbm4b:s1+s24], $0x80, s15, s24, $0xb8;
	[tilespmem:$0x1C580] =	vst v63  }
0x24e: {  	_ =	swait.ge [sflag:s26], $0x40  }
0x24f: {  	[sflag:s26] =	ssyncset.done $0x0  }
0x250: {  	[sflag:s26] =	ssyncadd.s32 $0xFFFFFFC0  }
0x251: {  	_ =	swait.ge [sflag:s26], $0x40  }
0x252: {  	[sflag:s26] =	ssyncset.done $0x0  }
0x253: {  	[sflag:s26] =	ssyncadd.s32 $0xFFFFFFC0  }
0x254: {  	[tilespmem:s28], [sflag:$0x6] =	stream.indirect.gather [hbm4b:s1+s24], $0x80, s16, s24, $0xb8;
	[tilespmem:$0x1C580] =	vst v63  }
0x255: {  	_ =	swait.ge [sflag:s29], $0x40  }
0x256: {  	[sflag:s29] =	ssyncset.done $0x0  }
0x257: {  	[sflag:s29] =	ssyncadd.s32 $0xFFFFFFC0  }
0x258: {  	_ =	swait.ge [sflag:s29], $0x40  }
0x259: {  	[sflag:s29] =	ssyncset.done $0x0  }
0x25a: {  	[sflag:s29] =	ssyncadd.s32 $0xFFFFFFC0  }
0x25b: {  	[tilespmem:s30], [sflag:$0x7] =	stream.indirect.gather [hbm4b:s1+s24], $0x80, s19, s24, $0xb8;
	[tilespmem:$0x1C580] =	vst v63  }
0x25c: {  	_ =	swait.ge [sflag:s31], $0x40  }
0x25d: {  	[sflag:s31] =	ssyncset.done $0x0  }
0x25e: {  	[sflag:s31] =	ssyncadd.s32 $0xFFFFFFC0  }
0x25f: {  	_ =	swait.ge [sflag:s31], $0x40  }
0x260: {  	[sflag:s31] =	ssyncset.done $0x0  }
0x261: {  	s15 =	sld [smem:$0x7E2];
	[sflag:s31] =	ssyncadd.s32 $0xFFFFFFC0  }
0x262: {  	[tilespmem:s0], [sflag:$0x8] =	stream.indirect.gather [hbm4b:s1+s24], $0x80, s21, s24, $0xb8;
	[tilespmem:$0x1C580] =	vst v63  }
.LBB2_9:
0x263: {  	_ =	swait.ge [sflag:s8], $0x2000  }
0x264: {  	[sflag:s8] =	ssyncset.done $0x0  }
0x265: {  	[sflag:s8] =	ssyncadd.s32 $0xFFFFE000  }
0x266: {  	[spmem:s2] =	stream.indirect.scatter.add.f32 [tilespmem:s25], [sflag:$0x9], $0x80, s10, s24, $0xb8;
	[tilespmem:$0x1C580] =	vst v63  }
0x267: {  	_ =	swait.ge [sflag:s7], $0x2000  }
0x268: {  	[sflag:s7] =	ssyncset.done $0x0  }
0x269: {  	[sflag:s7] =	ssyncadd.s32 $0xFFFFE000  }
0x26a: {  	[spmem:s2] =	stream.indirect.scatter.add.f32 [tilespmem:s28], [sflag:$0xA], $0x80, s18, s24, $0xb8;
	[tilespmem:$0x1C580] =	vst v63  }
0x26b: {  	_ =	swait.ge [sflag:s4], $0x2000  }
0x26c: {  	[sflag:s4] =	ssyncset.done $0x0  }
0x26d: {  	[sflag:s4] =	ssyncadd.s32 $0xFFFFE000  }
0x26e: {  	[spmem:s2] =	stream.indirect.scatter.add.f32 [tilespmem:s30], [sflag:$0xB], $0x80, s20, s24, $0xb8;
	[tilespmem:$0x1C580] =	vst v63  }
0x26f: {  	_ =	swait.ge [sflag:s5], $0x2000  }
0x270: {  	p1 =	seq.s32 s14, $0x4C0;
	[sflag:s5] =	ssyncset.done $0x0  }
.Ltmp8:
0x271: {  	[sflag:s5] =	ssyncadd.s32 $0xFFFFE000;
	(pc) =	sbr.rel @p1 .LBB2_11-.Ltmp8, $4  }
0x272: {  	[spmem:s2] =	stream.indirect.scatter.add.f32 [tilespmem:s0], [sflag:$0xC], $0x80, s22, s24, $0xb8;
	[tilespmem:$0x1C580] =	vst v63  }
0x273: {  	_ =	swait.ge [sflag:s6], $0x2000  }
0x274: {  	[sflag:s6] =	ssyncset.done $0x0  }
0x275: {  	[sflag:s6] =	ssyncadd.s32 $0xFFFFE000  }
0x276: {  	s16 =	sshrl.u32 s15, $0x3;
	s9 =	rddreg [dreg:$0x4]  }
0x277: {  	s10 =	simm.s32 $0x13880;
	s9 =	sadd.s32 s9, s16  }
0x278: {  	[tilespmem:s10], [sflag:$0x1] =	stream.linear.gather [hbm4b:s9+s3], $0x40, $0x38;
	[tilespmem:$0x1C580] =	vst v63  }
0x279: {  	s9 =	rddreg [dreg:$0x5]  }
0x27a: {  	s9 =	sadd.s32 s9, s16  }
0x27b: {  	[tilespmem:s17], [sflag:$0x1] =	stream.linear.gather [hbm4b:s9+s3], $0x40, $0x38;
	[tilespmem:$0x1C580] =	vst v63  }
0x27c: {  	_ =	swait.ge [sflag:s11], $0x2000  }
0x27d: {  	s16 =	sld [smem:$0x7E1];
	_ =	sdelay $0x1  }
0x27e: {  	[sflag:s11] =	ssyncset.done $0x0  }
0x27f: {  	[sflag:s11] =	ssyncadd.s32 $0xFFFFE000;
	s9 =	sadd.s32 s14, s16;
	s16 =	simm.s32 $0x13900  }
0x280: {  	[tilespmem:s16], [sflag:$0x2] =	stream.linear.gather [hbm4b:s9+s3], $0x40, $0x38;
	[tilespmem:$0x1C580] =	vst v63  }
0x281: {  	s9 =	sld [smem:$0x7E0];
	_ =	sdelay $0x2  }
0x282: {  	s9 =	sadd.s32 s14, s9  }
0x283: {  	[tilespmem:s18], [sflag:$0x2] =	stream.linear.gather [hbm4b:s9+s3], $0x40, $0x38;
	[tilespmem:$0x1C580] =	vst v63  }
0x284: {  	_ =	swait.ge [sflag:s12], $0x2000  }
0x285: {  	s9 =	sld [smem:$0x7DF];
	_ =	sdelay $0x1  }
0x286: {  	[sflag:s12] =	ssyncset.done $0x0  }
0x287: {  	[sflag:s12] =	ssyncadd.s32 $0xFFFFE000;
	s9 =	sadd.s32 s14, s9  }
0x288: {  	[tilespmem:s19], [sflag:$0x3] =	stream.linear.gather [hbm4b:s9+s3], $0x40, $0x38;
	[tilespmem:$0x1C580] =	vst v63  }
0x289: {  	s9 =	sld [smem:$0x7DE];
	_ =	sdelay $0x2  }
0x28a: {  	s9 =	sadd.s32 s14, s9  }
0x28b: {  	[tilespmem:s20], [sflag:$0x3] =	stream.linear.gather [hbm4b:s9+s3], $0x40, $0x38;
	[tilespmem:$0x1C580] =	vst v63  }
0x28c: {  	_ =	swait.ge [sflag:s13], $0x2000  }
0x28d: {  	s9 =	sld [smem:$0x7DD];
	_ =	sdelay $0x1  }
0x28e: {  	[sflag:s13] =	ssyncset.done $0x0  }
0x28f: {  	[sflag:s13] =	ssyncadd.s32 $0xFFFFE000;
	s9 =	sadd.s32 s14, s9  }
0x290: {  	[tilespmem:s21], [sflag:$0x4] =	stream.linear.gather [hbm4b:s9+s3], $0x40, $0x38;
	[tilespmem:$0x1C580] =	vst v63  }
0x291: {  	s9 =	sld [smem:$0x7DC];
	_ =	sdelay $0x2  }
0x292: {  	s9 =	sadd.s32 s14, s9  }
0x293: {  	[tilespmem:s22], [sflag:$0x4] =	stream.linear.gather [hbm4b:s9+s3], $0x40, $0x38;
	[tilespmem:$0x1C580] =	vst v63  }
0x294: {  	_ =	swait.ge [sflag:s23], $0x40  }
0x295: {  	[sflag:s23] =	ssyncset.done $0x0  }
0x296: {  	[sflag:s23] =	ssyncadd.s32 $0xFFFFFFC0  }
0x297: {  	_ =	swait.ge [sflag:s23], $0x40  }
0x298: {  	[sflag:s23] =	ssyncset.done $0x0  }
0x299: {  	[sflag:s23] =	ssyncadd.s32 $0xFFFFFFC0  }
0x29a: {  	[tilespmem:s25], [sflag:$0x5] =	stream.indirect.gather [hbm4b:s1+s24], $0x80, s10, s24, $0xb8;
	[tilespmem:$0x1C580] =	vst v63  }
0x29b: {  	_ =	swait.ge [sflag:s26], $0x40  }
0x29c: {  	[sflag:s26] =	ssyncset.done $0x0  }
0x29d: {  	[sflag:s26] =	ssyncadd.s32 $0xFFFFFFC0  }
0x29e: {  	_ =	swait.ge [sflag:s26], $0x40  }
0x29f: {  	[sflag:s26] =	ssyncset.done $0x0  }
0x2a0: {  	[sflag:s26] =	ssyncadd.s32 $0xFFFFFFC0  }
0x2a1: {  	[tilespmem:s28], [sflag:$0x6] =	stream.indirect.gather [hbm4b:s1+s24], $0x80, s16, s24, $0xb8;
	[tilespmem:$0x1C580] =	vst v63  }
0x2a2: {  	_ =	swait.ge [sflag:s29], $0x40  }
0x2a3: {  	[sflag:s29] =	ssyncset.done $0x0  }
0x2a4: {  	[sflag:s29] =	ssyncadd.s32 $0xFFFFFFC0  }
0x2a5: {  	_ =	swait.ge [sflag:s29], $0x40  }
0x2a6: {  	[sflag:s29] =	ssyncset.done $0x0  }
0x2a7: {  	[sflag:s29] =	ssyncadd.s32 $0xFFFFFFC0  }
0x2a8: {  	[tilespmem:s30], [sflag:$0x7] =	stream.indirect.gather [hbm4b:s1+s24], $0x80, s19, s24, $0xb8;
	[tilespmem:$0x1C580] =	vst v63  }
0x2a9: {  	_ =	swait.ge [sflag:s31], $0x40  }
0x2aa: {  	[sflag:s31] =	ssyncset.done $0x0  }
.Ltmp9:
0x2ab: {  	[sflag:s31] =	ssyncadd.s32 $0xFFFFFFC0;
	(pc) =	sbr.rel .LBB2_9-.Ltmp9, $4  }
0x2ac: {  	_ =	swait.ge [sflag:s31], $0x40  }
0x2ad: {  	s15 =	sadd.s32 $0x100, s15;
	[sflag:s31] =	ssyncset.done $0x0  }
0x2ae: {  	s14 =	sadd.s32 $0x20, s14;
	s10 =	simm.s32 $0x13A80;
	[sflag:s31] =	ssyncadd.s32 $0xFFFFFFC0  }
0x2af: {  	[tilespmem:s0], [sflag:$0x8] =	stream.indirect.gather [hbm4b:s1+s24], $0x80, s21, s24, $0xb8;
	[tilespmem:$0x1C580] =	vst v63  }
.LBB2_12:
0x2b0: {  	_ =	sfence.sel $0x180000  }
0x2b1: {  	[bflag:$0x0] =	sbarrier.arrive $0xFFFF  }
0x2b2: {  	_ =	strace $0x9000004D  }
0x2b3: {  	[bflag:$0x2] =	sbarrier.arrive $0xFFFF  }
0x2b4: {  	s0 =	rddreg [dreg:$0x3]  }
0x2b5: {  	s0 =	sadd.s32 @!p1 $0x100000, s0  }
0x2b6: {  	[sflag:s0] =	ssyncadd.tile.s32 @!p1 $0x1;
	_ =	shalt  }
.Lfunc_end2:
_tile_overlayer_lowered:
.L_overlay_start_2:
0x2b7: {  	(tag) =	ssettag $0x2  }
0x2b8: {  	s0 =	rddreg [dreg:$0x0];
	s2 =	stileid.u32  }
0x2b9: {  	s1 =	rddreg [dreg:$0x1];
	p0 =	sne.s32 s2, $0x0  }
0x2ba: {  	s3 =	rddreg [dreg:$0x2];
	[bflag:$0x3] =	sbarrier.arrive $0xFFFF;
	s2 =	simm.s32 @!p0 $0x1C0D  }
0x2bb: {  	[timem:s3], [sflag:s2] =	dma.local @!p0 [hbm:s0], s1  }
0x2bc: {  	s0 =	simm.s32 @!p0 $0xD  }
0x2bd: {  	_ =	swait.ge @!p0 [sflag:s0], s1  }
0x2be: {  	s1 =	ssub.s32 @!p0 $0x0, s1;
	[sflag:s0] =	ssyncset.done @!p0 $0x0  }
0x2bf: {  	[sflag:s0] =	ssyncadd.s32 @!p0 s1  }
0x2c0: {  	[bflag:$0x3] =	sbarrier.arrive $0xFFFF  }
0x2c1: {  	_ =	shalt  }

// kernel: kernel.8.cloned.1.call-start
scs
__scs_entry_jumppad:
0x0: {  	(pc) =	sbr.rel $0x88, $3  }
0x1: {  	(tag) =	ssettag $0x0;
	lr =	simm.s32 $0x1  }
0x2: {  	[smem:$0x3F9C] =	sst lr;
	_ =	strace $0xD0000000  }
0x3: {  	_ = 	snop  }
0x4: {  	_ = 	snop  }
0x5: {  	_ = 	snop  }
0x6: {  	_ = 	snop  }
0x7: {  	_ = 	snop  }
__scs_overlays_trampoline_lowered:
0x8: {  	[smem:$0x3FAB] =	sst s0  }
0x9: {  	[smem:$0x3FAC] =	sst s1  }
0xa: {  	[smem:$0x3FAD] =	sst s2  }
0xb: {  	[smem:$0x3FAE] =	sst s3  }
0xc: {  	[smem:$0x3FAF] =	sst s4  }
0xd: {  	[smem:$0x3FB0] =	sst s5  }
0xe: {  	[smem:$0x3FB1] =	sst s6  }
0xf: {  	[smem:$0x3FB2] =	sst s7  }
0x10: {  	[smem:$0x3FB3] =	sst s8  }
0x11: {  	[smem:$0x3FB4] =	sst s9;
	s0 =	simm.s32 @!p0 $0x0  }
0x12: {  	s1 =	sld [smem:$0x3F9A];
	s0 =	simm.s32 @p0 $0x1  }
0x13: {  	[smem:$0x3FB5] =	sst s0;
	s0 =	simm.s32 @!p1 $0x0  }
0x14: {  	s2 =	sld [smem:$0x3F99];
	s0 =	simm.s32 @p1 $0x1  }
0x15: {  	[smem:$0x3FB6] =	sst s0;
	s0 =	simm.s32 @!p2 $0x0  }
0x16: {  	s3 =	sld [smem:$0x3FDB];
	s0 =	simm.s32 @p2 $0x1  }
0x17: {  	s4 =	simm.s32 $0x1BF5;
	[smem:$0x3FB8] =	sst s0  }
0x18: {  	s0 =	sld [smem:$0x3F9B];
	_ =	swait.ge [sflag:s4], $0x0  }
0x19: {  	s7 =	sld [smem:$0x3F9C]  }
0x1a: {  	s8 =	sadd.s32 $0xFFFFE003, lr  }
0x1b: {  	s9 =	sadd.s32 $0xFFFFFEF7, lr;
	s5 =	simm.s32 $0xFFFFFFFF;
	p2 =	slt.u32 s8, $0xFFFFF086  }
0x1c: {  	p1 =	slt.u32 s9, $0xF7A;
	s5 =	simm.s32 @!p2 $0x0  }
0x1d: {  	s5 =	simm.s32 @p1 $0x1;
	p0 =	seq.s32 s7, s2  }
0x1e: {  	s7 =	smul.u32 @!p0 $0xF7A, s2;
	p2 =	seq.s32 @!p0 s5, $0x0  }
0x1f: {  	s9 =	smul.u32 $0xF7A, s1;
	s8 =	simm.s32 @!p0 $0x1BF5;
	p2 =	por !p2, p0  }
0x20: {  	[sflag:s8] =	ssyncset.s32 @!p0 $0xFFFFF086;
	s6 =	sadd.s32 @!p0 s3, s7;
	s7 =	simm.s32 @!p0 $0x108  }
0x21: {  	s3 =	sadd.s32 s3, s9;
	s6 =	sadd.s32 @!p0 $0x88, s6;
	s7 =	simm.s32 @p2 $0x1082  }
0x22: {  	[simem:s7], [sflag:s8] =	dma.local @!p0 [hbm:s6], $0xF7A  }
0x23: {  	s9 =	sor.u32 $0xD0000000, s2;
	s6 =	simm.s32 $0x108;
	_ =	swait.ge @!p0 [sflag:s8], $0x0  }
0x24: {  	s3 =	sadd.s32 $0x88, s3;
	s6 =	simm.s32 @!p1 $0x1082;
	[sflag:s4] =	ssyncset.s32 $0xFFFFF086  }
0x25: {  	[simem:s6], [sflag:s4] =	dma.local [hbm:s3], $0xF7A  }
0x26: {  	[smem:$0x3F9C] =	sst s1;
	(tag) =	ssettag s2;
	_ =	strace s9  }
0x27: {  	s1 =	sld [smem:$0x3FAC]  }
0x28: {  	s2 =	sld [smem:$0x3FAD]  }
0x29: {  	s4 =	sld [smem:$0x3FAF]  }
0x2a: {  	p0 =	seq.s32 s5, $0x0;
	s5 =	sld [smem:$0x3FB0]  }
0x2b: {  	s6 =	sld [smem:$0x3FB1]  }
0x2c: {  	s7 =	sld [smem:$0x3FB2]  }
0x2d: {  	s3 =	simm.s32 $0x108;
	s8 =	sld [smem:$0x3FB3]  }
0x2e: {  	s3 =	simm.s32 @!p0 $0x1082;
	s9 =	sld [smem:$0x3FB4]  }
0x2f: {  	lr =	sadd.s32 s0, s3;
	s0 =	sld [smem:$0x3FAB]  }
0x30: {  	s3 =	sld [smem:$0x3FAE]  }
0x31: {  	[smem:$0x3FB7] =	sst s10  }
0x32: {  	s10 =	sld [smem:$0x3FB5];
	_ =	sdelay $0x3  }
0x33: {  	p0 =	seq.s32 s10, $0x1;
	s10 =	sld [smem:$0x3FB7];
	_ =	sdelay $0x3  }
0x34: {  	[smem:$0x3FB7] =	sst s10  }
0x35: {  	s10 =	sld [smem:$0x3FB6];
	_ =	sdelay $0x3  }
0x36: {  	p1 =	seq.s32 s10, $0x1;
	s10 =	sld [smem:$0x3FB7];
	_ =	sdelay $0x3  }
0x37: {  	[smem:$0x3FB7] =	sst s10  }
0x38: {  	s10 =	sld [smem:$0x3FB8]  }
0x39: {  	_ = 	snop;
	(pc) =	sbr.ind lr, $3  }
0x3a: {  	_ = 	snop  }
0x3b: {  	_ = 	snop  }
0x3c: {  	p2 =	seq.s32 s10, $0x1;
	s10 =	sld [smem:$0x3FB7]  }
0x3d: {  	_ =	shalt  }
0x3e: {  	_ =	shalt  }
0x3f: {  	_ =	shalt  }
0x40: {  	_ =	shalt  }
0x41: {  	_ =	shalt  }
0x42: {  	_ =	shalt  }
0x43: {  	_ =	shalt  }
0x44: {  	_ =	shalt  }
0x45: {  	_ =	shalt  }
0x46: {  	_ =	shalt  }
0x47: {  	_ =	shalt  }
0x48: {  	_ =	shalt  }
0x49: {  	_ =	shalt  }
0x4a: {  	_ =	shalt  }
0x4b: {  	_ =	shalt  }
0x4c: {  	_ =	shalt  }
0x4d: {  	_ =	shalt  }
0x4e: {  	_ =	shalt  }
0x4f: {  	_ =	shalt  }
0x50: {  	_ =	shalt  }
0x51: {  	_ =	shalt  }
0x52: {  	_ =	shalt  }
0x53: {  	_ =	shalt  }
0x54: {  	_ =	shalt  }
0x55: {  	_ =	shalt  }
0x56: {  	_ =	shalt  }
0x57: {  	_ =	shalt  }
0x58: {  	_ =	shalt  }
0x59: {  	_ =	shalt  }
0x5a: {  	_ =	shalt  }
0x5b: {  	_ =	shalt  }
0x5c: {  	_ =	shalt  }
0x5d: {  	_ =	shalt  }
0x5e: {  	_ =	shalt  }
0x5f: {  	_ =	shalt  }
0x60: {  	_ =	shalt  }
0x61: {  	_ =	shalt  }
0x62: {  	_ =	shalt  }
0x63: {  	_ =	shalt  }
0x64: {  	_ =	shalt  }
0x65: {  	_ =	shalt  }
0x66: {  	_ =	shalt  }
0x67: {  	_ =	shalt  }
0x68: {  	_ =	shalt  }
0x69: {  	_ =	shalt  }
0x6a: {  	_ =	shalt  }
0x6b: {  	_ =	shalt  }
0x6c: {  	_ =	shalt  }
0x6d: {  	_ =	shalt  }
0x6e: {  	_ =	shalt  }
0x6f: {  	_ =	shalt  }
0x70: {  	_ =	shalt  }
0x71: {  	_ =	shalt  }
0x72: {  	_ =	shalt  }
0x73: {  	_ =	shalt  }
0x74: {  	_ =	shalt  }
0x75: {  	_ =	shalt  }
0x76: {  	_ =	shalt  }
0x77: {  	_ =	shalt  }
0x78: {  	_ =	shalt  }
0x79: {  	_ =	shalt  }
0x7a: {  	_ =	shalt  }
0x7b: {  	_ =	shalt  }
0x7c: {  	_ =	shalt  }
0x7d: {  	_ =	shalt  }
0x7e: {  	_ =	shalt  }
0x7f: {  	_ =	shalt  }
0x80: {  	_ =	shalt  }
0x81: {  	_ =	shalt  }
0x82: {  	_ =	shalt  }
0x83: {  	_ =	shalt  }
0x84: {  	_ =	shalt  }
0x85: {  	_ =	shalt  }
0x86: {  	_ =	shalt  }
0x87: {  	_ =	shalt  }
.Lfunc_end0:
.L_simem_size_0:
called_computation_lowered:
.L_overlay_start_0:
0x88: {  	s2 =	sld [smem:$0x3FD9]  }
0x89: {  	s3 =	sld [smem:$0x3FFE];
	_ =	sdelay $0x1  }
0x8a: {  	s1 =	srdreg.scid  }
0x8b: {  	s0 =	sand.u32 $0x1, s1  }
0x8c: {  	s17 =	sshll.u32 s0, $0xA;
	s2 =	sadd.s32 s3, s2  }
0x8d: {  	s2 =	sadd.s32 s2, s17  }
0x8e: {  	[smem:$0x3FC3] =	sst s2  }
0x8f: {  	_ = 	snop  }
0x90: {  	s2 =	sld [smem:$0x3FD0];
	(tm) =	ssettm $0x1  }
0x91: {  	s18 =	sld [smem:$0x3FFB];
	_ =	sdelay $0x3  }
0x92: {  	_ =	strace s18  }
0x93: {  	s3 =	sld [smem:$0x3FFC];
	_ =	sdelay $0x3  }
0x94: {  	_ =	strace s3  }
0x95: {  	s3 =	sld [smem:$0x3FFD];
	_ =	sdelay $0x3  }
0x96: {  	_ =	strace s3  }
0x97: {  	_ =	strace $0x8FFFFFFF  }
0x98: {  	s19 =	sld [smem:$0x3FDB];
	_ =	sdelay $0x1  }
0x99: {  	s4 =	simm.s32 $_scs_section_size  }
0x9a: {  	s5 =	simm.s32 $_size__tile_overlayer_lowered;
	s6 =	simm.s32 $_tile_overlayer_lowered  }
0x9b: {  	s22 =	simm.s32 $0x1BFF;
	s21 =	sshll.u32 s6, $0x1;
	s3 =	sadd.s32 s4, s19  }
0x9c: {  	s7 =	simm.s32 $0x0;
	s20 =	sshll.u32 s5, $0x1;
	s5 =	sadd.s32 s21, s3  }
0x9d: {  	[timem:s7], [sflag:s22] =	dma.local [hbm:s5], s20  }
0x9e: {  	_ =	swait.ge [sflag:s22], s20  }
0x9f: {  	s4 =	ssub.s32 $0x0, s20;
	[sflag:s22] =	ssyncset.done $0x0  }
0xa0: {  	[sflag:s22] =	ssyncadd.s32 s4;
	_ =	sdelay $0x1  }
0xa1: {  	s23 =	simm.s32 $0x1B8B  }
0xa2: {  	_ =	swait.ge [sflag:s23], $0x1  }
0xa3: {  	[sflag:s23] =	ssyncset.done $0x0  }
0xa4: {  	s25 =	simm.s32 $0x1B8E;
	s24 =	sld [smem:$0x3FFE];
	[sflag:s23] =	ssyncadd.s32 $0xFFFFFFFF  }
0xa5: {  	s26 =	simm.s32 $execute0_lowered;
	[smem:$0x3FD2] =	sst s25  }
0xa6: {  	s5 =	sshll.u32 s26, $0x1;
	_ =	strace $0x80000046;
	[dreg:$0x1] =	wrdreg $0xFFFFFFFF  }
0xa7: {  	s28 =	simm.s32 $_size_execute0_lowered;
	s3 =	sadd.s32 s3, s5;
	[dreg:$0x0] =	wrdreg $0x0  }
0xa8: {  	s5 =	sshll.u32 s28, $0x1;
	[dreg:$0x2] =	wrdreg s3  }
0xa9: {  	[dreg:$0x3] =	wrdreg s5  }
0xaa: {  	[dreg:$0x4] =	wrdreg $0xC0  }
0xab: {  	_ =	task [dreg:s7], $0x5FFFF  }
0xac: {  	[dreg:$0x1] =	wrdreg $0xFFFFFFFF  }
0xad: {  	[dreg:$0x0] =	wrdreg $0x60  }
0xae: {  	[dreg:$0x2] =	wrdreg s24  }
0xaf: {  	[dreg:$0x3] =	wrdreg s2  }
0xb0: {  	[dreg:$0x4] =	wrdreg $0x800  }
0xb1: {  	[dreg:$0x5] =	wrdreg $0x9  }
0xb2: {  	_ =	task.clear_ibuf [dreg:s7], $0x6FFFF;
	_ =	strace $0x90000046  }
0xb3: {  	s29 =	simm.s32 $0x9;
	_ =	strace $0x80000048  }
0xb4: {  	_ =	swait.ge [sflag:s29], $0x1  }
0xb5: {  	[sflag:s29] =	ssyncadd.s32 $0xFFFFFFFF  }
0xb6: {  	_ =	strace $0x90000048  }
0xb7: {  	_ =	sfence  }
0xb8: {  	s30 =	sld [smem:$0x0];
	_ =	sdelay $0x2  }
0xb9: {  	s31 =	sshll.u32 s1, $0xD;
	s1 =	sshrl.u32 s1, $0x2  }
0xba: {  	s3 =	sand.u32 $0x4000, s31;
	s1 =	sadd.s32 s1, s30  }
0xbb: {  	s0 =	sor.u32 s3, s0;
	s1 =	sshll.u32 s1, $0x11  }
0xbc: {  	s0 =	sor.u32 s1, s0  }
0xbd: {  	s0 =	sadd.s32 $0x8F2B, s0  }
0xbe: {  	[sflag:s0] =	ssyncadd.remote.s32 $0x1  }
0xbf: {  	_ =	sfence.sel $0xFFFF  }
0xc0: {  	[dreg:$0x0] =	wrdreg $0xFFFFFFFF;
	(pc) =	sbr.abs _section_cstart, $3  }
0xc1: {  	[dreg:$0x1] =	wrdreg $0xFFFFFFFF  }
0xc2: {  	_ =	task.clear_ibuf [dreg:s7], $0x2FFFF;
	_ =	strace $0x9FFFFFFF  }
0xc3: {  	(tm) =	ssettm $0x7FFFFFFF  }
tec
execute0_lowered:
.L_overlay_start_1:
0x0: {  	(tag) =	ssettag $0x1  }
0x1: {  	s0 =	rddreg [dreg:$0x0]  }
0x2: {  	s4 =	rddreg [dreg:$0x1]  }
0x3: {  	s1 =	rddreg [dreg:$0x2]  }
0x4: {  	s2 =	srdreg.scid;
	s6 =	stileid.u32  }
0x5: {  	s14 =	simm.s32 $0x8;
	s16 =	simm.s32 $0x2F8;
	s28 =	simm.s32 $0x6  }
0x6: {  	s29 =	simm.s32 $0x7;
	s30 =	simm.s32 $0x1;
	s5 =	sand.u32 $0x1, s2  }
0x7: {  	s2 =	simm.s32 $0x0;
	s13 =	sadd.s32 $0xBC00, s0;
	s11 =	smul.u32 $0x2710, s6  }
0x8: {  	p0 =	sne.s32 s6, $0x0;
	s7 =	sshll.u32 s5, $0x4;
	[smem:$0x7FF] =	sst s2  }
0x9: {  	s9 =	ssub.s32 $0x2, s5;
	s5 =	smul.u32 $0x27100, s5;
	s15 =	sshrl.u32 @!p0 s1, $0x3  }
0xa: {  	s3 =	sor.u32 s6, s7;
	_ =	strace $0x80000047;
	s10 =	sshrl.u32 s9, $0x1  }
0xb: {  	s4 =	sadd.s32 s4, s7;
	s8 =	smul.u32 $0x2710, s3;
	s3 =	sadd.s32 $0x15A00, s0  }
0xc: {  	s0 =	sadd.s32 $0x15C00, s0;
	s17 =	ssub.s32 s9, s10;
	[dreg:$0x6] =	wrdreg s4  }
0xd: {  	s18 =	sadd.s32 s11, s5;
	[dreg:$0x4] =	wrdreg s0;
	s0 =	smax.u32 s17, $0x1  }
0xe: {  	s19 =	sshrl.u32 s18, $0x3;
	s5 =	sadd.s32 $0x280, s18;
	s21 =	sadd.s32 $0x200, s18  }
0xf: {  	s23 =	sadd.s32 $0x180, s18;
	s25 =	sadd.s32 $0x100, s18;
	s4 =	sadd.s32 $0x80, s18  }
0x10: {  	s17 =	simm.s32 $0x378;
	s18 =	simm.s32 $0x3F8;
	s8 =	sshrl.u32 s8, $0x3  }
0x11: {  	[dreg:$0x7] =	wrdreg s0;
	s20 =	sshrl.u32 s5, $0x3;
	s22 =	sshrl.u32 s21, $0x3  }
0x12: {  	s24 =	sshrl.u32 s23, $0x3;
	s26 =	sshrl.u32 s25, $0x3;
	s31 =	sshrl.u32 s4, $0x3  }
0x13: {  	s21 =	simm.s32 $0x578;
	s23 =	simm.s32 $0x80;
	s25 =	simm.s32 $0x4  }
0x14: {  	s4 =	simm.s32 $0x0;
	s8 =	sadd.s32 s13, s8;
	s9 =	sadd.s32 s20, s13  }
0x15: {  	s10 =	sadd.s32 s22, s13;
	s11 =	sadd.s32 s24, s13;
	s12 =	sadd.s32 s26, s13  }
0x16: {  	s20 =	simm.s32 $0x4F8;
	s22 =	simm.s32 $0x2;
	s8 =	sadd.s32 $0x4E0, s8  }
0x17: {  	s24 =	simm.s32 $0x3;
	s26 =	simm.s32 $0x5;
	[dreg:$0x5] =	wrdreg s8  }
0x18: {  	s8 =	sadd.s32 s19, s13;
	s13 =	sadd.s32 s31, s13;
	s19 =	simm.s32 $0x478  }
.LBB2_1:
0x19: {  	[tilespmem:s2], [sflag:$0x8] =	stream.linear.gather [hbm4b:s3+s2], $0x80, $0x38;
	[tilespmem:$0x6F8] =	vst v63  }
0x1a: {  	_ =	swait.ge [sflag:s14], $0x80  }
0x1b: {  	[sflag:s14] =	ssyncset.done $0x0  }
0x1c: {  	s5 =	simm.s32 @!p0 $0x1C08;
	s0 =	rddreg [dreg:$0x4];
	[sflag:s14] =	ssyncadd.s32 $0xFFFFFF80  }
0x1d: {  	[spmem:s15], [sflag:s5] =	dma.local @!p0 [hbm:s0], $0x4F0  }
0x1e: {  	s5 =	simm.s32 @!p0 $0x8  }
0x1f: {  	_ =	swait.ge @!p0 [sflag:s5], $0x4F0  }
0x20: {  	[sflag:s5] =	ssyncset.done @!p0 $0x0  }
0x21: {  	[sflag:s5] =	ssyncadd.s32 @!p0 $0xFFFFFB10  }
0x22: {  	s7 =	sadd.s32 $0x0, s8;
	[bflag:$0x0] =	sbarrier.arrive $0xFFFF  }
0x23: {  	[tilespmem:s16], [sflag:$0x2] =	stream.linear.gather [hbm4b:s7+s2], $0x80, $0x38;
	[tilespmem:$0x6F8] =	vst v63  }
0x24: {  	s31 =	sadd.s32 $0x0, s13  }
0x25: {  	[tilespmem:s17], [sflag:$0x3] =	stream.linear.gather [hbm4b:s31+s2], $0x80, $0x38;
	[tilespmem:$0x6F8] =	vst v63  }
0x26: {  	s0 =	sadd.s32 $0x0, s12  }
0x27: {  	[tilespmem:s18], [sflag:$0x4] =	stream.linear.gather [hbm4b:s0+s2], $0x80, $0x38;
	[tilespmem:$0x6F8] =	vst v63  }
0x28: {  	s6 =	sadd.s32 $0x0, s11  }
0x29: {  	[tilespmem:s19], [sflag:$0x5] =	stream.linear.gather [hbm4b:s6+s2], $0x80, $0x38;
	[tilespmem:$0x6F8] =	vst v63  }
0x2a: {  	s7 =	sadd.s32 $0x0, s10  }
0x2b: {  	[tilespmem:s20], [sflag:$0x6] =	stream.linear.gather [hbm4b:s7+s2], $0x80, $0x38;
	[tilespmem:$0x6F8] =	vst v63  }
0x2c: {  	s31 =	sadd.s32 $0x0, s9  }
0x2d: {  	[tilespmem:s21], [sflag:$0x7] =	stream.linear.gather [hbm4b:s31+s2], $0x80, $0x38;
	[tilespmem:$0x6F8] =	vst v63  }
0x2e: {  	_ =	swait.ge [sflag:s22], $0x80  }
0x2f: {  	[sflag:s22] =	ssyncset.done $0x0  }
0x30: {  	[sflag:s22] =	ssyncadd.s32 $0xFFFFFF80  }
0x31: {  	[spmem:s1] =	stream.indirect.scatter.add.f32 [tilespmem:s2], [sflag:$0x1], $0x1, s16, s23, $0xb8;
	[tilespmem:$0x6F8] =	vst v63  }
0x32: {  	_ =	swait.ge [sflag:s24], $0x80  }
0x33: {  	[sflag:s24] =	ssyncset.done $0x0  }
0x34: {  	[sflag:s24] =	ssyncadd.s32 $0xFFFFFF80  }
0x35: {  	[spmem:s1] =	stream.indirect.scatter.add.f32 [tilespmem:s2], [sflag:$0x1], $0x1, s17, s23, $0xb8;
	[tilespmem:$0x6F8] =	vst v63  }
0x36: {  	_ =	swait.ge [sflag:s25], $0x80  }
0x37: {  	[sflag:s25] =	ssyncset.done $0x0  }
0x38: {  	[sflag:s25] =	ssyncadd.s32 $0xFFFFFF80  }
0x39: {  	[spmem:s1] =	stream.indirect.scatter.add.f32 [tilespmem:s2], [sflag:$0x1], $0x1, s18, s23, $0xb8;
	[tilespmem:$0x6F8] =	vst v63  }
0x3a: {  	_ =	swait.ge [sflag:s26], $0x80  }
0x3b: {  	[sflag:s26] =	ssyncset.done $0x0  }
0x3c: {  	[sflag:s26] =	ssyncadd.s32 $0xFFFFFF80  }
0x3d: {  	[spmem:s1] =	stream.indirect.scatter.add.f32 [tilespmem:s2], [sflag:$0x1], $0x1, s19, s23, $0xb8;
	[tilespmem:$0x6F8] =	vst v63  }
0x3e: {  	_ =	swait.ge [sflag:s28], $0x80  }
0x3f: {  	[sflag:s28] =	ssyncset.done $0x0  }
0x40: {  	[sflag:s28] =	ssyncadd.s32 $0xFFFFFF80  }
0x41: {  	[spmem:s1] =	stream.indirect.scatter.add.f32 [tilespmem:s2], [sflag:$0x1], $0x1, s20, s23, $0xb8;
	[tilespmem:$0x6F8] =	vst v63  }
0x42: {  	_ =	swait.ge [sflag:s29], $0x80  }
0x43: {  	[sflag:s29] =	ssyncset.done $0x0  }
0x44: {  	[sflag:s29] =	ssyncadd.s32 $0xFFFFFF80  }
0x45: {  	[spmem:s1] =	stream.indirect.scatter.add.f32 [tilespmem:s2], [sflag:$0x1], $0x1, s21, s23, $0xb8;
	[tilespmem:$0x6F8] =	vst v63  }
0x46: {  	_ =	swait.ge [sflag:s30], $0x80  }
0x47: {  	[sflag:s30] =	ssyncset.done $0x0  }
0x48: {  	[sflag:s30] =	ssyncadd.s32 $0xFFFFFF80  }
0x49: {  	_ =	swait.ge [sflag:s30], $0x80  }
0x4a: {  	[sflag:s30] =	ssyncset.done $0x0  }
0x4b: {  	[sflag:s30] =	ssyncadd.s32 $0xFFFFFF80  }
0x4c: {  	_ =	swait.ge [sflag:s30], $0x80  }
0x4d: {  	[sflag:s30] =	ssyncset.done $0x0  }
0x4e: {  	[sflag:s30] =	ssyncadd.s32 $0xFFFFFF80  }
0x4f: {  	_ =	swait.ge [sflag:s30], $0x80  }
0x50: {  	[sflag:s30] =	ssyncset.done $0x0  }
0x51: {  	[sflag:s30] =	ssyncadd.s32 $0xFFFFFF80  }
0x52: {  	_ =	swait.ge [sflag:s30], $0x80  }
0x53: {  	[sflag:s30] =	ssyncset.done $0x0  }
0x54: {  	[sflag:s30] =	ssyncadd.s32 $0xFFFFFF80  }
0x55: {  	_ =	swait.ge [sflag:s30], $0x80  }
0x56: {  	s5 =	simm.s32 $0x60;
	s6 =	simm.s32 $0xC0;
	[sflag:s30] =	ssyncset.done $0x0  }
.LBB2_2:
0x57: {  	s31 =	sadd.s32 s5, s8  }
0x58: {  	[sflag:s30] =	ssyncadd.s32 $0xFFFFFF80;
	s0 =	smov.u32 s6;
	s7 =	sadd.s32 $0x60, s6  }
0x59: {  	[tilespmem:s16], [sflag:$0x2] =	stream.linear.gather [hbm4b:s31+s2], $0x80, $0x38;
	[tilespmem:$0x6F8] =	vst v63  }
0x5a: {  	p1 =	sne.s32 s6, $0x480;
	s6 =	sadd.s32 s5, s13  }
0x5b: {  	[tilespmem:s17], [sflag:$0x3] =	stream.linear.gather [hbm4b:s6+s2], $0x80, $0x38;
	[tilespmem:$0x6F8] =	vst v63  }
0x5c: {  	s6 =	sadd.s32 s5, s12  }
0x5d: {  	[tilespmem:s18], [sflag:$0x4] =	stream.linear.gather [hbm4b:s6+s2], $0x80, $0x38;
	[tilespmem:$0x6F8] =	vst v63  }
0x5e: {  	s6 =	sadd.s32 s5, s11  }
0x5f: {  	[tilespmem:s19], [sflag:$0x5] =	stream.linear.gather [hbm4b:s6+s2], $0x80, $0x38;
	[tilespmem:$0x6F8] =	vst v63  }
0x60: {  	s6 =	sadd.s32 s5, s10  }
0x61: {  	[tilespmem:s20], [sflag:$0x6] =	stream.linear.gather [hbm4b:s6+s2], $0x80, $0x38;
	[tilespmem:$0x6F8] =	vst v63  }
0x62: {  	s6 =	sadd.s32 s5, s9;
	s5 =	smov.u32 s0  }
0x63: {  	[tilespmem:s21], [sflag:$0x7] =	stream.linear.gather [hbm4b:s6+s2], $0x80, $0x38;
	[tilespmem:$0x6F8] =	vst v63  }
0x64: {  	_ =	swait.ge [sflag:s22], $0x80  }
0x65: {  	[sflag:s22] =	ssyncset.done $0x0  }
0x66: {  	[sflag:s22] =	ssyncadd.s32 $0xFFFFFF80  }
0x67: {  	[spmem:s1] =	stream.indirect.scatter.add.f32 [tilespmem:s2], [sflag:$0x1], $0x1, s16, s23, $0xb8;
	[tilespmem:$0x6F8] =	vst v63  }
0x68: {  	_ =	swait.ge [sflag:s24], $0x80  }
0x69: {  	[sflag:s24] =	ssyncset.done $0x0  }
0x6a: {  	[sflag:s24] =	ssyncadd.s32 $0xFFFFFF80  }
0x6b: {  	[spmem:s1] =	stream.indirect.scatter.add.f32 [tilespmem:s2], [sflag:$0x1], $0x1, s17, s23, $0xb8;
	[tilespmem:$0x6F8] =	vst v63  }
0x6c: {  	_ =	swait.ge [sflag:s25], $0x80  }
0x6d: {  	[sflag:s25] =	ssyncset.done $0x0  }
0x6e: {  	[sflag:s25] =	ssyncadd.s32 $0xFFFFFF80  }
0x6f: {  	[spmem:s1] =	stream.indirect.scatter.add.f32 [tilespmem:s2], [sflag:$0x1], $0x1, s18, s23, $0xb8;
	[tilespmem:$0x6F8] =	vst v63  }
0x70: {  	_ =	swait.ge [sflag:s26], $0x80  }
0x71: {  	[sflag:s26] =	ssyncset.done $0x0  }
0x72: {  	[sflag:s26] =	ssyncadd.s32 $0xFFFFFF80  }
0x73: {  	[spmem:s1] =	stream.indirect.scatter.add.f32 [tilespmem:s2], [sflag:$0x1], $0x1, s19, s23, $0xb8;
	[tilespmem:$0x6F8] =	vst v63  }
0x74: {  	_ =	swait.ge [sflag:s28], $0x80  }
0x75: {  	[sflag:s28] =	ssyncset.done $0x0  }
0x76: {  	[sflag:s28] =	ssyncadd.s32 $0xFFFFFF80  }
0x77: {  	[spmem:s1] =	stream.indirect.scatter.add.f32 [tilespmem:s2], [sflag:$0x1], $0x1, s20, s23, $0xb8;
	[tilespmem:$0x6F8] =	vst v63  }
0x78: {  	_ =	swait.ge [sflag:s29], $0x80  }
0x79: {  	[sflag:s29] =	ssyncset.done $0x0  }
0x7a: {  	[sflag:s29] =	ssyncadd.s32 $0xFFFFFF80  }
0x7b: {  	[spmem:s1] =	stream.indirect.scatter.add.f32 [tilespmem:s2], [sflag:$0x1], $0x1, s21, s23, $0xb8;
	[tilespmem:$0x6F8] =	vst v63  }
0x7c: {  	_ =	swait.ge [sflag:s30], $0x80  }
0x7d: {  	[sflag:s30] =	ssyncset.done $0x0  }
0x7e: {  	[sflag:s30] =	ssyncadd.s32 $0xFFFFFF80  }
0x7f: {  	_ =	swait.ge [sflag:s30], $0x80  }
0x80: {  	[sflag:s30] =	ssyncset.done $0x0  }
0x81: {  	[sflag:s30] =	ssyncadd.s32 $0xFFFFFF80  }
0x82: {  	_ =	swait.ge [sflag:s30], $0x80  }
0x83: {  	[sflag:s30] =	ssyncset.done $0x0  }
0x84: {  	[sflag:s30] =	ssyncadd.s32 $0xFFFFFF80  }
0x85: {  	_ =	swait.ge [sflag:s30], $0x80  }
0x86: {  	[sflag:s30] =	ssyncset.done $0x0  }
0x87: {  	[sflag:s30] =	ssyncadd.s32 $0xFFFFFF80  }
.Ltmp0:
0x88: {  	_ =	swait.ge [sflag:s30], $0x80;
	(pc) =	sbr.rel @p1 .LBB2_2-.Ltmp0, $4  }
0x89: {  	[sflag:s30] =	ssyncset.done $0x0  }
0x8a: {  	[sflag:s30] =	ssyncadd.s32 $0xFFFFFF80  }
0x8b: {  	_ =	swait.ge [sflag:s30], $0x80  }
0x8c: {  	s6 =	smov.u32 s7;
	[sflag:s30] =	ssyncset.done $0x0  }
0x8d: {  	s0 =	sadd.s32 s5, s8;
	[sflag:s30] =	ssyncadd.s32 $0xFFFFFF80  }
0x8e: {  	[tilespmem:s16], [sflag:$0x2] =	stream.linear.gather [hbm4b:s0+s2], $0x80, $0x38;
	[tilespmem:$0x6F8] =	vst v63  }
0x8f: {  	s6 =	sadd.s32 s5, s13  }
0x90: {  	[tilespmem:s17], [sflag:$0x3] =	stream.linear.gather [hbm4b:s6+s2], $0x80, $0x38;
	[tilespmem:$0x6F8] =	vst v63  }
0x91: {  	s7 =	sadd.s32 s5, s12  }
0x92: {  	[tilespmem:s18], [sflag:$0x4] =	stream.linear.gather [hbm4b:s7+s2], $0x80, $0x38;
	[tilespmem:$0x6F8] =	vst v63  }
0x93: {  	s31 =	sadd.s32 s5, s11  }
0x94: {  	[tilespmem:s19], [sflag:$0x5] =	stream.linear.gather [hbm4b:s31+s2], $0x80, $0x38;
	[tilespmem:$0x6F8] =	vst v63  }
0x95: {  	s6 =	sadd.s32 s5, s10  }
0x96: {  	[tilespmem:s20], [sflag:$0x6] =	stream.linear.gather [hbm4b:s6+s2], $0x80, $0x38;
	[tilespmem:$0x6F8] =	vst v63  }
0x97: {  	s7 =	sadd.s32 s5, s9  }
0x98: {  	[tilespmem:s21], [sflag:$0x7] =	stream.linear.gather [hbm4b:s7+s2], $0x80, $0x38;
	[tilespmem:$0x6F8] =	vst v63  }
0x99: {  	_ =	swait.ge [sflag:s22], $0x80  }
0x9a: {  	[sflag:s22] =	ssyncset.done $0x0  }
0x9b: {  	[sflag:s22] =	ssyncadd.s32 $0xFFFFFF80  }
0x9c: {  	[spmem:s1] =	stream.indirect.scatter.add.f32 [tilespmem:s2], [sflag:$0x1], $0x1, s16, s23, $0xb8;
	[tilespmem:$0x6F8] =	vst v63  }
0x9d: {  	_ =	swait.ge [sflag:s24], $0x80  }
0x9e: {  	[sflag:s24] =	ssyncset.done $0x0  }
0x9f: {  	[sflag:s24] =	ssyncadd.s32 $0xFFFFFF80  }
0xa0: {  	[spmem:s1] =	stream.indirect.scatter.add.f32 [tilespmem:s2], [sflag:$0x1], $0x1, s17, s23, $0xb8;
	[tilespmem:$0x6F8] =	vst v63  }
0xa1: {  	_ =	swait.ge [sflag:s25], $0x80  }
0xa2: {  	[sflag:s25] =	ssyncset.done $0x0  }
0xa3: {  	[sflag:s25] =	ssyncadd.s32 $0xFFFFFF80  }
0xa4: {  	[spmem:s1] =	stream.indirect.scatter.add.f32 [tilespmem:s2], [sflag:$0x1], $0x1, s18, s23, $0xb8;
	[tilespmem:$0x6F8] =	vst v63  }
0xa5: {  	_ =	swait.ge [sflag:s26], $0x80  }
0xa6: {  	[sflag:s26] =	ssyncset.done $0x0  }
0xa7: {  	[sflag:s26] =	ssyncadd.s32 $0xFFFFFF80  }
0xa8: {  	[spmem:s1] =	stream.indirect.scatter.add.f32 [tilespmem:s2], [sflag:$0x1], $0x1, s19, s23, $0xb8;
	[tilespmem:$0x6F8] =	vst v63  }
0xa9: {  	_ =	swait.ge [sflag:s28], $0x80  }
0xaa: {  	[sflag:s28] =	ssyncset.done $0x0  }
0xab: {  	[sflag:s28] =	ssyncadd.s32 $0xFFFFFF80  }
0xac: {  	[spmem:s1] =	stream.indirect.scatter.add.f32 [tilespmem:s2], [sflag:$0x1], $0x1, s20, s23, $0xb8;
	[tilespmem:$0x6F8] =	vst v63  }
0xad: {  	_ =	swait.ge [sflag:s29], $0x80  }
0xae: {  	[sflag:s29] =	ssyncset.done $0x0  }
0xaf: {  	[sflag:s29] =	ssyncadd.s32 $0xFFFFFF80  }
0xb0: {  	[spmem:s1] =	stream.indirect.scatter.add.f32 [tilespmem:s2], [sflag:$0x1], $0x1, s21, s23, $0xb8;
	[tilespmem:$0x6F8] =	vst v63  }
0xb1: {  	_ =	swait.ge [sflag:s30], $0x80  }
0xb2: {  	[sflag:s30] =	ssyncset.done $0x0  }
0xb3: {  	[sflag:s30] =	ssyncadd.s32 $0xFFFFFF80  }
0xb4: {  	_ =	swait.ge [sflag:s30], $0x80  }
0xb5: {  	[sflag:s30] =	ssyncset.done $0x0  }
0xb6: {  	[sflag:s30] =	ssyncadd.s32 $0xFFFFFF80  }
0xb7: {  	_ =	swait.ge [sflag:s30], $0x80  }
0xb8: {  	[sflag:s30] =	ssyncset.done $0x0  }
0xb9: {  	[sflag:s30] =	ssyncadd.s32 $0xFFFFFF80  }
0xba: {  	_ =	swait.ge [sflag:s30], $0x80  }
0xbb: {  	[sflag:s30] =	ssyncset.done $0x0  }
0xbc: {  	[sflag:s30] =	ssyncadd.s32 $0xFFFFFF80  }
0xbd: {  	_ =	swait.ge [sflag:s30], $0x80  }
0xbe: {  	[sflag:s30] =	ssyncset.done $0x0  }
0xbf: {  	[sflag:s30] =	ssyncadd.s32 $0xFFFFFF80  }
0xc0: {  	_ =	swait.ge [sflag:s30], $0x80  }
0xc1: {  	[sflag:s30] =	ssyncset.done $0x0  }
0xc2: {  	s5 =	simm.s32 $0x678;
	[sflag:s30] =	ssyncadd.s32 $0xFFFFFF80  }
0xc3: {  	[tilespmem:s5], [sflag:$0x8] =	stream.linear.gather [hbm4b:s3+s2], $0x10, $0x38;
	[tilespmem:$0x6F8] =	vst v63  }
0xc4: {  	_ =	swait.ge [sflag:s14], $0x10  }
0xc5: {  	[sflag:s14] =	ssyncset.done $0x0  }
0xc6: {  	s6 =	simm.s32 $0x5F8;
	s31 =	rddreg [dreg:$0x5];
	[sflag:s14] =	ssyncadd.s32 $0xFFFFFFF0  }
0xc7: {  	[tilespmem:s6], [sflag:$0x8] =	stream.linear.gather [hbm4b:s31+s2], $0x10, $0x38;
	[tilespmem:$0x6F8] =	vst v63  }
0xc8: {  	_ =	swait.ge [sflag:s14], $0x10  }
0xc9: {  	[sflag:s14] =	ssyncset.done $0x0  }
0xca: {  	s7 =	simm.s32 $0x10;
	[sflag:s14] =	ssyncadd.s32 $0xFFFFFFF0  }
0xcb: {  	[spmem:s1] =	stream.indirect.scatter.add.f32 [tilespmem:s5], [sflag:$0x8], $0x1, s6, s7, $0xb8;
	[tilespmem:$0x6F8] =	vst v63  }
0xcc: {  	_ =	swait.ge [sflag:s14], $0x10  }
0xcd: {  	[sflag:s14] =	ssyncset.done $0x0  }
0xce: {  	[sflag:s14] =	ssyncadd.s32 $0xFFFFFFF0  }
0xcf: {  	s0 =	simm.s32 @!p0 $0x1;
	s5 =	simm.s32 @!p0 $0x20;
	[bflag:$0x0] =	sbarrier.arrive $0xFFFF  }
0xd0: {  	s6 =	simm.s32 @!p0 $0x10;
	s7 =	simm.s32 @!p0 $0x1C08;
	s31 =	rddreg [dreg:$0x6]  }
0xd1: {  	[hbm:s31@s5], [sflag:s7] =	dma.strided @!p0 [spmem:s15@s6], $0x4F0, s0, $0x10   }
0xd2: {  	s0 =	simm.s32 @!p0 $0x8  }
0xd3: {  	_ =	swait.ge @!p0 [sflag:s0], $0x4F0  }
0xd4: {  	s4 =	sadd.s32 $0x1, s4;
	s31 =	rddreg [dreg:$0x7]  }
0xd5: {  	p1 =	sne.s32 s4, s31  }
.Ltmp1:
0xd6: {  	_ = 	snop;
	(pc) =	sbr.rel @p1 .LBB2_1-.Ltmp1, $3  }
0xd7: {  	_ =	sdelay $0x1  }
0xd8: {  	[sflag:s0] =	ssyncset.done @!p0 $0x0  }
0xd9: {  	[sflag:s0] =	ssyncadd.s32 @!p0 $0xFFFFFB10  }
0xda: {  	_ =	sfence.sel $0x180000  }
0xdb: {  	[bflag:$0x0] =	sbarrier.arrive $0xFFFF  }
0xdc: {  	_ =	strace $0x90000047  }
0xdd: {  	[bflag:$0x2] =	sbarrier.arrive $0xFFFF  }
0xde: {  	s0 =	rddreg [dreg:$0x3]  }
0xdf: {  	s0 =	sadd.s32 @!p0 $0x100000, s0  }
0xe0: {  	[sflag:s0] =	ssyncadd.tile.s32 @!p0 $0x1;
	_ =	shalt  }
.Lfunc_end2:
_tile_overlayer_lowered:
.L_overlay_start_2:
0xe1: {  	(tag) =	ssettag $0x2  }
0xe2: {  	s0 =	rddreg [dreg:$0x0];
	s2 =	stileid.u32  }
0xe3: {  	s1 =	rddreg [dreg:$0x1];
	p0 =	sne.s32 s2, $0x0  }
0xe4: {  	s3 =	rddreg [dreg:$0x2];
	[bflag:$0x3] =	sbarrier.arrive $0xFFFF;
	s2 =	simm.s32 @!p0 $0x1C08  }
0xe5: {  	[timem:s3], [sflag:s2] =	dma.local @!p0 [hbm:s0], s1  }
0xe6: {  	s0 =	simm.s32 @!p0 $0x8  }
0xe7: {  	_ =	swait.ge @!p0 [sflag:s0], s1  }
0xe8: {  	s1 =	ssub.s32 @!p0 $0x0, s1;
	[sflag:s0] =	ssyncset.done @!p0 $0x0  }
0xe9: {  	[sflag:s0] =	ssyncadd.s32 @!p0 s1  }
0xea: {  	[bflag:$0x3] =	sbarrier.arrive $0xFFFF  }
0xeb: {  	_ =	shalt  }

</sc_bundles>
